<compile_context>
chip_gen: v7x
topology: tpu7x:2x2x1
jax: 0.10.2.dev20260603
libtpu: 0.0.44.dev20260713+nightly
codegen_flags: <defaults>
</compile_context>

<pallas_src>
import functools
import jax
import jax.numpy as jnp
from jax import lax
from jax.experimental import pallas as pl
from jax.experimental.pallas import tpu as pltpu
from jax.experimental.pallas import tpu_sc as plsc

N = 10000
D = 128
DH = 64
E = 320000
NSUB = 16
CHUNK = 128
CHUNKS = 158
TRIPLES = (CHUNKS - 5) // 3
E_SUB = CHUNKS * CHUNK
E_PAD = E_SUB * NSUB
N_PAD = 10112
RPW = N_PAD // NSUB
BM = 2000



def _make_sc_agg(with_deg):
    mesh = plsc.VectorSubcoreMesh(core_axis_name="c", subcore_axis_name="s")
    out_type = [jax.ShapeDtypeStruct((N_PAD, DH), jnp.float32)
                for _ in range(4)]
    scratch = [
        pltpu.VMEM((CHUNKS, CHUNK), jnp.int32),
        pltpu.VMEM((CHUNKS, CHUNK), jnp.int32),
        pltpu.VMEM((CHUNK, DH), jnp.float32),
        pltpu.VMEM((CHUNK, DH), jnp.float32),
        pltpu.VMEM((CHUNK, DH), jnp.float32),
        pltpu.VMEM_SHARED((N_PAD, DH), jnp.float32),
    ] + [pltpu.SemaphoreType.DMA] * 6
    if with_deg:
        out_type.append(jax.ShapeDtypeStruct((N_PAD, 16), jnp.float32))
        scratch += [
            pltpu.VMEM((CHUNK, 16), jnp.float32),
            pltpu.VMEM_SHARED((N_PAD, 16), jnp.float32),
        ]

    @functools.partial(
        pl.kernel, mesh=mesh, out_type=out_type, scratch_types=scratch,
        compiler_params=pltpu.CompilerParams(use_tc_tiling_on_sc=False))
    def sc_agg(*refs):
        if with_deg:
            (hl_a, hl_b, hh_a, hh_b, col3, row3, zeros_hbm, zeros16_hbm,
             ones_hbm, aggl_a, aggl_b, aggh_a, aggh_b, deg_out,
             col_v, row_v, rows_a, rows_b, rows_c, acc,
             g0, g1, g2, s0, s1, s2, ones_v, accd) = refs
        else:
            (hl_a, hl_b, hh_a, hh_b, col3, row3, zeros_hbm,
             aggl_a, aggl_b, aggh_a, aggh_b,
             col_v, row_v, rows_a, rows_b, rows_c, acc,
             g0, g1, g2, s0, s1, s2) = refs
        bufs = (rows_a, rows_b, rows_c)
        gsems = (g0, g1, g2)
        ssems = (s0, s1, s2)

        cid = lax.axis_index("c")
        sid = lax.axis_index("s")
        sl = pl.ds(sid * RPW, RPW)

        pltpu.sync_copy(col3.at[sid], col_v)
        pltpu.sync_copy(row3.at[sid], row_v)
        pltpu.sync_copy(zeros_hbm.at[sl], acc.at[sl])
        if with_deg:
            pltpu.sync_copy(zeros16_hbm.at[sl], accd.at[sl])
            pltpu.sync_copy(ones_hbm, ones_v)
        plsc.subcore_barrier()

        def run(src):
            dummy = src.at[pl.ds(0, CHUNK)]

            def gfire(j, x):
                pltpu.async_copy(src.at[col_v.at[j]], bufs[x], gsems[x])

            def gwait(x):
                pltpu.make_async_copy(dummy, bufs[x], gsems[x]).wait()

            def sfire(j, x):
                pltpu.async_copy(bufs[x], acc.at[row_v.at[j]], ssems[x],
                                 add=True)

            def swait(x):
                pltpu.make_async_copy(bufs[x], acc.at[pl.ds(0, CHUNK)],
                                      ssems[x]).wait()

            gfire(0, 0)
            gfire(1, 1)
            gwait(0); sfire(0, 0); gfire(2, 2)
            gwait(1); sfire(1, 1); swait(0); gfire(3, 0)

            def step(t, carry):
                j = 3 * t + 2
                for d in range(3):
                    x = (2 + d) % 3
                    gwait(x)
                    sfire(j + d, x)
                    swait((x + 2) % 3)
                    gfire(j + d + 2, (x + 2) % 3)
                return carry

            lax.fori_loop(0, TRIPLES, step, 0)
            gwait(2); sfire(CHUNKS - 3, 2); swait(1); gfire(CHUNKS - 1, 1)
            gwait(0); sfire(CHUNKS - 2, 0)
            gwait(1); sfire(CHUNKS - 1, 1)
            swait(2); swait(0); swait(1)

        for p, (srcs, outs) in enumerate((((hl_a, hh_a), (aggl_a, aggh_a)),
                                          ((hl_b, hh_b), (aggl_b, aggh_b)))):
            @pl.when(cid == 0)
            def _(srcs=srcs):
                run(srcs[0])

            @pl.when(cid == 1)
            def _(srcs=srcs):
                run(srcs[1])

            if with_deg and p == 0:
                @pl.when(cid == 0)
                def _():
                    def dstep(j, carry):
                        pltpu.sync_copy(ones_v, accd.at[row_v.at[j]],
                                        add=True)
                        return carry
                    lax.fori_loop(0, CHUNKS, dstep, 0)

            plsc.subcore_barrier()

            @pl.when(cid == 0)
            def _(outs=outs):
                pltpu.sync_copy(acc.at[sl], outs[0].at[sl])

            @pl.when(cid == 1)
            def _(outs=outs):
                pltpu.sync_copy(acc.at[sl], outs[1].at[sl])

            if with_deg and p == 0:
                @pl.when(cid == 0)
                def _():
                    pltpu.sync_copy(accd.at[sl], deg_out.at[sl])

            if p == 0:
                pltpu.sync_copy(zeros_hbm.at[sl], acc.at[sl])
                plsc.subcore_barrier()

    return sc_agg


_sc_agg_deg = _make_sc_agg(True)
_sc_agg = _make_sc_agg(False)



def _pre_body(x_ref, wl_ref, wh_ref, wm_ref,
              la_ref, lb_ref, ha_ref, hb_ref, om_ref):
    h = x_ref[...]
    rl = jnp.dot(h, wl_ref[...], preferred_element_type=jnp.float32)
    rh = jnp.dot(h, wh_ref[...], preferred_element_type=jnp.float32)
    la_ref[...] = rl[:, :DH]
    lb_ref[...] = rl[:, DH:]
    ha_ref[...] = rh[:, :DH]
    hb_ref[...] = rh[:, DH:]
    om_ref[...] = jnp.dot(h, wm_ref[...], preferred_element_type=jnp.float32)


def _pre(x, wl, wh, wm):
    grid = (N // BM,)
    row_spec = pl.BlockSpec((BM, D), lambda i: (i, 0))
    half_spec = pl.BlockSpec((BM, DH), lambda i: (i, 0))
    w_spec = pl.BlockSpec((D, D), lambda i: (0, 0))
    return pl.pallas_call(
        _pre_body,
        grid=grid,
        in_specs=[row_spec, w_spec, w_spec, w_spec],
        out_specs=[half_spec, half_spec, half_spec, half_spec, row_spec],
        out_shape=[jax.ShapeDtypeStruct((N, DH), jnp.float32)] * 4
        + [jax.ShapeDtypeStruct((N, D), jnp.float32)],
    )(x, wl, wh, wm)


def _post_body(hla_ref, hlb_ref, hha_ref, hhb_ref, hm_ref,
               agla_ref, aglb_ref, agha_ref, aghb_ref, deg_ref,
               al_ref, ah_ref, am_ref, av_ref, out_ref):
    dinv = 1.0 / (1.0 + deg_ref[:, 0:1])
    hl = jnp.concatenate([hla_ref[...], hlb_ref[...]], axis=1)
    hh = jnp.concatenate([hha_ref[...], hhb_ref[...]], axis=1)
    aggl = jnp.concatenate([agla_ref[...], aglb_ref[...]], axis=1)
    aggh = jnp.concatenate([agha_ref[...], aghb_ref[...]], axis=1)
    ol = jnp.maximum(dinv * (hl + aggl), 0.0)
    oh = jnp.maximum(hh - dinv * (hh + aggh), 0.0)
    om = jnp.maximum(hm_ref[...], 0.0)
    s0 = jax.nn.sigmoid(jnp.dot(ol, al_ref[...],
                                preferred_element_type=jnp.float32))
    s1 = jax.nn.sigmoid(jnp.dot(oh, ah_ref[...],
                                preferred_element_type=jnp.float32))
    s2 = jax.nn.sigmoid(jnp.dot(om, am_ref[...],
                                preferred_element_type=jnp.float32))
    third = 1.0 / 3.0
    l0 = (s0 * av_ref[0, 0] + s1 * av_ref[1, 0] + s2 * av_ref[2, 0]) * third
    l1 = (s0 * av_ref[0, 1] + s1 * av_ref[1, 1] + s2 * av_ref[2, 1]) * third
    l2 = (s0 * av_ref[0, 2] + s1 * av_ref[1, 2] + s2 * av_ref[2, 2]) * third
    m = jnp.maximum(jnp.maximum(l0, l1), l2)
    e0 = jnp.exp(l0 - m)
    e1 = jnp.exp(l1 - m)
    e2 = jnp.exp(l2 - m)
    scale = 3.0 / (e0 + e1 + e2)
    out_ref[...] = scale * (e0 * ol + e1 * oh + e2 * om)


def _post(hla, hlb, hha, hhb, hm, agla, aglb, agha, aghb, deg,
          al, ah, am, av):
    grid = (N // BM,)
    row_spec = pl.BlockSpec((BM, D), lambda i: (i, 0))
    half_spec = pl.BlockSpec((BM, DH), lambda i: (i, 0))
    deg_spec = pl.BlockSpec((BM, 16), lambda i: (i, 0))
    a_spec = pl.BlockSpec((D, 1), lambda i: (0, 0))
    av_spec = pl.BlockSpec(memory_space=pltpu.SMEM)
    return pl.pallas_call(
        _post_body,
        grid=grid,
        in_specs=[half_spec, half_spec, half_spec, half_spec, row_spec,
                  half_spec, half_spec, half_spec, half_spec,
                  deg_spec, a_spec, a_spec, a_spec, av_spec],
        out_specs=row_spec,
        out_shape=jax.ShapeDtypeStruct((N, D), jnp.float32),
    )(hla, hlb, hha, hhb, hm, agla, aglb, agha, aghb, deg, al, ah, am, av)



def kernel(x, w_low0, w_high0, w_mlp0, a_low0, a_high0, a_mlp0, av0,
           w_low1, w_high1, w_mlp1, a_low1, a_high1, a_mlp1, av1,
           edge_index):
    row = edge_index[0].astype(jnp.int32)
    col = edge_index[1].astype(jnp.int32)
    row3 = jnp.pad(row, (0, E_PAD - E),
                   constant_values=N).reshape(NSUB, CHUNKS, CHUNK)
    col3 = jnp.pad(col, (0, E_PAD - E),
                   constant_values=0).reshape(NSUB, CHUNKS, CHUNK)
    zeros = jnp.zeros((N_PAD, DH), jnp.float32)
    zeros16 = jnp.zeros((N_PAD, 16), jnp.float32)
    ones16 = jnp.ones((CHUNK, 16), jnp.float32)

    hla0, hlb0, hha0, hhb0, hm0 = _pre(x, w_low0, w_high0, w_mlp0)
    agla0, aglb0, agha0, aghb0, deg = _sc_agg_deg(
        hla0, hlb0, hha0, hhb0, col3, row3, zeros, zeros16, ones16)
    degn = deg[:N]
    h1 = _post(hla0, hlb0, hha0, hhb0, hm0,
               agla0[:N], aglb0[:N], agha0[:N], aghb0[:N], degn,
               a_low0, a_high0, a_mlp0, av0)

    hla1, hlb1, hha1, hhb1, hm1 = _pre(h1, w_low1, w_high1, w_mlp1)
    agla1, aglb1, agha1, aghb1 = _sc_agg(
        hla1, hlb1, hha1, hhb1, col3, row3, zeros)
    out = _post(hla1, hlb1, hha1, hhb1, hm1,
                agla1[:N], aglb1[:N], agha1[:N], aghb1[:N], degn,
                a_low1, a_high1, a_mlp1, av1)
    return out

# --- scband reference (transcript-rebuilt; emitter-appended) ---
"""Pipeline reference for scband-acm-gnn-4337916969351 (READ-ONLY COPY).

The authoritative reference and input builder live on the scoring server;
editing this copy changes nothing except your own understanding.
"""

import math
import jax, jax.numpy as jnp
import numpy as np

N = 10000
E = 320000
D_IN = 128
D_HID = 128
D_OUT = 128


def _mk(k, shape, std):
    return jax.random.uniform(k, shape, jnp.float32, -std, std)


def setup_inputs(seed: int = 0) -> dict:
    key = jax.random.key(seed)
    ks = jax.random.split(key, 17)
    x = jax.random.normal(ks[0], (N, D_IN), jnp.float32)
    edge_index = jax.random.randint(ks[1], (2, E), 0, N, dtype=jnp.int64)
    stdv0 = 1.0 / math.sqrt(D_HID)
    stdv1 = 1.0 / math.sqrt(D_OUT)
    std_att = 1.0
    std_att_vec = 1.0 / math.sqrt(3.0)
    inp = {
        'x': x,
        'w_low0': _mk(ks[2], (D_IN, D_HID), stdv0),
        'w_high0': _mk(ks[3], (D_IN, D_HID), stdv0),
        'w_mlp0': _mk(ks[4], (D_IN, D_HID), stdv0),
        'a_low0': _mk(ks[5], (D_HID, 1), std_att),
        'a_high0': _mk(ks[6], (D_HID, 1), std_att),
        'a_mlp0': _mk(ks[7], (D_HID, 1), std_att),
        'av0': _mk(ks[8], (3, 3), std_att_vec),
        'w_low1': _mk(ks[9], (D_HID, D_OUT), stdv1),
        'w_high1': _mk(ks[10], (D_HID, D_OUT), stdv1),
        'w_mlp1': _mk(ks[11], (D_HID, D_OUT), stdv1),
        'a_low1': _mk(ks[12], (D_OUT, 1), std_att),
        'a_high1': _mk(ks[13], (D_OUT, 1), std_att),
        'a_mlp1': _mk(ks[14], (D_OUT, 1), std_att),
        'av1': _mk(ks[15], (3, 3), std_att_vec),
        'edge_index': edge_index,
    }
    return inp


def reference(x, w_low0, w_high0, w_mlp0, a_low0, a_high0, a_mlp0, av0,
              w_low1, w_high1, w_mlp1, a_low1, a_high1, a_mlp1, av1,
              edge_index):
    n = x.shape[0]
    row = edge_index[0]
    col = edge_index[1]
    # rowsum of (I + A); A from coo(row, col) with unit weights (duplicates sum)
    deg = jnp.zeros((n,), jnp.float32).at[row].add(1.0)
    rowsum = 1.0 + deg
    d_inv = jnp.where(rowsum > 0, 1.0 / rowsum, 0.0)

    def spmm_low(m):
        agg = jax.ops.segment_sum(jnp.take(m, col, axis=0), row, num_segments=n)
        return d_inv[:, None] * (m + agg)

    def spmm_high(m):
        return m - spmm_low(m)

    def layer(h, wl, wh, wm, al, ah, am, av):
        ol = jax.nn.relu(spmm_low(h @ wl))
        oh = jax.nn.relu(spmm_high(h @ wh))
        om = jax.nn.relu(h @ wm)
        feats = jnp.concatenate([ol @ al, oh @ ah, om @ am], axis=1)
        logits = (jax.nn.sigmoid(feats) @ av) / 3.0
        att = jax.nn.softmax(logits, axis=1)
        return 3.0 * (att[:, 0:1] * ol + att[:, 1:2] * oh + att[:, 2:3] * om)

    # eval mode: dropout is identity
    h = layer(x, w_low0, w_high0, w_mlp0, a_low0, a_high0, a_mlp0, av0)
    out = layer(h, w_low1, w_high1, w_mlp1, a_low1, a_high1, a_mlp1, av1)
    return out

if __name__ == "__main__":
    import jax
    _d = setup_inputs()
    print(jax.jit(kernel)(*tuple(_d.values())))

</pallas_src>

<mosaic_0001>
#map = affine_map<(d0, d1) -> (0, 0)>
#map1 = affine_map<(d0, d1) -> (0, 0, 0)>
module attributes {stable_mosaic.version = 14 : i64} {
  func.func @sc_agg(%arg0: i32, %arg1: i32, %arg2: memref<10000x64xf32, #tpu.memory_space<hbm>>, %arg3: memref<10000x64xf32, #tpu.memory_space<hbm>>, %arg4: memref<10000x64xf32, #tpu.memory_space<hbm>>, %arg5: memref<10000x64xf32, #tpu.memory_space<hbm>>, %arg6: memref<16x158x128xi32, #tpu.memory_space<hbm>>, %arg7: memref<16x158x128xi32, #tpu.memory_space<hbm>>, %arg8: memref<10112x64xf32, #tpu.memory_space<hbm>>, %arg9: memref<10112x16xf32, #tpu.memory_space<hbm>>, %arg10: memref<128x16xf32, #tpu.memory_space<hbm>>, %arg11: memref<10112x64xf32, #tpu.memory_space<hbm>>, %arg12: memref<10112x64xf32, #tpu.memory_space<hbm>>, %arg13: memref<10112x64xf32, #tpu.memory_space<hbm>>, %arg14: memref<10112x64xf32, #tpu.memory_space<hbm>>, %arg15: memref<10112x16xf32, #tpu.memory_space<hbm>>, %arg16: memref<158x128xi32, #tpu.memory_space<vmem>>, %arg17: memref<158x128xi32, #tpu.memory_space<vmem>>, %arg18: memref<128x64xf32, #tpu.memory_space<vmem>>, %arg19: memref<128x64xf32, #tpu.memory_space<vmem>>, %arg20: memref<128x64xf32, #tpu.memory_space<vmem>>, %arg21: memref<10112x64xf32, #tpu.memory_space<vmem_shared>>, %arg22: memref<!tpu.dma_semaphore, #tpu.memory_space<semaphore_mem>>, %arg23: memref<!tpu.dma_semaphore, #tpu.memory_space<semaphore_mem>>, %arg24: memref<!tpu.dma_semaphore, #tpu.memory_space<semaphore_mem>>, %arg25: memref<!tpu.dma_semaphore, #tpu.memory_space<semaphore_mem>>, %arg26: memref<!tpu.dma_semaphore, #tpu.memory_space<semaphore_mem>>, %arg27: memref<!tpu.dma_semaphore, #tpu.memory_space<semaphore_mem>>, %arg28: memref<128x16xf32, #tpu.memory_space<vmem>>, %arg29: memref<10112x16xf32, #tpu.memory_space<vmem_shared>>) attributes {dimension_semantics = [#tpu.dimension_semantics<core_parallel>, #tpu.dimension_semantics<subcore_parallel>], iteration_bounds = array<i64: 2, 16>, scalar_prefetch = 0 : i64, scratch_operands = 14 : i64, tpu.core_type = #tpu.core_type<sc_vector_subcore>, window_params = [{transform_indices = #map}, {transform_indices = #map}, {transform_indices = #map}, {transform_indices = #map}, {transform_indices = #map1}, {transform_indices = #map1}, {transform_indices = #map}, {transform_indices = #map}, {transform_indices = #map}, {transform_indices = #map}, {transform_indices = #map}, {transform_indices = #map}, {transform_indices = #map}, {transform_indices = #map}]} {
    %mul3A = arith.constant 632 : i32
    %mul3A_0 = arith.muli %arg1, %mul3A : i32
    "tpu.region"() ({
      %run_scoped3A = tpu.sem_alloc : memref<!tpu.dma_semaphore, #tpu.memory_space<semaphore_mem>>
      %dma_start3A = arith.constant 0 : i32
      %dma_start3A_51 = arith.constant 0 : i32
      %dma_start3A_52 = tpu.memref_slice %arg6[%arg1, %dma_start3A, %dma_start3A_51] : memref<16x158x128xi32, #tpu.memory_space<hbm>> -> memref<1x158x128xi32, #tpu.memory_space<hbm>>
      %dma_start3A_53 = tpu.memref_squeeze %dma_start3A_52 : memref<1x158x128xi32, #tpu.memory_space<hbm>> -> memref<158x128xi32, #tpu.memory_space<hbm>>
      %dma_start3A_54 = arith.constant 0 : i32
      %dma_start3A_55 = arith.constant 0 : i32
      %dma_start3A_56 = tpu.memref_slice %arg6[%arg1, %dma_start3A_54, %dma_start3A_55] : memref<16x158x128xi32, #tpu.memory_space<hbm>> -> memref<1x158x128xi32, #tpu.memory_space<hbm>>
      %dma_start3A_57 = tpu.memref_squeeze %dma_start3A_56 : memref<1x158x128xi32, #tpu.memory_space<hbm>> -> memref<158x128xi32, #tpu.memory_space<hbm>>
      tpu.enqueue_dma source(%dma_start3A_57 : memref<158x128xi32, #tpu.memory_space<hbm>>) target(%arg16 : memref<158x128xi32, #tpu.memory_space<vmem>>) target_semaphore(%run_scoped3A : memref<!tpu.dma_semaphore, #tpu.memory_space<semaphore_mem>>)
      %dma_wait3A = arith.constant 0 : i32
      %dma_wait3A_58 = arith.constant 0 : i32
      %dma_wait3A_59 = tpu.memref_slice %arg6[%arg1, %dma_wait3A, %dma_wait3A_58] : memref<16x158x128xi32, #tpu.memory_space<hbm>> -> memref<1x158x128xi32, #tpu.memory_space<hbm>>
      %dma_wait3A_60 = tpu.memref_squeeze %dma_wait3A_59 : memref<1x158x128xi32, #tpu.memory_space<hbm>> -> memref<158x128xi32, #tpu.memory_space<hbm>>
      %dma_wait3A_61 = arith.constant 0 : i32
      %dma_wait3A_62 = arith.constant 0 : i32
      %dma_wait3A_63 = tpu.memref_slice %arg6[%arg1, %dma_wait3A_61, %dma_wait3A_62] : memref<16x158x128xi32, #tpu.memory_space<hbm>> -> memref<1x158x128xi32, #tpu.memory_space<hbm>>
      %dma_wait3A_64 = tpu.memref_squeeze %dma_wait3A_63 : memref<1x158x128xi32, #tpu.memory_space<hbm>> -> memref<158x128xi32, #tpu.memory_space<hbm>>
      tpu.wait_dma2 semaphore(%run_scoped3A : memref<!tpu.dma_semaphore, #tpu.memory_space<semaphore_mem>>) src(%dma_wait3A_64 : memref<158x128xi32, #tpu.memory_space<hbm>>) dst(%arg16 : memref<158x128xi32, #tpu.memory_space<vmem>>)
      tpu.yield
    }) : () -> ()
    "tpu.region"() ({
      %run_scoped3A = tpu.sem_alloc : memref<!tpu.dma_semaphore, #tpu.memory_space<semaphore_mem>>
      %dma_start3A = arith.constant 0 : i32
      %dma_start3A_51 = arith.constant 0 : i32
      %dma_start3A_52 = tpu.memref_slice %arg7[%arg1, %dma_start3A, %dma_start3A_51] : memref<16x158x128xi32, #tpu.memory_space<hbm>> -> memref<1x158x128xi32, #tpu.memory_space<hbm>>
      %dma_start3A_53 = tpu.memref_squeeze %dma_start3A_52 : memref<1x158x128xi32, #tpu.memory_space<hbm>> -> memref<158x128xi32, #tpu.memory_space<hbm>>
      %dma_start3A_54 = arith.constant 0 : i32
      %dma_start3A_55 = arith.constant 0 : i32
      %dma_start3A_56 = tpu.memref_slice %arg7[%arg1, %dma_start3A_54, %dma_start3A_55] : memref<16x158x128xi32, #tpu.memory_space<hbm>> -> memref<1x158x128xi32, #tpu.memory_space<hbm>>
      %dma_start3A_57 = tpu.memref_squeeze %dma_start3A_56 : memref<1x158x128xi32, #tpu.memory_space<hbm>> -> memref<158x128xi32, #tpu.memory_space<hbm>>
      tpu.enqueue_dma source(%dma_start3A_57 : memref<158x128xi32, #tpu.memory_space<hbm>>) target(%arg17 : memref<158x128xi32, #tpu.memory_space<vmem>>) target_semaphore(%run_scoped3A : memref<!tpu.dma_semaphore, #tpu.memory_space<semaphore_mem>>)
      %dma_wait3A = arith.constant 0 : i32
      %dma_wait3A_58 = arith.constant 0 : i32
      %dma_wait3A_59 = tpu.memref_slice %arg7[%arg1, %dma_wait3A, %dma_wait3A_58] : memref<16x158x128xi32, #tpu.memory_space<hbm>> -> memref<1x158x128xi32, #tpu.memory_space<hbm>>
      %dma_wait3A_60 = tpu.memref_squeeze %dma_wait3A_59 : memref<1x158x128xi32, #tpu.memory_space<hbm>> -> memref<158x128xi32, #tpu.memory_space<hbm>>
      %dma_wait3A_61 = arith.constant 0 : i32
      %dma_wait3A_62 = arith.constant 0 : i32
      %dma_wait3A_63 = tpu.memref_slice %arg7[%arg1, %dma_wait3A_61, %dma_wait3A_62] : memref<16x158x128xi32, #tpu.memory_space<hbm>> -> memref<1x158x128xi32, #tpu.memory_space<hbm>>
      %dma_wait3A_64 = tpu.memref_squeeze %dma_wait3A_63 : memref<1x158x128xi32, #tpu.memory_space<hbm>> -> memref<158x128xi32, #tpu.memory_space<hbm>>
      tpu.wait_dma2 semaphore(%run_scoped3A : memref<!tpu.dma_semaphore, #tpu.memory_space<semaphore_mem>>) src(%dma_wait3A_64 : memref<158x128xi32, #tpu.memory_space<hbm>>) dst(%arg17 : memref<158x128xi32, #tpu.memory_space<vmem>>)
      tpu.yield
    }) : () -> ()
    "tpu.region"() ({
      %run_scoped3A = tpu.sem_alloc : memref<!tpu.dma_semaphore, #tpu.memory_space<semaphore_mem>>
      %dma_start3A = arith.constant 0 : i32
      %dma_start3A_51 = tpu.memref_slice %arg21[%mul3A_0, %dma_start3A] : memref<10112x64xf32, #tpu.memory_space<vmem_shared>> -> memref<632x64xf32, #tpu.memory_space<vmem_shared>>
      %dma_start3A_52 = arith.constant 0 : i32
      %dma_start3A_53 = tpu.memref_slice %arg8[%mul3A_0, %dma_start3A_52] : memref<10112x64xf32, #tpu.memory_space<hbm>> -> memref<632x64xf32, #tpu.memory_space<hbm>>
      tpu.enqueue_dma source(%dma_start3A_53 : memref<632x64xf32, #tpu.memory_space<hbm>>) target(%dma_start3A_51 : memref<632x64xf32, #tpu.memory_space<vmem_shared>>) target_semaphore(%run_scoped3A : memref<!tpu.dma_semaphore, #tpu.memory_space<semaphore_mem>>)
      %dma_wait3A = arith.constant 0 : i32
      %dma_wait3A_54 = tpu.memref_slice %arg21[%mul3A_0, %dma_wait3A] : memref<10112x64xf32, #tpu.memory_space<vmem_shared>> -> memref<632x64xf32, #tpu.memory_space<vmem_shared>>
      %dma_wait3A_55 = arith.constant 0 : i32
      %dma_wait3A_56 = tpu.memref_slice %arg8[%mul3A_0, %dma_wait3A_55] : memref<10112x64xf32, #tpu.memory_space<hbm>> -> memref<632x64xf32, #tpu.memory_space<hbm>>
      tpu.wait_dma2 semaphore(%run_scoped3A : memref<!tpu.dma_semaphore, #tpu.memory_space<semaphore_mem>>) src(%dma_wait3A_56 : memref<632x64xf32, #tpu.memory_space<hbm>>) dst(%dma_wait3A_54 : memref<632x64xf32, #tpu.memory_space<vmem_shared>>)
      tpu.yield
    }) : () -> ()
    "tpu.region"() ({
      %run_scoped3A = tpu.sem_alloc : memref<!tpu.dma_semaphore, #tpu.memory_space<semaphore_mem>>
      %dma_start3A = arith.constant 0 : i32
      %dma_start3A_51 = tpu.memref_slice %arg29[%mul3A_0, %dma_start3A] : memref<10112x16xf32, #tpu.memory_space<vmem_shared>> -> memref<632x16xf32, #tpu.memory_space<vmem_shared>>
      %dma_start3A_52 = arith.constant 0 : i32
      %dma_start3A_53 = tpu.memref_slice %arg9[%mul3A_0, %dma_start3A_52] : memref<10112x16xf32, #tpu.memory_space<hbm>> -> memref<632x16xf32, #tpu.memory_space<hbm>>
      tpu.enqueue_dma source(%dma_start3A_53 : memref<632x16xf32, #tpu.memory_space<hbm>>) target(%dma_start3A_51 : memref<632x16xf32, #tpu.memory_space<vmem_shared>>) target_semaphore(%run_scoped3A : memref<!tpu.dma_semaphore, #tpu.memory_space<semaphore_mem>>)
      %dma_wait3A = arith.constant 0 : i32
      %dma_wait3A_54 = tpu.memref_slice %arg29[%mul3A_0, %dma_wait3A] : memref<10112x16xf32, #tpu.memory_space<vmem_shared>> -> memref<632x16xf32, #tpu.memory_space<vmem_shared>>
      %dma_wait3A_55 = arith.constant 0 : i32
      %dma_wait3A_56 = tpu.memref_slice %arg9[%mul3A_0, %dma_wait3A_55] : memref<10112x16xf32, #tpu.memory_space<hbm>> -> memref<632x16xf32, #tpu.memory_space<hbm>>
      tpu.wait_dma2 semaphore(%run_scoped3A : memref<!tpu.dma_semaphore, #tpu.memory_space<semaphore_mem>>) src(%dma_wait3A_56 : memref<632x16xf32, #tpu.memory_space<hbm>>) dst(%dma_wait3A_54 : memref<632x16xf32, #tpu.memory_space<vmem_shared>>)
      tpu.yield
    }) : () -> ()
    "tpu.region"() ({
      %run_scoped3A = tpu.sem_alloc : memref<!tpu.dma_semaphore, #tpu.memory_space<semaphore_mem>>
      tpu.enqueue_dma source(%arg10 : memref<128x16xf32, #tpu.memory_space<hbm>>) target(%arg28 : memref<128x16xf32, #tpu.memory_space<vmem>>) target_semaphore(%run_scoped3A : memref<!tpu.dma_semaphore, #tpu.memory_space<semaphore_mem>>)
      tpu.wait_dma2 semaphore(%run_scoped3A : memref<!tpu.dma_semaphore, #tpu.memory_space<semaphore_mem>>) src(%arg10 : memref<128x16xf32, #tpu.memory_space<hbm>>) dst(%arg28 : memref<128x16xf32, #tpu.memory_space<vmem>>)
      tpu.yield
    }) : () -> ()
    %barrier3A = arith.constant 0 : index
    tpu.barrier barrier_id(%barrier3A)
    %eq3A = arith.constant 0 : i32
    %eq3A_1 = arith.cmpi eq, %arg0, %eq3A : i32
    %convert_element_type3A = arith.extui %eq3A_1 : i1 to i32
    %cond3A = arith.constant 0 : i32
    %cond3A_2 = arith.cmpi ne, %convert_element_type3A, %cond3A : i32
    scf.if %cond3A_2 {
      %dma_start3A = arith.constant 0 : i32
      %dma_start3A_51 = arith.constant 0 : i32
      %dma_start3A_52 = tpu.memref_slice %arg16[%dma_start3A, %dma_start3A_51] : memref<158x128xi32, #tpu.memory_space<vmem>> -> memref<1x128xi32, #tpu.memory_space<vmem>>
      %dma_start3A_53 = tpu.memref_squeeze %dma_start3A_52 : memref<1x128xi32, #tpu.memory_space<vmem>> -> memref<128xi32, #tpu.memory_space<vmem>>
      %dma_start3A_54 = arith.constant 0 : i32
      %dma_start3A_55 = arith.constant 0 : i32
      %dma_start3A_56 = tpu.memref_slice %arg2[%dma_start3A_54, %dma_start3A_55] : memref<10000x64xf32, #tpu.memory_space<hbm>> -> memref<10000x64xf32, #tpu.memory_space<hbm>>
      tpu.enqueue_indirect_dma source(%dma_start3A_56 : memref<10000x64xf32, #tpu.memory_space<hbm>>) target(%arg18 : memref<128x64xf32, #tpu.memory_space<vmem>>) offsets(%dma_start3A_53 : memref<128xi32, #tpu.memory_space<vmem>>) semaphore(%arg22 : memref<!tpu.dma_semaphore, #tpu.memory_space<semaphore_mem>>)
      %dma_start3A_57 = arith.constant 1 : i32
      %dma_start3A_58 = arith.constant 0 : i32
      %dma_start3A_59 = tpu.memref_slice %arg16[%dma_start3A_57, %dma_start3A_58] : memref<158x128xi32, #tpu.memory_space<vmem>> -> memref<1x128xi32, #tpu.memory_space<vmem>>
      %dma_start3A_60 = tpu.memref_squeeze %dma_start3A_59 : memref<1x128xi32, #tpu.memory_space<vmem>> -> memref<128xi32, #tpu.memory_space<vmem>>
      %dma_start3A_61 = arith.constant 0 : i32
      %dma_start3A_62 = arith.constant 0 : i32
      %dma_start3A_63 = tpu.memref_slice %arg2[%dma_start3A_61, %dma_start3A_62] : memref<10000x64xf32, #tpu.memory_space<hbm>> -> memref<10000x64xf32, #tpu.memory_space<hbm>>
      tpu.enqueue_indirect_dma source(%dma_start3A_63 : memref<10000x64xf32, #tpu.memory_space<hbm>>) target(%arg19 : memref<128x64xf32, #tpu.memory_space<vmem>>) offsets(%dma_start3A_60 : memref<128xi32, #tpu.memory_space<vmem>>) semaphore(%arg23 : memref<!tpu.dma_semaphore, #tpu.memory_space<semaphore_mem>>)
      %dma_wait3A = arith.constant 0 : i32
      %dma_wait3A_64 = arith.constant 0 : i32
      %dma_wait3A_65 = tpu.memref_slice %arg2[%dma_wait3A, %dma_wait3A_64] : memref<10000x64xf32, #tpu.memory_space<hbm>> -> memref<128x64xf32, #tpu.memory_space<hbm>>
      %dma_wait3A_66 = arith.constant 0 : i32
      %dma_wait3A_67 = arith.constant 0 : i32
      %dma_wait3A_68 = tpu.memref_slice %arg2[%dma_wait3A_66, %dma_wait3A_67] : memref<10000x64xf32, #tpu.memory_space<hbm>> -> memref<128x64xf32, #tpu.memory_space<hbm>>
      tpu.wait_dma2 semaphore(%arg22 : memref<!tpu.dma_semaphore, #tpu.memory_space<semaphore_mem>>) src(%dma_wait3A_68 : memref<128x64xf32, #tpu.memory_space<hbm>>) dst(%arg18 : memref<128x64xf32, #tpu.memory_space<vmem>>)
      %dma_start3A_69 = arith.constant 0 : i32
      %dma_start3A_70 = arith.constant 0 : i32
      %dma_start3A_71 = tpu.memref_slice %arg17[%dma_start3A_69, %dma_start3A_70] : memref<158x128xi32, #tpu.memory_space<vmem>> -> memref<1x128xi32, #tpu.memory_space<vmem>>
      %dma_start3A_72 = tpu.memref_squeeze %dma_start3A_71 : memref<1x128xi32, #tpu.memory_space<vmem>> -> memref<128xi32, #tpu.memory_space<vmem>>
      %dma_start3A_73 = arith.constant 0 : i32
      %dma_start3A_74 = arith.constant 0 : i32
      %dma_start3A_75 = tpu.memref_slice %arg21[%dma_start3A_73, %dma_start3A_74] : memref<10112x64xf32, #tpu.memory_space<vmem_shared>> -> memref<10112x64xf32, #tpu.memory_space<vmem_shared>>
      tpu.enqueue_indirect_dma source(%arg18 : memref<128x64xf32, #tpu.memory_space<vmem>>) target(%dma_start3A_75 : memref<10112x64xf32, #tpu.memory_space<vmem_shared>>) offsets(%dma_start3A_72 : memref<128xi32, #tpu.memory_space<vmem>>) semaphore(%arg25 : memref<!tpu.dma_semaphore, #tpu.memory_space<semaphore_mem>>) {add = true}
      %dma_start3A_76 = arith.constant 2 : i32
      %dma_start3A_77 = arith.constant 0 : i32
      %dma_start3A_78 = tpu.memref_slice %arg16[%dma_start3A_76, %dma_start3A_77] : memref<158x128xi32, #tpu.memory_space<vmem>> -> memref<1x128xi32, #tpu.memory_space<vmem>>
      %dma_start3A_79 = tpu.memref_squeeze %dma_start3A_78 : memref<1x128xi32, #tpu.memory_space<vmem>> -> memref<128xi32, #tpu.memory_space<vmem>>
      %dma_start3A_80 = arith.constant 0 : i32
      %dma_start3A_81 = arith.constant 0 : i32
      %dma_start3A_82 = tpu.memref_slice %arg2[%dma_start3A_80, %dma_start3A_81] : memref<10000x64xf32, #tpu.memory_space<hbm>> -> memref<10000x64xf32, #tpu.memory_space<hbm>>
      tpu.enqueue_indirect_dma source(%dma_start3A_82 : memref<10000x64xf32, #tpu.memory_space<hbm>>) target(%arg20 : memref<128x64xf32, #tpu.memory_space<vmem>>) offsets(%dma_start3A_79 : memref<128xi32, #tpu.memory_space<vmem>>) semaphore(%arg24 : memref<!tpu.dma_semaphore, #tpu.memory_space<semaphore_mem>>)
      %dma_wait3A_83 = arith.constant 0 : i32
      %dma_wait3A_84 = arith.constant 0 : i32
      %dma_wait3A_85 = tpu.memref_slice %arg2[%dma_wait3A_83, %dma_wait3A_84] : memref<10000x64xf32, #tpu.memory_space<hbm>> -> memref<128x64xf32, #tpu.memory_space<hbm>>
      %dma_wait3A_86 = arith.constant 0 : i32
      %dma_wait3A_87 = arith.constant 0 : i32
      %dma_wait3A_88 = tpu.memref_slice %arg2[%dma_wait3A_86, %dma_wait3A_87] : memref<10000x64xf32, #tpu.memory_space<hbm>> -> memref<128x64xf32, #tpu.memory_space<hbm>>
      tpu.wait_dma2 semaphore(%arg23 : memref<!tpu.dma_semaphore, #tpu.memory_space<semaphore_mem>>) src(%dma_wait3A_88 : memref<128x64xf32, #tpu.memory_space<hbm>>) dst(%arg19 : memref<128x64xf32, #tpu.memory_space<vmem>>)
      %dma_start3A_89 = arith.constant 1 : i32
      %dma_start3A_90 = arith.constant 0 : i32
      %dma_start3A_91 = tpu.memref_slice %arg17[%dma_start3A_89, %dma_start3A_90] : memref<158x128xi32, #tpu.memory_space<vmem>> -> memref<1x128xi32, #tpu.memory_space<vmem>>
      %dma_start3A_92 = tpu.memref_squeeze %dma_start3A_91 : memref<1x128xi32, #tpu.memory_space<vmem>> -> memref<128xi32, #tpu.memory_space<vmem>>
      %dma_start3A_93 = arith.constant 0 : i32
      %dma_start3A_94 = arith.constant 0 : i32
      %dma_start3A_95 = tpu.memref_slice %arg21[%dma_start3A_93, %dma_start3A_94] : memref<10112x64xf32, #tpu.memory_space<vmem_shared>> -> memref<10112x64xf32, #tpu.memory_space<vmem_shared>>
      tpu.enqueue_indirect_dma source(%arg19 : memref<128x64xf32, #tpu.memory_space<vmem>>) target(%dma_start3A_95 : memref<10112x64xf32, #tpu.memory_space<vmem_shared>>) offsets(%dma_start3A_92 : memref<128xi32, #tpu.memory_space<vmem>>) semaphore(%arg26 : memref<!tpu.dma_semaphore, #tpu.memory_space<semaphore_mem>>) {add = true}
      %dma_wait3A_96 = arith.constant 0 : i32
      %dma_wait3A_97 = arith.constant 0 : i32
      %dma_wait3A_98 = tpu.memref_slice %arg21[%dma_wait3A_96, %dma_wait3A_97] : memref<10112x64xf32, #tpu.memory_space<vmem_shared>> -> memref<128x64xf32, #tpu.memory_space<vmem_shared>>
      %dma_wait3A_99 = arith.constant 0 : i32
      %dma_wait3A_100 = arith.constant 0 : i32
      %dma_wait3A_101 = tpu.memref_slice %arg21[%dma_wait3A_99, %dma_wait3A_100] : memref<10112x64xf32, #tpu.memory_space<vmem_shared>> -> memref<128x64xf32, #tpu.memory_space<vmem_shared>>
      tpu.wait_dma2 semaphore(%arg25 : memref<!tpu.dma_semaphore, #tpu.memory_space<semaphore_mem>>) src(%arg18 : memref<128x64xf32, #tpu.memory_space<vmem>>) dst(%dma_wait3A_101 : memref<128x64xf32, #tpu.memory_space<vmem_shared>>)
      %dma_start3A_102 = arith.constant 3 : i32
      %dma_start3A_103 = arith.constant 0 : i32
      %dma_start3A_104 = tpu.memref_slice %arg16[%dma_start3A_102, %dma_start3A_103] : memref<158x128xi32, #tpu.memory_space<vmem>> -> memref<1x128xi32, #tpu.memory_space<vmem>>
      %dma_start3A_105 = tpu.memref_squeeze %dma_start3A_104 : memref<1x128xi32, #tpu.memory_space<vmem>> -> memref<128xi32, #tpu.memory_space<vmem>>
      %dma_start3A_106 = arith.constant 0 : i32
      %dma_start3A_107 = arith.constant 0 : i32
      %dma_start3A_108 = tpu.memref_slice %arg2[%dma_start3A_106, %dma_start3A_107] : memref<10000x64xf32, #tpu.memory_space<hbm>> -> memref<10000x64xf32, #tpu.memory_space<hbm>>
      tpu.enqueue_indirect_dma source(%dma_start3A_108 : memref<10000x64xf32, #tpu.memory_space<hbm>>) target(%arg18 : memref<128x64xf32, #tpu.memory_space<vmem>>) offsets(%dma_start3A_105 : memref<128xi32, #tpu.memory_space<vmem>>) semaphore(%arg22 : memref<!tpu.dma_semaphore, #tpu.memory_space<semaphore_mem>>)
      %scan3A = arith.constant 0 : i32
      %scan3A_109 = arith.constant 0 : i32
      %scan3A_110 = arith.constant 51 : i32
      %scan3A_111 = arith.addi %scan3A_109, %scan3A_110 : i32
      %scan3A_112 = arith.constant 1 : i32
      scf.for %scan3A_184 = %scan3A_109 to %scan3A_111 step %scan3A_112  : i32 {
        %mul3A_185 = arith.constant 3 : i32
        %mul3A_186 = arith.muli %mul3A_185, %scan3A_184 : i32
        %add3A = arith.constant 2 : i32
        %add3A_187 = arith.addi %mul3A_186, %add3A : i32
        %dma_wait3A_188 = arith.constant 0 : i32
        %dma_wait3A_189 = arith.constant 0 : i32
        %dma_wait3A_190 = tpu.memref_slice %arg2[%dma_wait3A_188, %dma_wait3A_189] : memref<10000x64xf32, #tpu.memory_space<hbm>> -> memref<128x64xf32, #tpu.memory_space<hbm>>
        %dma_wait3A_191 = arith.constant 0 : i32
        %dma_wait3A_192 = arith.constant 0 : i32
        %dma_wait3A_193 = tpu.memref_slice %arg2[%dma_wait3A_191, %dma_wait3A_192] : memref<10000x64xf32, #tpu.memory_space<hbm>> -> memref<128x64xf32, #tpu.memory_space<hbm>>
        tpu.wait_dma2 semaphore(%arg24 : memref<!tpu.dma_semaphore, #tpu.memory_space<semaphore_mem>>) src(%dma_wait3A_193 : memref<128x64xf32, #tpu.memory_space<hbm>>) dst(%arg20 : memref<128x64xf32, #tpu.memory_space<vmem>>)
        %add3A_194 = arith.constant 0 : i32
        %add3A_195 = arith.addi %add3A_187, %add3A_194 : i32
        %dma_start3A_196 = arith.constant 0 : i32
        %dma_start3A_197 = tpu.memref_slice %arg17[%add3A_195, %dma_start3A_196] : memref<158x128xi32, #tpu.memory_space<vmem>> -> memref<1x128xi32, #tpu.memory_space<vmem>>
        %dma_start3A_198 = tpu.memref_squeeze %dma_start3A_197 : memref<1x128xi32, #tpu.memory_space<vmem>> -> memref<128xi32, #tpu.memory_space<vmem>>
        %dma_start3A_199 = arith.constant 0 : i32
        %dma_start3A_200 = arith.constant 0 : i32
        %dma_start3A_201 = tpu.memref_slice %arg21[%dma_start3A_199, %dma_start3A_200] : memref<10112x64xf32, #tpu.memory_space<vmem_shared>> -> memref<10112x64xf32, #tpu.memory_space<vmem_shared>>
        tpu.enqueue_indirect_dma source(%arg20 : memref<128x64xf32, #tpu.memory_space<vmem>>) target(%dma_start3A_201 : memref<10112x64xf32, #tpu.memory_space<vmem_shared>>) offsets(%dma_start3A_198 : memref<128xi32, #tpu.memory_space<vmem>>) semaphore(%arg27 : memref<!tpu.dma_semaphore, #tpu.memory_space<semaphore_mem>>) {add = true}
        %dma_wait3A_202 = arith.constant 0 : i32
        %dma_wait3A_203 = arith.constant 0 : i32
        %dma_wait3A_204 = tpu.memref_slice %arg21[%dma_wait3A_202, %dma_wait3A_203] : memref<10112x64xf32, #tpu.memory_space<vmem_shared>> -> memref<128x64xf32, #tpu.memory_space<vmem_shared>>
        %dma_wait3A_205 = arith.constant 0 : i32
        %dma_wait3A_206 = arith.constant 0 : i32
        %dma_wait3A_207 = tpu.memref_slice %arg21[%dma_wait3A_205, %dma_wait3A_206] : memref<10112x64xf32, #tpu.memory_space<vmem_shared>> -> memref<128x64xf32, #tpu.memory_space<vmem_shared>>
        tpu.wait_dma2 semaphore(%arg26 : memref<!tpu.dma_semaphore, #tpu.memory_space<semaphore_mem>>) src(%arg19 : memref<128x64xf32, #tpu.memory_space<vmem>>) dst(%dma_wait3A_207 : memref<128x64xf32, #tpu.memory_space<vmem_shared>>)
        %add3A_208 = arith.constant 0 : i32
        %add3A_209 = arith.addi %add3A_187, %add3A_208 : i32
        %add3A_210 = arith.constant 2 : i32
        %add3A_211 = arith.addi %add3A_209, %add3A_210 : i32
        %dma_start3A_212 = arith.constant 0 : i32
        %dma_start3A_213 = tpu.memref_slice %arg16[%add3A_211, %dma_start3A_212] : memref<158x128xi32, #tpu.memory_space<vmem>> -> memref<1x128xi32, #tpu.memory_space<vmem>>
        %dma_start3A_214 = tpu.memref_squeeze %dma_start3A_213 : memref<1x128xi32, #tpu.memory_space<vmem>> -> memref<128xi32, #tpu.memory_space<vmem>>
        %dma_start3A_215 = arith.constant 0 : i32
        %dma_start3A_216 = arith.constant 0 : i32
        %dma_start3A_217 = tpu.memref_slice %arg2[%dma_start3A_215, %dma_start3A_216] : memref<10000x64xf32, #tpu.memory_space<hbm>> -> memref<10000x64xf32, #tpu.memory_space<hbm>>
        tpu.enqueue_indirect_dma source(%dma_start3A_217 : memref<10000x64xf32, #tpu.memory_space<hbm>>) target(%arg19 : memref<128x64xf32, #tpu.memory_space<vmem>>) offsets(%dma_start3A_214 : memref<128xi32, #tpu.memory_space<vmem>>) semaphore(%arg23 : memref<!tpu.dma_semaphore, #tpu.memory_space<semaphore_mem>>)
        %dma_wait3A_218 = arith.constant 0 : i32
        %dma_wait3A_219 = arith.constant 0 : i32
        %dma_wait3A_220 = tpu.memref_slice %arg2[%dma_wait3A_218, %dma_wait3A_219] : memref<10000x64xf32, #tpu.memory_space<hbm>> -> memref<128x64xf32, #tpu.memory_space<hbm>>
        %dma_wait3A_221 = arith.constant 0 : i32
        %dma_wait3A_222 = arith.constant 0 : i32
        %dma_wait3A_223 = tpu.memref_slice %arg2[%dma_wait3A_221, %dma_wait3A_222] : memref<10000x64xf32, #tpu.memory_space<hbm>> -> memref<128x64xf32, #tpu.memory_space<hbm>>
        tpu.wait_dma2 semaphore(%arg22 : memref<!tpu.dma_semaphore, #tpu.memory_space<semaphore_mem>>) src(%dma_wait3A_223 : memref<128x64xf32, #tpu.memory_space<hbm>>) dst(%arg18 : memref<128x64xf32, #tpu.memory_space<vmem>>)
        %add3A_224 = arith.constant 1 : i32
        %add3A_225 = arith.addi %add3A_187, %add3A_224 : i32
        %dma_start3A_226 = arith.constant 0 : i32
        %dma_start3A_227 = tpu.memref_slice %arg17[%add3A_225, %dma_start3A_226] : memref<158x128xi32, #tpu.memory_space<vmem>> -> memref<1x128xi32, #tpu.memory_space<vmem>>
        %dma_start3A_228 = tpu.memref_squeeze %dma_start3A_227 : memref<1x128xi32, #tpu.memory_space<vmem>> -> memref<128xi32, #tpu.memory_space<vmem>>
        %dma_start3A_229 = arith.constant 0 : i32
        %dma_start3A_230 = arith.constant 0 : i32
        %dma_start3A_231 = tpu.memref_slice %arg21[%dma_start3A_229, %dma_start3A_230] : memref<10112x64xf32, #tpu.memory_space<vmem_shared>> -> memref<10112x64xf32, #tpu.memory_space<vmem_shared>>
        tpu.enqueue_indirect_dma source(%arg18 : memref<128x64xf32, #tpu.memory_space<vmem>>) target(%dma_start3A_231 : memref<10112x64xf32, #tpu.memory_space<vmem_shared>>) offsets(%dma_start3A_228 : memref<128xi32, #tpu.memory_space<vmem>>) semaphore(%arg25 : memref<!tpu.dma_semaphore, #tpu.memory_space<semaphore_mem>>) {add = true}
        %dma_wait3A_232 = arith.constant 0 : i32
        %dma_wait3A_233 = arith.constant 0 : i32
        %dma_wait3A_234 = tpu.memref_slice %arg21[%dma_wait3A_232, %dma_wait3A_233] : memref<10112x64xf32, #tpu.memory_space<vmem_shared>> -> memref<128x64xf32, #tpu.memory_space<vmem_shared>>
        %dma_wait3A_235 = arith.constant 0 : i32
        %dma_wait3A_236 = arith.constant 0 : i32
        %dma_wait3A_237 = tpu.memref_slice %arg21[%dma_wait3A_235, %dma_wait3A_236] : memref<10112x64xf32, #tpu.memory_space<vmem_shared>> -> memref<128x64xf32, #tpu.memory_space<vmem_shared>>
        tpu.wait_dma2 semaphore(%arg27 : memref<!tpu.dma_semaphore, #tpu.memory_space<semaphore_mem>>) src(%arg20 : memref<128x64xf32, #tpu.memory_space<vmem>>) dst(%dma_wait3A_237 : memref<128x64xf32, #tpu.memory_space<vmem_shared>>)
        %add3A_238 = arith.constant 1 : i32
        %add3A_239 = arith.addi %add3A_187, %add3A_238 : i32
        %add3A_240 = arith.constant 2 : i32
        %add3A_241 = arith.addi %add3A_239, %add3A_240 : i32
        %dma_start3A_242 = arith.constant 0 : i32
        %dma_start3A_243 = tpu.memref_slice %arg16[%add3A_241, %dma_start3A_242] : memref<158x128xi32, #tpu.memory_space<vmem>> -> memref<1x128xi32, #tpu.memory_space<vmem>>
        %dma_start3A_244 = tpu.memref_squeeze %dma_start3A_243 : memref<1x128xi32, #tpu.memory_space<vmem>> -> memref<128xi32, #tpu.memory_space<vmem>>
        %dma_start3A_245 = arith.constant 0 : i32
        %dma_start3A_246 = arith.constant 0 : i32
        %dma_start3A_247 = tpu.memref_slice %arg2[%dma_start3A_245, %dma_start3A_246] : memref<10000x64xf32, #tpu.memory_space<hbm>> -> memref<10000x64xf32, #tpu.memory_space<hbm>>
        tpu.enqueue_indirect_dma source(%dma_start3A_247 : memref<10000x64xf32, #tpu.memory_space<hbm>>) target(%arg20 : memref<128x64xf32, #tpu.memory_space<vmem>>) offsets(%dma_start3A_244 : memref<128xi32, #tpu.memory_space<vmem>>) semaphore(%arg24 : memref<!tpu.dma_semaphore, #tpu.memory_space<semaphore_mem>>)
        %dma_wait3A_248 = arith.constant 0 : i32
        %dma_wait3A_249 = arith.constant 0 : i32
        %dma_wait3A_250 = tpu.memref_slice %arg2[%dma_wait3A_248, %dma_wait3A_249] : memref<10000x64xf32, #tpu.memory_space<hbm>> -> memref<128x64xf32, #tpu.memory_space<hbm>>
        %dma_wait3A_251 = arith.constant 0 : i32
        %dma_wait3A_252 = arith.constant 0 : i32
        %dma_wait3A_253 = tpu.memref_slice %arg2[%dma_wait3A_251, %dma_wait3A_252] : memref<10000x64xf32, #tpu.memory_space<hbm>> -> memref<128x64xf32, #tpu.memory_space<hbm>>
        tpu.wait_dma2 semaphore(%arg23 : memref<!tpu.dma_semaphore, #tpu.memory_space<semaphore_mem>>) src(%dma_wait3A_253 : memref<128x64xf32, #tpu.memory_space<hbm>>) dst(%arg19 : memref<128x64xf32, #tpu.memory_space<vmem>>)
        %add3A_254 = arith.constant 2 : i32
        %add3A_255 = arith.addi %add3A_187, %add3A_254 : i32
        %dma_start3A_256 = arith.constant 0 : i32
        %dma_start3A_257 = tpu.memref_slice %arg17[%add3A_255, %dma_start3A_256] : memref<158x128xi32, #tpu.memory_space<vmem>> -> memref<1x128xi32, #tpu.memory_space<vmem>>
        %dma_start3A_258 = tpu.memref_squeeze %dma_start3A_257 : memref<1x128xi32, #tpu.memory_space<vmem>> -> memref<128xi32, #tpu.memory_space<vmem>>
        %dma_start3A_259 = arith.constant 0 : i32
        %dma_start3A_260 = arith.constant 0 : i32
        %dma_start3A_261 = tpu.memref_slice %arg21[%dma_start3A_259, %dma_start3A_260] : memref<10112x64xf32, #tpu.memory_space<vmem_shared>> -> memref<10112x64xf32, #tpu.memory_space<vmem_shared>>
        tpu.enqueue_indirect_dma source(%arg19 : memref<128x64xf32, #tpu.memory_space<vmem>>) target(%dma_start3A_261 : memref<10112x64xf32, #tpu.memory_space<vmem_shared>>) offsets(%dma_start3A_258 : memref<128xi32, #tpu.memory_space<vmem>>) semaphore(%arg26 : memref<!tpu.dma_semaphore, #tpu.memory_space<semaphore_mem>>) {add = true}
        %dma_wait3A_262 = arith.constant 0 : i32
        %dma_wait3A_263 = arith.constant 0 : i32
        %dma_wait3A_264 = tpu.memref_slice %arg21[%dma_wait3A_262, %dma_wait3A_263] : memref<10112x64xf32, #tpu.memory_space<vmem_shared>> -> memref<128x64xf32, #tpu.memory_space<vmem_shared>>
        %dma_wait3A_265 = arith.constant 0 : i32
        %dma_wait3A_266 = arith.constant 0 : i32
        %dma_wait3A_267 = tpu.memref_slice %arg21[%dma_wait3A_265, %dma_wait3A_266] : memref<10112x64xf32, #tpu.memory_space<vmem_shared>> -> memref<128x64xf32, #tpu.memory_space<vmem_shared>>
        tpu.wait_dma2 semaphore(%arg25 : memref<!tpu.dma_semaphore, #tpu.memory_space<semaphore_mem>>) src(%arg18 : memref<128x64xf32, #tpu.memory_space<vmem>>) dst(%dma_wait3A_267 : memref<128x64xf32, #tpu.memory_space<vmem_shared>>)
        %add3A_268 = arith.constant 2 : i32
        %add3A_269 = arith.addi %add3A_187, %add3A_268 : i32
        %add3A_270 = arith.constant 2 : i32
        %add3A_271 = arith.addi %add3A_269, %add3A_270 : i32
        %dma_start3A_272 = arith.constant 0 : i32
        %dma_start3A_273 = tpu.memref_slice %arg16[%add3A_271, %dma_start3A_272] : memref<158x128xi32, #tpu.memory_space<vmem>> -> memref<1x128xi32, #tpu.memory_space<vmem>>
        %dma_start3A_274 = tpu.memref_squeeze %dma_start3A_273 : memref<1x128xi32, #tpu.memory_space<vmem>> -> memref<128xi32, #tpu.memory_space<vmem>>
        %dma_start3A_275 = arith.constant 0 : i32
        %dma_start3A_276 = arith.constant 0 : i32
        %dma_start3A_277 = tpu.memref_slice %arg2[%dma_start3A_275, %dma_start3A_276] : memref<10000x64xf32, #tpu.memory_space<hbm>> -> memref<10000x64xf32, #tpu.memory_space<hbm>>
        tpu.enqueue_indirect_dma source(%dma_start3A_277 : memref<10000x64xf32, #tpu.memory_space<hbm>>) target(%arg18 : memref<128x64xf32, #tpu.memory_space<vmem>>) offsets(%dma_start3A_274 : memref<128xi32, #tpu.memory_space<vmem>>) semaphore(%arg22 : memref<!tpu.dma_semaphore, #tpu.memory_space<semaphore_mem>>)
      }
      %scan3A_113 = arith.constant 51 : i32
      %dma_wait3A_114 = arith.constant 0 : i32
      %dma_wait3A_115 = arith.constant 0 : i32
      %dma_wait3A_116 = tpu.memref_slice %arg2[%dma_wait3A_114, %dma_wait3A_115] : memref<10000x64xf32, #tpu.memory_space<hbm>> -> memref<128x64xf32, #tpu.memory_space<hbm>>
      %dma_wait3A_117 = arith.constant 0 : i32
      %dma_wait3A_118 = arith.constant 0 : i32
      %dma_wait3A_119 = tpu.memref_slice %arg2[%dma_wait3A_117, %dma_wait3A_118] : memref<10000x64xf32, #tpu.memory_space<hbm>> -> memref<128x64xf32, #tpu.memory_space<hbm>>
      tpu.wait_dma2 semaphore(%arg24 : memref<!tpu.dma_semaphore, #tpu.memory_space<semaphore_mem>>) src(%dma_wait3A_119 : memref<128x64xf32, #tpu.memory_space<hbm>>) dst(%arg20 : memref<128x64xf32, #tpu.memory_space<vmem>>)
      %dma_start3A_120 = arith.constant 155 : i32
      %dma_start3A_121 = arith.constant 0 : i32
      %dma_start3A_122 = tpu.memref_slice %arg17[%dma_start3A_120, %dma_start3A_121] : memref<158x128xi32, #tpu.memory_space<vmem>> -> memref<1x128xi32, #tpu.memory_space<vmem>>
      %dma_start3A_123 = tpu.memref_squeeze %dma_start3A_122 : memref<1x128xi32, #tpu.memory_space<vmem>> -> memref<128xi32, #tpu.memory_space<vmem>>
      %dma_start3A_124 = arith.constant 0 : i32
      %dma_start3A_125 = arith.constant 0 : i32
      %dma_start3A_126 = tpu.memref_slice %arg21[%dma_start3A_124, %dma_start3A_125] : memref<10112x64xf32, #tpu.memory_space<vmem_shared>> -> memref<10112x64xf32, #tpu.memory_space<vmem_shared>>
      tpu.enqueue_indirect_dma source(%arg20 : memref<128x64xf32, #tpu.memory_space<vmem>>) target(%dma_start3A_126 : memref<10112x64xf32, #tpu.memory_space<vmem_shared>>) offsets(%dma_start3A_123 : memref<128xi32, #tpu.memory_space<vmem>>) semaphore(%arg27 : memref<!tpu.dma_semaphore, #tpu.memory_space<semaphore_mem>>) {add = true}
      %dma_wait3A_127 = arith.constant 0 : i32
      %dma_wait3A_128 = arith.constant 0 : i32
      %dma_wait3A_129 = tpu.memref_slice %arg21[%dma_wait3A_127, %dma_wait3A_128] : memref<10112x64xf32, #tpu.memory_space<vmem_shared>> -> memref<128x64xf32, #tpu.memory_space<vmem_shared>>
      %dma_wait3A_130 = arith.constant 0 : i32
      %dma_wait3A_131 = arith.constant 0 : i32
      %dma_wait3A_132 = tpu.memref_slice %arg21[%dma_wait3A_130, %dma_wait3A_131] : memref<10112x64xf32, #tpu.memory_space<vmem_shared>> -> memref<128x64xf32, #tpu.memory_space<vmem_shared>>
      tpu.wait_dma2 semaphore(%arg26 : memref<!tpu.dma_semaphore, #tpu.memory_space<semaphore_mem>>) src(%arg19 : memref<128x64xf32, #tpu.memory_space<vmem>>) dst(%dma_wait3A_132 : memref<128x64xf32, #tpu.memory_space<vmem_shared>>)
      %dma_start3A_133 = arith.constant 157 : i32
      %dma_start3A_134 = arith.constant 0 : i32
      %dma_start3A_135 = tpu.memref_slice %arg16[%dma_start3A_133, %dma_start3A_134] : memref<158x128xi32, #tpu.memory_space<vmem>> -> memref<1x128xi32, #tpu.memory_space<vmem>>
      %dma_start3A_136 = tpu.memref_squeeze %dma_start3A_135 : memref<1x128xi32, #tpu.memory_space<vmem>> -> memref<128xi32, #tpu.memory_space<vmem>>
      %dma_start3A_137 = arith.constant 0 : i32
      %dma_start3A_138 = arith.constant 0 : i32
      %dma_start3A_139 = tpu.memref_slice %arg2[%dma_start3A_137, %dma_start3A_138] : memref<10000x64xf32, #tpu.memory_space<hbm>> -> memref<10000x64xf32, #tpu.memory_space<hbm>>
      tpu.enqueue_indirect_dma source(%dma_start3A_139 : memref<10000x64xf32, #tpu.memory_space<hbm>>) target(%arg19 : memref<128x64xf32, #tpu.memory_space<vmem>>) offsets(%dma_start3A_136 : memref<128xi32, #tpu.memory_space<vmem>>) semaphore(%arg23 : memref<!tpu.dma_semaphore, #tpu.memory_space<semaphore_mem>>)
      %dma_wait3A_140 = arith.constant 0 : i32
      %dma_wait3A_141 = arith.constant 0 : i32
      %dma_wait3A_142 = tpu.memref_slice %arg2[%dma_wait3A_140, %dma_wait3A_141] : memref<10000x64xf32, #tpu.memory_space<hbm>> -> memref<128x64xf32, #tpu.memory_space<hbm>>
      %dma_wait3A_143 = arith.constant 0 : i32
      %dma_wait3A_144 = arith.constant 0 : i32
      %dma_wait3A_145 = tpu.memref_slice %arg2[%dma_wait3A_143, %dma_wait3A_144] : memref<10000x64xf32, #tpu.memory_space<hbm>> -> memref<128x64xf32, #tpu.memory_space<hbm>>
      tpu.wait_dma2 semaphore(%arg22 : memref<!tpu.dma_semaphore, #tpu.memory_space<semaphore_mem>>) src(%dma_wait3A_145 : memref<128x64xf32, #tpu.memory_space<hbm>>) dst(%arg18 : memref<128x64xf32, #tpu.memory_space<vmem>>)
      %dma_start3A_146 = arith.constant 156 : i32
      %dma_start3A_147 = arith.constant 0 : i32
      %dma_start3A_148 = tpu.memref_slice %arg17[%dma_start3A_146, %dma_start3A_147] : memref<158x128xi32, #tpu.memory_space<vmem>> -> memref<1x128xi32, #tpu.memory_space<vmem>>
      %dma_start3A_149 = tpu.memref_squeeze %dma_start3A_148 : memref<1x128xi32, #tpu.memory_space<vmem>> -> memref<128xi32, #tpu.memory_space<vmem>>
      %dma_start3A_150 = arith.constant 0 : i32
      %dma_start3A_151 = arith.constant 0 : i32
      %dma_start3A_152 = tpu.memref_slice %arg21[%dma_start3A_150, %dma_start3A_151] : memref<10112x64xf32, #tpu.memory_space<vmem_shared>> -> memref<10112x64xf32, #tpu.memory_space<vmem_shared>>
      tpu.enqueue_indirect_dma source(%arg18 : memref<128x64xf32, #tpu.memory_space<vmem>>) target(%dma_start3A_152 : memref<10112x64xf32, #tpu.memory_space<vmem_shared>>) offsets(%dma_start3A_149 : memref<128xi32, #tpu.memory_space<vmem>>) semaphore(%arg25 : memref<!tpu.dma_semaphore, #tpu.memory_space<semaphore_mem>>) {add = true}
      %dma_wait3A_153 = arith.constant 0 : i32
      %dma_wait3A_154 = arith.constant 0 : i32
      %dma_wait3A_155 = tpu.memref_slice %arg2[%dma_wait3A_153, %dma_wait3A_154] : memref<10000x64xf32, #tpu.memory_space<hbm>> -> memref<128x64xf32, #tpu.memory_space<hbm>>
      %dma_wait3A_156 = arith.constant 0 : i32
      %dma_wait3A_157 = arith.constant 0 : i32
      %dma_wait3A_158 = tpu.memref_slice %arg2[%dma_wait3A_156, %dma_wait3A_157] : memref<10000x64xf32, #tpu.memory_space<hbm>> -> memref<128x64xf32, #tpu.memory_space<hbm>>
      tpu.wait_dma2 semaphore(%arg23 : memref<!tpu.dma_semaphore, #tpu.memory_space<semaphore_mem>>) src(%dma_wait3A_158 : memref<128x64xf32, #tpu.memory_space<hbm>>) dst(%arg19 : memref<128x64xf32, #tpu.memory_space<vmem>>)
      %dma_start3A_159 = arith.constant 157 : i32
      %dma_start3A_160 = arith.constant 0 : i32
      %dma_start3A_161 = tpu.memref_slice %arg17[%dma_start3A_159, %dma_start3A_160] : memref<158x128xi32, #tpu.memory_space<vmem>> -> memref<1x128xi32, #tpu.memory_space<vmem>>
      %dma_start3A_162 = tpu.memref_squeeze %dma_start3A_161 : memref<1x128xi32, #tpu.memory_space<vmem>> -> memref<128xi32, #tpu.memory_space<vmem>>
      %dma_start3A_163 = arith.constant 0 : i32
      %dma_start3A_164 = arith.constant 0 : i32
      %dma_start3A_165 = tpu.memref_slice %arg21[%dma_start3A_163, %dma_start3A_164] : memref<10112x64xf32, #tpu.memory_space<vmem_shared>> -> memref<10112x64xf32, #tpu.memory_space<vmem_shared>>
      tpu.enqueue_indirect_dma source(%arg19 : memref<128x64xf32, #tpu.memory_space<vmem>>) target(%dma_start3A_165 : memref<10112x64xf32, #tpu.memory_space<vmem_shared>>) offsets(%dma_start3A_162 : memref<128xi32, #tpu.memory_space<vmem>>) semaphore(%arg26 : memref<!tpu.dma_semaphore, #tpu.memory_space<semaphore_mem>>) {add = true}
      %dma_wait3A_166 = arith.constant 0 : i32
      %dma_wait3A_167 = arith.constant 0 : i32
      %dma_wait3A_168 = tpu.memref_slice %arg21[%dma_wait3A_166, %dma_wait3A_167] : memref<10112x64xf32, #tpu.memory_space<vmem_shared>> -> memref<128x64xf32, #tpu.memory_space<vmem_shared>>
      %dma_wait3A_169 = arith.constant 0 : i32
      %dma_wait3A_170 = arith.constant 0 : i32
      %dma_wait3A_171 = tpu.memref_slice %arg21[%dma_wait3A_169, %dma_wait3A_170] : memref<10112x64xf32, #tpu.memory_space<vmem_shared>> -> memref<128x64xf32, #tpu.memory_space<vmem_shared>>
      tpu.wait_dma2 semaphore(%arg27 : memref<!tpu.dma_semaphore, #tpu.memory_space<semaphore_mem>>) src(%arg20 : memref<128x64xf32, #tpu.memory_space<vmem>>) dst(%dma_wait3A_171 : memref<128x64xf32, #tpu.memory_space<vmem_shared>>)
      %dma_wait3A_172 = arith.constant 0 : i32
      %dma_wait3A_173 = arith.constant 0 : i32
      %dma_wait3A_174 = tpu.memref_slice %arg21[%dma_wait3A_172, %dma_wait3A_173] : memref<10112x64xf32, #tpu.memory_space<vmem_shared>> -> memref<128x64xf32, #tpu.memory_space<vmem_shared>>
      %dma_wait3A_175 = arith.constant 0 : i32
      %dma_wait3A_176 = arith.constant 0 : i32
      %dma_wait3A_177 = tpu.memref_slice %arg21[%dma_wait3A_175, %dma_wait3A_176] : memref<10112x64xf32, #tpu.memory_space<vmem_shared>> -> memref<128x64xf32, #tpu.memory_space<vmem_shared>>
      tpu.wait_dma2 semaphore(%arg25 : memref<!tpu.dma_semaphore, #tpu.memory_space<semaphore_mem>>) src(%arg18 : memref<128x64xf32, #tpu.memory_space<vmem>>) dst(%dma_wait3A_177 : memref<128x64xf32, #tpu.memory_space<vmem_shared>>)
      %dma_wait3A_178 = arith.constant 0 : i32
      %dma_wait3A_179 = arith.constant 0 : i32
      %dma_wait3A_180 = tpu.memref_slice %arg21[%dma_wait3A_178, %dma_wait3A_179] : memref<10112x64xf32, #tpu.memory_space<vmem_shared>> -> memref<128x64xf32, #tpu.memory_space<vmem_shared>>
      %dma_wait3A_181 = arith.constant 0 : i32
      %dma_wait3A_182 = arith.constant 0 : i32
      %dma_wait3A_183 = tpu.memref_slice %arg21[%dma_wait3A_181, %dma_wait3A_182] : memref<10112x64xf32, #tpu.memory_space<vmem_shared>> -> memref<128x64xf32, #tpu.memory_space<vmem_shared>>
      tpu.wait_dma2 semaphore(%arg26 : memref<!tpu.dma_semaphore, #tpu.memory_space<semaphore_mem>>) src(%arg19 : memref<128x64xf32, #tpu.memory_space<vmem>>) dst(%dma_wait3A_183 : memref<128x64xf32, #tpu.memory_space<vmem_shared>>)
    } else {
    }
    %eq3A_3 = arith.constant 1 : i32
    %eq3A_4 = arith.cmpi eq, %arg0, %eq3A_3 : i32
    %convert_element_type3A_5 = arith.extui %eq3A_4 : i1 to i32
    %cond3A_6 = arith.constant 0 : i32
    %cond3A_7 = arith.cmpi ne, %convert_element_type3A_5, %cond3A_6 : i32
    scf.if %cond3A_7 {
      %dma_start3A = arith.constant 0 : i32
      %dma_start3A_51 = arith.constant 0 : i32
      %dma_start3A_52 = tpu.memref_slice %arg16[%dma_start3A, %dma_start3A_51] : memref<158x128xi32, #tpu.memory_space<vmem>> -> memref<1x128xi32, #tpu.memory_space<vmem>>
      %dma_start3A_53 = tpu.memref_squeeze %dma_start3A_52 : memref<1x128xi32, #tpu.memory_space<vmem>> -> memref<128xi32, #tpu.memory_space<vmem>>
      %dma_start3A_54 = arith.constant 0 : i32
      %dma_start3A_55 = arith.constant 0 : i32
      %dma_start3A_56 = tpu.memref_slice %arg4[%dma_start3A_54, %dma_start3A_55] : memref<10000x64xf32, #tpu.memory_space<hbm>> -> memref<10000x64xf32, #tpu.memory_space<hbm>>
      tpu.enqueue_indirect_dma source(%dma_start3A_56 : memref<10000x64xf32, #tpu.memory_space<hbm>>) target(%arg18 : memref<128x64xf32, #tpu.memory_space<vmem>>) offsets(%dma_start3A_53 : memref<128xi32, #tpu.memory_space<vmem>>) semaphore(%arg22 : memref<!tpu.dma_semaphore, #tpu.memory_space<semaphore_mem>>)
      %dma_start3A_57 = arith.constant 1 : i32
      %dma_start3A_58 = arith.constant 0 : i32
      %dma_start3A_59 = tpu.memref_slice %arg16[%dma_start3A_57, %dma_start3A_58] : memref<158x128xi32, #tpu.memory_space<vmem>> -> memref<1x128xi32, #tpu.memory_space<vmem>>
      %dma_start3A_60 = tpu.memref_squeeze %dma_start3A_59 : memref<1x128xi32, #tpu.memory_space<vmem>> -> memref<128xi32, #tpu.memory_space<vmem>>
      %dma_start3A_61 = arith.constant 0 : i32
      %dma_start3A_62 = arith.constant 0 : i32
      %dma_start3A_63 = tpu.memref_slice %arg4[%dma_start3A_61, %dma_start3A_62] : memref<10000x64xf32, #tpu.memory_space<hbm>> -> memref<10000x64xf32, #tpu.memory_space<hbm>>
      tpu.enqueue_indirect_dma source(%dma_start3A_63 : memref<10000x64xf32, #tpu.memory_space<hbm>>) target(%arg19 : memref<128x64xf32, #tpu.memory_space<vmem>>) offsets(%dma_start3A_60 : memref<128xi32, #tpu.memory_space<vmem>>) semaphore(%arg23 : memref<!tpu.dma_semaphore, #tpu.memory_space<semaphore_mem>>)
      %dma_wait3A = arith.constant 0 : i32
      %dma_wait3A_64 = arith.constant 0 : i32
      %dma_wait3A_65 = tpu.memref_slice %arg4[%dma_wait3A, %dma_wait3A_64] : memref<10000x64xf32, #tpu.memory_space<hbm>> -> memref<128x64xf32, #tpu.memory_space<hbm>>
      %dma_wait3A_66 = arith.constant 0 : i32
      %dma_wait3A_67 = arith.constant 0 : i32
      %dma_wait3A_68 = tpu.memref_slice %arg4[%dma_wait3A_66, %dma_wait3A_67] : memref<10000x64xf32, #tpu.memory_space<hbm>> -> memref<128x64xf32, #tpu.memory_space<hbm>>
      tpu.wait_dma2 semaphore(%arg22 : memref<!tpu.dma_semaphore, #tpu.memory_space<semaphore_mem>>) src(%dma_wait3A_68 : memref<128x64xf32, #tpu.memory_space<hbm>>) dst(%arg18 : memref<128x64xf32, #tpu.memory_space<vmem>>)
      %dma_start3A_69 = arith.constant 0 : i32
      %dma_start3A_70 = arith.constant 0 : i32
      %dma_start3A_71 = tpu.memref_slice %arg17[%dma_start3A_69, %dma_start3A_70] : memref<158x128xi32, #tpu.memory_space<vmem>> -> memref<1x128xi32, #tpu.memory_space<vmem>>
      %dma_start3A_72 = tpu.memref_squeeze %dma_start3A_71 : memref<1x128xi32, #tpu.memory_space<vmem>> -> memref<128xi32, #tpu.memory_space<vmem>>
      %dma_start3A_73 = arith.constant 0 : i32
      %dma_start3A_74 = arith.constant 0 : i32
      %dma_start3A_75 = tpu.memref_slice %arg21[%dma_start3A_73, %dma_start3A_74] : memref<10112x64xf32, #tpu.memory_space<vmem_shared>> -> memref<10112x64xf32, #tpu.memory_space<vmem_shared>>
      tpu.enqueue_indirect_dma source(%arg18 : memref<128x64xf32, #tpu.memory_space<vmem>>) target(%dma_start3A_75 : memref<10112x64xf32, #tpu.memory_space<vmem_shared>>) offsets(%dma_start3A_72 : memref<128xi32, #tpu.memory_space<vmem>>) semaphore(%arg25 : memref<!tpu.dma_semaphore, #tpu.memory_space<semaphore_mem>>) {add = true}
      %dma_start3A_76 = arith.constant 2 : i32
      %dma_start3A_77 = arith.constant 0 : i32
      %dma_start3A_78 = tpu.memref_slice %arg16[%dma_start3A_76, %dma_start3A_77] : memref<158x128xi32, #tpu.memory_space<vmem>> -> memref<1x128xi32, #tpu.memory_space<vmem>>
      %dma_start3A_79 = tpu.memref_squeeze %dma_start3A_78 : memref<1x128xi32, #tpu.memory_space<vmem>> -> memref<128xi32, #tpu.memory_space<vmem>>
      %dma_start3A_80 = arith.constant 0 : i32
      %dma_start3A_81 = arith.constant 0 : i32
      %dma_start3A_82 = tpu.memref_slice %arg4[%dma_start3A_80, %dma_start3A_81] : memref<10000x64xf32, #tpu.memory_space<hbm>> -> memref<10000x64xf32, #tpu.memory_space<hbm>>
      tpu.enqueue_indirect_dma source(%dma_start3A_82 : memref<10000x64xf32, #tpu.memory_space<hbm>>) target(%arg20 : memref<128x64xf32, #tpu.memory_space<vmem>>) offsets(%dma_start3A_79 : memref<128xi32, #tpu.memory_space<vmem>>) semaphore(%arg24 : memref<!tpu.dma_semaphore, #tpu.memory_space<semaphore_mem>>)
      %dma_wait3A_83 = arith.constant 0 : i32
      %dma_wait3A_84 = arith.constant 0 : i32
      %dma_wait3A_85 = tpu.memref_slice %arg4[%dma_wait3A_83, %dma_wait3A_84] : memref<10000x64xf32, #tpu.memory_space<hbm>> -> memref<128x64xf32, #tpu.memory_space<hbm>>
      %dma_wait3A_86 = arith.constant 0 : i32
      %dma_wait3A_87 = arith.constant 0 : i32
      %dma_wait3A_88 = tpu.memref_slice %arg4[%dma_wait3A_86, %dma_wait3A_87] : memref<10000x64xf32, #tpu.memory_space<hbm>> -> memref<128x64xf32, #tpu.memory_space<hbm>>
      tpu.wait_dma2 semaphore(%arg23 : memref<!tpu.dma_semaphore, #tpu.memory_space<semaphore_mem>>) src(%dma_wait3A_88 : memref<128x64xf32, #tpu.memory_space<hbm>>) dst(%arg19 : memref<128x64xf32, #tpu.memory_space<vmem>>)
      %dma_start3A_89 = arith.constant 1 : i32
      %dma_start3A_90 = arith.constant 0 : i32
      %dma_start3A_91 = tpu.memref_slice %arg17[%dma_start3A_89, %dma_start3A_90] : memref<158x128xi32, #tpu.memory_space<vmem>> -> memref<1x128xi32, #tpu.memory_space<vmem>>
      %dma_start3A_92 = tpu.memref_squeeze %dma_start3A_91 : memref<1x128xi32, #tpu.memory_space<vmem>> -> memref<128xi32, #tpu.memory_space<vmem>>
      %dma_start3A_93 = arith.constant 0 : i32
      %dma_start3A_94 = arith.constant 0 : i32
      %dma_start3A_95 = tpu.memref_slice %arg21[%dma_start3A_93, %dma_start3A_94] : memref<10112x64xf32, #tpu.memory_space<vmem_shared>> -> memref<10112x64xf32, #tpu.memory_space<vmem_shared>>
      tpu.enqueue_indirect_dma source(%arg19 : memref<128x64xf32, #tpu.memory_space<vmem>>) target(%dma_start3A_95 : memref<10112x64xf32, #tpu.memory_space<vmem_shared>>) offsets(%dma_start3A_92 : memref<128xi32, #tpu.memory_space<vmem>>) semaphore(%arg26 : memref<!tpu.dma_semaphore, #tpu.memory_space<semaphore_mem>>) {add = true}
      %dma_wait3A_96 = arith.constant 0 : i32
      %dma_wait3A_97 = arith.constant 0 : i32
      %dma_wait3A_98 = tpu.memref_slice %arg21[%dma_wait3A_96, %dma_wait3A_97] : memref<10112x64xf32, #tpu.memory_space<vmem_shared>> -> memref<128x64xf32, #tpu.memory_space<vmem_shared>>
      %dma_wait3A_99 = arith.constant 0 : i32
      %dma_wait3A_100 = arith.constant 0 : i32
      %dma_wait3A_101 = tpu.memref_slice %arg21[%dma_wait3A_99, %dma_wait3A_100] : memref<10112x64xf32, #tpu.memory_space<vmem_shared>> -> memref<128x64xf32, #tpu.memory_space<vmem_shared>>
      tpu.wait_dma2 semaphore(%arg25 : memref<!tpu.dma_semaphore, #tpu.memory_space<semaphore_mem>>) src(%arg18 : memref<128x64xf32, #tpu.memory_space<vmem>>) dst(%dma_wait3A_101 : memref<128x64xf32, #tpu.memory_space<vmem_shared>>)
      %dma_start3A_102 = arith.constant 3 : i32
      %dma_start3A_103 = arith.constant 0 : i32
      %dma_start3A_104 = tpu.memref_slice %arg16[%dma_start3A_102, %dma_start3A_103] : memref<158x128xi32, #tpu.memory_space<vmem>> -> memref<1x128xi32, #tpu.memory_space<vmem>>
      %dma_start3A_105 = tpu.memref_squeeze %dma_start3A_104 : memref<1x128xi32, #tpu.memory_space<vmem>> -> memref<128xi32, #tpu.memory_space<vmem>>
      %dma_start3A_106 = arith.constant 0 : i32
      %dma_start3A_107 = arith.constant 0 : i32
      %dma_start3A_108 = tpu.memref_slice %arg4[%dma_start3A_106, %dma_start3A_107] : memref<10000x64xf32, #tpu.memory_space<hbm>> -> memref<10000x64xf32, #tpu.memory_space<hbm>>
      tpu.enqueue_indirect_dma source(%dma_start3A_108 : memref<10000x64xf32, #tpu.memory_space<hbm>>) target(%arg18 : memref<128x64xf32, #tpu.memory_space<vmem>>) offsets(%dma_start3A_105 : memref<128xi32, #tpu.memory_space<vmem>>) semaphore(%arg22 : memref<!tpu.dma_semaphore, #tpu.memory_space<semaphore_mem>>)
      %scan3A = arith.constant 0 : i32
      %scan3A_109 = arith.constant 0 : i32
      %scan3A_110 = arith.constant 51 : i32
      %scan3A_111 = arith.addi %scan3A_109, %scan3A_110 : i32
      %scan3A_112 = arith.constant 1 : i32
      scf.for %scan3A_184 = %scan3A_109 to %scan3A_111 step %scan3A_112  : i32 {
        %mul3A_185 = arith.constant 3 : i32
        %mul3A_186 = arith.muli %mul3A_185, %scan3A_184 : i32
        %add3A = arith.constant 2 : i32
        %add3A_187 = arith.addi %mul3A_186, %add3A : i32
        %dma_wait3A_188 = arith.constant 0 : i32
        %dma_wait3A_189 = arith.constant 0 : i32
        %dma_wait3A_190 = tpu.memref_slice %arg4[%dma_wait3A_188, %dma_wait3A_189] : memref<10000x64xf32, #tpu.memory_space<hbm>> -> memref<128x64xf32, #tpu.memory_space<hbm>>
        %dma_wait3A_191 = arith.constant 0 : i32
        %dma_wait3A_192 = arith.constant 0 : i32
        %dma_wait3A_193 = tpu.memref_slice %arg4[%dma_wait3A_191, %dma_wait3A_192] : memref<10000x64xf32, #tpu.memory_space<hbm>> -> memref<128x64xf32, #tpu.memory_space<hbm>>
        tpu.wait_dma2 semaphore(%arg24 : memref<!tpu.dma_semaphore, #tpu.memory_space<semaphore_mem>>) src(%dma_wait3A_193 : memref<128x64xf32, #tpu.memory_space<hbm>>) dst(%arg20 : memref<128x64xf32, #tpu.memory_space<vmem>>)
        %add3A_194 = arith.constant 0 : i32
        %add3A_195 = arith.addi %add3A_187, %add3A_194 : i32
        %dma_start3A_196 = arith.constant 0 : i32
        %dma_start3A_197 = tpu.memref_slice %arg17[%add3A_195, %dma_start3A_196] : memref<158x128xi32, #tpu.memory_space<vmem>> -> memref<1x128xi32, #tpu.memory_space<vmem>>
        %dma_start3A_198 = tpu.memref_squeeze %dma_start3A_197 : memref<1x128xi32, #tpu.memory_space<vmem>> -> memref<128xi32, #tpu.memory_space<vmem>>
        %dma_start3A_199 = arith.constant 0 : i32
        %dma_start3A_200 = arith.constant 0 : i32
        %dma_start3A_201 = tpu.memref_slice %arg21[%dma_start3A_199, %dma_start3A_200] : memref<10112x64xf32, #tpu.memory_space<vmem_shared>> -> memref<10112x64xf32, #tpu.memory_space<vmem_shared>>
        tpu.enqueue_indirect_dma source(%arg20 : memref<128x64xf32, #tpu.memory_space<vmem>>) target(%dma_start3A_201 : memref<10112x64xf32, #tpu.memory_space<vmem_shared>>) offsets(%dma_start3A_198 : memref<128xi32, #tpu.memory_space<vmem>>) semaphore(%arg27 : memref<!tpu.dma_semaphore, #tpu.memory_space<semaphore_mem>>) {add = true}
        %dma_wait3A_202 = arith.constant 0 : i32
        %dma_wait3A_203 = arith.constant 0 : i32
        %dma_wait3A_204 = tpu.memref_slice %arg21[%dma_wait3A_202, %dma_wait3A_203] : memref<10112x64xf32, #tpu.memory_space<vmem_shared>> -> memref<128x64xf32, #tpu.memory_space<vmem_shared>>
        %dma_wait3A_205 = arith.constant 0 : i32
        %dma_wait3A_206 = arith.constant 0 : i32
        %dma_wait3A_207 = tpu.memref_slice %arg21[%dma_wait3A_205, %dma_wait3A_206] : memref<10112x64xf32, #tpu.memory_space<vmem_shared>> -> memref<128x64xf32, #tpu.memory_space<vmem_shared>>
        tpu.wait_dma2 semaphore(%arg26 : memref<!tpu.dma_semaphore, #tpu.memory_space<semaphore_mem>>) src(%arg19 : memref<128x64xf32, #tpu.memory_space<vmem>>) dst(%dma_wait3A_207 : memref<128x64xf32, #tpu.memory_space<vmem_shared>>)
        %add3A_208 = arith.constant 0 : i32
        %add3A_209 = arith.addi %add3A_187, %add3A_208 : i32
        %add3A_210 = arith.constant 2 : i32
        %add3A_211 = arith.addi %add3A_209, %add3A_210 : i32
        %dma_start3A_212 = arith.constant 0 : i32
        %dma_start3A_213 = tpu.memref_slice %arg16[%add3A_211, %dma_start3A_212] : memref<158x128xi32, #tpu.memory_space<vmem>> -> memref<1x128xi32, #tpu.memory_space<vmem>>
        %dma_start3A_214 = tpu.memref_squeeze %dma_start3A_213 : memref<1x128xi32, #tpu.memory_space<vmem>> -> memref<128xi32, #tpu.memory_space<vmem>>
        %dma_start3A_215 = arith.constant 0 : i32
        %dma_start3A_216 = arith.constant 0 : i32
        %dma_start3A_217 = tpu.memref_slice %arg4[%dma_start3A_215, %dma_start3A_216] : memref<10000x64xf32, #tpu.memory_space<hbm>> -> memref<10000x64xf32, #tpu.memory_space<hbm>>
        tpu.enqueue_indirect_dma source(%dma_start3A_217 : memref<10000x64xf32, #tpu.memory_space<hbm>>) target(%arg19 : memref<128x64xf32, #tpu.memory_space<vmem>>) offsets(%dma_start3A_214 : memref<128xi32, #tpu.memory_space<vmem>>) semaphore(%arg23 : memref<!tpu.dma_semaphore, #tpu.memory_space<semaphore_mem>>)
        %dma_wait3A_218 = arith.constant 0 : i32
        %dma_wait3A_219 = arith.constant 0 : i32
        %dma_wait3A_220 = tpu.memref_slice %arg4[%dma_wait3A_218, %dma_wait3A_219] : memref<10000x64xf32, #tpu.memory_space<hbm>> -> memref<128x64xf32, #tpu.memory_space<hbm>>
        %dma_wait3A_221 = arith.constant 0 : i32
        %dma_wait3A_222 = arith.constant 0 : i32
        %dma_wait3A_223 = tpu.memref_slice %arg4[%dma_wait3A_221, %dma_wait3A_222] : memref<10000x64xf32, #tpu.memory_space<hbm>> -> memref<128x64xf32, #tpu.memory_space<hbm>>
        tpu.wait_dma2 semaphore(%arg22 : memref<!tpu.dma_semaphore, #tpu.memory_space<semaphore_mem>>) src(%dma_wait3A_223 : memref<128x64xf32, #tpu.memory_space<hbm>>) dst(%arg18 : memref<128x64xf32, #tpu.memory_space<vmem>>)
        %add3A_224 = arith.constant 1 : i32
        %add3A_225 = arith.addi %add3A_187, %add3A_224 : i32
        %dma_start3A_226 = arith.constant 0 : i32
        %dma_start3A_227 = tpu.memref_slice %arg17[%add3A_225, %dma_start3A_226] : memref<158x128xi32, #tpu.memory_space<vmem>> -> memref<1x128xi32, #tpu.memory_space<vmem>>
        %dma_start3A_228 = tpu.memref_squeeze %dma_start3A_227 : memref<1x128xi32, #tpu.memory_space<vmem>> -> memref<128xi32, #tpu.memory_space<vmem>>
        %dma_start3A_229 = arith.constant 0 : i32
        %dma_start3A_230 = arith.constant 0 : i32
        %dma_start3A_231 = tpu.memref_slice %arg21[%dma_start3A_229, %dma_start3A_230] : memref<10112x64xf32, #tpu.memory_space<vmem_shared>> -> memref<10112x64xf32, #tpu.memory_space<vmem_shared>>
        tpu.enqueue_indirect_dma source(%arg18 : memref<128x64xf32, #tpu.memory_space<vmem>>) target(%dma_start3A_231 : memref<10112x64xf32, #tpu.memory_space<vmem_shared>>) offsets(%dma_start3A_228 : memref<128xi32, #tpu.memory_space<vmem>>) semaphore(%arg25 : memref<!tpu.dma_semaphore, #tpu.memory_space<semaphore_mem>>) {add = true}
        %dma_wait3A_232 = arith.constant 0 : i32
        %dma_wait3A_233 = arith.constant 0 : i32
        %dma_wait3A_234 = tpu.memref_slice %arg21[%dma_wait3A_232, %dma_wait3A_233] : memref<10112x64xf32, #tpu.memory_space<vmem_shared>> -> memref<128x64xf32, #tpu.memory_space<vmem_shared>>
        %dma_wait3A_235 = arith.constant 0 : i32
        %dma_wait3A_236 = arith.constant 0 : i32
        %dma_wait3A_237 = tpu.memref_slice %arg21[%dma_wait3A_235, %dma_wait3A_236] : memref<10112x64xf32, #tpu.memory_space<vmem_shared>> -> memref<128x64xf32, #tpu.memory_space<vmem_shared>>
        tpu.wait_dma2 semaphore(%arg27 : memref<!tpu.dma_semaphore, #tpu.memory_space<semaphore_mem>>) src(%arg20 : memref<128x64xf32, #tpu.memory_space<vmem>>) dst(%dma_wait3A_237 : memref<128x64xf32, #tpu.memory_space<vmem_shared>>)
        %add3A_238 = arith.constant 1 : i32
        %add3A_239 = arith.addi %add3A_187, %add3A_238 : i32
        %add3A_240 = arith.constant 2 : i32
        %add3A_241 = arith.addi %add3A_239, %add3A_240 : i32
        %dma_start3A_242 = arith.constant 0 : i32
        %dma_start3A_243 = tpu.memref_slice %arg16[%add3A_241, %dma_start3A_242] : memref<158x128xi32, #tpu.memory_space<vmem>> -> memref<1x128xi32, #tpu.memory_space<vmem>>
        %dma_start3A_244 = tpu.memref_squeeze %dma_start3A_243 : memref<1x128xi32, #tpu.memory_space<vmem>> -> memref<128xi32, #tpu.memory_space<vmem>>
        %dma_start3A_245 = arith.constant 0 : i32
        %dma_start3A_246 = arith.constant 0 : i32
        %dma_start3A_247 = tpu.memref_slice %arg4[%dma_start3A_245, %dma_start3A_246] : memref<10000x64xf32, #tpu.memory_space<hbm>> -> memref<10000x64xf32, #tpu.memory_space<hbm>>
        tpu.enqueue_indirect_dma source(%dma_start3A_247 : memref<10000x64xf32, #tpu.memory_space<hbm>>) target(%arg20 : memref<128x64xf32, #tpu.memory_space<vmem>>) offsets(%dma_start3A_244 : memref<128xi32, #tpu.memory_space<vmem>>) semaphore(%arg24 : memref<!tpu.dma_semaphore, #tpu.memory_space<semaphore_mem>>)
        %dma_wait3A_248 = arith.constant 0 : i32
        %dma_wait3A_249 = arith.constant 0 : i32
        %dma_wait3A_250 = tpu.memref_slice %arg4[%dma_wait3A_248, %dma_wait3A_249] : memref<10000x64xf32, #tpu.memory_space<hbm>> -> memref<128x64xf32, #tpu.memory_space<hbm>>
        %dma_wait3A_251 = arith.constant 0 : i32
        %dma_wait3A_252 = arith.constant 0 : i32
        %dma_wait3A_253 = tpu.memref_slice %arg4[%dma_wait3A_251, %dma_wait3A_252] : memref<10000x64xf32, #tpu.memory_space<hbm>> -> memref<128x64xf32, #tpu.memory_space<hbm>>
        tpu.wait_dma2 semaphore(%arg23 : memref<!tpu.dma_semaphore, #tpu.memory_space<semaphore_mem>>) src(%dma_wait3A_253 : memref<128x64xf32, #tpu.memory_space<hbm>>) dst(%arg19 : memref<128x64xf32, #tpu.memory_space<vmem>>)
        %add3A_254 = arith.constant 2 : i32
        %add3A_255 = arith.addi %add3A_187, %add3A_254 : i32
        %dma_start3A_256 = arith.constant 0 : i32
        %dma_start3A_257 = tpu.memref_slice %arg17[%add3A_255, %dma_start3A_256] : memref<158x128xi32, #tpu.memory_space<vmem>> -> memref<1x128xi32, #tpu.memory_space<vmem>>
        %dma_start3A_258 = tpu.memref_squeeze %dma_start3A_257 : memref<1x128xi32, #tpu.memory_space<vmem>> -> memref<128xi32, #tpu.memory_space<vmem>>
        %dma_start3A_259 = arith.constant 0 : i32
        %dma_start3A_260 = arith.constant 0 : i32
        %dma_start3A_261 = tpu.memref_slice %arg21[%dma_start3A_259, %dma_start3A_260] : memref<10112x64xf32, #tpu.memory_space<vmem_shared>> -> memref<10112x64xf32, #tpu.memory_space<vmem_shared>>
        tpu.enqueue_indirect_dma source(%arg19 : memref<128x64xf32, #tpu.memory_space<vmem>>) target(%dma_start3A_261 : memref<10112x64xf32, #tpu.memory_space<vmem_shared>>) offsets(%dma_start3A_258 : memref<128xi32, #tpu.memory_space<vmem>>) semaphore(%arg26 : memref<!tpu.dma_semaphore, #tpu.memory_space<semaphore_mem>>) {add = true}
        %dma_wait3A_262 = arith.constant 0 : i32
        %dma_wait3A_263 = arith.constant 0 : i32
        %dma_wait3A_264 = tpu.memref_slice %arg21[%dma_wait3A_262, %dma_wait3A_263] : memref<10112x64xf32, #tpu.memory_space<vmem_shared>> -> memref<128x64xf32, #tpu.memory_space<vmem_shared>>
        %dma_wait3A_265 = arith.constant 0 : i32
        %dma_wait3A_266 = arith.constant 0 : i32
        %dma_wait3A_267 = tpu.memref_slice %arg21[%dma_wait3A_265, %dma_wait3A_266] : memref<10112x64xf32, #tpu.memory_space<vmem_shared>> -> memref<128x64xf32, #tpu.memory_space<vmem_shared>>
        tpu.wait_dma2 semaphore(%arg25 : memref<!tpu.dma_semaphore, #tpu.memory_space<semaphore_mem>>) src(%arg18 : memref<128x64xf32, #tpu.memory_space<vmem>>) dst(%dma_wait3A_267 : memref<128x64xf32, #tpu.memory_space<vmem_shared>>)
        %add3A_268 = arith.constant 2 : i32
        %add3A_269 = arith.addi %add3A_187, %add3A_268 : i32
        %add3A_270 = arith.constant 2 : i32
        %add3A_271 = arith.addi %add3A_269, %add3A_270 : i32
        %dma_start3A_272 = arith.constant 0 : i32
        %dma_start3A_273 = tpu.memref_slice %arg16[%add3A_271, %dma_start3A_272] : memref<158x128xi32, #tpu.memory_space<vmem>> -> memref<1x128xi32, #tpu.memory_space<vmem>>
        %dma_start3A_274 = tpu.memref_squeeze %dma_start3A_273 : memref<1x128xi32, #tpu.memory_space<vmem>> -> memref<128xi32, #tpu.memory_space<vmem>>
        %dma_start3A_275 = arith.constant 0 : i32
        %dma_start3A_276 = arith.constant 0 : i32
        %dma_start3A_277 = tpu.memref_slice %arg4[%dma_start3A_275, %dma_start3A_276] : memref<10000x64xf32, #tpu.memory_space<hbm>> -> memref<10000x64xf32, #tpu.memory_space<hbm>>
        tpu.enqueue_indirect_dma source(%dma_start3A_277 : memref<10000x64xf32, #tpu.memory_space<hbm>>) target(%arg18 : memref<128x64xf32, #tpu.memory_space<vmem>>) offsets(%dma_start3A_274 : memref<128xi32, #tpu.memory_space<vmem>>) semaphore(%arg22 : memref<!tpu.dma_semaphore, #tpu.memory_space<semaphore_mem>>)
      }
      %scan3A_113 = arith.constant 51 : i32
      %dma_wait3A_114 = arith.constant 0 : i32
      %dma_wait3A_115 = arith.constant 0 : i32
      %dma_wait3A_116 = tpu.memref_slice %arg4[%dma_wait3A_114, %dma_wait3A_115] : memref<10000x64xf32, #tpu.memory_space<hbm>> -> memref<128x64xf32, #tpu.memory_space<hbm>>
      %dma_wait3A_117 = arith.constant 0 : i32
      %dma_wait3A_118 = arith.constant 0 : i32
      %dma_wait3A_119 = tpu.memref_slice %arg4[%dma_wait3A_117, %dma_wait3A_118] : memref<10000x64xf32, #tpu.memory_space<hbm>> -> memref<128x64xf32, #tpu.memory_space<hbm>>
      tpu.wait_dma2 semaphore(%arg24 : memref<!tpu.dma_semaphore, #tpu.memory_space<semaphore_mem>>) src(%dma_wait3A_119 : memref<128x64xf32, #tpu.memory_space<hbm>>) dst(%arg20 : memref<128x64xf32, #tpu.memory_space<vmem>>)
      %dma_start3A_120 = arith.constant 155 : i32
      %dma_start3A_121 = arith.constant 0 : i32
      %dma_start3A_122 = tpu.memref_slice %arg17[%dma_start3A_120, %dma_start3A_121] : memref<158x128xi32, #tpu.memory_space<vmem>> -> memref<1x128xi32, #tpu.memory_space<vmem>>
      %dma_start3A_123 = tpu.memref_squeeze %dma_start3A_122 : memref<1x128xi32, #tpu.memory_space<vmem>> -> memref<128xi32, #tpu.memory_space<vmem>>
      %dma_start3A_124 = arith.constant 0 : i32
      %dma_start3A_125 = arith.constant 0 : i32
      %dma_start3A_126 = tpu.memref_slice %arg21[%dma_start3A_124, %dma_start3A_125] : memref<10112x64xf32, #tpu.memory_space<vmem_shared>> -> memref<10112x64xf32, #tpu.memory_space<vmem_shared>>
      tpu.enqueue_indirect_dma source(%arg20 : memref<128x64xf32, #tpu.memory_space<vmem>>) target(%dma_start3A_126 : memref<10112x64xf32, #tpu.memory_space<vmem_shared>>) offsets(%dma_start3A_123 : memref<128xi32, #tpu.memory_space<vmem>>) semaphore(%arg27 : memref<!tpu.dma_semaphore, #tpu.memory_space<semaphore_mem>>) {add = true}
      %dma_wait3A_127 = arith.constant 0 : i32
      %dma_wait3A_128 = arith.constant 0 : i32
      %dma_wait3A_129 = tpu.memref_slice %arg21[%dma_wait3A_127, %dma_wait3A_128] : memref<10112x64xf32, #tpu.memory_space<vmem_shared>> -> memref<128x64xf32, #tpu.memory_space<vmem_shared>>
      %dma_wait3A_130 = arith.constant 0 : i32
      %dma_wait3A_131 = arith.constant 0 : i32
      %dma_wait3A_132 = tpu.memref_slice %arg21[%dma_wait3A_130, %dma_wait3A_131] : memref<10112x64xf32, #tpu.memory_space<vmem_shared>> -> memref<128x64xf32, #tpu.memory_space<vmem_shared>>
      tpu.wait_dma2 semaphore(%arg26 : memref<!tpu.dma_semaphore, #tpu.memory_space<semaphore_mem>>) src(%arg19 : memref<128x64xf32, #tpu.memory_space<vmem>>) dst(%dma_wait3A_132 : memref<128x64xf32, #tpu.memory_space<vmem_shared>>)
      %dma_start3A_133 = arith.constant 157 : i32
      %dma_start3A_134 = arith.constant 0 : i32
      %dma_start3A_135 = tpu.memref_slice %arg16[%dma_start3A_133, %dma_start3A_134] : memref<158x128xi32, #tpu.memory_space<vmem>> -> memref<1x128xi32, #tpu.memory_space<vmem>>
      %dma_start3A_136 = tpu.memref_squeeze %dma_start3A_135 : memref<1x128xi32, #tpu.memory_space<vmem>> -> memref<128xi32, #tpu.memory_space<vmem>>
      %dma_start3A_137 = arith.constant 0 : i32
      %dma_start3A_138 = arith.constant 0 : i32
      %dma_start3A_139 = tpu.memref_slice %arg4[%dma_start3A_137, %dma_start3A_138] : memref<10000x64xf32, #tpu.memory_space<hbm>> -> memref<10000x64xf32, #tpu.memory_space<hbm>>
      tpu.enqueue_indirect_dma source(%dma_start3A_139 : memref<10000x64xf32, #tpu.memory_space<hbm>>) target(%arg19 : memref<128x64xf32, #tpu.memory_space<vmem>>) offsets(%dma_start3A_136 : memref<128xi32, #tpu.memory_space<vmem>>) semaphore(%arg23 : memref<!tpu.dma_semaphore, #tpu.memory_space<semaphore_mem>>)
      %dma_wait3A_140 = arith.constant 0 : i32
      %dma_wait3A_141 = arith.constant 0 : i32
      %dma_wait3A_142 = tpu.memref_slice %arg4[%dma_wait3A_140, %dma_wait3A_141] : memref<10000x64xf32, #tpu.memory_space<hbm>> -> memref<128x64xf32, #tpu.memory_space<hbm>>
      %dma_wait3A_143 = arith.constant 0 : i32
      %dma_wait3A_144 = arith.constant 0 : i32
      %dma_wait3A_145 = tpu.memref_slice %arg4[%dma_wait3A_143, %dma_wait3A_144] : memref<10000x64xf32, #tpu.memory_space<hbm>> -> memref<128x64xf32, #tpu.memory_space<hbm>>
      tpu.wait_dma2 semaphore(%arg22 : memref<!tpu.dma_semaphore, #tpu.memory_space<semaphore_mem>>) src(%dma_wait3A_145 : memref<128x64xf32, #tpu.memory_space<hbm>>) dst(%arg18 : memref<128x64xf32, #tpu.memory_space<vmem>>)
      %dma_start3A_146 = arith.constant 156 : i32
      %dma_start3A_147 = arith.constant 0 : i32
      %dma_start3A_148 = tpu.memref_slice %arg17[%dma_start3A_146, %dma_start3A_147] : memref<158x128xi32, #tpu.memory_space<vmem>> -> memref<1x128xi32, #tpu.memory_space<vmem>>
      %dma_start3A_149 = tpu.memref_squeeze %dma_start3A_148 : memref<1x128xi32, #tpu.memory_space<vmem>> -> memref<128xi32, #tpu.memory_space<vmem>>
      %dma_start3A_150 = arith.constant 0 : i32
      %dma_start3A_151 = arith.constant 0 : i32
      %dma_start3A_152 = tpu.memref_slice %arg21[%dma_start3A_150, %dma_start3A_151] : memref<10112x64xf32, #tpu.memory_space<vmem_shared>> -> memref<10112x64xf32, #tpu.memory_space<vmem_shared>>
      tpu.enqueue_indirect_dma source(%arg18 : memref<128x64xf32, #tpu.memory_space<vmem>>) target(%dma_start3A_152 : memref<10112x64xf32, #tpu.memory_space<vmem_shared>>) offsets(%dma_start3A_149 : memref<128xi32, #tpu.memory_space<vmem>>) semaphore(%arg25 : memref<!tpu.dma_semaphore, #tpu.memory_space<semaphore_mem>>) {add = true}
      %dma_wait3A_153 = arith.constant 0 : i32
      %dma_wait3A_154 = arith.constant 0 : i32
      %dma_wait3A_155 = tpu.memref_slice %arg4[%dma_wait3A_153, %dma_wait3A_154] : memref<10000x64xf32, #tpu.memory_space<hbm>> -> memref<128x64xf32, #tpu.memory_space<hbm>>
      %dma_wait3A_156 = arith.constant 0 : i32
      %dma_wait3A_157 = arith.constant 0 : i32
      %dma_wait3A_158 = tpu.memref_slice %arg4[%dma_wait3A_156, %dma_wait3A_157] : memref<10000x64xf32, #tpu.memory_space<hbm>> -> memref<128x64xf32, #tpu.memory_space<hbm>>
      tpu.wait_dma2 semaphore(%arg23 : memref<!tpu.dma_semaphore, #tpu.memory_space<semaphore_mem>>) src(%dma_wait3A_158 : memref<128x64xf32, #tpu.memory_space<hbm>>) dst(%arg19 : memref<128x64xf32, #tpu.memory_space<vmem>>)
      %dma_start3A_159 = arith.constant 157 : i32
      %dma_start3A_160 = arith.constant 0 : i32
      %dma_start3A_161 = tpu.memref_slice %arg17[%dma_start3A_159, %dma_start3A_160] : memref<158x128xi32, #tpu.memory_space<vmem>> -> memref<1x128xi32, #tpu.memory_space<vmem>>
      %dma_start3A_162 = tpu.memref_squeeze %dma_start3A_161 : memref<1x128xi32, #tpu.memory_space<vmem>> -> memref<128xi32, #tpu.memory_space<vmem>>
      %dma_start3A_163 = arith.constant 0 : i32
      %dma_start3A_164 = arith.constant 0 : i32
      %dma_start3A_165 = tpu.memref_slice %arg21[%dma_start3A_163, %dma_start3A_164] : memref<10112x64xf32, #tpu.memory_space<vmem_shared>> -> memref<10112x64xf32, #tpu.memory_space<vmem_shared>>
      tpu.enqueue_indirect_dma source(%arg19 : memref<128x64xf32, #tpu.memory_space<vmem>>) target(%dma_start3A_165 : memref<10112x64xf32, #tpu.memory_space<vmem_shared>>) offsets(%dma_start3A_162 : memref<128xi32, #tpu.memory_space<vmem>>) semaphore(%arg26 : memref<!tpu.dma_semaphore, #tpu.memory_space<semaphore_mem>>) {add = true}
      %dma_wait3A_166 = arith.constant 0 : i32
      %dma_wait3A_167 = arith.constant 0 : i32
      %dma_wait3A_168 = tpu.memref_slice %arg21[%dma_wait3A_166, %dma_wait3A_167] : memref<10112x64xf32, #tpu.memory_space<vmem_shared>> -> memref<128x64xf32, #tpu.memory_space<vmem_shared>>
      %dma_wait3A_169 = arith.constant 0 : i32
      %dma_wait3A_170 = arith.constant 0 : i32
      %dma_wait3A_171 = tpu.memref_slice %arg21[%dma_wait3A_169, %dma_wait3A_170] : memref<10112x64xf32, #tpu.memory_space<vmem_shared>> -> memref<128x64xf32, #tpu.memory_space<vmem_shared>>
      tpu.wait_dma2 semaphore(%arg27 : memref<!tpu.dma_semaphore, #tpu.memory_space<semaphore_mem>>) src(%arg20 : memref<128x64xf32, #tpu.memory_space<vmem>>) dst(%dma_wait3A_171 : memref<128x64xf32, #tpu.memory_space<vmem_shared>>)
      %dma_wait3A_172 = arith.constant 0 : i32
      %dma_wait3A_173 = arith.constant 0 : i32
      %dma_wait3A_174 = tpu.memref_slice %arg21[%dma_wait3A_172, %dma_wait3A_173] : memref<10112x64xf32, #tpu.memory_space<vmem_shared>> -> memref<128x64xf32, #tpu.memory_space<vmem_shared>>
      %dma_wait3A_175 = arith.constant 0 : i32
      %dma_wait3A_176 = arith.constant 0 : i32
      %dma_wait3A_177 = tpu.memref_slice %arg21[%dma_wait3A_175, %dma_wait3A_176] : memref<10112x64xf32, #tpu.memory_space<vmem_shared>> -> memref<128x64xf32, #tpu.memory_space<vmem_shared>>
      tpu.wait_dma2 semaphore(%arg25 : memref<!tpu.dma_semaphore, #tpu.memory_space<semaphore_mem>>) src(%arg18 : memref<128x64xf32, #tpu.memory_space<vmem>>) dst(%dma_wait3A_177 : memref<128x64xf32, #tpu.memory_space<vmem_shared>>)
      %dma_wait3A_178 = arith.constant 0 : i32
      %dma_wait3A_179 = arith.constant 0 : i32
      %dma_wait3A_180 = tpu.memref_slice %arg21[%dma_wait3A_178, %dma_wait3A_179] : memref<10112x64xf32, #tpu.memory_space<vmem_shared>> -> memref<128x64xf32, #tpu.memory_space<vmem_shared>>
      %dma_wait3A_181 = arith.constant 0 : i32
      %dma_wait3A_182 = arith.constant 0 : i32
      %dma_wait3A_183 = tpu.memref_slice %arg21[%dma_wait3A_181, %dma_wait3A_182] : memref<10112x64xf32, #tpu.memory_space<vmem_shared>> -> memref<128x64xf32, #tpu.memory_space<vmem_shared>>
      tpu.wait_dma2 semaphore(%arg26 : memref<!tpu.dma_semaphore, #tpu.memory_space<semaphore_mem>>) src(%arg19 : memref<128x64xf32, #tpu.memory_space<vmem>>) dst(%dma_wait3A_183 : memref<128x64xf32, #tpu.memory_space<vmem_shared>>)
    } else {
    }
    %eq3A_8 = arith.constant 0 : i32
    %eq3A_9 = arith.cmpi eq, %arg0, %eq3A_8 : i32
    %convert_element_type3A_10 = arith.extui %eq3A_9 : i1 to i32
    %cond3A_11 = arith.constant 0 : i32
    %cond3A_12 = arith.cmpi ne, %convert_element_type3A_10, %cond3A_11 : i32
    scf.if %cond3A_12 {
      %scan3A = arith.constant 0 : i32
      %scan3A_51 = arith.constant 0 : i32
      %scan3A_52 = arith.constant 158 : i32
      %scan3A_53 = arith.addi %scan3A_51, %scan3A_52 : i32
      %scan3A_54 = arith.constant 1 : i32
      scf.for %scan3A_56 = %scan3A_51 to %scan3A_53 step %scan3A_54  : i32 {
        "tpu.region"() ({
          %run_scoped3A = tpu.sem_alloc : memref<!tpu.dma_semaphore, #tpu.memory_space<semaphore_mem>>
          %dma_start3A = arith.constant 0 : i32
          %dma_start3A_57 = tpu.memref_slice %arg17[%scan3A_56, %dma_start3A] : memref<158x128xi32, #tpu.memory_space<vmem>> -> memref<1x128xi32, #tpu.memory_space<vmem>>
          %dma_start3A_58 = tpu.memref_squeeze %dma_start3A_57 : memref<1x128xi32, #tpu.memory_space<vmem>> -> memref<128xi32, #tpu.memory_space<vmem>>
          %dma_start3A_59 = arith.constant 0 : i32
          %dma_start3A_60 = arith.constant 0 : i32
          %dma_start3A_61 = tpu.memref_slice %arg29[%dma_start3A_59, %dma_start3A_60] : memref<10112x16xf32, #tpu.memory_space<vmem_shared>> -> memref<10112x16xf32, #tpu.memory_space<vmem_shared>>
          tpu.enqueue_indirect_dma source(%arg28 : memref<128x16xf32, #tpu.memory_space<vmem>>) target(%dma_start3A_61 : memref<10112x16xf32, #tpu.memory_space<vmem_shared>>) offsets(%dma_start3A_58 : memref<128xi32, #tpu.memory_space<vmem>>) semaphore(%run_scoped3A : memref<!tpu.dma_semaphore, #tpu.memory_space<semaphore_mem>>) {add = true}
          %dma_wait3A = arith.constant 0 : i32
          %dma_wait3A_62 = tpu.memref_slice %arg17[%scan3A_56, %dma_wait3A] : memref<158x128xi32, #tpu.memory_space<vmem>> -> memref<1x128xi32, #tpu.memory_space<vmem>>
          %dma_wait3A_63 = tpu.memref_squeeze %dma_wait3A_62 : memref<1x128xi32, #tpu.memory_space<vmem>> -> memref<128xi32, #tpu.memory_space<vmem>>
          %dma_wait3A_64 = arith.constant 0 : i32
          %dma_wait3A_65 = arith.constant 0 : i32
          %dma_wait3A_66 = tpu.memref_slice %arg29[%dma_wait3A_64, %dma_wait3A_65] : memref<10112x16xf32, #tpu.memory_space<vmem_shared>> -> memref<10112x16xf32, #tpu.memory_space<vmem_shared>>
          tpu.wait_indirect_dma semaphore(%run_scoped3A : memref<!tpu.dma_semaphore, #tpu.memory_space<semaphore_mem>>) src(%arg28 : memref<128x16xf32, #tpu.memory_space<vmem>>) dst(%dma_wait3A_66 : memref<10112x16xf32, #tpu.memory_space<vmem_shared>>)
          tpu.yield
        }) : () -> ()
      }
      %scan3A_55 = arith.constant 158 : i32
    } else {
    }
    %barrier3A_13 = arith.constant 0 : index
    tpu.barrier barrier_id(%barrier3A_13)
    %eq3A_14 = arith.constant 0 : i32
    %eq3A_15 = arith.cmpi eq, %arg0, %eq3A_14 : i32
    %convert_element_type3A_16 = arith.extui %eq3A_15 : i1 to i32
    %cond3A_17 = arith.constant 0 : i32
    %cond3A_18 = arith.cmpi ne, %convert_element_type3A_16, %cond3A_17 : i32
    scf.if %cond3A_18 {
      "tpu.region"() ({
        %run_scoped3A = tpu.sem_alloc : memref<!tpu.dma_semaphore, #tpu.memory_space<semaphore_mem>>
        %dma_start3A = arith.constant 0 : i32
        %dma_start3A_51 = tpu.memref_slice %arg11[%mul3A_0, %dma_start3A] : memref<10112x64xf32, #tpu.memory_space<hbm>> -> memref<632x64xf32, #tpu.memory_space<hbm>>
        %dma_start3A_52 = arith.constant 0 : i32
        %dma_start3A_53 = tpu.memref_slice %arg21[%mul3A_0, %dma_start3A_52] : memref<10112x64xf32, #tpu.memory_space<vmem_shared>> -> memref<632x64xf32, #tpu.memory_space<vmem_shared>>
        tpu.enqueue_dma source(%dma_start3A_53 : memref<632x64xf32, #tpu.memory_space<vmem_shared>>) target(%dma_start3A_51 : memref<632x64xf32, #tpu.memory_space<hbm>>) target_semaphore(%run_scoped3A : memref<!tpu.dma_semaphore, #tpu.memory_space<semaphore_mem>>)
        %dma_wait3A = arith.constant 0 : i32
        %dma_wait3A_54 = tpu.memref_slice %arg11[%mul3A_0, %dma_wait3A] : memref<10112x64xf32, #tpu.memory_space<hbm>> -> memref<632x64xf32, #tpu.memory_space<hbm>>
        %dma_wait3A_55 = arith.constant 0 : i32
        %dma_wait3A_56 = tpu.memref_slice %arg21[%mul3A_0, %dma_wait3A_55] : memref<10112x64xf32, #tpu.memory_space<vmem_shared>> -> memref<632x64xf32, #tpu.memory_space<vmem_shared>>
        tpu.wait_dma2 semaphore(%run_scoped3A : memref<!tpu.dma_semaphore, #tpu.memory_space<semaphore_mem>>) src(%dma_wait3A_56 : memref<632x64xf32, #tpu.memory_space<vmem_shared>>) dst(%dma_wait3A_54 : memref<632x64xf32, #tpu.memory_space<hbm>>)
        tpu.yield
      }) : () -> ()
    } else {
    }
    %eq3A_19 = arith.constant 1 : i32
    %eq3A_20 = arith.cmpi eq, %arg0, %eq3A_19 : i32
    %convert_element_type3A_21 = arith.extui %eq3A_20 : i1 to i32
    %cond3A_22 = arith.constant 0 : i32
    %cond3A_23 = arith.cmpi ne, %convert_element_type3A_21, %cond3A_22 : i32
    scf.if %cond3A_23 {
      "tpu.region"() ({
        %run_scoped3A = tpu.sem_alloc : memref<!tpu.dma_semaphore, #tpu.memory_space<semaphore_mem>>
        %dma_start3A = arith.constant 0 : i32
        %dma_start3A_51 = tpu.memref_slice %arg13[%mul3A_0, %dma_start3A] : memref<10112x64xf32, #tpu.memory_space<hbm>> -> memref<632x64xf32, #tpu.memory_space<hbm>>
        %dma_start3A_52 = arith.constant 0 : i32
        %dma_start3A_53 = tpu.memref_slice %arg21[%mul3A_0, %dma_start3A_52] : memref<10112x64xf32, #tpu.memory_space<vmem_shared>> -> memref<632x64xf32, #tpu.memory_space<vmem_shared>>
        tpu.enqueue_dma source(%dma_start3A_53 : memref<632x64xf32, #tpu.memory_space<vmem_shared>>) target(%dma_start3A_51 : memref<632x64xf32, #tpu.memory_space<hbm>>) target_semaphore(%run_scoped3A : memref<!tpu.dma_semaphore, #tpu.memory_space<semaphore_mem>>)
        %dma_wait3A = arith.constant 0 : i32
        %dma_wait3A_54 = tpu.memref_slice %arg13[%mul3A_0, %dma_wait3A] : memref<10112x64xf32, #tpu.memory_space<hbm>> -> memref<632x64xf32, #tpu.memory_space<hbm>>
        %dma_wait3A_55 = arith.constant 0 : i32
        %dma_wait3A_56 = tpu.memref_slice %arg21[%mul3A_0, %dma_wait3A_55] : memref<10112x64xf32, #tpu.memory_space<vmem_shared>> -> memref<632x64xf32, #tpu.memory_space<vmem_shared>>
        tpu.wait_dma2 semaphore(%run_scoped3A : memref<!tpu.dma_semaphore, #tpu.memory_space<semaphore_mem>>) src(%dma_wait3A_56 : memref<632x64xf32, #tpu.memory_space<vmem_shared>>) dst(%dma_wait3A_54 : memref<632x64xf32, #tpu.memory_space<hbm>>)
        tpu.yield
      }) : () -> ()
    } else {
    }
    %eq3A_24 = arith.constant 0 : i32
    %eq3A_25 = arith.cmpi eq, %arg0, %eq3A_24 : i32
    %convert_element_type3A_26 = arith.extui %eq3A_25 : i1 to i32
    %cond3A_27 = arith.constant 0 : i32
    %cond3A_28 = arith.cmpi ne, %convert_element_type3A_26, %cond3A_27 : i32
    scf.if %cond3A_28 {
      "tpu.region"() ({
        %run_scoped3A = tpu.sem_alloc : memref<!tpu.dma_semaphore, #tpu.memory_space<semaphore_mem>>
        %dma_start3A = arith.constant 0 : i32
        %dma_start3A_51 = tpu.memref_slice %arg15[%mul3A_0, %dma_start3A] : memref<10112x16xf32, #tpu.memory_space<hbm>> -> memref<632x16xf32, #tpu.memory_space<hbm>>
        %dma_start3A_52 = arith.constant 0 : i32
        %dma_start3A_53 = tpu.memref_slice %arg29[%mul3A_0, %dma_start3A_52] : memref<10112x16xf32, #tpu.memory_space<vmem_shared>> -> memref<632x16xf32, #tpu.memory_space<vmem_shared>>
        tpu.enqueue_dma source(%dma_start3A_53 : memref<632x16xf32, #tpu.memory_space<vmem_shared>>) target(%dma_start3A_51 : memref<632x16xf32, #tpu.memory_space<hbm>>) target_semaphore(%run_scoped3A : memref<!tpu.dma_semaphore, #tpu.memory_space<semaphore_mem>>)
        %dma_wait3A = arith.constant 0 : i32
        %dma_wait3A_54 = tpu.memref_slice %arg15[%mul3A_0, %dma_wait3A] : memref<10112x16xf32, #tpu.memory_space<hbm>> -> memref<632x16xf32, #tpu.memory_space<hbm>>
        %dma_wait3A_55 = arith.constant 0 : i32
        %dma_wait3A_56 = tpu.memref_slice %arg29[%mul3A_0, %dma_wait3A_55] : memref<10112x16xf32, #tpu.memory_space<vmem_shared>> -> memref<632x16xf32, #tpu.memory_space<vmem_shared>>
        tpu.wait_dma2 semaphore(%run_scoped3A : memref<!tpu.dma_semaphore, #tpu.memory_space<semaphore_mem>>) src(%dma_wait3A_56 : memref<632x16xf32, #tpu.memory_space<vmem_shared>>) dst(%dma_wait3A_54 : memref<632x16xf32, #tpu.memory_space<hbm>>)
        tpu.yield
      }) : () -> ()
    } else {
    }
    "tpu.region"() ({
      %run_scoped3A = tpu.sem_alloc : memref<!tpu.dma_semaphore, #tpu.memory_space<semaphore_mem>>
      %dma_start3A = arith.constant 0 : i32
      %dma_start3A_51 = tpu.memref_slice %arg21[%mul3A_0, %dma_start3A] : memref<10112x64xf32, #tpu.memory_space<vmem_shared>> -> memref<632x64xf32, #tpu.memory_space<vmem_shared>>
      %dma_start3A_52 = arith.constant 0 : i32
      %dma_start3A_53 = tpu.memref_slice %arg8[%mul3A_0, %dma_start3A_52] : memref<10112x64xf32, #tpu.memory_space<hbm>> -> memref<632x64xf32, #tpu.memory_space<hbm>>
      tpu.enqueue_dma source(%dma_start3A_53 : memref<632x64xf32, #tpu.memory_space<hbm>>) target(%dma_start3A_51 : memref<632x64xf32, #tpu.memory_space<vmem_shared>>) target_semaphore(%run_scoped3A : memref<!tpu.dma_semaphore, #tpu.memory_space<semaphore_mem>>)
      %dma_wait3A = arith.constant 0 : i32
      %dma_wait3A_54 = tpu.memref_slice %arg21[%mul3A_0, %dma_wait3A] : memref<10112x64xf32, #tpu.memory_space<vmem_shared>> -> memref<632x64xf32, #tpu.memory_space<vmem_shared>>
      %dma_wait3A_55 = arith.constant 0 : i32
      %dma_wait3A_56 = tpu.memref_slice %arg8[%mul3A_0, %dma_wait3A_55] : memref<10112x64xf32, #tpu.memory_space<hbm>> -> memref<632x64xf32, #tpu.memory_space<hbm>>
      tpu.wait_dma2 semaphore(%run_scoped3A : memref<!tpu.dma_semaphore, #tpu.memory_space<semaphore_mem>>) src(%dma_wait3A_56 : memref<632x64xf32, #tpu.memory_space<hbm>>) dst(%dma_wait3A_54 : memref<632x64xf32, #tpu.memory_space<vmem_shared>>)
      tpu.yield
    }) : () -> ()
    %barrier3A_29 = arith.constant 0 : index
    tpu.barrier barrier_id(%barrier3A_29)
    %eq3A_30 = arith.constant 0 : i32
    %eq3A_31 = arith.cmpi eq, %arg0, %eq3A_30 : i32
    %convert_element_type3A_32 = arith.extui %eq3A_31 : i1 to i32
    %cond3A_33 = arith.constant 0 : i32
    %cond3A_34 = arith.cmpi ne, %convert_element_type3A_32, %cond3A_33 : i32
    scf.if %cond3A_34 {
      %dma_start3A = arith.constant 0 : i32
      %dma_start3A_51 = arith.constant 0 : i32
      %dma_start3A_52 = tpu.memref_slice %arg16[%dma_start3A, %dma_start3A_51] : memref<158x128xi32, #tpu.memory_space<vmem>> -> memref<1x128xi32, #tpu.memory_space<vmem>>
      %dma_start3A_53 = tpu.memref_squeeze %dma_start3A_52 : memref<1x128xi32, #tpu.memory_space<vmem>> -> memref<128xi32, #tpu.memory_space<vmem>>
      %dma_start3A_54 = arith.constant 0 : i32
      %dma_start3A_55 = arith.constant 0 : i32
      %dma_start3A_56 = tpu.memref_slice %arg3[%dma_start3A_54, %dma_start3A_55] : memref<10000x64xf32, #tpu.memory_space<hbm>> -> memref<10000x64xf32, #tpu.memory_space<hbm>>
      tpu.enqueue_indirect_dma source(%dma_start3A_56 : memref<10000x64xf32, #tpu.memory_space<hbm>>) target(%arg18 : memref<128x64xf32, #tpu.memory_space<vmem>>) offsets(%dma_start3A_53 : memref<128xi32, #tpu.memory_space<vmem>>) semaphore(%arg22 : memref<!tpu.dma_semaphore, #tpu.memory_space<semaphore_mem>>)
      %dma_start3A_57 = arith.constant 1 : i32
      %dma_start3A_58 = arith.constant 0 : i32
      %dma_start3A_59 = tpu.memref_slice %arg16[%dma_start3A_57, %dma_start3A_58] : memref<158x128xi32, #tpu.memory_space<vmem>> -> memref<1x128xi32, #tpu.memory_space<vmem>>
      %dma_start3A_60 = tpu.memref_squeeze %dma_start3A_59 : memref<1x128xi32, #tpu.memory_space<vmem>> -> memref<128xi32, #tpu.memory_space<vmem>>
      %dma_start3A_61 = arith.constant 0 : i32
      %dma_start3A_62 = arith.constant 0 : i32
      %dma_start3A_63 = tpu.memref_slice %arg3[%dma_start3A_61, %dma_start3A_62] : memref<10000x64xf32, #tpu.memory_space<hbm>> -> memref<10000x64xf32, #tpu.memory_space<hbm>>
      tpu.enqueue_indirect_dma source(%dma_start3A_63 : memref<10000x64xf32, #tpu.memory_space<hbm>>) target(%arg19 : memref<128x64xf32, #tpu.memory_space<vmem>>) offsets(%dma_start3A_60 : memref<128xi32, #tpu.memory_space<vmem>>) semaphore(%arg23 : memref<!tpu.dma_semaphore, #tpu.memory_space<semaphore_mem>>)
      %dma_wait3A = arith.constant 0 : i32
      %dma_wait3A_64 = arith.constant 0 : i32
      %dma_wait3A_65 = tpu.memref_slice %arg3[%dma_wait3A, %dma_wait3A_64] : memref<10000x64xf32, #tpu.memory_space<hbm>> -> memref<128x64xf32, #tpu.memory_space<hbm>>
      %dma_wait3A_66 = arith.constant 0 : i32
      %dma_wait3A_67 = arith.constant 0 : i32
      %dma_wait3A_68 = tpu.memref_slice %arg3[%dma_wait3A_66, %dma_wait3A_67] : memref<10000x64xf32, #tpu.memory_space<hbm>> -> memref<128x64xf32, #tpu.memory_space<hbm>>
      tpu.wait_dma2 semaphore(%arg22 : memref<!tpu.dma_semaphore, #tpu.memory_space<semaphore_mem>>) src(%dma_wait3A_68 : memref<128x64xf32, #tpu.memory_space<hbm>>) dst(%arg18 : memref<128x64xf32, #tpu.memory_space<vmem>>)
      %dma_start3A_69 = arith.constant 0 : i32
      %dma_start3A_70 = arith.constant 0 : i32
      %dma_start3A_71 = tpu.memref_slice %arg17[%dma_start3A_69, %dma_start3A_70] : memref<158x128xi32, #tpu.memory_space<vmem>> -> memref<1x128xi32, #tpu.memory_space<vmem>>
      %dma_start3A_72 = tpu.memref_squeeze %dma_start3A_71 : memref<1x128xi32, #tpu.memory_space<vmem>> -> memref<128xi32, #tpu.memory_space<vmem>>
      %dma_start3A_73 = arith.constant 0 : i32
      %dma_start3A_74 = arith.constant 0 : i32
      %dma_start3A_75 = tpu.memref_slice %arg21[%dma_start3A_73, %dma_start3A_74] : memref<10112x64xf32, #tpu.memory_space<vmem_shared>> -> memref<10112x64xf32, #tpu.memory_space<vmem_shared>>
      tpu.enqueue_indirect_dma source(%arg18 : memref<128x64xf32, #tpu.memory_space<vmem>>) target(%dma_start3A_75 : memref<10112x64xf32, #tpu.memory_space<vmem_shared>>) offsets(%dma_start3A_72 : memref<128xi32, #tpu.memory_space<vmem>>) semaphore(%arg25 : memref<!tpu.dma_semaphore, #tpu.memory_space<semaphore_mem>>) {add = true}
      %dma_start3A_76 = arith.constant 2 : i32
      %dma_start3A_77 = arith.constant 0 : i32
      %dma_start3A_78 = tpu.memref_slice %arg16[%dma_start3A_76, %dma_start3A_77] : memref<158x128xi32, #tpu.memory_space<vmem>> -> memref<1x128xi32, #tpu.memory_space<vmem>>
      %dma_start3A_79 = tpu.memref_squeeze %dma_start3A_78 : memref<1x128xi32, #tpu.memory_space<vmem>> -> memref<128xi32, #tpu.memory_space<vmem>>
      %dma_start3A_80 = arith.constant 0 : i32
      %dma_start3A_81 = arith.constant 0 : i32
      %dma_start3A_82 = tpu.memref_slice %arg3[%dma_start3A_80, %dma_start3A_81] : memref<10000x64xf32, #tpu.memory_space<hbm>> -> memref<10000x64xf32, #tpu.memory_space<hbm>>
      tpu.enqueue_indirect_dma source(%dma_start3A_82 : memref<10000x64xf32, #tpu.memory_space<hbm>>) target(%arg20 : memref<128x64xf32, #tpu.memory_space<vmem>>) offsets(%dma_start3A_79 : memref<128xi32, #tpu.memory_space<vmem>>) semaphore(%arg24 : memref<!tpu.dma_semaphore, #tpu.memory_space<semaphore_mem>>)
      %dma_wait3A_83 = arith.constant 0 : i32
      %dma_wait3A_84 = arith.constant 0 : i32
      %dma_wait3A_85 = tpu.memref_slice %arg3[%dma_wait3A_83, %dma_wait3A_84] : memref<10000x64xf32, #tpu.memory_space<hbm>> -> memref<128x64xf32, #tpu.memory_space<hbm>>
      %dma_wait3A_86 = arith.constant 0 : i32
      %dma_wait3A_87 = arith.constant 0 : i32
      %dma_wait3A_88 = tpu.memref_slice %arg3[%dma_wait3A_86, %dma_wait3A_87] : memref<10000x64xf32, #tpu.memory_space<hbm>> -> memref<128x64xf32, #tpu.memory_space<hbm>>
      tpu.wait_dma2 semaphore(%arg23 : memref<!tpu.dma_semaphore, #tpu.memory_space<semaphore_mem>>) src(%dma_wait3A_88 : memref<128x64xf32, #tpu.memory_space<hbm>>) dst(%arg19 : memref<128x64xf32, #tpu.memory_space<vmem>>)
      %dma_start3A_89 = arith.constant 1 : i32
      %dma_start3A_90 = arith.constant 0 : i32
      %dma_start3A_91 = tpu.memref_slice %arg17[%dma_start3A_89, %dma_start3A_90] : memref<158x128xi32, #tpu.memory_space<vmem>> -> memref<1x128xi32, #tpu.memory_space<vmem>>
      %dma_start3A_92 = tpu.memref_squeeze %dma_start3A_91 : memref<1x128xi32, #tpu.memory_space<vmem>> -> memref<128xi32, #tpu.memory_space<vmem>>
      %dma_start3A_93 = arith.constant 0 : i32
      %dma_start3A_94 = arith.constant 0 : i32
      %dma_start3A_95 = tpu.memref_slice %arg21[%dma_start3A_93, %dma_start3A_94] : memref<10112x64xf32, #tpu.memory_space<vmem_shared>> -> memref<10112x64xf32, #tpu.memory_space<vmem_shared>>
      tpu.enqueue_indirect_dma source(%arg19 : memref<128x64xf32, #tpu.memory_space<vmem>>) target(%dma_start3A_95 : memref<10112x64xf32, #tpu.memory_space<vmem_shared>>) offsets(%dma_start3A_92 : memref<128xi32, #tpu.memory_space<vmem>>) semaphore(%arg26 : memref<!tpu.dma_semaphore, #tpu.memory_space<semaphore_mem>>) {add = true}
      %dma_wait3A_96 = arith.constant 0 : i32
      %dma_wait3A_97 = arith.constant 0 : i32
      %dma_wait3A_98 = tpu.memref_slice %arg21[%dma_wait3A_96, %dma_wait3A_97] : memref<10112x64xf32, #tpu.memory_space<vmem_shared>> -> memref<128x64xf32, #tpu.memory_space<vmem_shared>>
      %dma_wait3A_99 = arith.constant 0 : i32
      %dma_wait3A_100 = arith.constant 0 : i32
      %dma_wait3A_101 = tpu.memref_slice %arg21[%dma_wait3A_99, %dma_wait3A_100] : memref<10112x64xf32, #tpu.memory_space<vmem_shared>> -> memref<128x64xf32, #tpu.memory_space<vmem_shared>>
      tpu.wait_dma2 semaphore(%arg25 : memref<!tpu.dma_semaphore, #tpu.memory_space<semaphore_mem>>) src(%arg18 : memref<128x64xf32, #tpu.memory_space<vmem>>) dst(%dma_wait3A_101 : memref<128x64xf32, #tpu.memory_space<vmem_shared>>)
      %dma_start3A_102 = arith.constant 3 : i32
      %dma_start3A_103 = arith.constant 0 : i32
      %dma_start3A_104 = tpu.memref_slice %arg16[%dma_start3A_102, %dma_start3A_103] : memref<158x128xi32, #tpu.memory_space<vmem>> -> memref<1x128xi32, #tpu.memory_space<vmem>>
      %dma_start3A_105 = tpu.memref_squeeze %dma_start3A_104 : memref<1x128xi32, #tpu.memory_space<vmem>> -> memref<128xi32, #tpu.memory_space<vmem>>
      %dma_start3A_106 = arith.constant 0 : i32
      %dma_start3A_107 = arith.constant 0 : i32
      %dma_start3A_108 = tpu.memref_slice %arg3[%dma_start3A_106, %dma_start3A_107] : memref<10000x64xf32, #tpu.memory_space<hbm>> -> memref<10000x64xf32, #tpu.memory_space<hbm>>
      tpu.enqueue_indirect_dma source(%dma_start3A_108 : memref<10000x64xf32, #tpu.memory_space<hbm>>) target(%arg18 : memref<128x64xf32, #tpu.memory_space<vmem>>) offsets(%dma_start3A_105 : memref<128xi32, #tpu.memory_space<vmem>>) semaphore(%arg22 : memref<!tpu.dma_semaphore, #tpu.memory_space<semaphore_mem>>)
      %scan3A = arith.constant 0 : i32
      %scan3A_109 = arith.constant 0 : i32
      %scan3A_110 = arith.constant 51 : i32
      %scan3A_111 = arith.addi %scan3A_109, %scan3A_110 : i32
      %scan3A_112 = arith.constant 1 : i32
      scf.for %scan3A_184 = %scan3A_109 to %scan3A_111 step %scan3A_112  : i32 {
        %mul3A_185 = arith.constant 3 : i32
        %mul3A_186 = arith.muli %mul3A_185, %scan3A_184 : i32
        %add3A = arith.constant 2 : i32
        %add3A_187 = arith.addi %mul3A_186, %add3A : i32
        %dma_wait3A_188 = arith.constant 0 : i32
        %dma_wait3A_189 = arith.constant 0 : i32
        %dma_wait3A_190 = tpu.memref_slice %arg3[%dma_wait3A_188, %dma_wait3A_189] : memref<10000x64xf32, #tpu.memory_space<hbm>> -> memref<128x64xf32, #tpu.memory_space<hbm>>
        %dma_wait3A_191 = arith.constant 0 : i32
        %dma_wait3A_192 = arith.constant 0 : i32
        %dma_wait3A_193 = tpu.memref_slice %arg3[%dma_wait3A_191, %dma_wait3A_192] : memref<10000x64xf32, #tpu.memory_space<hbm>> -> memref<128x64xf32, #tpu.memory_space<hbm>>
        tpu.wait_dma2 semaphore(%arg24 : memref<!tpu.dma_semaphore, #tpu.memory_space<semaphore_mem>>) src(%dma_wait3A_193 : memref<128x64xf32, #tpu.memory_space<hbm>>) dst(%arg20 : memref<128x64xf32, #tpu.memory_space<vmem>>)
        %add3A_194 = arith.constant 0 : i32
        %add3A_195 = arith.addi %add3A_187, %add3A_194 : i32
        %dma_start3A_196 = arith.constant 0 : i32
        %dma_start3A_197 = tpu.memref_slice %arg17[%add3A_195, %dma_start3A_196] : memref<158x128xi32, #tpu.memory_space<vmem>> -> memref<1x128xi32, #tpu.memory_space<vmem>>
        %dma_start3A_198 = tpu.memref_squeeze %dma_start3A_197 : memref<1x128xi32, #tpu.memory_space<vmem>> -> memref<128xi32, #tpu.memory_space<vmem>>
        %dma_start3A_199 = arith.constant 0 : i32
        %dma_start3A_200 = arith.constant 0 : i32
        %dma_start3A_201 = tpu.memref_slice %arg21[%dma_start3A_199, %dma_start3A_200] : memref<10112x64xf32, #tpu.memory_space<vmem_shared>> -> memref<10112x64xf32, #tpu.memory_space<vmem_shared>>
        tpu.enqueue_indirect_dma source(%arg20 : memref<128x64xf32, #tpu.memory_space<vmem>>) target(%dma_start3A_201 : memref<10112x64xf32, #tpu.memory_space<vmem_shared>>) offsets(%dma_start3A_198 : memref<128xi32, #tpu.memory_space<vmem>>) semaphore(%arg27 : memref<!tpu.dma_semaphore, #tpu.memory_space<semaphore_mem>>) {add = true}
        %dma_wait3A_202 = arith.constant 0 : i32
        %dma_wait3A_203 = arith.constant 0 : i32
        %dma_wait3A_204 = tpu.memref_slice %arg21[%dma_wait3A_202, %dma_wait3A_203] : memref<10112x64xf32, #tpu.memory_space<vmem_shared>> -> memref<128x64xf32, #tpu.memory_space<vmem_shared>>
        %dma_wait3A_205 = arith.constant 0 : i32
        %dma_wait3A_206 = arith.constant 0 : i32
        %dma_wait3A_207 = tpu.memref_slice %arg21[%dma_wait3A_205, %dma_wait3A_206] : memref<10112x64xf32, #tpu.memory_space<vmem_shared>> -> memref<128x64xf32, #tpu.memory_space<vmem_shared>>
        tpu.wait_dma2 semaphore(%arg26 : memref<!tpu.dma_semaphore, #tpu.memory_space<semaphore_mem>>) src(%arg19 : memref<128x64xf32, #tpu.memory_space<vmem>>) dst(%dma_wait3A_207 : memref<128x64xf32, #tpu.memory_space<vmem_shared>>)
        %add3A_208 = arith.constant 0 : i32
        %add3A_209 = arith.addi %add3A_187, %add3A_208 : i32
        %add3A_210 = arith.constant 2 : i32
        %add3A_211 = arith.addi %add3A_209, %add3A_210 : i32
        %dma_start3A_212 = arith.constant 0 : i32
        %dma_start3A_213 = tpu.memref_slice %arg16[%add3A_211, %dma_start3A_212] : memref<158x128xi32, #tpu.memory_space<vmem>> -> memref<1x128xi32, #tpu.memory_space<vmem>>
        %dma_start3A_214 = tpu.memref_squeeze %dma_start3A_213 : memref<1x128xi32, #tpu.memory_space<vmem>> -> memref<128xi32, #tpu.memory_space<vmem>>
        %dma_start3A_215 = arith.constant 0 : i32
        %dma_start3A_216 = arith.constant 0 : i32
        %dma_start3A_217 = tpu.memref_slice %arg3[%dma_start3A_215, %dma_start3A_216] : memref<10000x64xf32, #tpu.memory_space<hbm>> -> memref<10000x64xf32, #tpu.memory_space<hbm>>
        tpu.enqueue_indirect_dma source(%dma_start3A_217 : memref<10000x64xf32, #tpu.memory_space<hbm>>) target(%arg19 : memref<128x64xf32, #tpu.memory_space<vmem>>) offsets(%dma_start3A_214 : memref<128xi32, #tpu.memory_space<vmem>>) semaphore(%arg23 : memref<!tpu.dma_semaphore, #tpu.memory_space<semaphore_mem>>)
        %dma_wait3A_218 = arith.constant 0 : i32
        %dma_wait3A_219 = arith.constant 0 : i32
        %dma_wait3A_220 = tpu.memref_slice %arg3[%dma_wait3A_218, %dma_wait3A_219] : memref<10000x64xf32, #tpu.memory_space<hbm>> -> memref<128x64xf32, #tpu.memory_space<hbm>>
        %dma_wait3A_221 = arith.constant 0 : i32
        %dma_wait3A_222 = arith.constant 0 : i32
        %dma_wait3A_223 = tpu.memref_slice %arg3[%dma_wait3A_221, %dma_wait3A_222] : memref<10000x64xf32, #tpu.memory_space<hbm>> -> memref<128x64xf32, #tpu.memory_space<hbm>>
        tpu.wait_dma2 semaphore(%arg22 : memref<!tpu.dma_semaphore, #tpu.memory_space<semaphore_mem>>) src(%dma_wait3A_223 : memref<128x64xf32, #tpu.memory_space<hbm>>) dst(%arg18 : memref<128x64xf32, #tpu.memory_space<vmem>>)
        %add3A_224 = arith.constant 1 : i32
        %add3A_225 = arith.addi %add3A_187, %add3A_224 : i32
        %dma_start3A_226 = arith.constant 0 : i32
        %dma_start3A_227 = tpu.memref_slice %arg17[%add3A_225, %dma_start3A_226] : memref<158x128xi32, #tpu.memory_space<vmem>> -> memref<1x128xi32, #tpu.memory_space<vmem>>
        %dma_start3A_228 = tpu.memref_squeeze %dma_start3A_227 : memref<1x128xi32, #tpu.memory_space<vmem>> -> memref<128xi32, #tpu.memory_space<vmem>>
        %dma_start3A_229 = arith.constant 0 : i32
        %dma_start3A_230 = arith.constant 0 : i32
        %dma_start3A_231 = tpu.memref_slice %arg21[%dma_start3A_229, %dma_start3A_230] : memref<10112x64xf32, #tpu.memory_space<vmem_shared>> -> memref<10112x64xf32, #tpu.memory_space<vmem_shared>>
        tpu.enqueue_indirect_dma source(%arg18 : memref<128x64xf32, #tpu.memory_space<vmem>>) target(%dma_start3A_231 : memref<10112x64xf32, #tpu.memory_space<vmem_shared>>) offsets(%dma_start3A_228 : memref<128xi32, #tpu.memory_space<vmem>>) semaphore(%arg25 : memref<!tpu.dma_semaphore, #tpu.memory_space<semaphore_mem>>) {add = true}
        %dma_wait3A_232 = arith.constant 0 : i32
        %dma_wait3A_233 = arith.constant 0 : i32
        %dma_wait3A_234 = tpu.memref_slice %arg21[%dma_wait3A_232, %dma_wait3A_233] : memref<10112x64xf32, #tpu.memory_space<vmem_shared>> -> memref<128x64xf32, #tpu.memory_space<vmem_shared>>
        %dma_wait3A_235 = arith.constant 0 : i32
        %dma_wait3A_236 = arith.constant 0 : i32
        %dma_wait3A_237 = tpu.memref_slice %arg21[%dma_wait3A_235, %dma_wait3A_236] : memref<10112x64xf32, #tpu.memory_space<vmem_shared>> -> memref<128x64xf32, #tpu.memory_space<vmem_shared>>
        tpu.wait_dma2 semaphore(%arg27 : memref<!tpu.dma_semaphore, #tpu.memory_space<semaphore_mem>>) src(%arg20 : memref<128x64xf32, #tpu.memory_space<vmem>>) dst(%dma_wait3A_237 : memref<128x64xf32, #tpu.memory_space<vmem_shared>>)
        %add3A_238 = arith.constant 1 : i32
        %add3A_239 = arith.addi %add3A_187, %add3A_238 : i32
        %add3A_240 = arith.constant 2 : i32
        %add3A_241 = arith.addi %add3A_239, %add3A_240 : i32
        %dma_start3A_242 = arith.constant 0 : i32
        %dma_start3A_243 = tpu.memref_slice %arg16[%add3A_241, %dma_start3A_242] : memref<158x128xi32, #tpu.memory_space<vmem>> -> memref<1x128xi32, #tpu.memory_space<vmem>>
        %dma_start3A_244 = tpu.memref_squeeze %dma_start3A_243 : memref<1x128xi32, #tpu.memory_space<vmem>> -> memref<128xi32, #tpu.memory_space<vmem>>
        %dma_start3A_245 = arith.constant 0 : i32
        %dma_start3A_246 = arith.constant 0 : i32
        %dma_start3A_247 = tpu.memref_slice %arg3[%dma_start3A_245, %dma_start3A_246] : memref<10000x64xf32, #tpu.memory_space<hbm>> -> memref<10000x64xf32, #tpu.memory_space<hbm>>
        tpu.enqueue_indirect_dma source(%dma_start3A_247 : memref<10000x64xf32, #tpu.memory_space<hbm>>) target(%arg20 : memref<128x64xf32, #tpu.memory_space<vmem>>) offsets(%dma_start3A_244 : memref<128xi32, #tpu.memory_space<vmem>>) semaphore(%arg24 : memref<!tpu.dma_semaphore, #tpu.memory_space<semaphore_mem>>)
        %dma_wait3A_248 = arith.constant 0 : i32
        %dma_wait3A_249 = arith.constant 0 : i32
        %dma_wait3A_250 = tpu.memref_slice %arg3[%dma_wait3A_248, %dma_wait3A_249] : memref<10000x64xf32, #tpu.memory_space<hbm>> -> memref<128x64xf32, #tpu.memory_space<hbm>>
        %dma_wait3A_251 = arith.constant 0 : i32
        %dma_wait3A_252 = arith.constant 0 : i32
        %dma_wait3A_253 = tpu.memref_slice %arg3[%dma_wait3A_251, %dma_wait3A_252] : memref<10000x64xf32, #tpu.memory_space<hbm>> -> memref<128x64xf32, #tpu.memory_space<hbm>>
        tpu.wait_dma2 semaphore(%arg23 : memref<!tpu.dma_semaphore, #tpu.memory_space<semaphore_mem>>) src(%dma_wait3A_253 : memref<128x64xf32, #tpu.memory_space<hbm>>) dst(%arg19 : memref<128x64xf32, #tpu.memory_space<vmem>>)
        %add3A_254 = arith.constant 2 : i32
        %add3A_255 = arith.addi %add3A_187, %add3A_254 : i32
        %dma_start3A_256 = arith.constant 0 : i32
        %dma_start3A_257 = tpu.memref_slice %arg17[%add3A_255, %dma_start3A_256] : memref<158x128xi32, #tpu.memory_space<vmem>> -> memref<1x128xi32, #tpu.memory_space<vmem>>
        %dma_start3A_258 = tpu.memref_squeeze %dma_start3A_257 : memref<1x128xi32, #tpu.memory_space<vmem>> -> memref<128xi32, #tpu.memory_space<vmem>>
        %dma_start3A_259 = arith.constant 0 : i32
        %dma_start3A_260 = arith.constant 0 : i32
        %dma_start3A_261 = tpu.memref_slice %arg21[%dma_start3A_259, %dma_start3A_260] : memref<10112x64xf32, #tpu.memory_space<vmem_shared>> -> memref<10112x64xf32, #tpu.memory_space<vmem_shared>>
        tpu.enqueue_indirect_dma source(%arg19 : memref<128x64xf32, #tpu.memory_space<vmem>>) target(%dma_start3A_261 : memref<10112x64xf32, #tpu.memory_space<vmem_shared>>) offsets(%dma_start3A_258 : memref<128xi32, #tpu.memory_space<vmem>>) semaphore(%arg26 : memref<!tpu.dma_semaphore, #tpu.memory_space<semaphore_mem>>) {add = true}
        %dma_wait3A_262 = arith.constant 0 : i32
        %dma_wait3A_263 = arith.constant 0 : i32
        %dma_wait3A_264 = tpu.memref_slice %arg21[%dma_wait3A_262, %dma_wait3A_263] : memref<10112x64xf32, #tpu.memory_space<vmem_shared>> -> memref<128x64xf32, #tpu.memory_space<vmem_shared>>
        %dma_wait3A_265 = arith.constant 0 : i32
        %dma_wait3A_266 = arith.constant 0 : i32
        %dma_wait3A_267 = tpu.memref_slice %arg21[%dma_wait3A_265, %dma_wait3A_266] : memref<10112x64xf32, #tpu.memory_space<vmem_shared>> -> memref<128x64xf32, #tpu.memory_space<vmem_shared>>
        tpu.wait_dma2 semaphore(%arg25 : memref<!tpu.dma_semaphore, #tpu.memory_space<semaphore_mem>>) src(%arg18 : memref<128x64xf32, #tpu.memory_space<vmem>>) dst(%dma_wait3A_267 : memref<128x64xf32, #tpu.memory_space<vmem_shared>>)
        %add3A_268 = arith.constant 2 : i32
        %add3A_269 = arith.addi %add3A_187, %add3A_268 : i32
        %add3A_270 = arith.constant 2 : i32
        %add3A_271 = arith.addi %add3A_269, %add3A_270 : i32
        %dma_start3A_272 = arith.constant 0 : i32
        %dma_start3A_273 = tpu.memref_slice %arg16[%add3A_271, %dma_start3A_272] : memref<158x128xi32, #tpu.memory_space<vmem>> -> memref<1x128xi32, #tpu.memory_space<vmem>>
        %dma_start3A_274 = tpu.memref_squeeze %dma_start3A_273 : memref<1x128xi32, #tpu.memory_space<vmem>> -> memref<128xi32, #tpu.memory_space<vmem>>
        %dma_start3A_275 = arith.constant 0 : i32
        %dma_start3A_276 = arith.constant 0 : i32
        %dma_start3A_277 = tpu.memref_slice %arg3[%dma_start3A_275, %dma_start3A_276] : memref<10000x64xf32, #tpu.memory_space<hbm>> -> memref<10000x64xf32, #tpu.memory_space<hbm>>
        tpu.enqueue_indirect_dma source(%dma_start3A_277 : memref<10000x64xf32, #tpu.memory_space<hbm>>) target(%arg18 : memref<128x64xf32, #tpu.memory_space<vmem>>) offsets(%dma_start3A_274 : memref<128xi32, #tpu.memory_space<vmem>>) semaphore(%arg22 : memref<!tpu.dma_semaphore, #tpu.memory_space<semaphore_mem>>)
      }
      %scan3A_113 = arith.constant 51 : i32
      %dma_wait3A_114 = arith.constant 0 : i32
      %dma_wait3A_115 = arith.constant 0 : i32
      %dma_wait3A_116 = tpu.memref_slice %arg3[%dma_wait3A_114, %dma_wait3A_115] : memref<10000x64xf32, #tpu.memory_space<hbm>> -> memref<128x64xf32, #tpu.memory_space<hbm>>
      %dma_wait3A_117 = arith.constant 0 : i32
      %dma_wait3A_118 = arith.constant 0 : i32
      %dma_wait3A_119 = tpu.memref_slice %arg3[%dma_wait3A_117, %dma_wait3A_118] : memref<10000x64xf32, #tpu.memory_space<hbm>> -> memref<128x64xf32, #tpu.memory_space<hbm>>
      tpu.wait_dma2 semaphore(%arg24 : memref<!tpu.dma_semaphore, #tpu.memory_space<semaphore_mem>>) src(%dma_wait3A_119 : memref<128x64xf32, #tpu.memory_space<hbm>>) dst(%arg20 : memref<128x64xf32, #tpu.memory_space<vmem>>)
      %dma_start3A_120 = arith.constant 155 : i32
      %dma_start3A_121 = arith.constant 0 : i32
      %dma_start3A_122 = tpu.memref_slice %arg17[%dma_start3A_120, %dma_start3A_121] : memref<158x128xi32, #tpu.memory_space<vmem>> -> memref<1x128xi32, #tpu.memory_space<vmem>>
      %dma_start3A_123 = tpu.memref_squeeze %dma_start3A_122 : memref<1x128xi32, #tpu.memory_space<vmem>> -> memref<128xi32, #tpu.memory_space<vmem>>
      %dma_start3A_124 = arith.constant 0 : i32
      %dma_start3A_125 = arith.constant 0 : i32
      %dma_start3A_126 = tpu.memref_slice %arg21[%dma_start3A_124, %dma_start3A_125] : memref<10112x64xf32, #tpu.memory_space<vmem_shared>> -> memref<10112x64xf32, #tpu.memory_space<vmem_shared>>
      tpu.enqueue_indirect_dma source(%arg20 : memref<128x64xf32, #tpu.memory_space<vmem>>) target(%dma_start3A_126 : memref<10112x64xf32, #tpu.memory_space<vmem_shared>>) offsets(%dma_start3A_123 : memref<128xi32, #tpu.memory_space<vmem>>) semaphore(%arg27 : memref<!tpu.dma_semaphore, #tpu.memory_space<semaphore_mem>>) {add = true}
      %dma_wait3A_127 = arith.constant 0 : i32
      %dma_wait3A_128 = arith.constant 0 : i32
      %dma_wait3A_129 = tpu.memref_slice %arg21[%dma_wait3A_127, %dma_wait3A_128] : memref<10112x64xf32, #tpu.memory_space<vmem_shared>> -> memref<128x64xf32, #tpu.memory_space<vmem_shared>>
      %dma_wait3A_130 = arith.constant 0 : i32
      %dma_wait3A_131 = arith.constant 0 : i32
      %dma_wait3A_132 = tpu.memref_slice %arg21[%dma_wait3A_130, %dma_wait3A_131] : memref<10112x64xf32, #tpu.memory_space<vmem_shared>> -> memref<128x64xf32, #tpu.memory_space<vmem_shared>>
      tpu.wait_dma2 semaphore(%arg26 : memref<!tpu.dma_semaphore, #tpu.memory_space<semaphore_mem>>) src(%arg19 : memref<128x64xf32, #tpu.memory_space<vmem>>) dst(%dma_wait3A_132 : memref<128x64xf32, #tpu.memory_space<vmem_shared>>)
      %dma_start3A_133 = arith.constant 157 : i32
      %dma_start3A_134 = arith.constant 0 : i32
      %dma_start3A_135 = tpu.memref_slice %arg16[%dma_start3A_133, %dma_start3A_134] : memref<158x128xi32, #tpu.memory_space<vmem>> -> memref<1x128xi32, #tpu.memory_space<vmem>>
      %dma_start3A_136 = tpu.memref_squeeze %dma_start3A_135 : memref<1x128xi32, #tpu.memory_space<vmem>> -> memref<128xi32, #tpu.memory_space<vmem>>
      %dma_start3A_137 = arith.constant 0 : i32
      %dma_start3A_138 = arith.constant 0 : i32
      %dma_start3A_139 = tpu.memref_slice %arg3[%dma_start3A_137, %dma_start3A_138] : memref<10000x64xf32, #tpu.memory_space<hbm>> -> memref<10000x64xf32, #tpu.memory_space<hbm>>
      tpu.enqueue_indirect_dma source(%dma_start3A_139 : memref<10000x64xf32, #tpu.memory_space<hbm>>) target(%arg19 : memref<128x64xf32, #tpu.memory_space<vmem>>) offsets(%dma_start3A_136 : memref<128xi32, #tpu.memory_space<vmem>>) semaphore(%arg23 : memref<!tpu.dma_semaphore, #tpu.memory_space<semaphore_mem>>)
      %dma_wait3A_140 = arith.constant 0 : i32
      %dma_wait3A_141 = arith.constant 0 : i32
      %dma_wait3A_142 = tpu.memref_slice %arg3[%dma_wait3A_140, %dma_wait3A_141] : memref<10000x64xf32, #tpu.memory_space<hbm>> -> memref<128x64xf32, #tpu.memory_space<hbm>>
      %dma_wait3A_143 = arith.constant 0 : i32
      %dma_wait3A_144 = arith.constant 0 : i32
      %dma_wait3A_145 = tpu.memref_slice %arg3[%dma_wait3A_143, %dma_wait3A_144] : memref<10000x64xf32, #tpu.memory_space<hbm>> -> memref<128x64xf32, #tpu.memory_space<hbm>>
      tpu.wait_dma2 semaphore(%arg22 : memref<!tpu.dma_semaphore, #tpu.memory_space<semaphore_mem>>) src(%dma_wait3A_145 : memref<128x64xf32, #tpu.memory_space<hbm>>) dst(%arg18 : memref<128x64xf32, #tpu.memory_space<vmem>>)
      %dma_start3A_146 = arith.constant 156 : i32
      %dma_start3A_147 = arith.constant 0 : i32
      %dma_start3A_148 = tpu.memref_slice %arg17[%dma_start3A_146, %dma_start3A_147] : memref<158x128xi32, #tpu.memory_space<vmem>> -> memref<1x128xi32, #tpu.memory_space<vmem>>
      %dma_start3A_149 = tpu.memref_squeeze %dma_start3A_148 : memref<1x128xi32, #tpu.memory_space<vmem>> -> memref<128xi32, #tpu.memory_space<vmem>>
      %dma_start3A_150 = arith.constant 0 : i32
      %dma_start3A_151 = arith.constant 0 : i32
      %dma_start3A_152 = tpu.memref_slice %arg21[%dma_start3A_150, %dma_start3A_151] : memref<10112x64xf32, #tpu.memory_space<vmem_shared>> -> memref<10112x64xf32, #tpu.memory_space<vmem_shared>>
      tpu.enqueue_indirect_dma source(%arg18 : memref<128x64xf32, #tpu.memory_space<vmem>>) target(%dma_start3A_152 : memref<10112x64xf32, #tpu.memory_space<vmem_shared>>) offsets(%dma_start3A_149 : memref<128xi32, #tpu.memory_space<vmem>>) semaphore(%arg25 : memref<!tpu.dma_semaphore, #tpu.memory_space<semaphore_mem>>) {add = true}
      %dma_wait3A_153 = arith.constant 0 : i32
      %dma_wait3A_154 = arith.constant 0 : i32
      %dma_wait3A_155 = tpu.memref_slice %arg3[%dma_wait3A_153, %dma_wait3A_154] : memref<10000x64xf32, #tpu.memory_space<hbm>> -> memref<128x64xf32, #tpu.memory_space<hbm>>
      %dma_wait3A_156 = arith.constant 0 : i32
      %dma_wait3A_157 = arith.constant 0 : i32
      %dma_wait3A_158 = tpu.memref_slice %arg3[%dma_wait3A_156, %dma_wait3A_157] : memref<10000x64xf32, #tpu.memory_space<hbm>> -> memref<128x64xf32, #tpu.memory_space<hbm>>
      tpu.wait_dma2 semaphore(%arg23 : memref<!tpu.dma_semaphore, #tpu.memory_space<semaphore_mem>>) src(%dma_wait3A_158 : memref<128x64xf32, #tpu.memory_space<hbm>>) dst(%arg19 : memref<128x64xf32, #tpu.memory_space<vmem>>)
      %dma_start3A_159 = arith.constant 157 : i32
      %dma_start3A_160 = arith.constant 0 : i32
      %dma_start3A_161 = tpu.memref_slice %arg17[%dma_start3A_159, %dma_start3A_160] : memref<158x128xi32, #tpu.memory_space<vmem>> -> memref<1x128xi32, #tpu.memory_space<vmem>>
      %dma_start3A_162 = tpu.memref_squeeze %dma_start3A_161 : memref<1x128xi32, #tpu.memory_space<vmem>> -> memref<128xi32, #tpu.memory_space<vmem>>
      %dma_start3A_163 = arith.constant 0 : i32
      %dma_start3A_164 = arith.constant 0 : i32
      %dma_start3A_165 = tpu.memref_slice %arg21[%dma_start3A_163, %dma_start3A_164] : memref<10112x64xf32, #tpu.memory_space<vmem_shared>> -> memref<10112x64xf32, #tpu.memory_space<vmem_shared>>
      tpu.enqueue_indirect_dma source(%arg19 : memref<128x64xf32, #tpu.memory_space<vmem>>) target(%dma_start3A_165 : memref<10112x64xf32, #tpu.memory_space<vmem_shared>>) offsets(%dma_start3A_162 : memref<128xi32, #tpu.memory_space<vmem>>) semaphore(%arg26 : memref<!tpu.dma_semaphore, #tpu.memory_space<semaphore_mem>>) {add = true}
      %dma_wait3A_166 = arith.constant 0 : i32
      %dma_wait3A_167 = arith.constant 0 : i32
      %dma_wait3A_168 = tpu.memref_slice %arg21[%dma_wait3A_166, %dma_wait3A_167] : memref<10112x64xf32, #tpu.memory_space<vmem_shared>> -> memref<128x64xf32, #tpu.memory_space<vmem_shared>>
      %dma_wait3A_169 = arith.constant 0 : i32
      %dma_wait3A_170 = arith.constant 0 : i32
      %dma_wait3A_171 = tpu.memref_slice %arg21[%dma_wait3A_169, %dma_wait3A_170] : memref<10112x64xf32, #tpu.memory_space<vmem_shared>> -> memref<128x64xf32, #tpu.memory_space<vmem_shared>>
      tpu.wait_dma2 semaphore(%arg27 : memref<!tpu.dma_semaphore, #tpu.memory_space<semaphore_mem>>) src(%arg20 : memref<128x64xf32, #tpu.memory_space<vmem>>) dst(%dma_wait3A_171 : memref<128x64xf32, #tpu.memory_space<vmem_shared>>)
      %dma_wait3A_172 = arith.constant 0 : i32
      %dma_wait3A_173 = arith.constant 0 : i32
      %dma_wait3A_174 = tpu.memref_slice %arg21[%dma_wait3A_172, %dma_wait3A_173] : memref<10112x64xf32, #tpu.memory_space<vmem_shared>> -> memref<128x64xf32, #tpu.memory_space<vmem_shared>>
      %dma_wait3A_175 = arith.constant 0 : i32
      %dma_wait3A_176 = arith.constant 0 : i32
      %dma_wait3A_177 = tpu.memref_slice %arg21[%dma_wait3A_175, %dma_wait3A_176] : memref<10112x64xf32, #tpu.memory_space<vmem_shared>> -> memref<128x64xf32, #tpu.memory_space<vmem_shared>>
      tpu.wait_dma2 semaphore(%arg25 : memref<!tpu.dma_semaphore, #tpu.memory_space<semaphore_mem>>) src(%arg18 : memref<128x64xf32, #tpu.memory_space<vmem>>) dst(%dma_wait3A_177 : memref<128x64xf32, #tpu.memory_space<vmem_shared>>)
      %dma_wait3A_178 = arith.constant 0 : i32
      %dma_wait3A_179 = arith.constant 0 : i32
      %dma_wait3A_180 = tpu.memref_slice %arg21[%dma_wait3A_178, %dma_wait3A_179] : memref<10112x64xf32, #tpu.memory_space<vmem_shared>> -> memref<128x64xf32, #tpu.memory_space<vmem_shared>>
      %dma_wait3A_181 = arith.constant 0 : i32
      %dma_wait3A_182 = arith.constant 0 : i32
      %dma_wait3A_183 = tpu.memref_slice %arg21[%dma_wait3A_181, %dma_wait3A_182] : memref<10112x64xf32, #tpu.memory_space<vmem_shared>> -> memref<128x64xf32, #tpu.memory_space<vmem_shared>>
      tpu.wait_dma2 semaphore(%arg26 : memref<!tpu.dma_semaphore, #tpu.memory_space<semaphore_mem>>) src(%arg19 : memref<128x64xf32, #tpu.memory_space<vmem>>) dst(%dma_wait3A_183 : memref<128x64xf32, #tpu.memory_space<vmem_shared>>)
    } else {
    }
    %eq3A_35 = arith.constant 1 : i32
    %eq3A_36 = arith.cmpi eq, %arg0, %eq3A_35 : i32
    %convert_element_type3A_37 = arith.extui %eq3A_36 : i1 to i32
    %cond3A_38 = arith.constant 0 : i32
    %cond3A_39 = arith.cmpi ne, %convert_element_type3A_37, %cond3A_38 : i32
    scf.if %cond3A_39 {
      %dma_start3A = arith.constant 0 : i32
      %dma_start3A_51 = arith.constant 0 : i32
      %dma_start3A_52 = tpu.memref_slice %arg16[%dma_start3A, %dma_start3A_51] : memref<158x128xi32, #tpu.memory_space<vmem>> -> memref<1x128xi32, #tpu.memory_space<vmem>>
      %dma_start3A_53 = tpu.memref_squeeze %dma_start3A_52 : memref<1x128xi32, #tpu.memory_space<vmem>> -> memref<128xi32, #tpu.memory_space<vmem>>
      %dma_start3A_54 = arith.constant 0 : i32
      %dma_start3A_55 = arith.constant 0 : i32
      %dma_start3A_56 = tpu.memref_slice %arg5[%dma_start3A_54, %dma_start3A_55] : memref<10000x64xf32, #tpu.memory_space<hbm>> -> memref<10000x64xf32, #tpu.memory_space<hbm>>
      tpu.enqueue_indirect_dma source(%dma_start3A_56 : memref<10000x64xf32, #tpu.memory_space<hbm>>) target(%arg18 : memref<128x64xf32, #tpu.memory_space<vmem>>) offsets(%dma_start3A_53 : memref<128xi32, #tpu.memory_space<vmem>>) semaphore(%arg22 : memref<!tpu.dma_semaphore, #tpu.memory_space<semaphore_mem>>)
      %dma_start3A_57 = arith.constant 1 : i32
      %dma_start3A_58 = arith.constant 0 : i32
      %dma_start3A_59 = tpu.memref_slice %arg16[%dma_start3A_57, %dma_start3A_58] : memref<158x128xi32, #tpu.memory_space<vmem>> -> memref<1x128xi32, #tpu.memory_space<vmem>>
      %dma_start3A_60 = tpu.memref_squeeze %dma_start3A_59 : memref<1x128xi32, #tpu.memory_space<vmem>> -> memref<128xi32, #tpu.memory_space<vmem>>
      %dma_start3A_61 = arith.constant 0 : i32
      %dma_start3A_62 = arith.constant 0 : i32
      %dma_start3A_63 = tpu.memref_slice %arg5[%dma_start3A_61, %dma_start3A_62] : memref<10000x64xf32, #tpu.memory_space<hbm>> -> memref<10000x64xf32, #tpu.memory_space<hbm>>
      tpu.enqueue_indirect_dma source(%dma_start3A_63 : memref<10000x64xf32, #tpu.memory_space<hbm>>) target(%arg19 : memref<128x64xf32, #tpu.memory_space<vmem>>) offsets(%dma_start3A_60 : memref<128xi32, #tpu.memory_space<vmem>>) semaphore(%arg23 : memref<!tpu.dma_semaphore, #tpu.memory_space<semaphore_mem>>)
      %dma_wait3A = arith.constant 0 : i32
      %dma_wait3A_64 = arith.constant 0 : i32
      %dma_wait3A_65 = tpu.memref_slice %arg5[%dma_wait3A, %dma_wait3A_64] : memref<10000x64xf32, #tpu.memory_space<hbm>> -> memref<128x64xf32, #tpu.memory_space<hbm>>
      %dma_wait3A_66 = arith.constant 0 : i32
      %dma_wait3A_67 = arith.constant 0 : i32
      %dma_wait3A_68 = tpu.memref_slice %arg5[%dma_wait3A_66, %dma_wait3A_67] : memref<10000x64xf32, #tpu.memory_space<hbm>> -> memref<128x64xf32, #tpu.memory_space<hbm>>
      tpu.wait_dma2 semaphore(%arg22 : memref<!tpu.dma_semaphore, #tpu.memory_space<semaphore_mem>>) src(%dma_wait3A_68 : memref<128x64xf32, #tpu.memory_space<hbm>>) dst(%arg18 : memref<128x64xf32, #tpu.memory_space<vmem>>)
      %dma_start3A_69 = arith.constant 0 : i32
      %dma_start3A_70 = arith.constant 0 : i32
      %dma_start3A_71 = tpu.memref_slice %arg17[%dma_start3A_69, %dma_start3A_70] : memref<158x128xi32, #tpu.memory_space<vmem>> -> memref<1x128xi32, #tpu.memory_space<vmem>>
      %dma_start3A_72 = tpu.memref_squeeze %dma_start3A_71 : memref<1x128xi32, #tpu.memory_space<vmem>> -> memref<128xi32, #tpu.memory_space<vmem>>
      %dma_start3A_73 = arith.constant 0 : i32
      %dma_start3A_74 = arith.constant 0 : i32
      %dma_start3A_75 = tpu.memref_slice %arg21[%dma_start3A_73, %dma_start3A_74] : memref<10112x64xf32, #tpu.memory_space<vmem_shared>> -> memref<10112x64xf32, #tpu.memory_space<vmem_shared>>
      tpu.enqueue_indirect_dma source(%arg18 : memref<128x64xf32, #tpu.memory_space<vmem>>) target(%dma_start3A_75 : memref<10112x64xf32, #tpu.memory_space<vmem_shared>>) offsets(%dma_start3A_72 : memref<128xi32, #tpu.memory_space<vmem>>) semaphore(%arg25 : memref<!tpu.dma_semaphore, #tpu.memory_space<semaphore_mem>>) {add = true}
      %dma_start3A_76 = arith.constant 2 : i32
      %dma_start3A_77 = arith.constant 0 : i32
      %dma_start3A_78 = tpu.memref_slice %arg16[%dma_start3A_76, %dma_start3A_77] : memref<158x128xi32, #tpu.memory_space<vmem>> -> memref<1x128xi32, #tpu.memory_space<vmem>>
      %dma_start3A_79 = tpu.memref_squeeze %dma_start3A_78 : memref<1x128xi32, #tpu.memory_space<vmem>> -> memref<128xi32, #tpu.memory_space<vmem>>
      %dma_start3A_80 = arith.constant 0 : i32
      %dma_start3A_81 = arith.constant 0 : i32
      %dma_start3A_82 = tpu.memref_slice %arg5[%dma_start3A_80, %dma_start3A_81] : memref<10000x64xf32, #tpu.memory_space<hbm>> -> memref<10000x64xf32, #tpu.memory_space<hbm>>
      tpu.enqueue_indirect_dma source(%dma_start3A_82 : memref<10000x64xf32, #tpu.memory_space<hbm>>) target(%arg20 : memref<128x64xf32, #tpu.memory_space<vmem>>) offsets(%dma_start3A_79 : memref<128xi32, #tpu.memory_space<vmem>>) semaphore(%arg24 : memref<!tpu.dma_semaphore, #tpu.memory_space<semaphore_mem>>)
      %dma_wait3A_83 = arith.constant 0 : i32
      %dma_wait3A_84 = arith.constant 0 : i32
      %dma_wait3A_85 = tpu.memref_slice %arg5[%dma_wait3A_83, %dma_wait3A_84] : memref<10000x64xf32, #tpu.memory_space<hbm>> -> memref<128x64xf32, #tpu.memory_space<hbm>>
      %dma_wait3A_86 = arith.constant 0 : i32
      %dma_wait3A_87 = arith.constant 0 : i32
      %dma_wait3A_88 = tpu.memref_slice %arg5[%dma_wait3A_86, %dma_wait3A_87] : memref<10000x64xf32, #tpu.memory_space<hbm>> -> memref<128x64xf32, #tpu.memory_space<hbm>>
      tpu.wait_dma2 semaphore(%arg23 : memref<!tpu.dma_semaphore, #tpu.memory_space<semaphore_mem>>) src(%dma_wait3A_88 : memref<128x64xf32, #tpu.memory_space<hbm>>) dst(%arg19 : memref<128x64xf32, #tpu.memory_space<vmem>>)
      %dma_start3A_89 = arith.constant 1 : i32
      %dma_start3A_90 = arith.constant 0 : i32
      %dma_start3A_91 = tpu.memref_slice %arg17[%dma_start3A_89, %dma_start3A_90] : memref<158x128xi32, #tpu.memory_space<vmem>> -> memref<1x128xi32, #tpu.memory_space<vmem>>
      %dma_start3A_92 = tpu.memref_squeeze %dma_start3A_91 : memref<1x128xi32, #tpu.memory_space<vmem>> -> memref<128xi32, #tpu.memory_space<vmem>>
      %dma_start3A_93 = arith.constant 0 : i32
      %dma_start3A_94 = arith.constant 0 : i32
      %dma_start3A_95 = tpu.memref_slice %arg21[%dma_start3A_93, %dma_start3A_94] : memref<10112x64xf32, #tpu.memory_space<vmem_shared>> -> memref<10112x64xf32, #tpu.memory_space<vmem_shared>>
      tpu.enqueue_indirect_dma source(%arg19 : memref<128x64xf32, #tpu.memory_space<vmem>>) target(%dma_start3A_95 : memref<10112x64xf32, #tpu.memory_space<vmem_shared>>) offsets(%dma_start3A_92 : memref<128xi32, #tpu.memory_space<vmem>>) semaphore(%arg26 : memref<!tpu.dma_semaphore, #tpu.memory_space<semaphore_mem>>) {add = true}
      %dma_wait3A_96 = arith.constant 0 : i32
      %dma_wait3A_97 = arith.constant 0 : i32
      %dma_wait3A_98 = tpu.memref_slice %arg21[%dma_wait3A_96, %dma_wait3A_97] : memref<10112x64xf32, #tpu.memory_space<vmem_shared>> -> memref<128x64xf32, #tpu.memory_space<vmem_shared>>
      %dma_wait3A_99 = arith.constant 0 : i32
      %dma_wait3A_100 = arith.constant 0 : i32
      %dma_wait3A_101 = tpu.memref_slice %arg21[%dma_wait3A_99, %dma_wait3A_100] : memref<10112x64xf32, #tpu.memory_space<vmem_shared>> -> memref<128x64xf32, #tpu.memory_space<vmem_shared>>
      tpu.wait_dma2 semaphore(%arg25 : memref<!tpu.dma_semaphore, #tpu.memory_space<semaphore_mem>>) src(%arg18 : memref<128x64xf32, #tpu.memory_space<vmem>>) dst(%dma_wait3A_101 : memref<128x64xf32, #tpu.memory_space<vmem_shared>>)
      %dma_start3A_102 = arith.constant 3 : i32
      %dma_start3A_103 = arith.constant 0 : i32
      %dma_start3A_104 = tpu.memref_slice %arg16[%dma_start3A_102, %dma_start3A_103] : memref<158x128xi32, #tpu.memory_space<vmem>> -> memref<1x128xi32, #tpu.memory_space<vmem>>
      %dma_start3A_105 = tpu.memref_squeeze %dma_start3A_104 : memref<1x128xi32, #tpu.memory_space<vmem>> -> memref<128xi32, #tpu.memory_space<vmem>>
      %dma_start3A_106 = arith.constant 0 : i32
      %dma_start3A_107 = arith.constant 0 : i32
      %dma_start3A_108 = tpu.memref_slice %arg5[%dma_start3A_106, %dma_start3A_107] : memref<10000x64xf32, #tpu.memory_space<hbm>> -> memref<10000x64xf32, #tpu.memory_space<hbm>>
      tpu.enqueue_indirect_dma source(%dma_start3A_108 : memref<10000x64xf32, #tpu.memory_space<hbm>>) target(%arg18 : memref<128x64xf32, #tpu.memory_space<vmem>>) offsets(%dma_start3A_105 : memref<128xi32, #tpu.memory_space<vmem>>) semaphore(%arg22 : memref<!tpu.dma_semaphore, #tpu.memory_space<semaphore_mem>>)
      %scan3A = arith.constant 0 : i32
      %scan3A_109 = arith.constant 0 : i32
      %scan3A_110 = arith.constant 51 : i32
      %scan3A_111 = arith.addi %scan3A_109, %scan3A_110 : i32
      %scan3A_112 = arith.constant 1 : i32
      scf.for %scan3A_184 = %scan3A_109 to %scan3A_111 step %scan3A_112  : i32 {
        %mul3A_185 = arith.constant 3 : i32
        %mul3A_186 = arith.muli %mul3A_185, %scan3A_184 : i32
        %add3A = arith.constant 2 : i32
        %add3A_187 = arith.addi %mul3A_186, %add3A : i32
        %dma_wait3A_188 = arith.constant 0 : i32
        %dma_wait3A_189 = arith.constant 0 : i32
        %dma_wait3A_190 = tpu.memref_slice %arg5[%dma_wait3A_188, %dma_wait3A_189] : memref<10000x64xf32, #tpu.memory_space<hbm>> -> memref<128x64xf32, #tpu.memory_space<hbm>>
        %dma_wait3A_191 = arith.constant 0 : i32
        %dma_wait3A_192 = arith.constant 0 : i32
        %dma_wait3A_193 = tpu.memref_slice %arg5[%dma_wait3A_191, %dma_wait3A_192] : memref<10000x64xf32, #tpu.memory_space<hbm>> -> memref<128x64xf32, #tpu.memory_space<hbm>>
        tpu.wait_dma2 semaphore(%arg24 : memref<!tpu.dma_semaphore, #tpu.memory_space<semaphore_mem>>) src(%dma_wait3A_193 : memref<128x64xf32, #tpu.memory_space<hbm>>) dst(%arg20 : memref<128x64xf32, #tpu.memory_space<vmem>>)
        %add3A_194 = arith.constant 0 : i32
        %add3A_195 = arith.addi %add3A_187, %add3A_194 : i32
        %dma_start3A_196 = arith.constant 0 : i32
        %dma_start3A_197 = tpu.memref_slice %arg17[%add3A_195, %dma_start3A_196] : memref<158x128xi32, #tpu.memory_space<vmem>> -> memref<1x128xi32, #tpu.memory_space<vmem>>
        %dma_start3A_198 = tpu.memref_squeeze %dma_start3A_197 : memref<1x128xi32, #tpu.memory_space<vmem>> -> memref<128xi32, #tpu.memory_space<vmem>>
        %dma_start3A_199 = arith.constant 0 : i32
        %dma_start3A_200 = arith.constant 0 : i32
        %dma_start3A_201 = tpu.memref_slice %arg21[%dma_start3A_199, %dma_start3A_200] : memref<10112x64xf32, #tpu.memory_space<vmem_shared>> -> memref<10112x64xf32, #tpu.memory_space<vmem_shared>>
        tpu.enqueue_indirect_dma source(%arg20 : memref<128x64xf32, #tpu.memory_space<vmem>>) target(%dma_start3A_201 : memref<10112x64xf32, #tpu.memory_space<vmem_shared>>) offsets(%dma_start3A_198 : memref<128xi32, #tpu.memory_space<vmem>>) semaphore(%arg27 : memref<!tpu.dma_semaphore, #tpu.memory_space<semaphore_mem>>) {add = true}
        %dma_wait3A_202 = arith.constant 0 : i32
        %dma_wait3A_203 = arith.constant 0 : i32
        %dma_wait3A_204 = tpu.memref_slice %arg21[%dma_wait3A_202, %dma_wait3A_203] : memref<10112x64xf32, #tpu.memory_space<vmem_shared>> -> memref<128x64xf32, #tpu.memory_space<vmem_shared>>
        %dma_wait3A_205 = arith.constant 0 : i32
        %dma_wait3A_206 = arith.constant 0 : i32
        %dma_wait3A_207 = tpu.memref_slice %arg21[%dma_wait3A_205, %dma_wait3A_206] : memref<10112x64xf32, #tpu.memory_space<vmem_shared>> -> memref<128x64xf32, #tpu.memory_space<vmem_shared>>
        tpu.wait_dma2 semaphore(%arg26 : memref<!tpu.dma_semaphore, #tpu.memory_space<semaphore_mem>>) src(%arg19 : memref<128x64xf32, #tpu.memory_space<vmem>>) dst(%dma_wait3A_207 : memref<128x64xf32, #tpu.memory_space<vmem_shared>>)
        %add3A_208 = arith.constant 0 : i32
        %add3A_209 = arith.addi %add3A_187, %add3A_208 : i32
        %add3A_210 = arith.constant 2 : i32
        %add3A_211 = arith.addi %add3A_209, %add3A_210 : i32
        %dma_start3A_212 = arith.constant 0 : i32
        %dma_start3A_213 = tpu.memref_slice %arg16[%add3A_211, %dma_start3A_212] : memref<158x128xi32, #tpu.memory_space<vmem>> -> memref<1x128xi32, #tpu.memory_space<vmem>>
        %dma_start3A_214 = tpu.memref_squeeze %dma_start3A_213 : memref<1x128xi32, #tpu.memory_space<vmem>> -> memref<128xi32, #tpu.memory_space<vmem>>
        %dma_start3A_215 = arith.constant 0 : i32
        %dma_start3A_216 = arith.constant 0 : i32
        %dma_start3A_217 = tpu.memref_slice %arg5[%dma_start3A_215, %dma_start3A_216] : memref<10000x64xf32, #tpu.memory_space<hbm>> -> memref<10000x64xf32, #tpu.memory_space<hbm>>
        tpu.enqueue_indirect_dma source(%dma_start3A_217 : memref<10000x64xf32, #tpu.memory_space<hbm>>) target(%arg19 : memref<128x64xf32, #tpu.memory_space<vmem>>) offsets(%dma_start3A_214 : memref<128xi32, #tpu.memory_space<vmem>>) semaphore(%arg23 : memref<!tpu.dma_semaphore, #tpu.memory_space<semaphore_mem>>)
        %dma_wait3A_218 = arith.constant 0 : i32
        %dma_wait3A_219 = arith.constant 0 : i32
        %dma_wait3A_220 = tpu.memref_slice %arg5[%dma_wait3A_218, %dma_wait3A_219] : memref<10000x64xf32, #tpu.memory_space<hbm>> -> memref<128x64xf32, #tpu.memory_space<hbm>>
        %dma_wait3A_221 = arith.constant 0 : i32
        %dma_wait3A_222 = arith.constant 0 : i32
        %dma_wait3A_223 = tpu.memref_slice %arg5[%dma_wait3A_221, %dma_wait3A_222] : memref<10000x64xf32, #tpu.memory_space<hbm>> -> memref<128x64xf32, #tpu.memory_space<hbm>>
        tpu.wait_dma2 semaphore(%arg22 : memref<!tpu.dma_semaphore, #tpu.memory_space<semaphore_mem>>) src(%dma_wait3A_223 : memref<128x64xf32, #tpu.memory_space<hbm>>) dst(%arg18 : memref<128x64xf32, #tpu.memory_space<vmem>>)
        %add3A_224 = arith.constant 1 : i32
        %add3A_225 = arith.addi %add3A_187, %add3A_224 : i32
        %dma_start3A_226 = arith.constant 0 : i32
        %dma_start3A_227 = tpu.memref_slice %arg17[%add3A_225, %dma_start3A_226] : memref<158x128xi32, #tpu.memory_space<vmem>> -> memref<1x128xi32, #tpu.memory_space<vmem>>
        %dma_start3A_228 = tpu.memref_squeeze %dma_start3A_227 : memref<1x128xi32, #tpu.memory_space<vmem>> -> memref<128xi32, #tpu.memory_space<vmem>>
        %dma_start3A_229 = arith.constant 0 : i32
        %dma_start3A_230 = arith.constant 0 : i32
        %dma_start3A_231 = tpu.memref_slice %arg21[%dma_start3A_229, %dma_start3A_230] : memref<10112x64xf32, #tpu.memory_space<vmem_shared>> -> memref<10112x64xf32, #tpu.memory_space<vmem_shared>>
        tpu.enqueue_indirect_dma source(%arg18 : memref<128x64xf32, #tpu.memory_space<vmem>>) target(%dma_start3A_231 : memref<10112x64xf32, #tpu.memory_space<vmem_shared>>) offsets(%dma_start3A_228 : memref<128xi32, #tpu.memory_space<vmem>>) semaphore(%arg25 : memref<!tpu.dma_semaphore, #tpu.memory_space<semaphore_mem>>) {add = true}
        %dma_wait3A_232 = arith.constant 0 : i32
        %dma_wait3A_233 = arith.constant 0 : i32
        %dma_wait3A_234 = tpu.memref_slice %arg21[%dma_wait3A_232, %dma_wait3A_233] : memref<10112x64xf32, #tpu.memory_space<vmem_shared>> -> memref<128x64xf32, #tpu.memory_space<vmem_shared>>
        %dma_wait3A_235 = arith.constant 0 : i32
        %dma_wait3A_236 = arith.constant 0 : i32
        %dma_wait3A_237 = tpu.memref_slice %arg21[%dma_wait3A_235, %dma_wait3A_236] : memref<10112x64xf32, #tpu.memory_space<vmem_shared>> -> memref<128x64xf32, #tpu.memory_space<vmem_shared>>
        tpu.wait_dma2 semaphore(%arg27 : memref<!tpu.dma_semaphore, #tpu.memory_space<semaphore_mem>>) src(%arg20 : memref<128x64xf32, #tpu.memory_space<vmem>>) dst(%dma_wait3A_237 : memref<128x64xf32, #tpu.memory_space<vmem_shared>>)
        %add3A_238 = arith.constant 1 : i32
        %add3A_239 = arith.addi %add3A_187, %add3A_238 : i32
        %add3A_240 = arith.constant 2 : i32
        %add3A_241 = arith.addi %add3A_239, %add3A_240 : i32
        %dma_start3A_242 = arith.constant 0 : i32
        %dma_start3A_243 = tpu.memref_slice %arg16[%add3A_241, %dma_start3A_242] : memref<158x128xi32, #tpu.memory_space<vmem>> -> memref<1x128xi32, #tpu.memory_space<vmem>>
        %dma_start3A_244 = tpu.memref_squeeze %dma_start3A_243 : memref<1x128xi32, #tpu.memory_space<vmem>> -> memref<128xi32, #tpu.memory_space<vmem>>
        %dma_start3A_245 = arith.constant 0 : i32
        %dma_start3A_246 = arith.constant 0 : i32
        %dma_start3A_247 = tpu.memref_slice %arg5[%dma_start3A_245, %dma_start3A_246] : memref<10000x64xf32, #tpu.memory_space<hbm>> -> memref<10000x64xf32, #tpu.memory_space<hbm>>
        tpu.enqueue_indirect_dma source(%dma_start3A_247 : memref<10000x64xf32, #tpu.memory_space<hbm>>) target(%arg20 : memref<128x64xf32, #tpu.memory_space<vmem>>) offsets(%dma_start3A_244 : memref<128xi32, #tpu.memory_space<vmem>>) semaphore(%arg24 : memref<!tpu.dma_semaphore, #tpu.memory_space<semaphore_mem>>)
        %dma_wait3A_248 = arith.constant 0 : i32
        %dma_wait3A_249 = arith.constant 0 : i32
        %dma_wait3A_250 = tpu.memref_slice %arg5[%dma_wait3A_248, %dma_wait3A_249] : memref<10000x64xf32, #tpu.memory_space<hbm>> -> memref<128x64xf32, #tpu.memory_space<hbm>>
        %dma_wait3A_251 = arith.constant 0 : i32
        %dma_wait3A_252 = arith.constant 0 : i32
        %dma_wait3A_253 = tpu.memref_slice %arg5[%dma_wait3A_251, %dma_wait3A_252] : memref<10000x64xf32, #tpu.memory_space<hbm>> -> memref<128x64xf32, #tpu.memory_space<hbm>>
        tpu.wait_dma2 semaphore(%arg23 : memref<!tpu.dma_semaphore, #tpu.memory_space<semaphore_mem>>) src(%dma_wait3A_253 : memref<128x64xf32, #tpu.memory_space<hbm>>) dst(%arg19 : memref<128x64xf32, #tpu.memory_space<vmem>>)
        %add3A_254 = arith.constant 2 : i32
        %add3A_255 = arith.addi %add3A_187, %add3A_254 : i32
        %dma_start3A_256 = arith.constant 0 : i32
        %dma_start3A_257 = tpu.memref_slice %arg17[%add3A_255, %dma_start3A_256] : memref<158x128xi32, #tpu.memory_space<vmem>> -> memref<1x128xi32, #tpu.memory_space<vmem>>
        %dma_start3A_258 = tpu.memref_squeeze %dma_start3A_257 : memref<1x128xi32, #tpu.memory_space<vmem>> -> memref<128xi32, #tpu.memory_space<vmem>>
        %dma_start3A_259 = arith.constant 0 : i32
        %dma_start3A_260 = arith.constant 0 : i32
        %dma_start3A_261 = tpu.memref_slice %arg21[%dma_start3A_259, %dma_start3A_260] : memref<10112x64xf32, #tpu.memory_space<vmem_shared>> -> memref<10112x64xf32, #tpu.memory_space<vmem_shared>>
        tpu.enqueue_indirect_dma source(%arg19 : memref<128x64xf32, #tpu.memory_space<vmem>>) target(%dma_start3A_261 : memref<10112x64xf32, #tpu.memory_space<vmem_shared>>) offsets(%dma_start3A_258 : memref<128xi32, #tpu.memory_space<vmem>>) semaphore(%arg26 : memref<!tpu.dma_semaphore, #tpu.memory_space<semaphore_mem>>) {add = true}
        %dma_wait3A_262 = arith.constant 0 : i32
        %dma_wait3A_263 = arith.constant 0 : i32
        %dma_wait3A_264 = tpu.memref_slice %arg21[%dma_wait3A_262, %dma_wait3A_263] : memref<10112x64xf32, #tpu.memory_space<vmem_shared>> -> memref<128x64xf32, #tpu.memory_space<vmem_shared>>
        %dma_wait3A_265 = arith.constant 0 : i32
        %dma_wait3A_266 = arith.constant 0 : i32
        %dma_wait3A_267 = tpu.memref_slice %arg21[%dma_wait3A_265, %dma_wait3A_266] : memref<10112x64xf32, #tpu.memory_space<vmem_shared>> -> memref<128x64xf32, #tpu.memory_space<vmem_shared>>
        tpu.wait_dma2 semaphore(%arg25 : memref<!tpu.dma_semaphore, #tpu.memory_space<semaphore_mem>>) src(%arg18 : memref<128x64xf32, #tpu.memory_space<vmem>>) dst(%dma_wait3A_267 : memref<128x64xf32, #tpu.memory_space<vmem_shared>>)
        %add3A_268 = arith.constant 2 : i32
        %add3A_269 = arith.addi %add3A_187, %add3A_268 : i32
        %add3A_270 = arith.constant 2 : i32
        %add3A_271 = arith.addi %add3A_269, %add3A_270 : i32
        %dma_start3A_272 = arith.constant 0 : i32
        %dma_start3A_273 = tpu.memref_slice %arg16[%add3A_271, %dma_start3A_272] : memref<158x128xi32, #tpu.memory_space<vmem>> -> memref<1x128xi32, #tpu.memory_space<vmem>>
        %dma_start3A_274 = tpu.memref_squeeze %dma_start3A_273 : memref<1x128xi32, #tpu.memory_space<vmem>> -> memref<128xi32, #tpu.memory_space<vmem>>
        %dma_start3A_275 = arith.constant 0 : i32
        %dma_start3A_276 = arith.constant 0 : i32
        %dma_start3A_277 = tpu.memref_slice %arg5[%dma_start3A_275, %dma_start3A_276] : memref<10000x64xf32, #tpu.memory_space<hbm>> -> memref<10000x64xf32, #tpu.memory_space<hbm>>
        tpu.enqueue_indirect_dma source(%dma_start3A_277 : memref<10000x64xf32, #tpu.memory_space<hbm>>) target(%arg18 : memref<128x64xf32, #tpu.memory_space<vmem>>) offsets(%dma_start3A_274 : memref<128xi32, #tpu.memory_space<vmem>>) semaphore(%arg22 : memref<!tpu.dma_semaphore, #tpu.memory_space<semaphore_mem>>)
      }
      %scan3A_113 = arith.constant 51 : i32
      %dma_wait3A_114 = arith.constant 0 : i32
      %dma_wait3A_115 = arith.constant 0 : i32
      %dma_wait3A_116 = tpu.memref_slice %arg5[%dma_wait3A_114, %dma_wait3A_115] : memref<10000x64xf32, #tpu.memory_space<hbm>> -> memref<128x64xf32, #tpu.memory_space<hbm>>
      %dma_wait3A_117 = arith.constant 0 : i32
      %dma_wait3A_118 = arith.constant 0 : i32
      %dma_wait3A_119 = tpu.memref_slice %arg5[%dma_wait3A_117, %dma_wait3A_118] : memref<10000x64xf32, #tpu.memory_space<hbm>> -> memref<128x64xf32, #tpu.memory_space<hbm>>
      tpu.wait_dma2 semaphore(%arg24 : memref<!tpu.dma_semaphore, #tpu.memory_space<semaphore_mem>>) src(%dma_wait3A_119 : memref<128x64xf32, #tpu.memory_space<hbm>>) dst(%arg20 : memref<128x64xf32, #tpu.memory_space<vmem>>)
      %dma_start3A_120 = arith.constant 155 : i32
      %dma_start3A_121 = arith.constant 0 : i32
      %dma_start3A_122 = tpu.memref_slice %arg17[%dma_start3A_120, %dma_start3A_121] : memref<158x128xi32, #tpu.memory_space<vmem>> -> memref<1x128xi32, #tpu.memory_space<vmem>>
      %dma_start3A_123 = tpu.memref_squeeze %dma_start3A_122 : memref<1x128xi32, #tpu.memory_space<vmem>> -> memref<128xi32, #tpu.memory_space<vmem>>
      %dma_start3A_124 = arith.constant 0 : i32
      %dma_start3A_125 = arith.constant 0 : i32
      %dma_start3A_126 = tpu.memref_slice %arg21[%dma_start3A_124, %dma_start3A_125] : memref<10112x64xf32, #tpu.memory_space<vmem_shared>> -> memref<10112x64xf32, #tpu.memory_space<vmem_shared>>
      tpu.enqueue_indirect_dma source(%arg20 : memref<128x64xf32, #tpu.memory_space<vmem>>) target(%dma_start3A_126 : memref<10112x64xf32, #tpu.memory_space<vmem_shared>>) offsets(%dma_start3A_123 : memref<128xi32, #tpu.memory_space<vmem>>) semaphore(%arg27 : memref<!tpu.dma_semaphore, #tpu.memory_space<semaphore_mem>>) {add = true}
      %dma_wait3A_127 = arith.constant 0 : i32
      %dma_wait3A_128 = arith.constant 0 : i32
      %dma_wait3A_129 = tpu.memref_slice %arg21[%dma_wait3A_127, %dma_wait3A_128] : memref<10112x64xf32, #tpu.memory_space<vmem_shared>> -> memref<128x64xf32, #tpu.memory_space<vmem_shared>>
      %dma_wait3A_130 = arith.constant 0 : i32
      %dma_wait3A_131 = arith.constant 0 : i32
      %dma_wait3A_132 = tpu.memref_slice %arg21[%dma_wait3A_130, %dma_wait3A_131] : memref<10112x64xf32, #tpu.memory_space<vmem_shared>> -> memref<128x64xf32, #tpu.memory_space<vmem_shared>>
      tpu.wait_dma2 semaphore(%arg26 : memref<!tpu.dma_semaphore, #tpu.memory_space<semaphore_mem>>) src(%arg19 : memref<128x64xf32, #tpu.memory_space<vmem>>) dst(%dma_wait3A_132 : memref<128x64xf32, #tpu.memory_space<vmem_shared>>)
      %dma_start3A_133 = arith.constant 157 : i32
      %dma_start3A_134 = arith.constant 0 : i32
      %dma_start3A_135 = tpu.memref_slice %arg16[%dma_start3A_133, %dma_start3A_134] : memref<158x128xi32, #tpu.memory_space<vmem>> -> memref<1x128xi32, #tpu.memory_space<vmem>>
      %dma_start3A_136 = tpu.memref_squeeze %dma_start3A_135 : memref<1x128xi32, #tpu.memory_space<vmem>> -> memref<128xi32, #tpu.memory_space<vmem>>
      %dma_start3A_137 = arith.constant 0 : i32
      %dma_start3A_138 = arith.constant 0 : i32
      %dma_start3A_139 = tpu.memref_slice %arg5[%dma_start3A_137, %dma_start3A_138] : memref<10000x64xf32, #tpu.memory_space<hbm>> -> memref<10000x64xf32, #tpu.memory_space<hbm>>
      tpu.enqueue_indirect_dma source(%dma_start3A_139 : memref<10000x64xf32, #tpu.memory_space<hbm>>) target(%arg19 : memref<128x64xf32, #tpu.memory_space<vmem>>) offsets(%dma_start3A_136 : memref<128xi32, #tpu.memory_space<vmem>>) semaphore(%arg23 : memref<!tpu.dma_semaphore, #tpu.memory_space<semaphore_mem>>)
      %dma_wait3A_140 = arith.constant 0 : i32
      %dma_wait3A_141 = arith.constant 0 : i32
      %dma_wait3A_142 = tpu.memref_slice %arg5[%dma_wait3A_140, %dma_wait3A_141] : memref<10000x64xf32, #tpu.memory_space<hbm>> -> memref<128x64xf32, #tpu.memory_space<hbm>>
      %dma_wait3A_143 = arith.constant 0 : i32
      %dma_wait3A_144 = arith.constant 0 : i32
      %dma_wait3A_145 = tpu.memref_slice %arg5[%dma_wait3A_143, %dma_wait3A_144] : memref<10000x64xf32, #tpu.memory_space<hbm>> -> memref<128x64xf32, #tpu.memory_space<hbm>>
      tpu.wait_dma2 semaphore(%arg22 : memref<!tpu.dma_semaphore, #tpu.memory_space<semaphore_mem>>) src(%dma_wait3A_145 : memref<128x64xf32, #tpu.memory_space<hbm>>) dst(%arg18 : memref<128x64xf32, #tpu.memory_space<vmem>>)
      %dma_start3A_146 = arith.constant 156 : i32
      %dma_start3A_147 = arith.constant 0 : i32
      %dma_start3A_148 = tpu.memref_slice %arg17[%dma_start3A_146, %dma_start3A_147] : memref<158x128xi32, #tpu.memory_space<vmem>> -> memref<1x128xi32, #tpu.memory_space<vmem>>
      %dma_start3A_149 = tpu.memref_squeeze %dma_start3A_148 : memref<1x128xi32, #tpu.memory_space<vmem>> -> memref<128xi32, #tpu.memory_space<vmem>>
      %dma_start3A_150 = arith.constant 0 : i32
      %dma_start3A_151 = arith.constant 0 : i32
      %dma_start3A_152 = tpu.memref_slice %arg21[%dma_start3A_150, %dma_start3A_151] : memref<10112x64xf32, #tpu.memory_space<vmem_shared>> -> memref<10112x64xf32, #tpu.memory_space<vmem_shared>>
      tpu.enqueue_indirect_dma source(%arg18 : memref<128x64xf32, #tpu.memory_space<vmem>>) target(%dma_start3A_152 : memref<10112x64xf32, #tpu.memory_space<vmem_shared>>) offsets(%dma_start3A_149 : memref<128xi32, #tpu.memory_space<vmem>>) semaphore(%arg25 : memref<!tpu.dma_semaphore, #tpu.memory_space<semaphore_mem>>) {add = true}
      %dma_wait3A_153 = arith.constant 0 : i32
      %dma_wait3A_154 = arith.constant 0 : i32
      %dma_wait3A_155 = tpu.memref_slice %arg5[%dma_wait3A_153, %dma_wait3A_154] : memref<10000x64xf32, #tpu.memory_space<hbm>> -> memref<128x64xf32, #tpu.memory_space<hbm>>
      %dma_wait3A_156 = arith.constant 0 : i32
      %dma_wait3A_157 = arith.constant 0 : i32
      %dma_wait3A_158 = tpu.memref_slice %arg5[%dma_wait3A_156, %dma_wait3A_157] : memref<10000x64xf32, #tpu.memory_space<hbm>> -> memref<128x64xf32, #tpu.memory_space<hbm>>
      tpu.wait_dma2 semaphore(%arg23 : memref<!tpu.dma_semaphore, #tpu.memory_space<semaphore_mem>>) src(%dma_wait3A_158 : memref<128x64xf32, #tpu.memory_space<hbm>>) dst(%arg19 : memref<128x64xf32, #tpu.memory_space<vmem>>)
      %dma_start3A_159 = arith.constant 157 : i32
      %dma_start3A_160 = arith.constant 0 : i32
      %dma_start3A_161 = tpu.memref_slice %arg17[%dma_start3A_159, %dma_start3A_160] : memref<158x128xi32, #tpu.memory_space<vmem>> -> memref<1x128xi32, #tpu.memory_space<vmem>>
      %dma_start3A_162 = tpu.memref_squeeze %dma_start3A_161 : memref<1x128xi32, #tpu.memory_space<vmem>> -> memref<128xi32, #tpu.memory_space<vmem>>
      %dma_start3A_163 = arith.constant 0 : i32
      %dma_start3A_164 = arith.constant 0 : i32
      %dma_start3A_165 = tpu.memref_slice %arg21[%dma_start3A_163, %dma_start3A_164] : memref<10112x64xf32, #tpu.memory_space<vmem_shared>> -> memref<10112x64xf32, #tpu.memory_space<vmem_shared>>
      tpu.enqueue_indirect_dma source(%arg19 : memref<128x64xf32, #tpu.memory_space<vmem>>) target(%dma_start3A_165 : memref<10112x64xf32, #tpu.memory_space<vmem_shared>>) offsets(%dma_start3A_162 : memref<128xi32, #tpu.memory_space<vmem>>) semaphore(%arg26 : memref<!tpu.dma_semaphore, #tpu.memory_space<semaphore_mem>>) {add = true}
      %dma_wait3A_166 = arith.constant 0 : i32
      %dma_wait3A_167 = arith.constant 0 : i32
      %dma_wait3A_168 = tpu.memref_slice %arg21[%dma_wait3A_166, %dma_wait3A_167] : memref<10112x64xf32, #tpu.memory_space<vmem_shared>> -> memref<128x64xf32, #tpu.memory_space<vmem_shared>>
      %dma_wait3A_169 = arith.constant 0 : i32
      %dma_wait3A_170 = arith.constant 0 : i32
      %dma_wait3A_171 = tpu.memref_slice %arg21[%dma_wait3A_169, %dma_wait3A_170] : memref<10112x64xf32, #tpu.memory_space<vmem_shared>> -> memref<128x64xf32, #tpu.memory_space<vmem_shared>>
      tpu.wait_dma2 semaphore(%arg27 : memref<!tpu.dma_semaphore, #tpu.memory_space<semaphore_mem>>) src(%arg20 : memref<128x64xf32, #tpu.memory_space<vmem>>) dst(%dma_wait3A_171 : memref<128x64xf32, #tpu.memory_space<vmem_shared>>)
      %dma_wait3A_172 = arith.constant 0 : i32
      %dma_wait3A_173 = arith.constant 0 : i32
      %dma_wait3A_174 = tpu.memref_slice %arg21[%dma_wait3A_172, %dma_wait3A_173] : memref<10112x64xf32, #tpu.memory_space<vmem_shared>> -> memref<128x64xf32, #tpu.memory_space<vmem_shared>>
      %dma_wait3A_175 = arith.constant 0 : i32
      %dma_wait3A_176 = arith.constant 0 : i32
      %dma_wait3A_177 = tpu.memref_slice %arg21[%dma_wait3A_175, %dma_wait3A_176] : memref<10112x64xf32, #tpu.memory_space<vmem_shared>> -> memref<128x64xf32, #tpu.memory_space<vmem_shared>>
      tpu.wait_dma2 semaphore(%arg25 : memref<!tpu.dma_semaphore, #tpu.memory_space<semaphore_mem>>) src(%arg18 : memref<128x64xf32, #tpu.memory_space<vmem>>) dst(%dma_wait3A_177 : memref<128x64xf32, #tpu.memory_space<vmem_shared>>)
      %dma_wait3A_178 = arith.constant 0 : i32
      %dma_wait3A_179 = arith.constant 0 : i32
      %dma_wait3A_180 = tpu.memref_slice %arg21[%dma_wait3A_178, %dma_wait3A_179] : memref<10112x64xf32, #tpu.memory_space<vmem_shared>> -> memref<128x64xf32, #tpu.memory_space<vmem_shared>>
      %dma_wait3A_181 = arith.constant 0 : i32
      %dma_wait3A_182 = arith.constant 0 : i32
      %dma_wait3A_183 = tpu.memref_slice %arg21[%dma_wait3A_181, %dma_wait3A_182] : memref<10112x64xf32, #tpu.memory_space<vmem_shared>> -> memref<128x64xf32, #tpu.memory_space<vmem_shared>>
      tpu.wait_dma2 semaphore(%arg26 : memref<!tpu.dma_semaphore, #tpu.memory_space<semaphore_mem>>) src(%arg19 : memref<128x64xf32, #tpu.memory_space<vmem>>) dst(%dma_wait3A_183 : memref<128x64xf32, #tpu.memory_space<vmem_shared>>)
    } else {
    }
    %barrier3A_40 = arith.constant 0 : index
    tpu.barrier barrier_id(%barrier3A_40)
    %eq3A_41 = arith.constant 0 : i32
    %eq3A_42 = arith.cmpi eq, %arg0, %eq3A_41 : i32
    %convert_element_type3A_43 = arith.extui %eq3A_42 : i1 to i32
    %cond3A_44 = arith.constant 0 : i32
    %cond3A_45 = arith.cmpi ne, %convert_element_type3A_43, %cond3A_44 : i32
    scf.if %cond3A_45 {
      "tpu.region"() ({
        %run_scoped3A = tpu.sem_alloc : memref<!tpu.dma_semaphore, #tpu.memory_space<semaphore_mem>>
        %dma_start3A = arith.constant 0 : i32
        %dma_start3A_51 = tpu.memref_slice %arg12[%mul3A_0, %dma_start3A] : memref<10112x64xf32, #tpu.memory_space<hbm>> -> memref<632x64xf32, #tpu.memory_space<hbm>>
        %dma_start3A_52 = arith.constant 0 : i32
        %dma_start3A_53 = tpu.memref_slice %arg21[%mul3A_0, %dma_start3A_52] : memref<10112x64xf32, #tpu.memory_space<vmem_shared>> -> memref<632x64xf32, #tpu.memory_space<vmem_shared>>
        tpu.enqueue_dma source(%dma_start3A_53 : memref<632x64xf32, #tpu.memory_space<vmem_shared>>) target(%dma_start3A_51 : memref<632x64xf32, #tpu.memory_space<hbm>>) target_semaphore(%run_scoped3A : memref<!tpu.dma_semaphore, #tpu.memory_space<semaphore_mem>>)
        %dma_wait3A = arith.constant 0 : i32
        %dma_wait3A_54 = tpu.memref_slice %arg12[%mul3A_0, %dma_wait3A] : memref<10112x64xf32, #tpu.memory_space<hbm>> -> memref<632x64xf32, #tpu.memory_space<hbm>>
        %dma_wait3A_55 = arith.constant 0 : i32
        %dma_wait3A_56 = tpu.memref_slice %arg21[%mul3A_0, %dma_wait3A_55] : memref<10112x64xf32, #tpu.memory_space<vmem_shared>> -> memref<632x64xf32, #tpu.memory_space<vmem_shared>>
        tpu.wait_dma2 semaphore(%run_scoped3A : memref<!tpu.dma_semaphore, #tpu.memory_space<semaphore_mem>>) src(%dma_wait3A_56 : memref<632x64xf32, #tpu.memory_space<vmem_shared>>) dst(%dma_wait3A_54 : memref<632x64xf32, #tpu.memory_space<hbm>>)
        tpu.yield
      }) : () -> ()
    } else {
    }
    %eq3A_46 = arith.constant 1 : i32
    %eq3A_47 = arith.cmpi eq, %arg0, %eq3A_46 : i32
    %convert_element_type3A_48 = arith.extui %eq3A_47 : i1 to i32
    %cond3A_49 = arith.constant 0 : i32
    %cond3A_50 = arith.cmpi ne, %convert_element_type3A_48, %cond3A_49 : i32
    scf.if %cond3A_50 {
      "tpu.region"() ({
        %run_scoped3A = tpu.sem_alloc : memref<!tpu.dma_semaphore, #tpu.memory_space<semaphore_mem>>
        %dma_start3A = arith.constant 0 : i32
        %dma_start3A_51 = tpu.memref_slice %arg14[%mul3A_0, %dma_start3A] : memref<10112x64xf32, #tpu.memory_space<hbm>> -> memref<632x64xf32, #tpu.memory_space<hbm>>
        %dma_start3A_52 = arith.constant 0 : i32
        %dma_start3A_53 = tpu.memref_slice %arg21[%mul3A_0, %dma_start3A_52] : memref<10112x64xf32, #tpu.memory_space<vmem_shared>> -> memref<632x64xf32, #tpu.memory_space<vmem_shared>>
        tpu.enqueue_dma source(%dma_start3A_53 : memref<632x64xf32, #tpu.memory_space<vmem_shared>>) target(%dma_start3A_51 : memref<632x64xf32, #tpu.memory_space<hbm>>) target_semaphore(%run_scoped3A : memref<!tpu.dma_semaphore, #tpu.memory_space<semaphore_mem>>)
        %dma_wait3A = arith.constant 0 : i32
        %dma_wait3A_54 = tpu.memref_slice %arg14[%mul3A_0, %dma_wait3A] : memref<10112x64xf32, #tpu.memory_space<hbm>> -> memref<632x64xf32, #tpu.memory_space<hbm>>
        %dma_wait3A_55 = arith.constant 0 : i32
        %dma_wait3A_56 = tpu.memref_slice %arg21[%mul3A_0, %dma_wait3A_55] : memref<10112x64xf32, #tpu.memory_space<vmem_shared>> -> memref<632x64xf32, #tpu.memory_space<vmem_shared>>
        tpu.wait_dma2 semaphore(%run_scoped3A : memref<!tpu.dma_semaphore, #tpu.memory_space<semaphore_mem>>) src(%dma_wait3A_56 : memref<632x64xf32, #tpu.memory_space<vmem_shared>>) dst(%dma_wait3A_54 : memref<632x64xf32, #tpu.memory_space<hbm>>)
        tpu.yield
      }) : () -> ()
    } else {
    }
    return
  }
}

#map = affine_map<(d0, d1) -> (0, 0)>
#map1 = affine_map<(d0, d1) -> (0, 0, 0)>
module attributes {stable_mosaic.version = 14 : i64} {
  func.func @sc_agg(%arg0: i32, %arg1: i32, %arg2: memref<10000x64xf32, #tpu.memory_space<hbm>>, %arg3: memref<10000x64xf32, #tpu.memory_space<hbm>>, %arg4: memref<10000x64xf32, #tpu.memory_space<hbm>>, %arg5: memref<10000x64xf32, #tpu.memory_space<hbm>>, %arg6: memref<16x158x128xi32, #tpu.memory_space<hbm>>, %arg7: memref<16x158x128xi32, #tpu.memory_space<hbm>>, %arg8: memref<10112x64xf32, #tpu.memory_space<hbm>>, %arg9: memref<10112x64xf32, #tpu.memory_space<hbm>>, %arg10: memref<10112x64xf32, #tpu.memory_space<hbm>>, %arg11: memref<10112x64xf32, #tpu.memory_space<hbm>>, %arg12: memref<10112x64xf32, #tpu.memory_space<hbm>>, %arg13: memref<158x128xi32, #tpu.memory_space<vmem>>, %arg14: memref<158x128xi32, #tpu.memory_space<vmem>>, %arg15: memref<128x64xf32, #tpu.memory_space<vmem>>, %arg16: memref<128x64xf32, #tpu.memory_space<vmem>>, %arg17: memref<128x64xf32, #tpu.memory_space<vmem>>, %arg18: memref<10112x64xf32, #tpu.memory_space<vmem_shared>>, %arg19: memref<!tpu.dma_semaphore, #tpu.memory_space<semaphore_mem>>, %arg20: memref<!tpu.dma_semaphore, #tpu.memory_space<semaphore_mem>>, %arg21: memref<!tpu.dma_semaphore, #tpu.memory_space<semaphore_mem>>, %arg22: memref<!tpu.dma_semaphore, #tpu.memory_space<semaphore_mem>>, %arg23: memref<!tpu.dma_semaphore, #tpu.memory_space<semaphore_mem>>, %arg24: memref<!tpu.dma_semaphore, #tpu.memory_space<semaphore_mem>>) attributes {dimension_semantics = [#tpu.dimension_semantics<core_parallel>, #tpu.dimension_semantics<subcore_parallel>], iteration_bounds = array<i64: 2, 16>, scalar_prefetch = 0 : i64, scratch_operands = 12 : i64, tpu.core_type = #tpu.core_type<sc_vector_subcore>, window_params = [{transform_indices = #map}, {transform_indices = #map}, {transform_indices = #map}, {transform_indices = #map}, {transform_indices = #map1}, {transform_indices = #map1}, {transform_indices = #map}, {transform_indices = #map}, {transform_indices = #map}, {transform_indices = #map}, {transform_indices = #map}]} {
    %mul3A = arith.constant 632 : i32
    %mul3A_0 = arith.muli %arg1, %mul3A : i32
    "tpu.region"() ({
      %run_scoped3A = tpu.sem_alloc : memref<!tpu.dma_semaphore, #tpu.memory_space<semaphore_mem>>
      %dma_start3A = arith.constant 0 : i32
      %dma_start3A_41 = arith.constant 0 : i32
      %dma_start3A_42 = tpu.memref_slice %arg6[%arg1, %dma_start3A, %dma_start3A_41] : memref<16x158x128xi32, #tpu.memory_space<hbm>> -> memref<1x158x128xi32, #tpu.memory_space<hbm>>
      %dma_start3A_43 = tpu.memref_squeeze %dma_start3A_42 : memref<1x158x128xi32, #tpu.memory_space<hbm>> -> memref<158x128xi32, #tpu.memory_space<hbm>>
      %dma_start3A_44 = arith.constant 0 : i32
      %dma_start3A_45 = arith.constant 0 : i32
      %dma_start3A_46 = tpu.memref_slice %arg6[%arg1, %dma_start3A_44, %dma_start3A_45] : memref<16x158x128xi32, #tpu.memory_space<hbm>> -> memref<1x158x128xi32, #tpu.memory_space<hbm>>
      %dma_start3A_47 = tpu.memref_squeeze %dma_start3A_46 : memref<1x158x128xi32, #tpu.memory_space<hbm>> -> memref<158x128xi32, #tpu.memory_space<hbm>>
      tpu.enqueue_dma source(%dma_start3A_47 : memref<158x128xi32, #tpu.memory_space<hbm>>) target(%arg13 : memref<158x128xi32, #tpu.memory_space<vmem>>) target_semaphore(%run_scoped3A : memref<!tpu.dma_semaphore, #tpu.memory_space<semaphore_mem>>)
      %dma_wait3A = arith.constant 0 : i32
      %dma_wait3A_48 = arith.constant 0 : i32
      %dma_wait3A_49 = tpu.memref_slice %arg6[%arg1, %dma_wait3A, %dma_wait3A_48] : memref<16x158x128xi32, #tpu.memory_space<hbm>> -> memref<1x158x128xi32, #tpu.memory_space<hbm>>
      %dma_wait3A_50 = tpu.memref_squeeze %dma_wait3A_49 : memref<1x158x128xi32, #tpu.memory_space<hbm>> -> memref<158x128xi32, #tpu.memory_space<hbm>>
      %dma_wait3A_51 = arith.constant 0 : i32
      %dma_wait3A_52 = arith.constant 0 : i32
      %dma_wait3A_53 = tpu.memref_slice %arg6[%arg1, %dma_wait3A_51, %dma_wait3A_52] : memref<16x158x128xi32, #tpu.memory_space<hbm>> -> memref<1x158x128xi32, #tpu.memory_space<hbm>>
      %dma_wait3A_54 = tpu.memref_squeeze %dma_wait3A_53 : memref<1x158x128xi32, #tpu.memory_space<hbm>> -> memref<158x128xi32, #tpu.memory_space<hbm>>
      tpu.wait_dma2 semaphore(%run_scoped3A : memref<!tpu.dma_semaphore, #tpu.memory_space<semaphore_mem>>) src(%dma_wait3A_54 : memref<158x128xi32, #tpu.memory_space<hbm>>) dst(%arg13 : memref<158x128xi32, #tpu.memory_space<vmem>>)
      tpu.yield
    }) : () -> ()
    "tpu.region"() ({
      %run_scoped3A = tpu.sem_alloc : memref<!tpu.dma_semaphore, #tpu.memory_space<semaphore_mem>>
      %dma_start3A = arith.constant 0 : i32
      %dma_start3A_41 = arith.constant 0 : i32
      %dma_start3A_42 = tpu.memref_slice %arg7[%arg1, %dma_start3A, %dma_start3A_41] : memref<16x158x128xi32, #tpu.memory_space<hbm>> -> memref<1x158x128xi32, #tpu.memory_space<hbm>>
      %dma_start3A_43 = tpu.memref_squeeze %dma_start3A_42 : memref<1x158x128xi32, #tpu.memory_space<hbm>> -> memref<158x128xi32, #tpu.memory_space<hbm>>
      %dma_start3A_44 = arith.constant 0 : i32
      %dma_start3A_45 = arith.constant 0 : i32
      %dma_start3A_46 = tpu.memref_slice %arg7[%arg1, %dma_start3A_44, %dma_start3A_45] : memref<16x158x128xi32, #tpu.memory_space<hbm>> -> memref<1x158x128xi32, #tpu.memory_space<hbm>>
      %dma_start3A_47 = tpu.memref_squeeze %dma_start3A_46 : memref<1x158x128xi32, #tpu.memory_space<hbm>> -> memref<158x128xi32, #tpu.memory_space<hbm>>
      tpu.enqueue_dma source(%dma_start3A_47 : memref<158x128xi32, #tpu.memory_space<hbm>>) target(%arg14 : memref<158x128xi32, #tpu.memory_space<vmem>>) target_semaphore(%run_scoped3A : memref<!tpu.dma_semaphore, #tpu.memory_space<semaphore_mem>>)
      %dma_wait3A = arith.constant 0 : i32
      %dma_wait3A_48 = arith.constant 0 : i32
      %dma_wait3A_49 = tpu.memref_slice %arg7[%arg1, %dma_wait3A, %dma_wait3A_48] : memref<16x158x128xi32, #tpu.memory_space<hbm>> -> memref<1x158x128xi32, #tpu.memory_space<hbm>>
      %dma_wait3A_50 = tpu.memref_squeeze %dma_wait3A_49 : memref<1x158x128xi32, #tpu.memory_space<hbm>> -> memref<158x128xi32, #tpu.memory_space<hbm>>
      %dma_wait3A_51 = arith.constant 0 : i32
      %dma_wait3A_52 = arith.constant 0 : i32
      %dma_wait3A_53 = tpu.memref_slice %arg7[%arg1, %dma_wait3A_51, %dma_wait3A_52] : memref<16x158x128xi32, #tpu.memory_space<hbm>> -> memref<1x158x128xi32, #tpu.memory_space<hbm>>
      %dma_wait3A_54 = tpu.memref_squeeze %dma_wait3A_53 : memref<1x158x128xi32, #tpu.memory_space<hbm>> -> memref<158x128xi32, #tpu.memory_space<hbm>>
      tpu.wait_dma2 semaphore(%run_scoped3A : memref<!tpu.dma_semaphore, #tpu.memory_space<semaphore_mem>>) src(%dma_wait3A_54 : memref<158x128xi32, #tpu.memory_space<hbm>>) dst(%arg14 : memref<158x128xi32, #tpu.memory_space<vmem>>)
      tpu.yield
    }) : () -> ()
    "tpu.region"() ({
      %run_scoped3A = tpu.sem_alloc : memref<!tpu.dma_semaphore, #tpu.memory_space<semaphore_mem>>
      %dma_start3A = arith.constant 0 : i32
      %dma_start3A_41 = tpu.memref_slice %arg18[%mul3A_0, %dma_start3A] : memref<10112x64xf32, #tpu.memory_space<vmem_shared>> -> memref<632x64xf32, #tpu.memory_space<vmem_shared>>
      %dma_start3A_42 = arith.constant 0 : i32
      %dma_start3A_43 = tpu.memref_slice %arg8[%mul3A_0, %dma_start3A_42] : memref<10112x64xf32, #tpu.memory_space<hbm>> -> memref<632x64xf32, #tpu.memory_space<hbm>>
      tpu.enqueue_dma source(%dma_start3A_43 : memref<632x64xf32, #tpu.memory_space<hbm>>) target(%dma_start3A_41 : memref<632x64xf32, #tpu.memory_space<vmem_shared>>) target_semaphore(%run_scoped3A : memref<!tpu.dma_semaphore, #tpu.memory_space<semaphore_mem>>)
      %dma_wait3A = arith.constant 0 : i32
      %dma_wait3A_44 = tpu.memref_slice %arg18[%mul3A_0, %dma_wait3A] : memref<10112x64xf32, #tpu.memory_space<vmem_shared>> -> memref<632x64xf32, #tpu.memory_space<vmem_shared>>
      %dma_wait3A_45 = arith.constant 0 : i32
      %dma_wait3A_46 = tpu.memref_slice %arg8[%mul3A_0, %dma_wait3A_45] : memref<10112x64xf32, #tpu.memory_space<hbm>> -> memref<632x64xf32, #tpu.memory_space<hbm>>
      tpu.wait_dma2 semaphore(%run_scoped3A : memref<!tpu.dma_semaphore, #tpu.memory_space<semaphore_mem>>) src(%dma_wait3A_46 : memref<632x64xf32, #tpu.memory_space<hbm>>) dst(%dma_wait3A_44 : memref<632x64xf32, #tpu.memory_space<vmem_shared>>)
      tpu.yield
    }) : () -> ()
    %barrier3A = arith.constant 0 : index
    tpu.barrier barrier_id(%barrier3A)
    %eq3A = arith.constant 0 : i32
    %eq3A_1 = arith.cmpi eq, %arg0, %eq3A : i32
    %convert_element_type3A = arith.extui %eq3A_1 : i1 to i32
    %cond3A = arith.constant 0 : i32
    %cond3A_2 = arith.cmpi ne, %convert_element_type3A, %cond3A : i32
    scf.if %cond3A_2 {
      %dma_start3A = arith.constant 0 : i32
      %dma_start3A_41 = arith.constant 0 : i32
      %dma_start3A_42 = tpu.memref_slice %arg13[%dma_start3A, %dma_start3A_41] : memref<158x128xi32, #tpu.memory_space<vmem>> -> memref<1x128xi32, #tpu.memory_space<vmem>>
      %dma_start3A_43 = tpu.memref_squeeze %dma_start3A_42 : memref<1x128xi32, #tpu.memory_space<vmem>> -> memref<128xi32, #tpu.memory_space<vmem>>
      %dma_start3A_44 = arith.constant 0 : i32
      %dma_start3A_45 = arith.constant 0 : i32
      %dma_start3A_46 = tpu.memref_slice %arg2[%dma_start3A_44, %dma_start3A_45] : memref<10000x64xf32, #tpu.memory_space<hbm>> -> memref<10000x64xf32, #tpu.memory_space<hbm>>
      tpu.enqueue_indirect_dma source(%dma_start3A_46 : memref<10000x64xf32, #tpu.memory_space<hbm>>) target(%arg15 : memref<128x64xf32, #tpu.memory_space<vmem>>) offsets(%dma_start3A_43 : memref<128xi32, #tpu.memory_space<vmem>>) semaphore(%arg19 : memref<!tpu.dma_semaphore, #tpu.memory_space<semaphore_mem>>)
      %dma_start3A_47 = arith.constant 1 : i32
      %dma_start3A_48 = arith.constant 0 : i32
      %dma_start3A_49 = tpu.memref_slice %arg13[%dma_start3A_47, %dma_start3A_48] : memref<158x128xi32, #tpu.memory_space<vmem>> -> memref<1x128xi32, #tpu.memory_space<vmem>>
      %dma_start3A_50 = tpu.memref_squeeze %dma_start3A_49 : memref<1x128xi32, #tpu.memory_space<vmem>> -> memref<128xi32, #tpu.memory_space<vmem>>
      %dma_start3A_51 = arith.constant 0 : i32
      %dma_start3A_52 = arith.constant 0 : i32
      %dma_start3A_53 = tpu.memref_slice %arg2[%dma_start3A_51, %dma_start3A_52] : memref<10000x64xf32, #tpu.memory_space<hbm>> -> memref<10000x64xf32, #tpu.memory_space<hbm>>
      tpu.enqueue_indirect_dma source(%dma_start3A_53 : memref<10000x64xf32, #tpu.memory_space<hbm>>) target(%arg16 : memref<128x64xf32, #tpu.memory_space<vmem>>) offsets(%dma_start3A_50 : memref<128xi32, #tpu.memory_space<vmem>>) semaphore(%arg20 : memref<!tpu.dma_semaphore, #tpu.memory_space<semaphore_mem>>)
      %dma_wait3A = arith.constant 0 : i32
      %dma_wait3A_54 = arith.constant 0 : i32
      %dma_wait3A_55 = tpu.memref_slice %arg2[%dma_wait3A, %dma_wait3A_54] : memref<10000x64xf32, #tpu.memory_space<hbm>> -> memref<128x64xf32, #tpu.memory_space<hbm>>
      %dma_wait3A_56 = arith.constant 0 : i32
      %dma_wait3A_57 = arith.constant 0 : i32
      %dma_wait3A_58 = tpu.memref_slice %arg2[%dma_wait3A_56, %dma_wait3A_57] : memref<10000x64xf32, #tpu.memory_space<hbm>> -> memref<128x64xf32, #tpu.memory_space<hbm>>
      tpu.wait_dma2 semaphore(%arg19 : memref<!tpu.dma_semaphore, #tpu.memory_space<semaphore_mem>>) src(%dma_wait3A_58 : memref<128x64xf32, #tpu.memory_space<hbm>>) dst(%arg15 : memref<128x64xf32, #tpu.memory_space<vmem>>)
      %dma_start3A_59 = arith.constant 0 : i32
      %dma_start3A_60 = arith.constant 0 : i32
      %dma_start3A_61 = tpu.memref_slice %arg14[%dma_start3A_59, %dma_start3A_60] : memref<158x128xi32, #tpu.memory_space<vmem>> -> memref<1x128xi32, #tpu.memory_space<vmem>>
      %dma_start3A_62 = tpu.memref_squeeze %dma_start3A_61 : memref<1x128xi32, #tpu.memory_space<vmem>> -> memref<128xi32, #tpu.memory_space<vmem>>
      %dma_start3A_63 = arith.constant 0 : i32
      %dma_start3A_64 = arith.constant 0 : i32
      %dma_start3A_65 = tpu.memref_slice %arg18[%dma_start3A_63, %dma_start3A_64] : memref<10112x64xf32, #tpu.memory_space<vmem_shared>> -> memref<10112x64xf32, #tpu.memory_space<vmem_shared>>
      tpu.enqueue_indirect_dma source(%arg15 : memref<128x64xf32, #tpu.memory_space<vmem>>) target(%dma_start3A_65 : memref<10112x64xf32, #tpu.memory_space<vmem_shared>>) offsets(%dma_start3A_62 : memref<128xi32, #tpu.memory_space<vmem>>) semaphore(%arg22 : memref<!tpu.dma_semaphore, #tpu.memory_space<semaphore_mem>>) {add = true}
      %dma_start3A_66 = arith.constant 2 : i32
      %dma_start3A_67 = arith.constant 0 : i32
      %dma_start3A_68 = tpu.memref_slice %arg13[%dma_start3A_66, %dma_start3A_67] : memref<158x128xi32, #tpu.memory_space<vmem>> -> memref<1x128xi32, #tpu.memory_space<vmem>>
      %dma_start3A_69 = tpu.memref_squeeze %dma_start3A_68 : memref<1x128xi32, #tpu.memory_space<vmem>> -> memref<128xi32, #tpu.memory_space<vmem>>
      %dma_start3A_70 = arith.constant 0 : i32
      %dma_start3A_71 = arith.constant 0 : i32
      %dma_start3A_72 = tpu.memref_slice %arg2[%dma_start3A_70, %dma_start3A_71] : memref<10000x64xf32, #tpu.memory_space<hbm>> -> memref<10000x64xf32, #tpu.memory_space<hbm>>
      tpu.enqueue_indirect_dma source(%dma_start3A_72 : memref<10000x64xf32, #tpu.memory_space<hbm>>) target(%arg17 : memref<128x64xf32, #tpu.memory_space<vmem>>) offsets(%dma_start3A_69 : memref<128xi32, #tpu.memory_space<vmem>>) semaphore(%arg21 : memref<!tpu.dma_semaphore, #tpu.memory_space<semaphore_mem>>)
      %dma_wait3A_73 = arith.constant 0 : i32
      %dma_wait3A_74 = arith.constant 0 : i32
      %dma_wait3A_75 = tpu.memref_slice %arg2[%dma_wait3A_73, %dma_wait3A_74] : memref<10000x64xf32, #tpu.memory_space<hbm>> -> memref<128x64xf32, #tpu.memory_space<hbm>>
      %dma_wait3A_76 = arith.constant 0 : i32
      %dma_wait3A_77 = arith.constant 0 : i32
      %dma_wait3A_78 = tpu.memref_slice %arg2[%dma_wait3A_76, %dma_wait3A_77] : memref<10000x64xf32, #tpu.memory_space<hbm>> -> memref<128x64xf32, #tpu.memory_space<hbm>>
      tpu.wait_dma2 semaphore(%arg20 : memref<!tpu.dma_semaphore, #tpu.memory_space<semaphore_mem>>) src(%dma_wait3A_78 : memref<128x64xf32, #tpu.memory_space<hbm>>) dst(%arg16 : memref<128x64xf32, #tpu.memory_space<vmem>>)
      %dma_start3A_79 = arith.constant 1 : i32
      %dma_start3A_80 = arith.constant 0 : i32
      %dma_start3A_81 = tpu.memref_slice %arg14[%dma_start3A_79, %dma_start3A_80] : memref<158x128xi32, #tpu.memory_space<vmem>> -> memref<1x128xi32, #tpu.memory_space<vmem>>
      %dma_start3A_82 = tpu.memref_squeeze %dma_start3A_81 : memref<1x128xi32, #tpu.memory_space<vmem>> -> memref<128xi32, #tpu.memory_space<vmem>>
      %dma_start3A_83 = arith.constant 0 : i32
      %dma_start3A_84 = arith.constant 0 : i32
      %dma_start3A_85 = tpu.memref_slice %arg18[%dma_start3A_83, %dma_start3A_84] : memref<10112x64xf32, #tpu.memory_space<vmem_shared>> -> memref<10112x64xf32, #tpu.memory_space<vmem_shared>>
      tpu.enqueue_indirect_dma source(%arg16 : memref<128x64xf32, #tpu.memory_space<vmem>>) target(%dma_start3A_85 : memref<10112x64xf32, #tpu.memory_space<vmem_shared>>) offsets(%dma_start3A_82 : memref<128xi32, #tpu.memory_space<vmem>>) semaphore(%arg23 : memref<!tpu.dma_semaphore, #tpu.memory_space<semaphore_mem>>) {add = true}
      %dma_wait3A_86 = arith.constant 0 : i32
      %dma_wait3A_87 = arith.constant 0 : i32
      %dma_wait3A_88 = tpu.memref_slice %arg18[%dma_wait3A_86, %dma_wait3A_87] : memref<10112x64xf32, #tpu.memory_space<vmem_shared>> -> memref<128x64xf32, #tpu.memory_space<vmem_shared>>
      %dma_wait3A_89 = arith.constant 0 : i32
      %dma_wait3A_90 = arith.constant 0 : i32
      %dma_wait3A_91 = tpu.memref_slice %arg18[%dma_wait3A_89, %dma_wait3A_90] : memref<10112x64xf32, #tpu.memory_space<vmem_shared>> -> memref<128x64xf32, #tpu.memory_space<vmem_shared>>
      tpu.wait_dma2 semaphore(%arg22 : memref<!tpu.dma_semaphore, #tpu.memory_space<semaphore_mem>>) src(%arg15 : memref<128x64xf32, #tpu.memory_space<vmem>>) dst(%dma_wait3A_91 : memref<128x64xf32, #tpu.memory_space<vmem_shared>>)
      %dma_start3A_92 = arith.constant 3 : i32
      %dma_start3A_93 = arith.constant 0 : i32
      %dma_start3A_94 = tpu.memref_slice %arg13[%dma_start3A_92, %dma_start3A_93] : memref<158x128xi32, #tpu.memory_space<vmem>> -> memref<1x128xi32, #tpu.memory_space<vmem>>
      %dma_start3A_95 = tpu.memref_squeeze %dma_start3A_94 : memref<1x128xi32, #tpu.memory_space<vmem>> -> memref<128xi32, #tpu.memory_space<vmem>>
      %dma_start3A_96 = arith.constant 0 : i32
      %dma_start3A_97 = arith.constant 0 : i32
      %dma_start3A_98 = tpu.memref_slice %arg2[%dma_start3A_96, %dma_start3A_97] : memref<10000x64xf32, #tpu.memory_space<hbm>> -> memref<10000x64xf32, #tpu.memory_space<hbm>>
      tpu.enqueue_indirect_dma source(%dma_start3A_98 : memref<10000x64xf32, #tpu.memory_space<hbm>>) target(%arg15 : memref<128x64xf32, #tpu.memory_space<vmem>>) offsets(%dma_start3A_95 : memref<128xi32, #tpu.memory_space<vmem>>) semaphore(%arg19 : memref<!tpu.dma_semaphore, #tpu.memory_space<semaphore_mem>>)
      %scan3A = arith.constant 0 : i32
      %scan3A_99 = arith.constant 0 : i32
      %scan3A_100 = arith.constant 51 : i32
      %scan3A_101 = arith.addi %scan3A_99, %scan3A_100 : i32
      %scan3A_102 = arith.constant 1 : i32
      scf.for %scan3A_174 = %scan3A_99 to %scan3A_101 step %scan3A_102  : i32 {
        %mul3A_175 = arith.constant 3 : i32
        %mul3A_176 = arith.muli %mul3A_175, %scan3A_174 : i32
        %add3A = arith.constant 2 : i32
        %add3A_177 = arith.addi %mul3A_176, %add3A : i32
        %dma_wait3A_178 = arith.constant 0 : i32
        %dma_wait3A_179 = arith.constant 0 : i32
        %dma_wait3A_180 = tpu.memref_slice %arg2[%dma_wait3A_178, %dma_wait3A_179] : memref<10000x64xf32, #tpu.memory_space<hbm>> -> memref<128x64xf32, #tpu.memory_space<hbm>>
        %dma_wait3A_181 = arith.constant 0 : i32
        %dma_wait3A_182 = arith.constant 0 : i32
        %dma_wait3A_183 = tpu.memref_slice %arg2[%dma_wait3A_181, %dma_wait3A_182] : memref<10000x64xf32, #tpu.memory_space<hbm>> -> memref<128x64xf32, #tpu.memory_space<hbm>>
        tpu.wait_dma2 semaphore(%arg21 : memref<!tpu.dma_semaphore, #tpu.memory_space<semaphore_mem>>) src(%dma_wait3A_183 : memref<128x64xf32, #tpu.memory_space<hbm>>) dst(%arg17 : memref<128x64xf32, #tpu.memory_space<vmem>>)
        %add3A_184 = arith.constant 0 : i32
        %add3A_185 = arith.addi %add3A_177, %add3A_184 : i32
        %dma_start3A_186 = arith.constant 0 : i32
        %dma_start3A_187 = tpu.memref_slice %arg14[%add3A_185, %dma_start3A_186] : memref<158x128xi32, #tpu.memory_space<vmem>> -> memref<1x128xi32, #tpu.memory_space<vmem>>
        %dma_start3A_188 = tpu.memref_squeeze %dma_start3A_187 : memref<1x128xi32, #tpu.memory_space<vmem>> -> memref<128xi32, #tpu.memory_space<vmem>>
        %dma_start3A_189 = arith.constant 0 : i32
        %dma_start3A_190 = arith.constant 0 : i32
        %dma_start3A_191 = tpu.memref_slice %arg18[%dma_start3A_189, %dma_start3A_190] : memref<10112x64xf32, #tpu.memory_space<vmem_shared>> -> memref<10112x64xf32, #tpu.memory_space<vmem_shared>>
        tpu.enqueue_indirect_dma source(%arg17 : memref<128x64xf32, #tpu.memory_space<vmem>>) target(%dma_start3A_191 : memref<10112x64xf32, #tpu.memory_space<vmem_shared>>) offsets(%dma_start3A_188 : memref<128xi32, #tpu.memory_space<vmem>>) semaphore(%arg24 : memref<!tpu.dma_semaphore, #tpu.memory_space<semaphore_mem>>) {add = true}
        %dma_wait3A_192 = arith.constant 0 : i32
        %dma_wait3A_193 = arith.constant 0 : i32
        %dma_wait3A_194 = tpu.memref_slice %arg18[%dma_wait3A_192, %dma_wait3A_193] : memref<10112x64xf32, #tpu.memory_space<vmem_shared>> -> memref<128x64xf32, #tpu.memory_space<vmem_shared>>
        %dma_wait3A_195 = arith.constant 0 : i32
        %dma_wait3A_196 = arith.constant 0 : i32
        %dma_wait3A_197 = tpu.memref_slice %arg18[%dma_wait3A_195, %dma_wait3A_196] : memref<10112x64xf32, #tpu.memory_space<vmem_shared>> -> memref<128x64xf32, #tpu.memory_space<vmem_shared>>
        tpu.wait_dma2 semaphore(%arg23 : memref<!tpu.dma_semaphore, #tpu.memory_space<semaphore_mem>>) src(%arg16 : memref<128x64xf32, #tpu.memory_space<vmem>>) dst(%dma_wait3A_197 : memref<128x64xf32, #tpu.memory_space<vmem_shared>>)
        %add3A_198 = arith.constant 0 : i32
        %add3A_199 = arith.addi %add3A_177, %add3A_198 : i32
        %add3A_200 = arith.constant 2 : i32
        %add3A_201 = arith.addi %add3A_199, %add3A_200 : i32
        %dma_start3A_202 = arith.constant 0 : i32
        %dma_start3A_203 = tpu.memref_slice %arg13[%add3A_201, %dma_start3A_202] : memref<158x128xi32, #tpu.memory_space<vmem>> -> memref<1x128xi32, #tpu.memory_space<vmem>>
        %dma_start3A_204 = tpu.memref_squeeze %dma_start3A_203 : memref<1x128xi32, #tpu.memory_space<vmem>> -> memref<128xi32, #tpu.memory_space<vmem>>
        %dma_start3A_205 = arith.constant 0 : i32
        %dma_start3A_206 = arith.constant 0 : i32
        %dma_start3A_207 = tpu.memref_slice %arg2[%dma_start3A_205, %dma_start3A_206] : memref<10000x64xf32, #tpu.memory_space<hbm>> -> memref<10000x64xf32, #tpu.memory_space<hbm>>
        tpu.enqueue_indirect_dma source(%dma_start3A_207 : memref<10000x64xf32, #tpu.memory_space<hbm>>) target(%arg16 : memref<128x64xf32, #tpu.memory_space<vmem>>) offsets(%dma_start3A_204 : memref<128xi32, #tpu.memory_space<vmem>>) semaphore(%arg20 : memref<!tpu.dma_semaphore, #tpu.memory_space<semaphore_mem>>)
        %dma_wait3A_208 = arith.constant 0 : i32
        %dma_wait3A_209 = arith.constant 0 : i32
        %dma_wait3A_210 = tpu.memref_slice %arg2[%dma_wait3A_208, %dma_wait3A_209] : memref<10000x64xf32, #tpu.memory_space<hbm>> -> memref<128x64xf32, #tpu.memory_space<hbm>>
        %dma_wait3A_211 = arith.constant 0 : i32
        %dma_wait3A_212 = arith.constant 0 : i32
        %dma_wait3A_213 = tpu.memref_slice %arg2[%dma_wait3A_211, %dma_wait3A_212] : memref<10000x64xf32, #tpu.memory_space<hbm>> -> memref<128x64xf32, #tpu.memory_space<hbm>>
        tpu.wait_dma2 semaphore(%arg19 : memref<!tpu.dma_semaphore, #tpu.memory_space<semaphore_mem>>) src(%dma_wait3A_213 : memref<128x64xf32, #tpu.memory_space<hbm>>) dst(%arg15 : memref<128x64xf32, #tpu.memory_space<vmem>>)
        %add3A_214 = arith.constant 1 : i32
        %add3A_215 = arith.addi %add3A_177, %add3A_214 : i32
        %dma_start3A_216 = arith.constant 0 : i32
        %dma_start3A_217 = tpu.memref_slice %arg14[%add3A_215, %dma_start3A_216] : memref<158x128xi32, #tpu.memory_space<vmem>> -> memref<1x128xi32, #tpu.memory_space<vmem>>
        %dma_start3A_218 = tpu.memref_squeeze %dma_start3A_217 : memref<1x128xi32, #tpu.memory_space<vmem>> -> memref<128xi32, #tpu.memory_space<vmem>>
        %dma_start3A_219 = arith.constant 0 : i32
        %dma_start3A_220 = arith.constant 0 : i32
        %dma_start3A_221 = tpu.memref_slice %arg18[%dma_start3A_219, %dma_start3A_220] : memref<10112x64xf32, #tpu.memory_space<vmem_shared>> -> memref<10112x64xf32, #tpu.memory_space<vmem_shared>>
        tpu.enqueue_indirect_dma source(%arg15 : memref<128x64xf32, #tpu.memory_space<vmem>>) target(%dma_start3A_221 : memref<10112x64xf32, #tpu.memory_space<vmem_shared>>) offsets(%dma_start3A_218 : memref<128xi32, #tpu.memory_space<vmem>>) semaphore(%arg22 : memref<!tpu.dma_semaphore, #tpu.memory_space<semaphore_mem>>) {add = true}
        %dma_wait3A_222 = arith.constant 0 : i32
        %dma_wait3A_223 = arith.constant 0 : i32
        %dma_wait3A_224 = tpu.memref_slice %arg18[%dma_wait3A_222, %dma_wait3A_223] : memref<10112x64xf32, #tpu.memory_space<vmem_shared>> -> memref<128x64xf32, #tpu.memory_space<vmem_shared>>
        %dma_wait3A_225 = arith.constant 0 : i32
        %dma_wait3A_226 = arith.constant 0 : i32
        %dma_wait3A_227 = tpu.memref_slice %arg18[%dma_wait3A_225, %dma_wait3A_226] : memref<10112x64xf32, #tpu.memory_space<vmem_shared>> -> memref<128x64xf32, #tpu.memory_space<vmem_shared>>
        tpu.wait_dma2 semaphore(%arg24 : memref<!tpu.dma_semaphore, #tpu.memory_space<semaphore_mem>>) src(%arg17 : memref<128x64xf32, #tpu.memory_space<vmem>>) dst(%dma_wait3A_227 : memref<128x64xf32, #tpu.memory_space<vmem_shared>>)
        %add3A_228 = arith.constant 1 : i32
        %add3A_229 = arith.addi %add3A_177, %add3A_228 : i32
        %add3A_230 = arith.constant 2 : i32
        %add3A_231 = arith.addi %add3A_229, %add3A_230 : i32
        %dma_start3A_232 = arith.constant 0 : i32
        %dma_start3A_233 = tpu.memref_slice %arg13[%add3A_231, %dma_start3A_232] : memref<158x128xi32, #tpu.memory_space<vmem>> -> memref<1x128xi32, #tpu.memory_space<vmem>>
        %dma_start3A_234 = tpu.memref_squeeze %dma_start3A_233 : memref<1x128xi32, #tpu.memory_space<vmem>> -> memref<128xi32, #tpu.memory_space<vmem>>
        %dma_start3A_235 = arith.constant 0 : i32
        %dma_start3A_236 = arith.constant 0 : i32
        %dma_start3A_237 = tpu.memref_slice %arg2[%dma_start3A_235, %dma_start3A_236] : memref<10000x64xf32, #tpu.memory_space<hbm>> -> memref<10000x64xf32, #tpu.memory_space<hbm>>
        tpu.enqueue_indirect_dma source(%dma_start3A_237 : memref<10000x64xf32, #tpu.memory_space<hbm>>) target(%arg17 : memref<128x64xf32, #tpu.memory_space<vmem>>) offsets(%dma_start3A_234 : memref<128xi32, #tpu.memory_space<vmem>>) semaphore(%arg21 : memref<!tpu.dma_semaphore, #tpu.memory_space<semaphore_mem>>)
        %dma_wait3A_238 = arith.constant 0 : i32
        %dma_wait3A_239 = arith.constant 0 : i32
        %dma_wait3A_240 = tpu.memref_slice %arg2[%dma_wait3A_238, %dma_wait3A_239] : memref<10000x64xf32, #tpu.memory_space<hbm>> -> memref<128x64xf32, #tpu.memory_space<hbm>>
        %dma_wait3A_241 = arith.constant 0 : i32
        %dma_wait3A_242 = arith.constant 0 : i32
        %dma_wait3A_243 = tpu.memref_slice %arg2[%dma_wait3A_241, %dma_wait3A_242] : memref<10000x64xf32, #tpu.memory_space<hbm>> -> memref<128x64xf32, #tpu.memory_space<hbm>>
        tpu.wait_dma2 semaphore(%arg20 : memref<!tpu.dma_semaphore, #tpu.memory_space<semaphore_mem>>) src(%dma_wait3A_243 : memref<128x64xf32, #tpu.memory_space<hbm>>) dst(%arg16 : memref<128x64xf32, #tpu.memory_space<vmem>>)
        %add3A_244 = arith.constant 2 : i32
        %add3A_245 = arith.addi %add3A_177, %add3A_244 : i32
        %dma_start3A_246 = arith.constant 0 : i32
        %dma_start3A_247 = tpu.memref_slice %arg14[%add3A_245, %dma_start3A_246] : memref<158x128xi32, #tpu.memory_space<vmem>> -> memref<1x128xi32, #tpu.memory_space<vmem>>
        %dma_start3A_248 = tpu.memref_squeeze %dma_start3A_247 : memref<1x128xi32, #tpu.memory_space<vmem>> -> memref<128xi32, #tpu.memory_space<vmem>>
        %dma_start3A_249 = arith.constant 0 : i32
        %dma_start3A_250 = arith.constant 0 : i32
        %dma_start3A_251 = tpu.memref_slice %arg18[%dma_start3A_249, %dma_start3A_250] : memref<10112x64xf32, #tpu.memory_space<vmem_shared>> -> memref<10112x64xf32, #tpu.memory_space<vmem_shared>>
        tpu.enqueue_indirect_dma source(%arg16 : memref<128x64xf32, #tpu.memory_space<vmem>>) target(%dma_start3A_251 : memref<10112x64xf32, #tpu.memory_space<vmem_shared>>) offsets(%dma_start3A_248 : memref<128xi32, #tpu.memory_space<vmem>>) semaphore(%arg23 : memref<!tpu.dma_semaphore, #tpu.memory_space<semaphore_mem>>) {add = true}
        %dma_wait3A_252 = arith.constant 0 : i32
        %dma_wait3A_253 = arith.constant 0 : i32
        %dma_wait3A_254 = tpu.memref_slice %arg18[%dma_wait3A_252, %dma_wait3A_253] : memref<10112x64xf32, #tpu.memory_space<vmem_shared>> -> memref<128x64xf32, #tpu.memory_space<vmem_shared>>
        %dma_wait3A_255 = arith.constant 0 : i32
        %dma_wait3A_256 = arith.constant 0 : i32
        %dma_wait3A_257 = tpu.memref_slice %arg18[%dma_wait3A_255, %dma_wait3A_256] : memref<10112x64xf32, #tpu.memory_space<vmem_shared>> -> memref<128x64xf32, #tpu.memory_space<vmem_shared>>
        tpu.wait_dma2 semaphore(%arg22 : memref<!tpu.dma_semaphore, #tpu.memory_space<semaphore_mem>>) src(%arg15 : memref<128x64xf32, #tpu.memory_space<vmem>>) dst(%dma_wait3A_257 : memref<128x64xf32, #tpu.memory_space<vmem_shared>>)
        %add3A_258 = arith.constant 2 : i32
        %add3A_259 = arith.addi %add3A_177, %add3A_258 : i32
        %add3A_260 = arith.constant 2 : i32
        %add3A_261 = arith.addi %add3A_259, %add3A_260 : i32
        %dma_start3A_262 = arith.constant 0 : i32
        %dma_start3A_263 = tpu.memref_slice %arg13[%add3A_261, %dma_start3A_262] : memref<158x128xi32, #tpu.memory_space<vmem>> -> memref<1x128xi32, #tpu.memory_space<vmem>>
        %dma_start3A_264 = tpu.memref_squeeze %dma_start3A_263 : memref<1x128xi32, #tpu.memory_space<vmem>> -> memref<128xi32, #tpu.memory_space<vmem>>
        %dma_start3A_265 = arith.constant 0 : i32
        %dma_start3A_266 = arith.constant 0 : i32
        %dma_start3A_267 = tpu.memref_slice %arg2[%dma_start3A_265, %dma_start3A_266] : memref<10000x64xf32, #tpu.memory_space<hbm>> -> memref<10000x64xf32, #tpu.memory_space<hbm>>
        tpu.enqueue_indirect_dma source(%dma_start3A_267 : memref<10000x64xf32, #tpu.memory_space<hbm>>) target(%arg15 : memref<128x64xf32, #tpu.memory_space<vmem>>) offsets(%dma_start3A_264 : memref<128xi32, #tpu.memory_space<vmem>>) semaphore(%arg19 : memref<!tpu.dma_semaphore, #tpu.memory_space<semaphore_mem>>)
      }
      %scan3A_103 = arith.constant 51 : i32
      %dma_wait3A_104 = arith.constant 0 : i32
      %dma_wait3A_105 = arith.constant 0 : i32
      %dma_wait3A_106 = tpu.memref_slice %arg2[%dma_wait3A_104, %dma_wait3A_105] : memref<10000x64xf32, #tpu.memory_space<hbm>> -> memref<128x64xf32, #tpu.memory_space<hbm>>
      %dma_wait3A_107 = arith.constant 0 : i32
      %dma_wait3A_108 = arith.constant 0 : i32
      %dma_wait3A_109 = tpu.memref_slice %arg2[%dma_wait3A_107, %dma_wait3A_108] : memref<10000x64xf32, #tpu.memory_space<hbm>> -> memref<128x64xf32, #tpu.memory_space<hbm>>
      tpu.wait_dma2 semaphore(%arg21 : memref<!tpu.dma_semaphore, #tpu.memory_space<semaphore_mem>>) src(%dma_wait3A_109 : memref<128x64xf32, #tpu.memory_space<hbm>>) dst(%arg17 : memref<128x64xf32, #tpu.memory_space<vmem>>)
      %dma_start3A_110 = arith.constant 155 : i32
      %dma_start3A_111 = arith.constant 0 : i32
      %dma_start3A_112 = tpu.memref_slice %arg14[%dma_start3A_110, %dma_start3A_111] : memref<158x128xi32, #tpu.memory_space<vmem>> -> memref<1x128xi32, #tpu.memory_space<vmem>>
      %dma_start3A_113 = tpu.memref_squeeze %dma_start3A_112 : memref<1x128xi32, #tpu.memory_space<vmem>> -> memref<128xi32, #tpu.memory_space<vmem>>
      %dma_start3A_114 = arith.constant 0 : i32
      %dma_start3A_115 = arith.constant 0 : i32
      %dma_start3A_116 = tpu.memref_slice %arg18[%dma_start3A_114, %dma_start3A_115] : memref<10112x64xf32, #tpu.memory_space<vmem_shared>> -> memref<10112x64xf32, #tpu.memory_space<vmem_shared>>
      tpu.enqueue_indirect_dma source(%arg17 : memref<128x64xf32, #tpu.memory_space<vmem>>) target(%dma_start3A_116 : memref<10112x64xf32, #tpu.memory_space<vmem_shared>>) offsets(%dma_start3A_113 : memref<128xi32, #tpu.memory_space<vmem>>) semaphore(%arg24 : memref<!tpu.dma_semaphore, #tpu.memory_space<semaphore_mem>>) {add = true}
      %dma_wait3A_117 = arith.constant 0 : i32
      %dma_wait3A_118 = arith.constant 0 : i32
      %dma_wait3A_119 = tpu.memref_slice %arg18[%dma_wait3A_117, %dma_wait3A_118] : memref<10112x64xf32, #tpu.memory_space<vmem_shared>> -> memref<128x64xf32, #tpu.memory_space<vmem_shared>>
      %dma_wait3A_120 = arith.constant 0 : i32
      %dma_wait3A_121 = arith.constant 0 : i32
      %dma_wait3A_122 = tpu.memref_slice %arg18[%dma_wait3A_120, %dma_wait3A_121] : memref<10112x64xf32, #tpu.memory_space<vmem_shared>> -> memref<128x64xf32, #tpu.memory_space<vmem_shared>>
      tpu.wait_dma2 semaphore(%arg23 : memref<!tpu.dma_semaphore, #tpu.memory_space<semaphore_mem>>) src(%arg16 : memref<128x64xf32, #tpu.memory_space<vmem>>) dst(%dma_wait3A_122 : memref<128x64xf32, #tpu.memory_space<vmem_shared>>)
      %dma_start3A_123 = arith.constant 157 : i32
      %dma_start3A_124 = arith.constant 0 : i32
      %dma_start3A_125 = tpu.memref_slice %arg13[%dma_start3A_123, %dma_start3A_124] : memref<158x128xi32, #tpu.memory_space<vmem>> -> memref<1x128xi32, #tpu.memory_space<vmem>>
      %dma_start3A_126 = tpu.memref_squeeze %dma_start3A_125 : memref<1x128xi32, #tpu.memory_space<vmem>> -> memref<128xi32, #tpu.memory_space<vmem>>
      %dma_start3A_127 = arith.constant 0 : i32
      %dma_start3A_128 = arith.constant 0 : i32
      %dma_start3A_129 = tpu.memref_slice %arg2[%dma_start3A_127, %dma_start3A_128] : memref<10000x64xf32, #tpu.memory_space<hbm>> -> memref<10000x64xf32, #tpu.memory_space<hbm>>
      tpu.enqueue_indirect_dma source(%dma_start3A_129 : memref<10000x64xf32, #tpu.memory_space<hbm>>) target(%arg16 : memref<128x64xf32, #tpu.memory_space<vmem>>) offsets(%dma_start3A_126 : memref<128xi32, #tpu.memory_space<vmem>>) semaphore(%arg20 : memref<!tpu.dma_semaphore, #tpu.memory_space<semaphore_mem>>)
      %dma_wait3A_130 = arith.constant 0 : i32
      %dma_wait3A_131 = arith.constant 0 : i32
      %dma_wait3A_132 = tpu.memref_slice %arg2[%dma_wait3A_130, %dma_wait3A_131] : memref<10000x64xf32, #tpu.memory_space<hbm>> -> memref<128x64xf32, #tpu.memory_space<hbm>>
      %dma_wait3A_133 = arith.constant 0 : i32
      %dma_wait3A_134 = arith.constant 0 : i32
      %dma_wait3A_135 = tpu.memref_slice %arg2[%dma_wait3A_133, %dma_wait3A_134] : memref<10000x64xf32, #tpu.memory_space<hbm>> -> memref<128x64xf32, #tpu.memory_space<hbm>>
      tpu.wait_dma2 semaphore(%arg19 : memref<!tpu.dma_semaphore, #tpu.memory_space<semaphore_mem>>) src(%dma_wait3A_135 : memref<128x64xf32, #tpu.memory_space<hbm>>) dst(%arg15 : memref<128x64xf32, #tpu.memory_space<vmem>>)
      %dma_start3A_136 = arith.constant 156 : i32
      %dma_start3A_137 = arith.constant 0 : i32
      %dma_start3A_138 = tpu.memref_slice %arg14[%dma_start3A_136, %dma_start3A_137] : memref<158x128xi32, #tpu.memory_space<vmem>> -> memref<1x128xi32, #tpu.memory_space<vmem>>
      %dma_start3A_139 = tpu.memref_squeeze %dma_start3A_138 : memref<1x128xi32, #tpu.memory_space<vmem>> -> memref<128xi32, #tpu.memory_space<vmem>>
      %dma_start3A_140 = arith.constant 0 : i32
      %dma_start3A_141 = arith.constant 0 : i32
      %dma_start3A_142 = tpu.memref_slice %arg18[%dma_start3A_140, %dma_start3A_141] : memref<10112x64xf32, #tpu.memory_space<vmem_shared>> -> memref<10112x64xf32, #tpu.memory_space<vmem_shared>>
      tpu.enqueue_indirect_dma source(%arg15 : memref<128x64xf32, #tpu.memory_space<vmem>>) target(%dma_start3A_142 : memref<10112x64xf32, #tpu.memory_space<vmem_shared>>) offsets(%dma_start3A_139 : memref<128xi32, #tpu.memory_space<vmem>>) semaphore(%arg22 : memref<!tpu.dma_semaphore, #tpu.memory_space<semaphore_mem>>) {add = true}
      %dma_wait3A_143 = arith.constant 0 : i32
      %dma_wait3A_144 = arith.constant 0 : i32
      %dma_wait3A_145 = tpu.memref_slice %arg2[%dma_wait3A_143, %dma_wait3A_144] : memref<10000x64xf32, #tpu.memory_space<hbm>> -> memref<128x64xf32, #tpu.memory_space<hbm>>
      %dma_wait3A_146 = arith.constant 0 : i32
      %dma_wait3A_147 = arith.constant 0 : i32
      %dma_wait3A_148 = tpu.memref_slice %arg2[%dma_wait3A_146, %dma_wait3A_147] : memref<10000x64xf32, #tpu.memory_space<hbm>> -> memref<128x64xf32, #tpu.memory_space<hbm>>
      tpu.wait_dma2 semaphore(%arg20 : memref<!tpu.dma_semaphore, #tpu.memory_space<semaphore_mem>>) src(%dma_wait3A_148 : memref<128x64xf32, #tpu.memory_space<hbm>>) dst(%arg16 : memref<128x64xf32, #tpu.memory_space<vmem>>)
      %dma_start3A_149 = arith.constant 157 : i32
      %dma_start3A_150 = arith.constant 0 : i32
      %dma_start3A_151 = tpu.memref_slice %arg14[%dma_start3A_149, %dma_start3A_150] : memref<158x128xi32, #tpu.memory_space<vmem>> -> memref<1x128xi32, #tpu.memory_space<vmem>>
      %dma_start3A_152 = tpu.memref_squeeze %dma_start3A_151 : memref<1x128xi32, #tpu.memory_space<vmem>> -> memref<128xi32, #tpu.memory_space<vmem>>
      %dma_start3A_153 = arith.constant 0 : i32
      %dma_start3A_154 = arith.constant 0 : i32
      %dma_start3A_155 = tpu.memref_slice %arg18[%dma_start3A_153, %dma_start3A_154] : memref<10112x64xf32, #tpu.memory_space<vmem_shared>> -> memref<10112x64xf32, #tpu.memory_space<vmem_shared>>
      tpu.enqueue_indirect_dma source(%arg16 : memref<128x64xf32, #tpu.memory_space<vmem>>) target(%dma_start3A_155 : memref<10112x64xf32, #tpu.memory_space<vmem_shared>>) offsets(%dma_start3A_152 : memref<128xi32, #tpu.memory_space<vmem>>) semaphore(%arg23 : memref<!tpu.dma_semaphore, #tpu.memory_space<semaphore_mem>>) {add = true}
      %dma_wait3A_156 = arith.constant 0 : i32
      %dma_wait3A_157 = arith.constant 0 : i32
      %dma_wait3A_158 = tpu.memref_slice %arg18[%dma_wait3A_156, %dma_wait3A_157] : memref<10112x64xf32, #tpu.memory_space<vmem_shared>> -> memref<128x64xf32, #tpu.memory_space<vmem_shared>>
      %dma_wait3A_159 = arith.constant 0 : i32
      %dma_wait3A_160 = arith.constant 0 : i32
      %dma_wait3A_161 = tpu.memref_slice %arg18[%dma_wait3A_159, %dma_wait3A_160] : memref<10112x64xf32, #tpu.memory_space<vmem_shared>> -> memref<128x64xf32, #tpu.memory_space<vmem_shared>>
      tpu.wait_dma2 semaphore(%arg24 : memref<!tpu.dma_semaphore, #tpu.memory_space<semaphore_mem>>) src(%arg17 : memref<128x64xf32, #tpu.memory_space<vmem>>) dst(%dma_wait3A_161 : memref<128x64xf32, #tpu.memory_space<vmem_shared>>)
      %dma_wait3A_162 = arith.constant 0 : i32
      %dma_wait3A_163 = arith.constant 0 : i32
      %dma_wait3A_164 = tpu.memref_slice %arg18[%dma_wait3A_162, %dma_wait3A_163] : memref<10112x64xf32, #tpu.memory_space<vmem_shared>> -> memref<128x64xf32, #tpu.memory_space<vmem_shared>>
      %dma_wait3A_165 = arith.constant 0 : i32
      %dma_wait3A_166 = arith.constant 0 : i32
      %dma_wait3A_167 = tpu.memref_slice %arg18[%dma_wait3A_165, %dma_wait3A_166] : memref<10112x64xf32, #tpu.memory_space<vmem_shared>> -> memref<128x64xf32, #tpu.memory_space<vmem_shared>>
      tpu.wait_dma2 semaphore(%arg22 : memref<!tpu.dma_semaphore, #tpu.memory_space<semaphore_mem>>) src(%arg15 : memref<128x64xf32, #tpu.memory_space<vmem>>) dst(%dma_wait3A_167 : memref<128x64xf32, #tpu.memory_space<vmem_shared>>)
      %dma_wait3A_168 = arith.constant 0 : i32
      %dma_wait3A_169 = arith.constant 0 : i32
      %dma_wait3A_170 = tpu.memref_slice %arg18[%dma_wait3A_168, %dma_wait3A_169] : memref<10112x64xf32, #tpu.memory_space<vmem_shared>> -> memref<128x64xf32, #tpu.memory_space<vmem_shared>>
      %dma_wait3A_171 = arith.constant 0 : i32
      %dma_wait3A_172 = arith.constant 0 : i32
      %dma_wait3A_173 = tpu.memref_slice %arg18[%dma_wait3A_171, %dma_wait3A_172] : memref<10112x64xf32, #tpu.memory_space<vmem_shared>> -> memref<128x64xf32, #tpu.memory_space<vmem_shared>>
      tpu.wait_dma2 semaphore(%arg23 : memref<!tpu.dma_semaphore, #tpu.memory_space<semaphore_mem>>) src(%arg16 : memref<128x64xf32, #tpu.memory_space<vmem>>) dst(%dma_wait3A_173 : memref<128x64xf32, #tpu.memory_space<vmem_shared>>)
    } else {
    }
    %eq3A_3 = arith.constant 1 : i32
    %eq3A_4 = arith.cmpi eq, %arg0, %eq3A_3 : i32
    %convert_element_type3A_5 = arith.extui %eq3A_4 : i1 to i32
    %cond3A_6 = arith.constant 0 : i32
    %cond3A_7 = arith.cmpi ne, %convert_element_type3A_5, %cond3A_6 : i32
    scf.if %cond3A_7 {
      %dma_start3A = arith.constant 0 : i32
      %dma_start3A_41 = arith.constant 0 : i32
      %dma_start3A_42 = tpu.memref_slice %arg13[%dma_start3A, %dma_start3A_41] : memref<158x128xi32, #tpu.memory_space<vmem>> -> memref<1x128xi32, #tpu.memory_space<vmem>>
      %dma_start3A_43 = tpu.memref_squeeze %dma_start3A_42 : memref<1x128xi32, #tpu.memory_space<vmem>> -> memref<128xi32, #tpu.memory_space<vmem>>
      %dma_start3A_44 = arith.constant 0 : i32
      %dma_start3A_45 = arith.constant 0 : i32
      %dma_start3A_46 = tpu.memref_slice %arg4[%dma_start3A_44, %dma_start3A_45] : memref<10000x64xf32, #tpu.memory_space<hbm>> -> memref<10000x64xf32, #tpu.memory_space<hbm>>
      tpu.enqueue_indirect_dma source(%dma_start3A_46 : memref<10000x64xf32, #tpu.memory_space<hbm>>) target(%arg15 : memref<128x64xf32, #tpu.memory_space<vmem>>) offsets(%dma_start3A_43 : memref<128xi32, #tpu.memory_space<vmem>>) semaphore(%arg19 : memref<!tpu.dma_semaphore, #tpu.memory_space<semaphore_mem>>)
      %dma_start3A_47 = arith.constant 1 : i32
      %dma_start3A_48 = arith.constant 0 : i32
      %dma_start3A_49 = tpu.memref_slice %arg13[%dma_start3A_47, %dma_start3A_48] : memref<158x128xi32, #tpu.memory_space<vmem>> -> memref<1x128xi32, #tpu.memory_space<vmem>>
      %dma_start3A_50 = tpu.memref_squeeze %dma_start3A_49 : memref<1x128xi32, #tpu.memory_space<vmem>> -> memref<128xi32, #tpu.memory_space<vmem>>
      %dma_start3A_51 = arith.constant 0 : i32
      %dma_start3A_52 = arith.constant 0 : i32
      %dma_start3A_53 = tpu.memref_slice %arg4[%dma_start3A_51, %dma_start3A_52] : memref<10000x64xf32, #tpu.memory_space<hbm>> -> memref<10000x64xf32, #tpu.memory_space<hbm>>
      tpu.enqueue_indirect_dma source(%dma_start3A_53 : memref<10000x64xf32, #tpu.memory_space<hbm>>) target(%arg16 : memref<128x64xf32, #tpu.memory_space<vmem>>) offsets(%dma_start3A_50 : memref<128xi32, #tpu.memory_space<vmem>>) semaphore(%arg20 : memref<!tpu.dma_semaphore, #tpu.memory_space<semaphore_mem>>)
      %dma_wait3A = arith.constant 0 : i32
      %dma_wait3A_54 = arith.constant 0 : i32
      %dma_wait3A_55 = tpu.memref_slice %arg4[%dma_wait3A, %dma_wait3A_54] : memref<10000x64xf32, #tpu.memory_space<hbm>> -> memref<128x64xf32, #tpu.memory_space<hbm>>
      %dma_wait3A_56 = arith.constant 0 : i32
      %dma_wait3A_57 = arith.constant 0 : i32
      %dma_wait3A_58 = tpu.memref_slice %arg4[%dma_wait3A_56, %dma_wait3A_57] : memref<10000x64xf32, #tpu.memory_space<hbm>> -> memref<128x64xf32, #tpu.memory_space<hbm>>
      tpu.wait_dma2 semaphore(%arg19 : memref<!tpu.dma_semaphore, #tpu.memory_space<semaphore_mem>>) src(%dma_wait3A_58 : memref<128x64xf32, #tpu.memory_space<hbm>>) dst(%arg15 : memref<128x64xf32, #tpu.memory_space<vmem>>)
      %dma_start3A_59 = arith.constant 0 : i32
      %dma_start3A_60 = arith.constant 0 : i32
      %dma_start3A_61 = tpu.memref_slice %arg14[%dma_start3A_59, %dma_start3A_60] : memref<158x128xi32, #tpu.memory_space<vmem>> -> memref<1x128xi32, #tpu.memory_space<vmem>>
      %dma_start3A_62 = tpu.memref_squeeze %dma_start3A_61 : memref<1x128xi32, #tpu.memory_space<vmem>> -> memref<128xi32, #tpu.memory_space<vmem>>
      %dma_start3A_63 = arith.constant 0 : i32
      %dma_start3A_64 = arith.constant 0 : i32
      %dma_start3A_65 = tpu.memref_slice %arg18[%dma_start3A_63, %dma_start3A_64] : memref<10112x64xf32, #tpu.memory_space<vmem_shared>> -> memref<10112x64xf32, #tpu.memory_space<vmem_shared>>
      tpu.enqueue_indirect_dma source(%arg15 : memref<128x64xf32, #tpu.memory_space<vmem>>) target(%dma_start3A_65 : memref<10112x64xf32, #tpu.memory_space<vmem_shared>>) offsets(%dma_start3A_62 : memref<128xi32, #tpu.memory_space<vmem>>) semaphore(%arg22 : memref<!tpu.dma_semaphore, #tpu.memory_space<semaphore_mem>>) {add = true}
      %dma_start3A_66 = arith.constant 2 : i32
      %dma_start3A_67 = arith.constant 0 : i32
      %dma_start3A_68 = tpu.memref_slice %arg13[%dma_start3A_66, %dma_start3A_67] : memref<158x128xi32, #tpu.memory_space<vmem>> -> memref<1x128xi32, #tpu.memory_space<vmem>>
      %dma_start3A_69 = tpu.memref_squeeze %dma_start3A_68 : memref<1x128xi32, #tpu.memory_space<vmem>> -> memref<128xi32, #tpu.memory_space<vmem>>
      %dma_start3A_70 = arith.constant 0 : i32
      %dma_start3A_71 = arith.constant 0 : i32
      %dma_start3A_72 = tpu.memref_slice %arg4[%dma_start3A_70, %dma_start3A_71] : memref<10000x64xf32, #tpu.memory_space<hbm>> -> memref<10000x64xf32, #tpu.memory_space<hbm>>
      tpu.enqueue_indirect_dma source(%dma_start3A_72 : memref<10000x64xf32, #tpu.memory_space<hbm>>) target(%arg17 : memref<128x64xf32, #tpu.memory_space<vmem>>) offsets(%dma_start3A_69 : memref<128xi32, #tpu.memory_space<vmem>>) semaphore(%arg21 : memref<!tpu.dma_semaphore, #tpu.memory_space<semaphore_mem>>)
      %dma_wait3A_73 = arith.constant 0 : i32
      %dma_wait3A_74 = arith.constant 0 : i32
      %dma_wait3A_75 = tpu.memref_slice %arg4[%dma_wait3A_73, %dma_wait3A_74] : memref<10000x64xf32, #tpu.memory_space<hbm>> -> memref<128x64xf32, #tpu.memory_space<hbm>>
      %dma_wait3A_76 = arith.constant 0 : i32
      %dma_wait3A_77 = arith.constant 0 : i32
      %dma_wait3A_78 = tpu.memref_slice %arg4[%dma_wait3A_76, %dma_wait3A_77] : memref<10000x64xf32, #tpu.memory_space<hbm>> -> memref<128x64xf32, #tpu.memory_space<hbm>>
      tpu.wait_dma2 semaphore(%arg20 : memref<!tpu.dma_semaphore, #tpu.memory_space<semaphore_mem>>) src(%dma_wait3A_78 : memref<128x64xf32, #tpu.memory_space<hbm>>) dst(%arg16 : memref<128x64xf32, #tpu.memory_space<vmem>>)
      %dma_start3A_79 = arith.constant 1 : i32
      %dma_start3A_80 = arith.constant 0 : i32
      %dma_start3A_81 = tpu.memref_slice %arg14[%dma_start3A_79, %dma_start3A_80] : memref<158x128xi32, #tpu.memory_space<vmem>> -> memref<1x128xi32, #tpu.memory_space<vmem>>
      %dma_start3A_82 = tpu.memref_squeeze %dma_start3A_81 : memref<1x128xi32, #tpu.memory_space<vmem>> -> memref<128xi32, #tpu.memory_space<vmem>>
      %dma_start3A_83 = arith.constant 0 : i32
      %dma_start3A_84 = arith.constant 0 : i32
      %dma_start3A_85 = tpu.memref_slice %arg18[%dma_start3A_83, %dma_start3A_84] : memref<10112x64xf32, #tpu.memory_space<vmem_shared>> -> memref<10112x64xf32, #tpu.memory_space<vmem_shared>>
      tpu.enqueue_indirect_dma source(%arg16 : memref<128x64xf32, #tpu.memory_space<vmem>>) target(%dma_start3A_85 : memref<10112x64xf32, #tpu.memory_space<vmem_shared>>) offsets(%dma_start3A_82 : memref<128xi32, #tpu.memory_space<vmem>>) semaphore(%arg23 : memref<!tpu.dma_semaphore, #tpu.memory_space<semaphore_mem>>) {add = true}
      %dma_wait3A_86 = arith.constant 0 : i32
      %dma_wait3A_87 = arith.constant 0 : i32
      %dma_wait3A_88 = tpu.memref_slice %arg18[%dma_wait3A_86, %dma_wait3A_87] : memref<10112x64xf32, #tpu.memory_space<vmem_shared>> -> memref<128x64xf32, #tpu.memory_space<vmem_shared>>
      %dma_wait3A_89 = arith.constant 0 : i32
      %dma_wait3A_90 = arith.constant 0 : i32
      %dma_wait3A_91 = tpu.memref_slice %arg18[%dma_wait3A_89, %dma_wait3A_90] : memref<10112x64xf32, #tpu.memory_space<vmem_shared>> -> memref<128x64xf32, #tpu.memory_space<vmem_shared>>
      tpu.wait_dma2 semaphore(%arg22 : memref<!tpu.dma_semaphore, #tpu.memory_space<semaphore_mem>>) src(%arg15 : memref<128x64xf32, #tpu.memory_space<vmem>>) dst(%dma_wait3A_91 : memref<128x64xf32, #tpu.memory_space<vmem_shared>>)
      %dma_start3A_92 = arith.constant 3 : i32
      %dma_start3A_93 = arith.constant 0 : i32
      %dma_start3A_94 = tpu.memref_slice %arg13[%dma_start3A_92, %dma_start3A_93] : memref<158x128xi32, #tpu.memory_space<vmem>> -> memref<1x128xi32, #tpu.memory_space<vmem>>
      %dma_start3A_95 = tpu.memref_squeeze %dma_start3A_94 : memref<1x128xi32, #tpu.memory_space<vmem>> -> memref<128xi32, #tpu.memory_space<vmem>>
      %dma_start3A_96 = arith.constant 0 : i32
      %dma_start3A_97 = arith.constant 0 : i32
      %dma_start3A_98 = tpu.memref_slice %arg4[%dma_start3A_96, %dma_start3A_97] : memref<10000x64xf32, #tpu.memory_space<hbm>> -> memref<10000x64xf32, #tpu.memory_space<hbm>>
      tpu.enqueue_indirect_dma source(%dma_start3A_98 : memref<10000x64xf32, #tpu.memory_space<hbm>>) target(%arg15 : memref<128x64xf32, #tpu.memory_space<vmem>>) offsets(%dma_start3A_95 : memref<128xi32, #tpu.memory_space<vmem>>) semaphore(%arg19 : memref<!tpu.dma_semaphore, #tpu.memory_space<semaphore_mem>>)
      %scan3A = arith.constant 0 : i32
      %scan3A_99 = arith.constant 0 : i32
      %scan3A_100 = arith.constant 51 : i32
      %scan3A_101 = arith.addi %scan3A_99, %scan3A_100 : i32
      %scan3A_102 = arith.constant 1 : i32
      scf.for %scan3A_174 = %scan3A_99 to %scan3A_101 step %scan3A_102  : i32 {
        %mul3A_175 = arith.constant 3 : i32
        %mul3A_176 = arith.muli %mul3A_175, %scan3A_174 : i32
        %add3A = arith.constant 2 : i32
        %add3A_177 = arith.addi %mul3A_176, %add3A : i32
        %dma_wait3A_178 = arith.constant 0 : i32
        %dma_wait3A_179 = arith.constant 0 : i32
        %dma_wait3A_180 = tpu.memref_slice %arg4[%dma_wait3A_178, %dma_wait3A_179] : memref<10000x64xf32, #tpu.memory_space<hbm>> -> memref<128x64xf32, #tpu.memory_space<hbm>>
        %dma_wait3A_181 = arith.constant 0 : i32
        %dma_wait3A_182 = arith.constant 0 : i32
        %dma_wait3A_183 = tpu.memref_slice %arg4[%dma_wait3A_181, %dma_wait3A_182] : memref<10000x64xf32, #tpu.memory_space<hbm>> -> memref<128x64xf32, #tpu.memory_space<hbm>>
        tpu.wait_dma2 semaphore(%arg21 : memref<!tpu.dma_semaphore, #tpu.memory_space<semaphore_mem>>) src(%dma_wait3A_183 : memref<128x64xf32, #tpu.memory_space<hbm>>) dst(%arg17 : memref<128x64xf32, #tpu.memory_space<vmem>>)
        %add3A_184 = arith.constant 0 : i32
        %add3A_185 = arith.addi %add3A_177, %add3A_184 : i32
        %dma_start3A_186 = arith.constant 0 : i32
        %dma_start3A_187 = tpu.memref_slice %arg14[%add3A_185, %dma_start3A_186] : memref<158x128xi32, #tpu.memory_space<vmem>> -> memref<1x128xi32, #tpu.memory_space<vmem>>
        %dma_start3A_188 = tpu.memref_squeeze %dma_start3A_187 : memref<1x128xi32, #tpu.memory_space<vmem>> -> memref<128xi32, #tpu.memory_space<vmem>>
        %dma_start3A_189 = arith.constant 0 : i32
        %dma_start3A_190 = arith.constant 0 : i32
        %dma_start3A_191 = tpu.memref_slice %arg18[%dma_start3A_189, %dma_start3A_190] : memref<10112x64xf32, #tpu.memory_space<vmem_shared>> -> memref<10112x64xf32, #tpu.memory_space<vmem_shared>>
        tpu.enqueue_indirect_dma source(%arg17 : memref<128x64xf32, #tpu.memory_space<vmem>>) target(%dma_start3A_191 : memref<10112x64xf32, #tpu.memory_space<vmem_shared>>) offsets(%dma_start3A_188 : memref<128xi32, #tpu.memory_space<vmem>>) semaphore(%arg24 : memref<!tpu.dma_semaphore, #tpu.memory_space<semaphore_mem>>) {add = true}
        %dma_wait3A_192 = arith.constant 0 : i32
        %dma_wait3A_193 = arith.constant 0 : i32
        %dma_wait3A_194 = tpu.memref_slice %arg18[%dma_wait3A_192, %dma_wait3A_193] : memref<10112x64xf32, #tpu.memory_space<vmem_shared>> -> memref<128x64xf32, #tpu.memory_space<vmem_shared>>
        %dma_wait3A_195 = arith.constant 0 : i32
        %dma_wait3A_196 = arith.constant 0 : i32
        %dma_wait3A_197 = tpu.memref_slice %arg18[%dma_wait3A_195, %dma_wait3A_196] : memref<10112x64xf32, #tpu.memory_space<vmem_shared>> -> memref<128x64xf32, #tpu.memory_space<vmem_shared>>
        tpu.wait_dma2 semaphore(%arg23 : memref<!tpu.dma_semaphore, #tpu.memory_space<semaphore_mem>>) src(%arg16 : memref<128x64xf32, #tpu.memory_space<vmem>>) dst(%dma_wait3A_197 : memref<128x64xf32, #tpu.memory_space<vmem_shared>>)
        %add3A_198 = arith.constant 0 : i32
        %add3A_199 = arith.addi %add3A_177, %add3A_198 : i32
        %add3A_200 = arith.constant 2 : i32
        %add3A_201 = arith.addi %add3A_199, %add3A_200 : i32
        %dma_start3A_202 = arith.constant 0 : i32
        %dma_start3A_203 = tpu.memref_slice %arg13[%add3A_201, %dma_start3A_202] : memref<158x128xi32, #tpu.memory_space<vmem>> -> memref<1x128xi32, #tpu.memory_space<vmem>>
        %dma_start3A_204 = tpu.memref_squeeze %dma_start3A_203 : memref<1x128xi32, #tpu.memory_space<vmem>> -> memref<128xi32, #tpu.memory_space<vmem>>
        %dma_start3A_205 = arith.constant 0 : i32
        %dma_start3A_206 = arith.constant 0 : i32
        %dma_start3A_207 = tpu.memref_slice %arg4[%dma_start3A_205, %dma_start3A_206] : memref<10000x64xf32, #tpu.memory_space<hbm>> -> memref<10000x64xf32, #tpu.memory_space<hbm>>
        tpu.enqueue_indirect_dma source(%dma_start3A_207 : memref<10000x64xf32, #tpu.memory_space<hbm>>) target(%arg16 : memref<128x64xf32, #tpu.memory_space<vmem>>) offsets(%dma_start3A_204 : memref<128xi32, #tpu.memory_space<vmem>>) semaphore(%arg20 : memref<!tpu.dma_semaphore, #tpu.memory_space<semaphore_mem>>)
        %dma_wait3A_208 = arith.constant 0 : i32
        %dma_wait3A_209 = arith.constant 0 : i32
        %dma_wait3A_210 = tpu.memref_slice %arg4[%dma_wait3A_208, %dma_wait3A_209] : memref<10000x64xf32, #tpu.memory_space<hbm>> -> memref<128x64xf32, #tpu.memory_space<hbm>>
        %dma_wait3A_211 = arith.constant 0 : i32
        %dma_wait3A_212 = arith.constant 0 : i32
        %dma_wait3A_213 = tpu.memref_slice %arg4[%dma_wait3A_211, %dma_wait3A_212] : memref<10000x64xf32, #tpu.memory_space<hbm>> -> memref<128x64xf32, #tpu.memory_space<hbm>>
        tpu.wait_dma2 semaphore(%arg19 : memref<!tpu.dma_semaphore, #tpu.memory_space<semaphore_mem>>) src(%dma_wait3A_213 : memref<128x64xf32, #tpu.memory_space<hbm>>) dst(%arg15 : memref<128x64xf32, #tpu.memory_space<vmem>>)
        %add3A_214 = arith.constant 1 : i32
        %add3A_215 = arith.addi %add3A_177, %add3A_214 : i32
        %dma_start3A_216 = arith.constant 0 : i32
        %dma_start3A_217 = tpu.memref_slice %arg14[%add3A_215, %dma_start3A_216] : memref<158x128xi32, #tpu.memory_space<vmem>> -> memref<1x128xi32, #tpu.memory_space<vmem>>
        %dma_start3A_218 = tpu.memref_squeeze %dma_start3A_217 : memref<1x128xi32, #tpu.memory_space<vmem>> -> memref<128xi32, #tpu.memory_space<vmem>>
        %dma_start3A_219 = arith.constant 0 : i32
        %dma_start3A_220 = arith.constant 0 : i32
        %dma_start3A_221 = tpu.memref_slice %arg18[%dma_start3A_219, %dma_start3A_220] : memref<10112x64xf32, #tpu.memory_space<vmem_shared>> -> memref<10112x64xf32, #tpu.memory_space<vmem_shared>>
        tpu.enqueue_indirect_dma source(%arg15 : memref<128x64xf32, #tpu.memory_space<vmem>>) target(%dma_start3A_221 : memref<10112x64xf32, #tpu.memory_space<vmem_shared>>) offsets(%dma_start3A_218 : memref<128xi32, #tpu.memory_space<vmem>>) semaphore(%arg22 : memref<!tpu.dma_semaphore, #tpu.memory_space<semaphore_mem>>) {add = true}
        %dma_wait3A_222 = arith.constant 0 : i32
        %dma_wait3A_223 = arith.constant 0 : i32
        %dma_wait3A_224 = tpu.memref_slice %arg18[%dma_wait3A_222, %dma_wait3A_223] : memref<10112x64xf32, #tpu.memory_space<vmem_shared>> -> memref<128x64xf32, #tpu.memory_space<vmem_shared>>
        %dma_wait3A_225 = arith.constant 0 : i32
        %dma_wait3A_226 = arith.constant 0 : i32
        %dma_wait3A_227 = tpu.memref_slice %arg18[%dma_wait3A_225, %dma_wait3A_226] : memref<10112x64xf32, #tpu.memory_space<vmem_shared>> -> memref<128x64xf32, #tpu.memory_space<vmem_shared>>
        tpu.wait_dma2 semaphore(%arg24 : memref<!tpu.dma_semaphore, #tpu.memory_space<semaphore_mem>>) src(%arg17 : memref<128x64xf32, #tpu.memory_space<vmem>>) dst(%dma_wait3A_227 : memref<128x64xf32, #tpu.memory_space<vmem_shared>>)
        %add3A_228 = arith.constant 1 : i32
        %add3A_229 = arith.addi %add3A_177, %add3A_228 : i32
        %add3A_230 = arith.constant 2 : i32
        %add3A_231 = arith.addi %add3A_229, %add3A_230 : i32
        %dma_start3A_232 = arith.constant 0 : i32
        %dma_start3A_233 = tpu.memref_slice %arg13[%add3A_231, %dma_start3A_232] : memref<158x128xi32, #tpu.memory_space<vmem>> -> memref<1x128xi32, #tpu.memory_space<vmem>>
        %dma_start3A_234 = tpu.memref_squeeze %dma_start3A_233 : memref<1x128xi32, #tpu.memory_space<vmem>> -> memref<128xi32, #tpu.memory_space<vmem>>
        %dma_start3A_235 = arith.constant 0 : i32
        %dma_start3A_236 = arith.constant 0 : i32
        %dma_start3A_237 = tpu.memref_slice %arg4[%dma_start3A_235, %dma_start3A_236] : memref<10000x64xf32, #tpu.memory_space<hbm>> -> memref<10000x64xf32, #tpu.memory_space<hbm>>
        tpu.enqueue_indirect_dma source(%dma_start3A_237 : memref<10000x64xf32, #tpu.memory_space<hbm>>) target(%arg17 : memref<128x64xf32, #tpu.memory_space<vmem>>) offsets(%dma_start3A_234 : memref<128xi32, #tpu.memory_space<vmem>>) semaphore(%arg21 : memref<!tpu.dma_semaphore, #tpu.memory_space<semaphore_mem>>)
        %dma_wait3A_238 = arith.constant 0 : i32
        %dma_wait3A_239 = arith.constant 0 : i32
        %dma_wait3A_240 = tpu.memref_slice %arg4[%dma_wait3A_238, %dma_wait3A_239] : memref<10000x64xf32, #tpu.memory_space<hbm>> -> memref<128x64xf32, #tpu.memory_space<hbm>>
        %dma_wait3A_241 = arith.constant 0 : i32
        %dma_wait3A_242 = arith.constant 0 : i32
        %dma_wait3A_243 = tpu.memref_slice %arg4[%dma_wait3A_241, %dma_wait3A_242] : memref<10000x64xf32, #tpu.memory_space<hbm>> -> memref<128x64xf32, #tpu.memory_space<hbm>>
        tpu.wait_dma2 semaphore(%arg20 : memref<!tpu.dma_semaphore, #tpu.memory_space<semaphore_mem>>) src(%dma_wait3A_243 : memref<128x64xf32, #tpu.memory_space<hbm>>) dst(%arg16 : memref<128x64xf32, #tpu.memory_space<vmem>>)
        %add3A_244 = arith.constant 2 : i32
        %add3A_245 = arith.addi %add3A_177, %add3A_244 : i32
        %dma_start3A_246 = arith.constant 0 : i32
        %dma_start3A_247 = tpu.memref_slice %arg14[%add3A_245, %dma_start3A_246] : memref<158x128xi32, #tpu.memory_space<vmem>> -> memref<1x128xi32, #tpu.memory_space<vmem>>
        %dma_start3A_248 = tpu.memref_squeeze %dma_start3A_247 : memref<1x128xi32, #tpu.memory_space<vmem>> -> memref<128xi32, #tpu.memory_space<vmem>>
        %dma_start3A_249 = arith.constant 0 : i32
        %dma_start3A_250 = arith.constant 0 : i32
        %dma_start3A_251 = tpu.memref_slice %arg18[%dma_start3A_249, %dma_start3A_250] : memref<10112x64xf32, #tpu.memory_space<vmem_shared>> -> memref<10112x64xf32, #tpu.memory_space<vmem_shared>>
        tpu.enqueue_indirect_dma source(%arg16 : memref<128x64xf32, #tpu.memory_space<vmem>>) target(%dma_start3A_251 : memref<10112x64xf32, #tpu.memory_space<vmem_shared>>) offsets(%dma_start3A_248 : memref<128xi32, #tpu.memory_space<vmem>>) semaphore(%arg23 : memref<!tpu.dma_semaphore, #tpu.memory_space<semaphore_mem>>) {add = true}
        %dma_wait3A_252 = arith.constant 0 : i32
        %dma_wait3A_253 = arith.constant 0 : i32
        %dma_wait3A_254 = tpu.memref_slice %arg18[%dma_wait3A_252, %dma_wait3A_253] : memref<10112x64xf32, #tpu.memory_space<vmem_shared>> -> memref<128x64xf32, #tpu.memory_space<vmem_shared>>
        %dma_wait3A_255 = arith.constant 0 : i32
        %dma_wait3A_256 = arith.constant 0 : i32
        %dma_wait3A_257 = tpu.memref_slice %arg18[%dma_wait3A_255, %dma_wait3A_256] : memref<10112x64xf32, #tpu.memory_space<vmem_shared>> -> memref<128x64xf32, #tpu.memory_space<vmem_shared>>
        tpu.wait_dma2 semaphore(%arg22 : memref<!tpu.dma_semaphore, #tpu.memory_space<semaphore_mem>>) src(%arg15 : memref<128x64xf32, #tpu.memory_space<vmem>>) dst(%dma_wait3A_257 : memref<128x64xf32, #tpu.memory_space<vmem_shared>>)
        %add3A_258 = arith.constant 2 : i32
        %add3A_259 = arith.addi %add3A_177, %add3A_258 : i32
        %add3A_260 = arith.constant 2 : i32
        %add3A_261 = arith.addi %add3A_259, %add3A_260 : i32
        %dma_start3A_262 = arith.constant 0 : i32
        %dma_start3A_263 = tpu.memref_slice %arg13[%add3A_261, %dma_start3A_262] : memref<158x128xi32, #tpu.memory_space<vmem>> -> memref<1x128xi32, #tpu.memory_space<vmem>>
        %dma_start3A_264 = tpu.memref_squeeze %dma_start3A_263 : memref<1x128xi32, #tpu.memory_space<vmem>> -> memref<128xi32, #tpu.memory_space<vmem>>
        %dma_start3A_265 = arith.constant 0 : i32
        %dma_start3A_266 = arith.constant 0 : i32
        %dma_start3A_267 = tpu.memref_slice %arg4[%dma_start3A_265, %dma_start3A_266] : memref<10000x64xf32, #tpu.memory_space<hbm>> -> memref<10000x64xf32, #tpu.memory_space<hbm>>
        tpu.enqueue_indirect_dma source(%dma_start3A_267 : memref<10000x64xf32, #tpu.memory_space<hbm>>) target(%arg15 : memref<128x64xf32, #tpu.memory_space<vmem>>) offsets(%dma_start3A_264 : memref<128xi32, #tpu.memory_space<vmem>>) semaphore(%arg19 : memref<!tpu.dma_semaphore, #tpu.memory_space<semaphore_mem>>)
      }
      %scan3A_103 = arith.constant 51 : i32
      %dma_wait3A_104 = arith.constant 0 : i32
      %dma_wait3A_105 = arith.constant 0 : i32
      %dma_wait3A_106 = tpu.memref_slice %arg4[%dma_wait3A_104, %dma_wait3A_105] : memref<10000x64xf32, #tpu.memory_space<hbm>> -> memref<128x64xf32, #tpu.memory_space<hbm>>
      %dma_wait3A_107 = arith.constant 0 : i32
      %dma_wait3A_108 = arith.constant 0 : i32
      %dma_wait3A_109 = tpu.memref_slice %arg4[%dma_wait3A_107, %dma_wait3A_108] : memref<10000x64xf32, #tpu.memory_space<hbm>> -> memref<128x64xf32, #tpu.memory_space<hbm>>
      tpu.wait_dma2 semaphore(%arg21 : memref<!tpu.dma_semaphore, #tpu.memory_space<semaphore_mem>>) src(%dma_wait3A_109 : memref<128x64xf32, #tpu.memory_space<hbm>>) dst(%arg17 : memref<128x64xf32, #tpu.memory_space<vmem>>)
      %dma_start3A_110 = arith.constant 155 : i32
      %dma_start3A_111 = arith.constant 0 : i32
      %dma_start3A_112 = tpu.memref_slice %arg14[%dma_start3A_110, %dma_start3A_111] : memref<158x128xi32, #tpu.memory_space<vmem>> -> memref<1x128xi32, #tpu.memory_space<vmem>>
      %dma_start3A_113 = tpu.memref_squeeze %dma_start3A_112 : memref<1x128xi32, #tpu.memory_space<vmem>> -> memref<128xi32, #tpu.memory_space<vmem>>
      %dma_start3A_114 = arith.constant 0 : i32
      %dma_start3A_115 = arith.constant 0 : i32
      %dma_start3A_116 = tpu.memref_slice %arg18[%dma_start3A_114, %dma_start3A_115] : memref<10112x64xf32, #tpu.memory_space<vmem_shared>> -> memref<10112x64xf32, #tpu.memory_space<vmem_shared>>
      tpu.enqueue_indirect_dma source(%arg17 : memref<128x64xf32, #tpu.memory_space<vmem>>) target(%dma_start3A_116 : memref<10112x64xf32, #tpu.memory_space<vmem_shared>>) offsets(%dma_start3A_113 : memref<128xi32, #tpu.memory_space<vmem>>) semaphore(%arg24 : memref<!tpu.dma_semaphore, #tpu.memory_space<semaphore_mem>>) {add = true}
      %dma_wait3A_117 = arith.constant 0 : i32
      %dma_wait3A_118 = arith.constant 0 : i32
      %dma_wait3A_119 = tpu.memref_slice %arg18[%dma_wait3A_117, %dma_wait3A_118] : memref<10112x64xf32, #tpu.memory_space<vmem_shared>> -> memref<128x64xf32, #tpu.memory_space<vmem_shared>>
      %dma_wait3A_120 = arith.constant 0 : i32
      %dma_wait3A_121 = arith.constant 0 : i32
      %dma_wait3A_122 = tpu.memref_slice %arg18[%dma_wait3A_120, %dma_wait3A_121] : memref<10112x64xf32, #tpu.memory_space<vmem_shared>> -> memref<128x64xf32, #tpu.memory_space<vmem_shared>>
      tpu.wait_dma2 semaphore(%arg23 : memref<!tpu.dma_semaphore, #tpu.memory_space<semaphore_mem>>) src(%arg16 : memref<128x64xf32, #tpu.memory_space<vmem>>) dst(%dma_wait3A_122 : memref<128x64xf32, #tpu.memory_space<vmem_shared>>)
      %dma_start3A_123 = arith.constant 157 : i32
      %dma_start3A_124 = arith.constant 0 : i32
      %dma_start3A_125 = tpu.memref_slice %arg13[%dma_start3A_123, %dma_start3A_124] : memref<158x128xi32, #tpu.memory_space<vmem>> -> memref<1x128xi32, #tpu.memory_space<vmem>>
      %dma_start3A_126 = tpu.memref_squeeze %dma_start3A_125 : memref<1x128xi32, #tpu.memory_space<vmem>> -> memref<128xi32, #tpu.memory_space<vmem>>
      %dma_start3A_127 = arith.constant 0 : i32
      %dma_start3A_128 = arith.constant 0 : i32
      %dma_start3A_129 = tpu.memref_slice %arg4[%dma_start3A_127, %dma_start3A_128] : memref<10000x64xf32, #tpu.memory_space<hbm>> -> memref<10000x64xf32, #tpu.memory_space<hbm>>
      tpu.enqueue_indirect_dma source(%dma_start3A_129 : memref<10000x64xf32, #tpu.memory_space<hbm>>) target(%arg16 : memref<128x64xf32, #tpu.memory_space<vmem>>) offsets(%dma_start3A_126 : memref<128xi32, #tpu.memory_space<vmem>>) semaphore(%arg20 : memref<!tpu.dma_semaphore, #tpu.memory_space<semaphore_mem>>)
      %dma_wait3A_130 = arith.constant 0 : i32
      %dma_wait3A_131 = arith.constant 0 : i32
      %dma_wait3A_132 = tpu.memref_slice %arg4[%dma_wait3A_130, %dma_wait3A_131] : memref<10000x64xf32, #tpu.memory_space<hbm>> -> memref<128x64xf32, #tpu.memory_space<hbm>>
      %dma_wait3A_133 = arith.constant 0 : i32
      %dma_wait3A_134 = arith.constant 0 : i32
      %dma_wait3A_135 = tpu.memref_slice %arg4[%dma_wait3A_133, %dma_wait3A_134] : memref<10000x64xf32, #tpu.memory_space<hbm>> -> memref<128x64xf32, #tpu.memory_space<hbm>>
      tpu.wait_dma2 semaphore(%arg19 : memref<!tpu.dma_semaphore, #tpu.memory_space<semaphore_mem>>) src(%dma_wait3A_135 : memref<128x64xf32, #tpu.memory_space<hbm>>) dst(%arg15 : memref<128x64xf32, #tpu.memory_space<vmem>>)
      %dma_start3A_136 = arith.constant 156 : i32
      %dma_start3A_137 = arith.constant 0 : i32
      %dma_start3A_138 = tpu.memref_slice %arg14[%dma_start3A_136, %dma_start3A_137] : memref<158x128xi32, #tpu.memory_space<vmem>> -> memref<1x128xi32, #tpu.memory_space<vmem>>
      %dma_start3A_139 = tpu.memref_squeeze %dma_start3A_138 : memref<1x128xi32, #tpu.memory_space<vmem>> -> memref<128xi32, #tpu.memory_space<vmem>>
      %dma_start3A_140 = arith.constant 0 : i32
      %dma_start3A_141 = arith.constant 0 : i32
      %dma_start3A_142 = tpu.memref_slice %arg18[%dma_start3A_140, %dma_start3A_141] : memref<10112x64xf32, #tpu.memory_space<vmem_shared>> -> memref<10112x64xf32, #tpu.memory_space<vmem_shared>>
      tpu.enqueue_indirect_dma source(%arg15 : memref<128x64xf32, #tpu.memory_space<vmem>>) target(%dma_start3A_142 : memref<10112x64xf32, #tpu.memory_space<vmem_shared>>) offsets(%dma_start3A_139 : memref<128xi32, #tpu.memory_space<vmem>>) semaphore(%arg22 : memref<!tpu.dma_semaphore, #tpu.memory_space<semaphore_mem>>) {add = true}
      %dma_wait3A_143 = arith.constant 0 : i32
      %dma_wait3A_144 = arith.constant 0 : i32
      %dma_wait3A_145 = tpu.memref_slice %arg4[%dma_wait3A_143, %dma_wait3A_144] : memref<10000x64xf32, #tpu.memory_space<hbm>> -> memref<128x64xf32, #tpu.memory_space<hbm>>
      %dma_wait3A_146 = arith.constant 0 : i32
      %dma_wait3A_147 = arith.constant 0 : i32
      %dma_wait3A_148 = tpu.memref_slice %arg4[%dma_wait3A_146, %dma_wait3A_147] : memref<10000x64xf32, #tpu.memory_space<hbm>> -> memref<128x64xf32, #tpu.memory_space<hbm>>
      tpu.wait_dma2 semaphore(%arg20 : memref<!tpu.dma_semaphore, #tpu.memory_space<semaphore_mem>>) src(%dma_wait3A_148 : memref<128x64xf32, #tpu.memory_space<hbm>>) dst(%arg16 : memref<128x64xf32, #tpu.memory_space<vmem>>)
      %dma_start3A_149 = arith.constant 157 : i32
      %dma_start3A_150 = arith.constant 0 : i32
      %dma_start3A_151 = tpu.memref_slice %arg14[%dma_start3A_149, %dma_start3A_150] : memref<158x128xi32, #tpu.memory_space<vmem>> -> memref<1x128xi32, #tpu.memory_space<vmem>>
      %dma_start3A_152 = tpu.memref_squeeze %dma_start3A_151 : memref<1x128xi32, #tpu.memory_space<vmem>> -> memref<128xi32, #tpu.memory_space<vmem>>
      %dma_start3A_153 = arith.constant 0 : i32
      %dma_start3A_154 = arith.constant 0 : i32
      %dma_start3A_155 = tpu.memref_slice %arg18[%dma_start3A_153, %dma_start3A_154] : memref<10112x64xf32, #tpu.memory_space<vmem_shared>> -> memref<10112x64xf32, #tpu.memory_space<vmem_shared>>
      tpu.enqueue_indirect_dma source(%arg16 : memref<128x64xf32, #tpu.memory_space<vmem>>) target(%dma_start3A_155 : memref<10112x64xf32, #tpu.memory_space<vmem_shared>>) offsets(%dma_start3A_152 : memref<128xi32, #tpu.memory_space<vmem>>) semaphore(%arg23 : memref<!tpu.dma_semaphore, #tpu.memory_space<semaphore_mem>>) {add = true}
      %dma_wait3A_156 = arith.constant 0 : i32
      %dma_wait3A_157 = arith.constant 0 : i32
      %dma_wait3A_158 = tpu.memref_slice %arg18[%dma_wait3A_156, %dma_wait3A_157] : memref<10112x64xf32, #tpu.memory_space<vmem_shared>> -> memref<128x64xf32, #tpu.memory_space<vmem_shared>>
      %dma_wait3A_159 = arith.constant 0 : i32
      %dma_wait3A_160 = arith.constant 0 : i32
      %dma_wait3A_161 = tpu.memref_slice %arg18[%dma_wait3A_159, %dma_wait3A_160] : memref<10112x64xf32, #tpu.memory_space<vmem_shared>> -> memref<128x64xf32, #tpu.memory_space<vmem_shared>>
      tpu.wait_dma2 semaphore(%arg24 : memref<!tpu.dma_semaphore, #tpu.memory_space<semaphore_mem>>) src(%arg17 : memref<128x64xf32, #tpu.memory_space<vmem>>) dst(%dma_wait3A_161 : memref<128x64xf32, #tpu.memory_space<vmem_shared>>)
      %dma_wait3A_162 = arith.constant 0 : i32
      %dma_wait3A_163 = arith.constant 0 : i32
      %dma_wait3A_164 = tpu.memref_slice %arg18[%dma_wait3A_162, %dma_wait3A_163] : memref<10112x64xf32, #tpu.memory_space<vmem_shared>> -> memref<128x64xf32, #tpu.memory_space<vmem_shared>>
      %dma_wait3A_165 = arith.constant 0 : i32
      %dma_wait3A_166 = arith.constant 0 : i32
      %dma_wait3A_167 = tpu.memref_slice %arg18[%dma_wait3A_165, %dma_wait3A_166] : memref<10112x64xf32, #tpu.memory_space<vmem_shared>> -> memref<128x64xf32, #tpu.memory_space<vmem_shared>>
      tpu.wait_dma2 semaphore(%arg22 : memref<!tpu.dma_semaphore, #tpu.memory_space<semaphore_mem>>) src(%arg15 : memref<128x64xf32, #tpu.memory_space<vmem>>) dst(%dma_wait3A_167 : memref<128x64xf32, #tpu.memory_space<vmem_shared>>)
      %dma_wait3A_168 = arith.constant 0 : i32
      %dma_wait3A_169 = arith.constant 0 : i32
      %dma_wait3A_170 = tpu.memref_slice %arg18[%dma_wait3A_168, %dma_wait3A_169] : memref<10112x64xf32, #tpu.memory_space<vmem_shared>> -> memref<128x64xf32, #tpu.memory_space<vmem_shared>>
      %dma_wait3A_171 = arith.constant 0 : i32
      %dma_wait3A_172 = arith.constant 0 : i32
      %dma_wait3A_173 = tpu.memref_slice %arg18[%dma_wait3A_171, %dma_wait3A_172] : memref<10112x64xf32, #tpu.memory_space<vmem_shared>> -> memref<128x64xf32, #tpu.memory_space<vmem_shared>>
      tpu.wait_dma2 semaphore(%arg23 : memref<!tpu.dma_semaphore, #tpu.memory_space<semaphore_mem>>) src(%arg16 : memref<128x64xf32, #tpu.memory_space<vmem>>) dst(%dma_wait3A_173 : memref<128x64xf32, #tpu.memory_space<vmem_shared>>)
    } else {
    }
    %barrier3A_8 = arith.constant 0 : index
    tpu.barrier barrier_id(%barrier3A_8)
    %eq3A_9 = arith.constant 0 : i32
    %eq3A_10 = arith.cmpi eq, %arg0, %eq3A_9 : i32
    %convert_element_type3A_11 = arith.extui %eq3A_10 : i1 to i32
    %cond3A_12 = arith.constant 0 : i32
    %cond3A_13 = arith.cmpi ne, %convert_element_type3A_11, %cond3A_12 : i32
    scf.if %cond3A_13 {
      "tpu.region"() ({
        %run_scoped3A = tpu.sem_alloc : memref<!tpu.dma_semaphore, #tpu.memory_space<semaphore_mem>>
        %dma_start3A = arith.constant 0 : i32
        %dma_start3A_41 = tpu.memref_slice %arg9[%mul3A_0, %dma_start3A] : memref<10112x64xf32, #tpu.memory_space<hbm>> -> memref<632x64xf32, #tpu.memory_space<hbm>>
        %dma_start3A_42 = arith.constant 0 : i32
        %dma_start3A_43 = tpu.memref_slice %arg18[%mul3A_0, %dma_start3A_42] : memref<10112x64xf32, #tpu.memory_space<vmem_shared>> -> memref<632x64xf32, #tpu.memory_space<vmem_shared>>
        tpu.enqueue_dma source(%dma_start3A_43 : memref<632x64xf32, #tpu.memory_space<vmem_shared>>) target(%dma_start3A_41 : memref<632x64xf32, #tpu.memory_space<hbm>>) target_semaphore(%run_scoped3A : memref<!tpu.dma_semaphore, #tpu.memory_space<semaphore_mem>>)
        %dma_wait3A = arith.constant 0 : i32
        %dma_wait3A_44 = tpu.memref_slice %arg9[%mul3A_0, %dma_wait3A] : memref<10112x64xf32, #tpu.memory_space<hbm>> -> memref<632x64xf32, #tpu.memory_space<hbm>>
        %dma_wait3A_45 = arith.constant 0 : i32
        %dma_wait3A_46 = tpu.memref_slice %arg18[%mul3A_0, %dma_wait3A_45] : memref<10112x64xf32, #tpu.memory_space<vmem_shared>> -> memref<632x64xf32, #tpu.memory_space<vmem_shared>>
        tpu.wait_dma2 semaphore(%run_scoped3A : memref<!tpu.dma_semaphore, #tpu.memory_space<semaphore_mem>>) src(%dma_wait3A_46 : memref<632x64xf32, #tpu.memory_space<vmem_shared>>) dst(%dma_wait3A_44 : memref<632x64xf32, #tpu.memory_space<hbm>>)
        tpu.yield
      }) : () -> ()
    } else {
    }
    %eq3A_14 = arith.constant 1 : i32
    %eq3A_15 = arith.cmpi eq, %arg0, %eq3A_14 : i32
    %convert_element_type3A_16 = arith.extui %eq3A_15 : i1 to i32
    %cond3A_17 = arith.constant 0 : i32
    %cond3A_18 = arith.cmpi ne, %convert_element_type3A_16, %cond3A_17 : i32
    scf.if %cond3A_18 {
      "tpu.region"() ({
        %run_scoped3A = tpu.sem_alloc : memref<!tpu.dma_semaphore, #tpu.memory_space<semaphore_mem>>
        %dma_start3A = arith.constant 0 : i32
        %dma_start3A_41 = tpu.memref_slice %arg11[%mul3A_0, %dma_start3A] : memref<10112x64xf32, #tpu.memory_space<hbm>> -> memref<632x64xf32, #tpu.memory_space<hbm>>
        %dma_start3A_42 = arith.constant 0 : i32
        %dma_start3A_43 = tpu.memref_slice %arg18[%mul3A_0, %dma_start3A_42] : memref<10112x64xf32, #tpu.memory_space<vmem_shared>> -> memref<632x64xf32, #tpu.memory_space<vmem_shared>>
        tpu.enqueue_dma source(%dma_start3A_43 : memref<632x64xf32, #tpu.memory_space<vmem_shared>>) target(%dma_start3A_41 : memref<632x64xf32, #tpu.memory_space<hbm>>) target_semaphore(%run_scoped3A : memref<!tpu.dma_semaphore, #tpu.memory_space<semaphore_mem>>)
        %dma_wait3A = arith.constant 0 : i32
        %dma_wait3A_44 = tpu.memref_slice %arg11[%mul3A_0, %dma_wait3A] : memref<10112x64xf32, #tpu.memory_space<hbm>> -> memref<632x64xf32, #tpu.memory_space<hbm>>
        %dma_wait3A_45 = arith.constant 0 : i32
        %dma_wait3A_46 = tpu.memref_slice %arg18[%mul3A_0, %dma_wait3A_45] : memref<10112x64xf32, #tpu.memory_space<vmem_shared>> -> memref<632x64xf32, #tpu.memory_space<vmem_shared>>
        tpu.wait_dma2 semaphore(%run_scoped3A : memref<!tpu.dma_semaphore, #tpu.memory_space<semaphore_mem>>) src(%dma_wait3A_46 : memref<632x64xf32, #tpu.memory_space<vmem_shared>>) dst(%dma_wait3A_44 : memref<632x64xf32, #tpu.memory_space<hbm>>)
        tpu.yield
      }) : () -> ()
    } else {
    }
    "tpu.region"() ({
      %run_scoped3A = tpu.sem_alloc : memref<!tpu.dma_semaphore, #tpu.memory_space<semaphore_mem>>
      %dma_start3A = arith.constant 0 : i32
      %dma_start3A_41 = tpu.memref_slice %arg18[%mul3A_0, %dma_start3A] : memref<10112x64xf32, #tpu.memory_space<vmem_shared>> -> memref<632x64xf32, #tpu.memory_space<vmem_shared>>
      %dma_start3A_42 = arith.constant 0 : i32
      %dma_start3A_43 = tpu.memref_slice %arg8[%mul3A_0, %dma_start3A_42] : memref<10112x64xf32, #tpu.memory_space<hbm>> -> memref<632x64xf32, #tpu.memory_space<hbm>>
      tpu.enqueue_dma source(%dma_start3A_43 : memref<632x64xf32, #tpu.memory_space<hbm>>) target(%dma_start3A_41 : memref<632x64xf32, #tpu.memory_space<vmem_shared>>) target_semaphore(%run_scoped3A : memref<!tpu.dma_semaphore, #tpu.memory_space<semaphore_mem>>)
      %dma_wait3A = arith.constant 0 : i32
      %dma_wait3A_44 = tpu.memref_slice %arg18[%mul3A_0, %dma_wait3A] : memref<10112x64xf32, #tpu.memory_space<vmem_shared>> -> memref<632x64xf32, #tpu.memory_space<vmem_shared>>
      %dma_wait3A_45 = arith.constant 0 : i32
      %dma_wait3A_46 = tpu.memref_slice %arg8[%mul3A_0, %dma_wait3A_45] : memref<10112x64xf32, #tpu.memory_space<hbm>> -> memref<632x64xf32, #tpu.memory_space<hbm>>
      tpu.wait_dma2 semaphore(%run_scoped3A : memref<!tpu.dma_semaphore, #tpu.memory_space<semaphore_mem>>) src(%dma_wait3A_46 : memref<632x64xf32, #tpu.memory_space<hbm>>) dst(%dma_wait3A_44 : memref<632x64xf32, #tpu.memory_space<vmem_shared>>)
      tpu.yield
    }) : () -> ()
    %barrier3A_19 = arith.constant 0 : index
    tpu.barrier barrier_id(%barrier3A_19)
    %eq3A_20 = arith.constant 0 : i32
    %eq3A_21 = arith.cmpi eq, %arg0, %eq3A_20 : i32
    %convert_element_type3A_22 = arith.extui %eq3A_21 : i1 to i32
    %cond3A_23 = arith.constant 0 : i32
    %cond3A_24 = arith.cmpi ne, %convert_element_type3A_22, %cond3A_23 : i32
    scf.if %cond3A_24 {
      %dma_start3A = arith.constant 0 : i32
      %dma_start3A_41 = arith.constant 0 : i32
      %dma_start3A_42 = tpu.memref_slice %arg13[%dma_start3A, %dma_start3A_41] : memref<158x128xi32, #tpu.memory_space<vmem>> -> memref<1x128xi32, #tpu.memory_space<vmem>>
      %dma_start3A_43 = tpu.memref_squeeze %dma_start3A_42 : memref<1x128xi32, #tpu.memory_space<vmem>> -> memref<128xi32, #tpu.memory_space<vmem>>
      %dma_start3A_44 = arith.constant 0 : i32
      %dma_start3A_45 = arith.constant 0 : i32
      %dma_start3A_46 = tpu.memref_slice %arg3[%dma_start3A_44, %dma_start3A_45] : memref<10000x64xf32, #tpu.memory_space<hbm>> -> memref<10000x64xf32, #tpu.memory_space<hbm>>
      tpu.enqueue_indirect_dma source(%dma_start3A_46 : memref<10000x64xf32, #tpu.memory_space<hbm>>) target(%arg15 : memref<128x64xf32, #tpu.memory_space<vmem>>) offsets(%dma_start3A_43 : memref<128xi32, #tpu.memory_space<vmem>>) semaphore(%arg19 : memref<!tpu.dma_semaphore, #tpu.memory_space<semaphore_mem>>)
      %dma_start3A_47 = arith.constant 1 : i32
      %dma_start3A_48 = arith.constant 0 : i32
      %dma_start3A_49 = tpu.memref_slice %arg13[%dma_start3A_47, %dma_start3A_48] : memref<158x128xi32, #tpu.memory_space<vmem>> -> memref<1x128xi32, #tpu.memory_space<vmem>>
      %dma_start3A_50 = tpu.memref_squeeze %dma_start3A_49 : memref<1x128xi32, #tpu.memory_space<vmem>> -> memref<128xi32, #tpu.memory_space<vmem>>
      %dma_start3A_51 = arith.constant 0 : i32
      %dma_start3A_52 = arith.constant 0 : i32
      %dma_start3A_53 = tpu.memref_slice %arg3[%dma_start3A_51, %dma_start3A_52] : memref<10000x64xf32, #tpu.memory_space<hbm>> -> memref<10000x64xf32, #tpu.memory_space<hbm>>
      tpu.enqueue_indirect_dma source(%dma_start3A_53 : memref<10000x64xf32, #tpu.memory_space<hbm>>) target(%arg16 : memref<128x64xf32, #tpu.memory_space<vmem>>) offsets(%dma_start3A_50 : memref<128xi32, #tpu.memory_space<vmem>>) semaphore(%arg20 : memref<!tpu.dma_semaphore, #tpu.memory_space<semaphore_mem>>)
      %dma_wait3A = arith.constant 0 : i32
      %dma_wait3A_54 = arith.constant 0 : i32
      %dma_wait3A_55 = tpu.memref_slice %arg3[%dma_wait3A, %dma_wait3A_54] : memref<10000x64xf32, #tpu.memory_space<hbm>> -> memref<128x64xf32, #tpu.memory_space<hbm>>
      %dma_wait3A_56 = arith.constant 0 : i32
      %dma_wait3A_57 = arith.constant 0 : i32
      %dma_wait3A_58 = tpu.memref_slice %arg3[%dma_wait3A_56, %dma_wait3A_57] : memref<10000x64xf32, #tpu.memory_space<hbm>> -> memref<128x64xf32, #tpu.memory_space<hbm>>
      tpu.wait_dma2 semaphore(%arg19 : memref<!tpu.dma_semaphore, #tpu.memory_space<semaphore_mem>>) src(%dma_wait3A_58 : memref<128x64xf32, #tpu.memory_space<hbm>>) dst(%arg15 : memref<128x64xf32, #tpu.memory_space<vmem>>)
      %dma_start3A_59 = arith.constant 0 : i32
      %dma_start3A_60 = arith.constant 0 : i32
      %dma_start3A_61 = tpu.memref_slice %arg14[%dma_start3A_59, %dma_start3A_60] : memref<158x128xi32, #tpu.memory_space<vmem>> -> memref<1x128xi32, #tpu.memory_space<vmem>>
      %dma_start3A_62 = tpu.memref_squeeze %dma_start3A_61 : memref<1x128xi32, #tpu.memory_space<vmem>> -> memref<128xi32, #tpu.memory_space<vmem>>
      %dma_start3A_63 = arith.constant 0 : i32
      %dma_start3A_64 = arith.constant 0 : i32
      %dma_start3A_65 = tpu.memref_slice %arg18[%dma_start3A_63, %dma_start3A_64] : memref<10112x64xf32, #tpu.memory_space<vmem_shared>> -> memref<10112x64xf32, #tpu.memory_space<vmem_shared>>
      tpu.enqueue_indirect_dma source(%arg15 : memref<128x64xf32, #tpu.memory_space<vmem>>) target(%dma_start3A_65 : memref<10112x64xf32, #tpu.memory_space<vmem_shared>>) offsets(%dma_start3A_62 : memref<128xi32, #tpu.memory_space<vmem>>) semaphore(%arg22 : memref<!tpu.dma_semaphore, #tpu.memory_space<semaphore_mem>>) {add = true}
      %dma_start3A_66 = arith.constant 2 : i32
      %dma_start3A_67 = arith.constant 0 : i32
      %dma_start3A_68 = tpu.memref_slice %arg13[%dma_start3A_66, %dma_start3A_67] : memref<158x128xi32, #tpu.memory_space<vmem>> -> memref<1x128xi32, #tpu.memory_space<vmem>>
      %dma_start3A_69 = tpu.memref_squeeze %dma_start3A_68 : memref<1x128xi32, #tpu.memory_space<vmem>> -> memref<128xi32, #tpu.memory_space<vmem>>
      %dma_start3A_70 = arith.constant 0 : i32
      %dma_start3A_71 = arith.constant 0 : i32
      %dma_start3A_72 = tpu.memref_slice %arg3[%dma_start3A_70, %dma_start3A_71] : memref<10000x64xf32, #tpu.memory_space<hbm>> -> memref<10000x64xf32, #tpu.memory_space<hbm>>
      tpu.enqueue_indirect_dma source(%dma_start3A_72 : memref<10000x64xf32, #tpu.memory_space<hbm>>) target(%arg17 : memref<128x64xf32, #tpu.memory_space<vmem>>) offsets(%dma_start3A_69 : memref<128xi32, #tpu.memory_space<vmem>>) semaphore(%arg21 : memref<!tpu.dma_semaphore, #tpu.memory_space<semaphore_mem>>)
      %dma_wait3A_73 = arith.constant 0 : i32
      %dma_wait3A_74 = arith.constant 0 : i32
      %dma_wait3A_75 = tpu.memref_slice %arg3[%dma_wait3A_73, %dma_wait3A_74] : memref<10000x64xf32, #tpu.memory_space<hbm>> -> memref<128x64xf32, #tpu.memory_space<hbm>>
      %dma_wait3A_76 = arith.constant 0 : i32
      %dma_wait3A_77 = arith.constant 0 : i32
      %dma_wait3A_78 = tpu.memref_slice %arg3[%dma_wait3A_76, %dma_wait3A_77] : memref<10000x64xf32, #tpu.memory_space<hbm>> -> memref<128x64xf32, #tpu.memory_space<hbm>>
      tpu.wait_dma2 semaphore(%arg20 : memref<!tpu.dma_semaphore, #tpu.memory_space<semaphore_mem>>) src(%dma_wait3A_78 : memref<128x64xf32, #tpu.memory_space<hbm>>) dst(%arg16 : memref<128x64xf32, #tpu.memory_space<vmem>>)
      %dma_start3A_79 = arith.constant 1 : i32
      %dma_start3A_80 = arith.constant 0 : i32
      %dma_start3A_81 = tpu.memref_slice %arg14[%dma_start3A_79, %dma_start3A_80] : memref<158x128xi32, #tpu.memory_space<vmem>> -> memref<1x128xi32, #tpu.memory_space<vmem>>
      %dma_start3A_82 = tpu.memref_squeeze %dma_start3A_81 : memref<1x128xi32, #tpu.memory_space<vmem>> -> memref<128xi32, #tpu.memory_space<vmem>>
      %dma_start3A_83 = arith.constant 0 : i32
      %dma_start3A_84 = arith.constant 0 : i32
      %dma_start3A_85 = tpu.memref_slice %arg18[%dma_start3A_83, %dma_start3A_84] : memref<10112x64xf32, #tpu.memory_space<vmem_shared>> -> memref<10112x64xf32, #tpu.memory_space<vmem_shared>>
      tpu.enqueue_indirect_dma source(%arg16 : memref<128x64xf32, #tpu.memory_space<vmem>>) target(%dma_start3A_85 : memref<10112x64xf32, #tpu.memory_space<vmem_shared>>) offsets(%dma_start3A_82 : memref<128xi32, #tpu.memory_space<vmem>>) semaphore(%arg23 : memref<!tpu.dma_semaphore, #tpu.memory_space<semaphore_mem>>) {add = true}
      %dma_wait3A_86 = arith.constant 0 : i32
      %dma_wait3A_87 = arith.constant 0 : i32
      %dma_wait3A_88 = tpu.memref_slice %arg18[%dma_wait3A_86, %dma_wait3A_87] : memref<10112x64xf32, #tpu.memory_space<vmem_shared>> -> memref<128x64xf32, #tpu.memory_space<vmem_shared>>
      %dma_wait3A_89 = arith.constant 0 : i32
      %dma_wait3A_90 = arith.constant 0 : i32
      %dma_wait3A_91 = tpu.memref_slice %arg18[%dma_wait3A_89, %dma_wait3A_90] : memref<10112x64xf32, #tpu.memory_space<vmem_shared>> -> memref<128x64xf32, #tpu.memory_space<vmem_shared>>
      tpu.wait_dma2 semaphore(%arg22 : memref<!tpu.dma_semaphore, #tpu.memory_space<semaphore_mem>>) src(%arg15 : memref<128x64xf32, #tpu.memory_space<vmem>>) dst(%dma_wait3A_91 : memref<128x64xf32, #tpu.memory_space<vmem_shared>>)
      %dma_start3A_92 = arith.constant 3 : i32
      %dma_start3A_93 = arith.constant 0 : i32
      %dma_start3A_94 = tpu.memref_slice %arg13[%dma_start3A_92, %dma_start3A_93] : memref<158x128xi32, #tpu.memory_space<vmem>> -> memref<1x128xi32, #tpu.memory_space<vmem>>
      %dma_start3A_95 = tpu.memref_squeeze %dma_start3A_94 : memref<1x128xi32, #tpu.memory_space<vmem>> -> memref<128xi32, #tpu.memory_space<vmem>>
      %dma_start3A_96 = arith.constant 0 : i32
      %dma_start3A_97 = arith.constant 0 : i32
      %dma_start3A_98 = tpu.memref_slice %arg3[%dma_start3A_96, %dma_start3A_97] : memref<10000x64xf32, #tpu.memory_space<hbm>> -> memref<10000x64xf32, #tpu.memory_space<hbm>>
      tpu.enqueue_indirect_dma source(%dma_start3A_98 : memref<10000x64xf32, #tpu.memory_space<hbm>>) target(%arg15 : memref<128x64xf32, #tpu.memory_space<vmem>>) offsets(%dma_start3A_95 : memref<128xi32, #tpu.memory_space<vmem>>) semaphore(%arg19 : memref<!tpu.dma_semaphore, #tpu.memory_space<semaphore_mem>>)
      %scan3A = arith.constant 0 : i32
      %scan3A_99 = arith.constant 0 : i32
      %scan3A_100 = arith.constant 51 : i32
      %scan3A_101 = arith.addi %scan3A_99, %scan3A_100 : i32
      %scan3A_102 = arith.constant 1 : i32
      scf.for %scan3A_174 = %scan3A_99 to %scan3A_101 step %scan3A_102  : i32 {
        %mul3A_175 = arith.constant 3 : i32
        %mul3A_176 = arith.muli %mul3A_175, %scan3A_174 : i32
        %add3A = arith.constant 2 : i32
        %add3A_177 = arith.addi %mul3A_176, %add3A : i32
        %dma_wait3A_178 = arith.constant 0 : i32
        %dma_wait3A_179 = arith.constant 0 : i32
        %dma_wait3A_180 = tpu.memref_slice %arg3[%dma_wait3A_178, %dma_wait3A_179] : memref<10000x64xf32, #tpu.memory_space<hbm>> -> memref<128x64xf32, #tpu.memory_space<hbm>>
        %dma_wait3A_181 = arith.constant 0 : i32
        %dma_wait3A_182 = arith.constant 0 : i32
        %dma_wait3A_183 = tpu.memref_slice %arg3[%dma_wait3A_181, %dma_wait3A_182] : memref<10000x64xf32, #tpu.memory_space<hbm>> -> memref<128x64xf32, #tpu.memory_space<hbm>>
        tpu.wait_dma2 semaphore(%arg21 : memref<!tpu.dma_semaphore, #tpu.memory_space<semaphore_mem>>) src(%dma_wait3A_183 : memref<128x64xf32, #tpu.memory_space<hbm>>) dst(%arg17 : memref<128x64xf32, #tpu.memory_space<vmem>>)
        %add3A_184 = arith.constant 0 : i32
        %add3A_185 = arith.addi %add3A_177, %add3A_184 : i32
        %dma_start3A_186 = arith.constant 0 : i32
        %dma_start3A_187 = tpu.memref_slice %arg14[%add3A_185, %dma_start3A_186] : memref<158x128xi32, #tpu.memory_space<vmem>> -> memref<1x128xi32, #tpu.memory_space<vmem>>
        %dma_start3A_188 = tpu.memref_squeeze %dma_start3A_187 : memref<1x128xi32, #tpu.memory_space<vmem>> -> memref<128xi32, #tpu.memory_space<vmem>>
        %dma_start3A_189 = arith.constant 0 : i32
        %dma_start3A_190 = arith.constant 0 : i32
        %dma_start3A_191 = tpu.memref_slice %arg18[%dma_start3A_189, %dma_start3A_190] : memref<10112x64xf32, #tpu.memory_space<vmem_shared>> -> memref<10112x64xf32, #tpu.memory_space<vmem_shared>>
        tpu.enqueue_indirect_dma source(%arg17 : memref<128x64xf32, #tpu.memory_space<vmem>>) target(%dma_start3A_191 : memref<10112x64xf32, #tpu.memory_space<vmem_shared>>) offsets(%dma_start3A_188 : memref<128xi32, #tpu.memory_space<vmem>>) semaphore(%arg24 : memref<!tpu.dma_semaphore, #tpu.memory_space<semaphore_mem>>) {add = true}
        %dma_wait3A_192 = arith.constant 0 : i32
        %dma_wait3A_193 = arith.constant 0 : i32
        %dma_wait3A_194 = tpu.memref_slice %arg18[%dma_wait3A_192, %dma_wait3A_193] : memref<10112x64xf32, #tpu.memory_space<vmem_shared>> -> memref<128x64xf32, #tpu.memory_space<vmem_shared>>
        %dma_wait3A_195 = arith.constant 0 : i32
        %dma_wait3A_196 = arith.constant 0 : i32
        %dma_wait3A_197 = tpu.memref_slice %arg18[%dma_wait3A_195, %dma_wait3A_196] : memref<10112x64xf32, #tpu.memory_space<vmem_shared>> -> memref<128x64xf32, #tpu.memory_space<vmem_shared>>
        tpu.wait_dma2 semaphore(%arg23 : memref<!tpu.dma_semaphore, #tpu.memory_space<semaphore_mem>>) src(%arg16 : memref<128x64xf32, #tpu.memory_space<vmem>>) dst(%dma_wait3A_197 : memref<128x64xf32, #tpu.memory_space<vmem_shared>>)
        %add3A_198 = arith.constant 0 : i32
        %add3A_199 = arith.addi %add3A_177, %add3A_198 : i32
        %add3A_200 = arith.constant 2 : i32
        %add3A_201 = arith.addi %add3A_199, %add3A_200 : i32
        %dma_start3A_202 = arith.constant 0 : i32
        %dma_start3A_203 = tpu.memref_slice %arg13[%add3A_201, %dma_start3A_202] : memref<158x128xi32, #tpu.memory_space<vmem>> -> memref<1x128xi32, #tpu.memory_space<vmem>>
        %dma_start3A_204 = tpu.memref_squeeze %dma_start3A_203 : memref<1x128xi32, #tpu.memory_space<vmem>> -> memref<128xi32, #tpu.memory_space<vmem>>
        %dma_start3A_205 = arith.constant 0 : i32
        %dma_start3A_206 = arith.constant 0 : i32
        %dma_start3A_207 = tpu.memref_slice %arg3[%dma_start3A_205, %dma_start3A_206] : memref<10000x64xf32, #tpu.memory_space<hbm>> -> memref<10000x64xf32, #tpu.memory_space<hbm>>
        tpu.enqueue_indirect_dma source(%dma_start3A_207 : memref<10000x64xf32, #tpu.memory_space<hbm>>) target(%arg16 : memref<128x64xf32, #tpu.memory_space<vmem>>) offsets(%dma_start3A_204 : memref<128xi32, #tpu.memory_space<vmem>>) semaphore(%arg20 : memref<!tpu.dma_semaphore, #tpu.memory_space<semaphore_mem>>)
        %dma_wait3A_208 = arith.constant 0 : i32
        %dma_wait3A_209 = arith.constant 0 : i32
        %dma_wait3A_210 = tpu.memref_slice %arg3[%dma_wait3A_208, %dma_wait3A_209] : memref<10000x64xf32, #tpu.memory_space<hbm>> -> memref<128x64xf32, #tpu.memory_space<hbm>>
        %dma_wait3A_211 = arith.constant 0 : i32
        %dma_wait3A_212 = arith.constant 0 : i32
        %dma_wait3A_213 = tpu.memref_slice %arg3[%dma_wait3A_211, %dma_wait3A_212] : memref<10000x64xf32, #tpu.memory_space<hbm>> -> memref<128x64xf32, #tpu.memory_space<hbm>>
        tpu.wait_dma2 semaphore(%arg19 : memref<!tpu.dma_semaphore, #tpu.memory_space<semaphore_mem>>) src(%dma_wait3A_213 : memref<128x64xf32, #tpu.memory_space<hbm>>) dst(%arg15 : memref<128x64xf32, #tpu.memory_space<vmem>>)
        %add3A_214 = arith.constant 1 : i32
        %add3A_215 = arith.addi %add3A_177, %add3A_214 : i32
        %dma_start3A_216 = arith.constant 0 : i32
        %dma_start3A_217 = tpu.memref_slice %arg14[%add3A_215, %dma_start3A_216] : memref<158x128xi32, #tpu.memory_space<vmem>> -> memref<1x128xi32, #tpu.memory_space<vmem>>
        %dma_start3A_218 = tpu.memref_squeeze %dma_start3A_217 : memref<1x128xi32, #tpu.memory_space<vmem>> -> memref<128xi32, #tpu.memory_space<vmem>>
        %dma_start3A_219 = arith.constant 0 : i32
        %dma_start3A_220 = arith.constant 0 : i32
        %dma_start3A_221 = tpu.memref_slice %arg18[%dma_start3A_219, %dma_start3A_220] : memref<10112x64xf32, #tpu.memory_space<vmem_shared>> -> memref<10112x64xf32, #tpu.memory_space<vmem_shared>>
        tpu.enqueue_indirect_dma source(%arg15 : memref<128x64xf32, #tpu.memory_space<vmem>>) target(%dma_start3A_221 : memref<10112x64xf32, #tpu.memory_space<vmem_shared>>) offsets(%dma_start3A_218 : memref<128xi32, #tpu.memory_space<vmem>>) semaphore(%arg22 : memref<!tpu.dma_semaphore, #tpu.memory_space<semaphore_mem>>) {add = true}
        %dma_wait3A_222 = arith.constant 0 : i32
        %dma_wait3A_223 = arith.constant 0 : i32
        %dma_wait3A_224 = tpu.memref_slice %arg18[%dma_wait3A_222, %dma_wait3A_223] : memref<10112x64xf32, #tpu.memory_space<vmem_shared>> -> memref<128x64xf32, #tpu.memory_space<vmem_shared>>
        %dma_wait3A_225 = arith.constant 0 : i32
        %dma_wait3A_226 = arith.constant 0 : i32
        %dma_wait3A_227 = tpu.memref_slice %arg18[%dma_wait3A_225, %dma_wait3A_226] : memref<10112x64xf32, #tpu.memory_space<vmem_shared>> -> memref<128x64xf32, #tpu.memory_space<vmem_shared>>
        tpu.wait_dma2 semaphore(%arg24 : memref<!tpu.dma_semaphore, #tpu.memory_space<semaphore_mem>>) src(%arg17 : memref<128x64xf32, #tpu.memory_space<vmem>>) dst(%dma_wait3A_227 : memref<128x64xf32, #tpu.memory_space<vmem_shared>>)
        %add3A_228 = arith.constant 1 : i32
        %add3A_229 = arith.addi %add3A_177, %add3A_228 : i32
        %add3A_230 = arith.constant 2 : i32
        %add3A_231 = arith.addi %add3A_229, %add3A_230 : i32
        %dma_start3A_232 = arith.constant 0 : i32
        %dma_start3A_233 = tpu.memref_slice %arg13[%add3A_231, %dma_start3A_232] : memref<158x128xi32, #tpu.memory_space<vmem>> -> memref<1x128xi32, #tpu.memory_space<vmem>>
        %dma_start3A_234 = tpu.memref_squeeze %dma_start3A_233 : memref<1x128xi32, #tpu.memory_space<vmem>> -> memref<128xi32, #tpu.memory_space<vmem>>
        %dma_start3A_235 = arith.constant 0 : i32
        %dma_start3A_236 = arith.constant 0 : i32
        %dma_start3A_237 = tpu.memref_slice %arg3[%dma_start3A_235, %dma_start3A_236] : memref<10000x64xf32, #tpu.memory_space<hbm>> -> memref<10000x64xf32, #tpu.memory_space<hbm>>
        tpu.enqueue_indirect_dma source(%dma_start3A_237 : memref<10000x64xf32, #tpu.memory_space<hbm>>) target(%arg17 : memref<128x64xf32, #tpu.memory_space<vmem>>) offsets(%dma_start3A_234 : memref<128xi32, #tpu.memory_space<vmem>>) semaphore(%arg21 : memref<!tpu.dma_semaphore, #tpu.memory_space<semaphore_mem>>)
        %dma_wait3A_238 = arith.constant 0 : i32
        %dma_wait3A_239 = arith.constant 0 : i32
        %dma_wait3A_240 = tpu.memref_slice %arg3[%dma_wait3A_238, %dma_wait3A_239] : memref<10000x64xf32, #tpu.memory_space<hbm>> -> memref<128x64xf32, #tpu.memory_space<hbm>>
        %dma_wait3A_241 = arith.constant 0 : i32
        %dma_wait3A_242 = arith.constant 0 : i32
        %dma_wait3A_243 = tpu.memref_slice %arg3[%dma_wait3A_241, %dma_wait3A_242] : memref<10000x64xf32, #tpu.memory_space<hbm>> -> memref<128x64xf32, #tpu.memory_space<hbm>>
        tpu.wait_dma2 semaphore(%arg20 : memref<!tpu.dma_semaphore, #tpu.memory_space<semaphore_mem>>) src(%dma_wait3A_243 : memref<128x64xf32, #tpu.memory_space<hbm>>) dst(%arg16 : memref<128x64xf32, #tpu.memory_space<vmem>>)
        %add3A_244 = arith.constant 2 : i32
        %add3A_245 = arith.addi %add3A_177, %add3A_244 : i32
        %dma_start3A_246 = arith.constant 0 : i32
        %dma_start3A_247 = tpu.memref_slice %arg14[%add3A_245, %dma_start3A_246] : memref<158x128xi32, #tpu.memory_space<vmem>> -> memref<1x128xi32, #tpu.memory_space<vmem>>
        %dma_start3A_248 = tpu.memref_squeeze %dma_start3A_247 : memref<1x128xi32, #tpu.memory_space<vmem>> -> memref<128xi32, #tpu.memory_space<vmem>>
        %dma_start3A_249 = arith.constant 0 : i32
        %dma_start3A_250 = arith.constant 0 : i32
        %dma_start3A_251 = tpu.memref_slice %arg18[%dma_start3A_249, %dma_start3A_250] : memref<10112x64xf32, #tpu.memory_space<vmem_shared>> -> memref<10112x64xf32, #tpu.memory_space<vmem_shared>>
        tpu.enqueue_indirect_dma source(%arg16 : memref<128x64xf32, #tpu.memory_space<vmem>>) target(%dma_start3A_251 : memref<10112x64xf32, #tpu.memory_space<vmem_shared>>) offsets(%dma_start3A_248 : memref<128xi32, #tpu.memory_space<vmem>>) semaphore(%arg23 : memref<!tpu.dma_semaphore, #tpu.memory_space<semaphore_mem>>) {add = true}
        %dma_wait3A_252 = arith.constant 0 : i32
        %dma_wait3A_253 = arith.constant 0 : i32
        %dma_wait3A_254 = tpu.memref_slice %arg18[%dma_wait3A_252, %dma_wait3A_253] : memref<10112x64xf32, #tpu.memory_space<vmem_shared>> -> memref<128x64xf32, #tpu.memory_space<vmem_shared>>
        %dma_wait3A_255 = arith.constant 0 : i32
        %dma_wait3A_256 = arith.constant 0 : i32
        %dma_wait3A_257 = tpu.memref_slice %arg18[%dma_wait3A_255, %dma_wait3A_256] : memref<10112x64xf32, #tpu.memory_space<vmem_shared>> -> memref<128x64xf32, #tpu.memory_space<vmem_shared>>
        tpu.wait_dma2 semaphore(%arg22 : memref<!tpu.dma_semaphore, #tpu.memory_space<semaphore_mem>>) src(%arg15 : memref<128x64xf32, #tpu.memory_space<vmem>>) dst(%dma_wait3A_257 : memref<128x64xf32, #tpu.memory_space<vmem_shared>>)
        %add3A_258 = arith.constant 2 : i32
        %add3A_259 = arith.addi %add3A_177, %add3A_258 : i32
        %add3A_260 = arith.constant 2 : i32
        %add3A_261 = arith.addi %add3A_259, %add3A_260 : i32
        %dma_start3A_262 = arith.constant 0 : i32
        %dma_start3A_263 = tpu.memref_slice %arg13[%add3A_261, %dma_start3A_262] : memref<158x128xi32, #tpu.memory_space<vmem>> -> memref<1x128xi32, #tpu.memory_space<vmem>>
        %dma_start3A_264 = tpu.memref_squeeze %dma_start3A_263 : memref<1x128xi32, #tpu.memory_space<vmem>> -> memref<128xi32, #tpu.memory_space<vmem>>
        %dma_start3A_265 = arith.constant 0 : i32
        %dma_start3A_266 = arith.constant 0 : i32
        %dma_start3A_267 = tpu.memref_slice %arg3[%dma_start3A_265, %dma_start3A_266] : memref<10000x64xf32, #tpu.memory_space<hbm>> -> memref<10000x64xf32, #tpu.memory_space<hbm>>
        tpu.enqueue_indirect_dma source(%dma_start3A_267 : memref<10000x64xf32, #tpu.memory_space<hbm>>) target(%arg15 : memref<128x64xf32, #tpu.memory_space<vmem>>) offsets(%dma_start3A_264 : memref<128xi32, #tpu.memory_space<vmem>>) semaphore(%arg19 : memref<!tpu.dma_semaphore, #tpu.memory_space<semaphore_mem>>)
      }
      %scan3A_103 = arith.constant 51 : i32
      %dma_wait3A_104 = arith.constant 0 : i32
      %dma_wait3A_105 = arith.constant 0 : i32
      %dma_wait3A_106 = tpu.memref_slice %arg3[%dma_wait3A_104, %dma_wait3A_105] : memref<10000x64xf32, #tpu.memory_space<hbm>> -> memref<128x64xf32, #tpu.memory_space<hbm>>
      %dma_wait3A_107 = arith.constant 0 : i32
      %dma_wait3A_108 = arith.constant 0 : i32
      %dma_wait3A_109 = tpu.memref_slice %arg3[%dma_wait3A_107, %dma_wait3A_108] : memref<10000x64xf32, #tpu.memory_space<hbm>> -> memref<128x64xf32, #tpu.memory_space<hbm>>
      tpu.wait_dma2 semaphore(%arg21 : memref<!tpu.dma_semaphore, #tpu.memory_space<semaphore_mem>>) src(%dma_wait3A_109 : memref<128x64xf32, #tpu.memory_space<hbm>>) dst(%arg17 : memref<128x64xf32, #tpu.memory_space<vmem>>)
      %dma_start3A_110 = arith.constant 155 : i32
      %dma_start3A_111 = arith.constant 0 : i32
      %dma_start3A_112 = tpu.memref_slice %arg14[%dma_start3A_110, %dma_start3A_111] : memref<158x128xi32, #tpu.memory_space<vmem>> -> memref<1x128xi32, #tpu.memory_space<vmem>>
      %dma_start3A_113 = tpu.memref_squeeze %dma_start3A_112 : memref<1x128xi32, #tpu.memory_space<vmem>> -> memref<128xi32, #tpu.memory_space<vmem>>
      %dma_start3A_114 = arith.constant 0 : i32
      %dma_start3A_115 = arith.constant 0 : i32
      %dma_start3A_116 = tpu.memref_slice %arg18[%dma_start3A_114, %dma_start3A_115] : memref<10112x64xf32, #tpu.memory_space<vmem_shared>> -> memref<10112x64xf32, #tpu.memory_space<vmem_shared>>
      tpu.enqueue_indirect_dma source(%arg17 : memref<128x64xf32, #tpu.memory_space<vmem>>) target(%dma_start3A_116 : memref<10112x64xf32, #tpu.memory_space<vmem_shared>>) offsets(%dma_start3A_113 : memref<128xi32, #tpu.memory_space<vmem>>) semaphore(%arg24 : memref<!tpu.dma_semaphore, #tpu.memory_space<semaphore_mem>>) {add = true}
      %dma_wait3A_117 = arith.constant 0 : i32
      %dma_wait3A_118 = arith.constant 0 : i32
      %dma_wait3A_119 = tpu.memref_slice %arg18[%dma_wait3A_117, %dma_wait3A_118] : memref<10112x64xf32, #tpu.memory_space<vmem_shared>> -> memref<128x64xf32, #tpu.memory_space<vmem_shared>>
      %dma_wait3A_120 = arith.constant 0 : i32
      %dma_wait3A_121 = arith.constant 0 : i32
      %dma_wait3A_122 = tpu.memref_slice %arg18[%dma_wait3A_120, %dma_wait3A_121] : memref<10112x64xf32, #tpu.memory_space<vmem_shared>> -> memref<128x64xf32, #tpu.memory_space<vmem_shared>>
      tpu.wait_dma2 semaphore(%arg23 : memref<!tpu.dma_semaphore, #tpu.memory_space<semaphore_mem>>) src(%arg16 : memref<128x64xf32, #tpu.memory_space<vmem>>) dst(%dma_wait3A_122 : memref<128x64xf32, #tpu.memory_space<vmem_shared>>)
      %dma_start3A_123 = arith.constant 157 : i32
      %dma_start3A_124 = arith.constant 0 : i32
      %dma_start3A_125 = tpu.memref_slice %arg13[%dma_start3A_123, %dma_start3A_124] : memref<158x128xi32, #tpu.memory_space<vmem>> -> memref<1x128xi32, #tpu.memory_space<vmem>>
      %dma_start3A_126 = tpu.memref_squeeze %dma_start3A_125 : memref<1x128xi32, #tpu.memory_space<vmem>> -> memref<128xi32, #tpu.memory_space<vmem>>
      %dma_start3A_127 = arith.constant 0 : i32
      %dma_start3A_128 = arith.constant 0 : i32
      %dma_start3A_129 = tpu.memref_slice %arg3[%dma_start3A_127, %dma_start3A_128] : memref<10000x64xf32, #tpu.memory_space<hbm>> -> memref<10000x64xf32, #tpu.memory_space<hbm>>
      tpu.enqueue_indirect_dma source(%dma_start3A_129 : memref<10000x64xf32, #tpu.memory_space<hbm>>) target(%arg16 : memref<128x64xf32, #tpu.memory_space<vmem>>) offsets(%dma_start3A_126 : memref<128xi32, #tpu.memory_space<vmem>>) semaphore(%arg20 : memref<!tpu.dma_semaphore, #tpu.memory_space<semaphore_mem>>)
      %dma_wait3A_130 = arith.constant 0 : i32
      %dma_wait3A_131 = arith.constant 0 : i32
      %dma_wait3A_132 = tpu.memref_slice %arg3[%dma_wait3A_130, %dma_wait3A_131] : memref<10000x64xf32, #tpu.memory_space<hbm>> -> memref<128x64xf32, #tpu.memory_space<hbm>>
      %dma_wait3A_133 = arith.constant 0 : i32
      %dma_wait3A_134 = arith.constant 0 : i32
      %dma_wait3A_135 = tpu.memref_slice %arg3[%dma_wait3A_133, %dma_wait3A_134] : memref<10000x64xf32, #tpu.memory_space<hbm>> -> memref<128x64xf32, #tpu.memory_space<hbm>>
      tpu.wait_dma2 semaphore(%arg19 : memref<!tpu.dma_semaphore, #tpu.memory_space<semaphore_mem>>) src(%dma_wait3A_135 : memref<128x64xf32, #tpu.memory_space<hbm>>) dst(%arg15 : memref<128x64xf32, #tpu.memory_space<vmem>>)
      %dma_start3A_136 = arith.constant 156 : i32
      %dma_start3A_137 = arith.constant 0 : i32
      %dma_start3A_138 = tpu.memref_slice %arg14[%dma_start3A_136, %dma_start3A_137] : memref<158x128xi32, #tpu.memory_space<vmem>> -> memref<1x128xi32, #tpu.memory_space<vmem>>
      %dma_start3A_139 = tpu.memref_squeeze %dma_start3A_138 : memref<1x128xi32, #tpu.memory_space<vmem>> -> memref<128xi32, #tpu.memory_space<vmem>>
      %dma_start3A_140 = arith.constant 0 : i32
      %dma_start3A_141 = arith.constant 0 : i32
      %dma_start3A_142 = tpu.memref_slice %arg18[%dma_start3A_140, %dma_start3A_141] : memref<10112x64xf32, #tpu.memory_space<vmem_shared>> -> memref<10112x64xf32, #tpu.memory_space<vmem_shared>>
      tpu.enqueue_indirect_dma source(%arg15 : memref<128x64xf32, #tpu.memory_space<vmem>>) target(%dma_start3A_142 : memref<10112x64xf32, #tpu.memory_space<vmem_shared>>) offsets(%dma_start3A_139 : memref<128xi32, #tpu.memory_space<vmem>>) semaphore(%arg22 : memref<!tpu.dma_semaphore, #tpu.memory_space<semaphore_mem>>) {add = true}
      %dma_wait3A_143 = arith.constant 0 : i32
      %dma_wait3A_144 = arith.constant 0 : i32
      %dma_wait3A_145 = tpu.memref_slice %arg3[%dma_wait3A_143, %dma_wait3A_144] : memref<10000x64xf32, #tpu.memory_space<hbm>> -> memref<128x64xf32, #tpu.memory_space<hbm>>
      %dma_wait3A_146 = arith.constant 0 : i32
      %dma_wait3A_147 = arith.constant 0 : i32
      %dma_wait3A_148 = tpu.memref_slice %arg3[%dma_wait3A_146, %dma_wait3A_147] : memref<10000x64xf32, #tpu.memory_space<hbm>> -> memref<128x64xf32, #tpu.memory_space<hbm>>
      tpu.wait_dma2 semaphore(%arg20 : memref<!tpu.dma_semaphore, #tpu.memory_space<semaphore_mem>>) src(%dma_wait3A_148 : memref<128x64xf32, #tpu.memory_space<hbm>>) dst(%arg16 : memref<128x64xf32, #tpu.memory_space<vmem>>)
      %dma_start3A_149 = arith.constant 157 : i32
      %dma_start3A_150 = arith.constant 0 : i32
      %dma_start3A_151 = tpu.memref_slice %arg14[%dma_start3A_149, %dma_start3A_150] : memref<158x128xi32, #tpu.memory_space<vmem>> -> memref<1x128xi32, #tpu.memory_space<vmem>>
      %dma_start3A_152 = tpu.memref_squeeze %dma_start3A_151 : memref<1x128xi32, #tpu.memory_space<vmem>> -> memref<128xi32, #tpu.memory_space<vmem>>
      %dma_start3A_153 = arith.constant 0 : i32
      %dma_start3A_154 = arith.constant 0 : i32
      %dma_start3A_155 = tpu.memref_slice %arg18[%dma_start3A_153, %dma_start3A_154] : memref<10112x64xf32, #tpu.memory_space<vmem_shared>> -> memref<10112x64xf32, #tpu.memory_space<vmem_shared>>
      tpu.enqueue_indirect_dma source(%arg16 : memref<128x64xf32, #tpu.memory_space<vmem>>) target(%dma_start3A_155 : memref<10112x64xf32, #tpu.memory_space<vmem_shared>>) offsets(%dma_start3A_152 : memref<128xi32, #tpu.memory_space<vmem>>) semaphore(%arg23 : memref<!tpu.dma_semaphore, #tpu.memory_space<semaphore_mem>>) {add = true}
      %dma_wait3A_156 = arith.constant 0 : i32
      %dma_wait3A_157 = arith.constant 0 : i32
      %dma_wait3A_158 = tpu.memref_slice %arg18[%dma_wait3A_156, %dma_wait3A_157] : memref<10112x64xf32, #tpu.memory_space<vmem_shared>> -> memref<128x64xf32, #tpu.memory_space<vmem_shared>>
      %dma_wait3A_159 = arith.constant 0 : i32
      %dma_wait3A_160 = arith.constant 0 : i32
      %dma_wait3A_161 = tpu.memref_slice %arg18[%dma_wait3A_159, %dma_wait3A_160] : memref<10112x64xf32, #tpu.memory_space<vmem_shared>> -> memref<128x64xf32, #tpu.memory_space<vmem_shared>>
      tpu.wait_dma2 semaphore(%arg24 : memref<!tpu.dma_semaphore, #tpu.memory_space<semaphore_mem>>) src(%arg17 : memref<128x64xf32, #tpu.memory_space<vmem>>) dst(%dma_wait3A_161 : memref<128x64xf32, #tpu.memory_space<vmem_shared>>)
      %dma_wait3A_162 = arith.constant 0 : i32
      %dma_wait3A_163 = arith.constant 0 : i32
      %dma_wait3A_164 = tpu.memref_slice %arg18[%dma_wait3A_162, %dma_wait3A_163] : memref<10112x64xf32, #tpu.memory_space<vmem_shared>> -> memref<128x64xf32, #tpu.memory_space<vmem_shared>>
      %dma_wait3A_165 = arith.constant 0 : i32
      %dma_wait3A_166 = arith.constant 0 : i32
      %dma_wait3A_167 = tpu.memref_slice %arg18[%dma_wait3A_165, %dma_wait3A_166] : memref<10112x64xf32, #tpu.memory_space<vmem_shared>> -> memref<128x64xf32, #tpu.memory_space<vmem_shared>>
      tpu.wait_dma2 semaphore(%arg22 : memref<!tpu.dma_semaphore, #tpu.memory_space<semaphore_mem>>) src(%arg15 : memref<128x64xf32, #tpu.memory_space<vmem>>) dst(%dma_wait3A_167 : memref<128x64xf32, #tpu.memory_space<vmem_shared>>)
      %dma_wait3A_168 = arith.constant 0 : i32
      %dma_wait3A_169 = arith.constant 0 : i32
      %dma_wait3A_170 = tpu.memref_slice %arg18[%dma_wait3A_168, %dma_wait3A_169] : memref<10112x64xf32, #tpu.memory_space<vmem_shared>> -> memref<128x64xf32, #tpu.memory_space<vmem_shared>>
      %dma_wait3A_171 = arith.constant 0 : i32
      %dma_wait3A_172 = arith.constant 0 : i32
      %dma_wait3A_173 = tpu.memref_slice %arg18[%dma_wait3A_171, %dma_wait3A_172] : memref<10112x64xf32, #tpu.memory_space<vmem_shared>> -> memref<128x64xf32, #tpu.memory_space<vmem_shared>>
      tpu.wait_dma2 semaphore(%arg23 : memref<!tpu.dma_semaphore, #tpu.memory_space<semaphore_mem>>) src(%arg16 : memref<128x64xf32, #tpu.memory_space<vmem>>) dst(%dma_wait3A_173 : memref<128x64xf32, #tpu.memory_space<vmem_shared>>)
    } else {
    }
    %eq3A_25 = arith.constant 1 : i32
    %eq3A_26 = arith.cmpi eq, %arg0, %eq3A_25 : i32
    %convert_element_type3A_27 = arith.extui %eq3A_26 : i1 to i32
    %cond3A_28 = arith.constant 0 : i32
    %cond3A_29 = arith.cmpi ne, %convert_element_type3A_27, %cond3A_28 : i32
    scf.if %cond3A_29 {
      %dma_start3A = arith.constant 0 : i32
      %dma_start3A_41 = arith.constant 0 : i32
      %dma_start3A_42 = tpu.memref_slice %arg13[%dma_start3A, %dma_start3A_41] : memref<158x128xi32, #tpu.memory_space<vmem>> -> memref<1x128xi32, #tpu.memory_space<vmem>>
      %dma_start3A_43 = tpu.memref_squeeze %dma_start3A_42 : memref<1x128xi32, #tpu.memory_space<vmem>> -> memref<128xi32, #tpu.memory_space<vmem>>
      %dma_start3A_44 = arith.constant 0 : i32
      %dma_start3A_45 = arith.constant 0 : i32
      %dma_start3A_46 = tpu.memref_slice %arg5[%dma_start3A_44, %dma_start3A_45] : memref<10000x64xf32, #tpu.memory_space<hbm>> -> memref<10000x64xf32, #tpu.memory_space<hbm>>
      tpu.enqueue_indirect_dma source(%dma_start3A_46 : memref<10000x64xf32, #tpu.memory_space<hbm>>) target(%arg15 : memref<128x64xf32, #tpu.memory_space<vmem>>) offsets(%dma_start3A_43 : memref<128xi32, #tpu.memory_space<vmem>>) semaphore(%arg19 : memref<!tpu.dma_semaphore, #tpu.memory_space<semaphore_mem>>)
      %dma_start3A_47 = arith.constant 1 : i32
      %dma_start3A_48 = arith.constant 0 : i32
      %dma_start3A_49 = tpu.memref_slice %arg13[%dma_start3A_47, %dma_start3A_48] : memref<158x128xi32, #tpu.memory_space<vmem>> -> memref<1x128xi32, #tpu.memory_space<vmem>>
      %dma_start3A_50 = tpu.memref_squeeze %dma_start3A_49 : memref<1x128xi32, #tpu.memory_space<vmem>> -> memref<128xi32, #tpu.memory_space<vmem>>
      %dma_start3A_51 = arith.constant 0 : i32
      %dma_start3A_52 = arith.constant 0 : i32
      %dma_start3A_53 = tpu.memref_slice %arg5[%dma_start3A_51, %dma_start3A_52] : memref<10000x64xf32, #tpu.memory_space<hbm>> -> memref<10000x64xf32, #tpu.memory_space<hbm>>
      tpu.enqueue_indirect_dma source(%dma_start3A_53 : memref<10000x64xf32, #tpu.memory_space<hbm>>) target(%arg16 : memref<128x64xf32, #tpu.memory_space<vmem>>) offsets(%dma_start3A_50 : memref<128xi32, #tpu.memory_space<vmem>>) semaphore(%arg20 : memref<!tpu.dma_semaphore, #tpu.memory_space<semaphore_mem>>)
      %dma_wait3A = arith.constant 0 : i32
      %dma_wait3A_54 = arith.constant 0 : i32
      %dma_wait3A_55 = tpu.memref_slice %arg5[%dma_wait3A, %dma_wait3A_54] : memref<10000x64xf32, #tpu.memory_space<hbm>> -> memref<128x64xf32, #tpu.memory_space<hbm>>
      %dma_wait3A_56 = arith.constant 0 : i32
      %dma_wait3A_57 = arith.constant 0 : i32
      %dma_wait3A_58 = tpu.memref_slice %arg5[%dma_wait3A_56, %dma_wait3A_57] : memref<10000x64xf32, #tpu.memory_space<hbm>> -> memref<128x64xf32, #tpu.memory_space<hbm>>
      tpu.wait_dma2 semaphore(%arg19 : memref<!tpu.dma_semaphore, #tpu.memory_space<semaphore_mem>>) src(%dma_wait3A_58 : memref<128x64xf32, #tpu.memory_space<hbm>>) dst(%arg15 : memref<128x64xf32, #tpu.memory_space<vmem>>)
      %dma_start3A_59 = arith.constant 0 : i32
      %dma_start3A_60 = arith.constant 0 : i32
      %dma_start3A_61 = tpu.memref_slice %arg14[%dma_start3A_59, %dma_start3A_60] : memref<158x128xi32, #tpu.memory_space<vmem>> -> memref<1x128xi32, #tpu.memory_space<vmem>>
      %dma_start3A_62 = tpu.memref_squeeze %dma_start3A_61 : memref<1x128xi32, #tpu.memory_space<vmem>> -> memref<128xi32, #tpu.memory_space<vmem>>
      %dma_start3A_63 = arith.constant 0 : i32
      %dma_start3A_64 = arith.constant 0 : i32
      %dma_start3A_65 = tpu.memref_slice %arg18[%dma_start3A_63, %dma_start3A_64] : memref<10112x64xf32, #tpu.memory_space<vmem_shared>> -> memref<10112x64xf32, #tpu.memory_space<vmem_shared>>
      tpu.enqueue_indirect_dma source(%arg15 : memref<128x64xf32, #tpu.memory_space<vmem>>) target(%dma_start3A_65 : memref<10112x64xf32, #tpu.memory_space<vmem_shared>>) offsets(%dma_start3A_62 : memref<128xi32, #tpu.memory_space<vmem>>) semaphore(%arg22 : memref<!tpu.dma_semaphore, #tpu.memory_space<semaphore_mem>>) {add = true}
      %dma_start3A_66 = arith.constant 2 : i32
      %dma_start3A_67 = arith.constant 0 : i32
      %dma_start3A_68 = tpu.memref_slice %arg13[%dma_start3A_66, %dma_start3A_67] : memref<158x128xi32, #tpu.memory_space<vmem>> -> memref<1x128xi32, #tpu.memory_space<vmem>>
      %dma_start3A_69 = tpu.memref_squeeze %dma_start3A_68 : memref<1x128xi32, #tpu.memory_space<vmem>> -> memref<128xi32, #tpu.memory_space<vmem>>
      %dma_start3A_70 = arith.constant 0 : i32
      %dma_start3A_71 = arith.constant 0 : i32
      %dma_start3A_72 = tpu.memref_slice %arg5[%dma_start3A_70, %dma_start3A_71] : memref<10000x64xf32, #tpu.memory_space<hbm>> -> memref<10000x64xf32, #tpu.memory_space<hbm>>
      tpu.enqueue_indirect_dma source(%dma_start3A_72 : memref<10000x64xf32, #tpu.memory_space<hbm>>) target(%arg17 : memref<128x64xf32, #tpu.memory_space<vmem>>) offsets(%dma_start3A_69 : memref<128xi32, #tpu.memory_space<vmem>>) semaphore(%arg21 : memref<!tpu.dma_semaphore, #tpu.memory_space<semaphore_mem>>)
      %dma_wait3A_73 = arith.constant 0 : i32
      %dma_wait3A_74 = arith.constant 0 : i32
      %dma_wait3A_75 = tpu.memref_slice %arg5[%dma_wait3A_73, %dma_wait3A_74] : memref<10000x64xf32, #tpu.memory_space<hbm>> -> memref<128x64xf32, #tpu.memory_space<hbm>>
      %dma_wait3A_76 = arith.constant 0 : i32
      %dma_wait3A_77 = arith.constant 0 : i32
      %dma_wait3A_78 = tpu.memref_slice %arg5[%dma_wait3A_76, %dma_wait3A_77] : memref<10000x64xf32, #tpu.memory_space<hbm>> -> memref<128x64xf32, #tpu.memory_space<hbm>>
      tpu.wait_dma2 semaphore(%arg20 : memref<!tpu.dma_semaphore, #tpu.memory_space<semaphore_mem>>) src(%dma_wait3A_78 : memref<128x64xf32, #tpu.memory_space<hbm>>) dst(%arg16 : memref<128x64xf32, #tpu.memory_space<vmem>>)
      %dma_start3A_79 = arith.constant 1 : i32
      %dma_start3A_80 = arith.constant 0 : i32
      %dma_start3A_81 = tpu.memref_slice %arg14[%dma_start3A_79, %dma_start3A_80] : memref<158x128xi32, #tpu.memory_space<vmem>> -> memref<1x128xi32, #tpu.memory_space<vmem>>
      %dma_start3A_82 = tpu.memref_squeeze %dma_start3A_81 : memref<1x128xi32, #tpu.memory_space<vmem>> -> memref<128xi32, #tpu.memory_space<vmem>>
      %dma_start3A_83 = arith.constant 0 : i32
      %dma_start3A_84 = arith.constant 0 : i32
      %dma_start3A_85 = tpu.memref_slice %arg18[%dma_start3A_83, %dma_start3A_84] : memref<10112x64xf32, #tpu.memory_space<vmem_shared>> -> memref<10112x64xf32, #tpu.memory_space<vmem_shared>>
      tpu.enqueue_indirect_dma source(%arg16 : memref<128x64xf32, #tpu.memory_space<vmem>>) target(%dma_start3A_85 : memref<10112x64xf32, #tpu.memory_space<vmem_shared>>) offsets(%dma_start3A_82 : memref<128xi32, #tpu.memory_space<vmem>>) semaphore(%arg23 : memref<!tpu.dma_semaphore, #tpu.memory_space<semaphore_mem>>) {add = true}
      %dma_wait3A_86 = arith.constant 0 : i32
      %dma_wait3A_87 = arith.constant 0 : i32
      %dma_wait3A_88 = tpu.memref_slice %arg18[%dma_wait3A_86, %dma_wait3A_87] : memref<10112x64xf32, #tpu.memory_space<vmem_shared>> -> memref<128x64xf32, #tpu.memory_space<vmem_shared>>
      %dma_wait3A_89 = arith.constant 0 : i32
      %dma_wait3A_90 = arith.constant 0 : i32
      %dma_wait3A_91 = tpu.memref_slice %arg18[%dma_wait3A_89, %dma_wait3A_90] : memref<10112x64xf32, #tpu.memory_space<vmem_shared>> -> memref<128x64xf32, #tpu.memory_space<vmem_shared>>
      tpu.wait_dma2 semaphore(%arg22 : memref<!tpu.dma_semaphore, #tpu.memory_space<semaphore_mem>>) src(%arg15 : memref<128x64xf32, #tpu.memory_space<vmem>>) dst(%dma_wait3A_91 : memref<128x64xf32, #tpu.memory_space<vmem_shared>>)
      %dma_start3A_92 = arith.constant 3 : i32
      %dma_start3A_93 = arith.constant 0 : i32
      %dma_start3A_94 = tpu.memref_slice %arg13[%dma_start3A_92, %dma_start3A_93] : memref<158x128xi32, #tpu.memory_space<vmem>> -> memref<1x128xi32, #tpu.memory_space<vmem>>
      %dma_start3A_95 = tpu.memref_squeeze %dma_start3A_94 : memref<1x128xi32, #tpu.memory_space<vmem>> -> memref<128xi32, #tpu.memory_space<vmem>>
      %dma_start3A_96 = arith.constant 0 : i32
      %dma_start3A_97 = arith.constant 0 : i32
      %dma_start3A_98 = tpu.memref_slice %arg5[%dma_start3A_96, %dma_start3A_97] : memref<10000x64xf32, #tpu.memory_space<hbm>> -> memref<10000x64xf32, #tpu.memory_space<hbm>>
      tpu.enqueue_indirect_dma source(%dma_start3A_98 : memref<10000x64xf32, #tpu.memory_space<hbm>>) target(%arg15 : memref<128x64xf32, #tpu.memory_space<vmem>>) offsets(%dma_start3A_95 : memref<128xi32, #tpu.memory_space<vmem>>) semaphore(%arg19 : memref<!tpu.dma_semaphore, #tpu.memory_space<semaphore_mem>>)
      %scan3A = arith.constant 0 : i32
      %scan3A_99 = arith.constant 0 : i32
      %scan3A_100 = arith.constant 51 : i32
      %scan3A_101 = arith.addi %scan3A_99, %scan3A_100 : i32
      %scan3A_102 = arith.constant 1 : i32
      scf.for %scan3A_174 = %scan3A_99 to %scan3A_101 step %scan3A_102  : i32 {
        %mul3A_175 = arith.constant 3 : i32
        %mul3A_176 = arith.muli %mul3A_175, %scan3A_174 : i32
        %add3A = arith.constant 2 : i32
        %add3A_177 = arith.addi %mul3A_176, %add3A : i32
        %dma_wait3A_178 = arith.constant 0 : i32
        %dma_wait3A_179 = arith.constant 0 : i32
        %dma_wait3A_180 = tpu.memref_slice %arg5[%dma_wait3A_178, %dma_wait3A_179] : memref<10000x64xf32, #tpu.memory_space<hbm>> -> memref<128x64xf32, #tpu.memory_space<hbm>>
        %dma_wait3A_181 = arith.constant 0 : i32
        %dma_wait3A_182 = arith.constant 0 : i32
        %dma_wait3A_183 = tpu.memref_slice %arg5[%dma_wait3A_181, %dma_wait3A_182] : memref<10000x64xf32, #tpu.memory_space<hbm>> -> memref<128x64xf32, #tpu.memory_space<hbm>>
        tpu.wait_dma2 semaphore(%arg21 : memref<!tpu.dma_semaphore, #tpu.memory_space<semaphore_mem>>) src(%dma_wait3A_183 : memref<128x64xf32, #tpu.memory_space<hbm>>) dst(%arg17 : memref<128x64xf32, #tpu.memory_space<vmem>>)
        %add3A_184 = arith.constant 0 : i32
        %add3A_185 = arith.addi %add3A_177, %add3A_184 : i32
        %dma_start3A_186 = arith.constant 0 : i32
        %dma_start3A_187 = tpu.memref_slice %arg14[%add3A_185, %dma_start3A_186] : memref<158x128xi32, #tpu.memory_space<vmem>> -> memref<1x128xi32, #tpu.memory_space<vmem>>
        %dma_start3A_188 = tpu.memref_squeeze %dma_start3A_187 : memref<1x128xi32, #tpu.memory_space<vmem>> -> memref<128xi32, #tpu.memory_space<vmem>>
        %dma_start3A_189 = arith.constant 0 : i32
        %dma_start3A_190 = arith.constant 0 : i32
        %dma_start3A_191 = tpu.memref_slice %arg18[%dma_start3A_189, %dma_start3A_190] : memref<10112x64xf32, #tpu.memory_space<vmem_shared>> -> memref<10112x64xf32, #tpu.memory_space<vmem_shared>>
        tpu.enqueue_indirect_dma source(%arg17 : memref<128x64xf32, #tpu.memory_space<vmem>>) target(%dma_start3A_191 : memref<10112x64xf32, #tpu.memory_space<vmem_shared>>) offsets(%dma_start3A_188 : memref<128xi32, #tpu.memory_space<vmem>>) semaphore(%arg24 : memref<!tpu.dma_semaphore, #tpu.memory_space<semaphore_mem>>) {add = true}
        %dma_wait3A_192 = arith.constant 0 : i32
        %dma_wait3A_193 = arith.constant 0 : i32
        %dma_wait3A_194 = tpu.memref_slice %arg18[%dma_wait3A_192, %dma_wait3A_193] : memref<10112x64xf32, #tpu.memory_space<vmem_shared>> -> memref<128x64xf32, #tpu.memory_space<vmem_shared>>
        %dma_wait3A_195 = arith.constant 0 : i32
        %dma_wait3A_196 = arith.constant 0 : i32
        %dma_wait3A_197 = tpu.memref_slice %arg18[%dma_wait3A_195, %dma_wait3A_196] : memref<10112x64xf32, #tpu.memory_space<vmem_shared>> -> memref<128x64xf32, #tpu.memory_space<vmem_shared>>
        tpu.wait_dma2 semaphore(%arg23 : memref<!tpu.dma_semaphore, #tpu.memory_space<semaphore_mem>>) src(%arg16 : memref<128x64xf32, #tpu.memory_space<vmem>>) dst(%dma_wait3A_197 : memref<128x64xf32, #tpu.memory_space<vmem_shared>>)
        %add3A_198 = arith.constant 0 : i32
        %add3A_199 = arith.addi %add3A_177, %add3A_198 : i32
        %add3A_200 = arith.constant 2 : i32
        %add3A_201 = arith.addi %add3A_199, %add3A_200 : i32
        %dma_start3A_202 = arith.constant 0 : i32
        %dma_start3A_203 = tpu.memref_slice %arg13[%add3A_201, %dma_start3A_202] : memref<158x128xi32, #tpu.memory_space<vmem>> -> memref<1x128xi32, #tpu.memory_space<vmem>>
        %dma_start3A_204 = tpu.memref_squeeze %dma_start3A_203 : memref<1x128xi32, #tpu.memory_space<vmem>> -> memref<128xi32, #tpu.memory_space<vmem>>
        %dma_start3A_205 = arith.constant 0 : i32
        %dma_start3A_206 = arith.constant 0 : i32
        %dma_start3A_207 = tpu.memref_slice %arg5[%dma_start3A_205, %dma_start3A_206] : memref<10000x64xf32, #tpu.memory_space<hbm>> -> memref<10000x64xf32, #tpu.memory_space<hbm>>
        tpu.enqueue_indirect_dma source(%dma_start3A_207 : memref<10000x64xf32, #tpu.memory_space<hbm>>) target(%arg16 : memref<128x64xf32, #tpu.memory_space<vmem>>) offsets(%dma_start3A_204 : memref<128xi32, #tpu.memory_space<vmem>>) semaphore(%arg20 : memref<!tpu.dma_semaphore, #tpu.memory_space<semaphore_mem>>)
        %dma_wait3A_208 = arith.constant 0 : i32
        %dma_wait3A_209 = arith.constant 0 : i32
        %dma_wait3A_210 = tpu.memref_slice %arg5[%dma_wait3A_208, %dma_wait3A_209] : memref<10000x64xf32, #tpu.memory_space<hbm>> -> memref<128x64xf32, #tpu.memory_space<hbm>>
        %dma_wait3A_211 = arith.constant 0 : i32
        %dma_wait3A_212 = arith.constant 0 : i32
        %dma_wait3A_213 = tpu.memref_slice %arg5[%dma_wait3A_211, %dma_wait3A_212] : memref<10000x64xf32, #tpu.memory_space<hbm>> -> memref<128x64xf32, #tpu.memory_space<hbm>>
        tpu.wait_dma2 semaphore(%arg19 : memref<!tpu.dma_semaphore, #tpu.memory_space<semaphore_mem>>) src(%dma_wait3A_213 : memref<128x64xf32, #tpu.memory_space<hbm>>) dst(%arg15 : memref<128x64xf32, #tpu.memory_space<vmem>>)
        %add3A_214 = arith.constant 1 : i32
        %add3A_215 = arith.addi %add3A_177, %add3A_214 : i32
        %dma_start3A_216 = arith.constant 0 : i32
        %dma_start3A_217 = tpu.memref_slice %arg14[%add3A_215, %dma_start3A_216] : memref<158x128xi32, #tpu.memory_space<vmem>> -> memref<1x128xi32, #tpu.memory_space<vmem>>
        %dma_start3A_218 = tpu.memref_squeeze %dma_start3A_217 : memref<1x128xi32, #tpu.memory_space<vmem>> -> memref<128xi32, #tpu.memory_space<vmem>>
        %dma_start3A_219 = arith.constant 0 : i32
        %dma_start3A_220 = arith.constant 0 : i32
        %dma_start3A_221 = tpu.memref_slice %arg18[%dma_start3A_219, %dma_start3A_220] : memref<10112x64xf32, #tpu.memory_space<vmem_shared>> -> memref<10112x64xf32, #tpu.memory_space<vmem_shared>>
        tpu.enqueue_indirect_dma source(%arg15 : memref<128x64xf32, #tpu.memory_space<vmem>>) target(%dma_start3A_221 : memref<10112x64xf32, #tpu.memory_space<vmem_shared>>) offsets(%dma_start3A_218 : memref<128xi32, #tpu.memory_space<vmem>>) semaphore(%arg22 : memref<!tpu.dma_semaphore, #tpu.memory_space<semaphore_mem>>) {add = true}
        %dma_wait3A_222 = arith.constant 0 : i32
        %dma_wait3A_223 = arith.constant 0 : i32
        %dma_wait3A_224 = tpu.memref_slice %arg18[%dma_wait3A_222, %dma_wait3A_223] : memref<10112x64xf32, #tpu.memory_space<vmem_shared>> -> memref<128x64xf32, #tpu.memory_space<vmem_shared>>
        %dma_wait3A_225 = arith.constant 0 : i32
        %dma_wait3A_226 = arith.constant 0 : i32
        %dma_wait3A_227 = tpu.memref_slice %arg18[%dma_wait3A_225, %dma_wait3A_226] : memref<10112x64xf32, #tpu.memory_space<vmem_shared>> -> memref<128x64xf32, #tpu.memory_space<vmem_shared>>
        tpu.wait_dma2 semaphore(%arg24 : memref<!tpu.dma_semaphore, #tpu.memory_space<semaphore_mem>>) src(%arg17 : memref<128x64xf32, #tpu.memory_space<vmem>>) dst(%dma_wait3A_227 : memref<128x64xf32, #tpu.memory_space<vmem_shared>>)
        %add3A_228 = arith.constant 1 : i32
        %add3A_229 = arith.addi %add3A_177, %add3A_228 : i32
        %add3A_230 = arith.constant 2 : i32
        %add3A_231 = arith.addi %add3A_229, %add3A_230 : i32
        %dma_start3A_232 = arith.constant 0 : i32
        %dma_start3A_233 = tpu.memref_slice %arg13[%add3A_231, %dma_start3A_232] : memref<158x128xi32, #tpu.memory_space<vmem>> -> memref<1x128xi32, #tpu.memory_space<vmem>>
        %dma_start3A_234 = tpu.memref_squeeze %dma_start3A_233 : memref<1x128xi32, #tpu.memory_space<vmem>> -> memref<128xi32, #tpu.memory_space<vmem>>
        %dma_start3A_235 = arith.constant 0 : i32
        %dma_start3A_236 = arith.constant 0 : i32
        %dma_start3A_237 = tpu.memref_slice %arg5[%dma_start3A_235, %dma_start3A_236] : memref<10000x64xf32, #tpu.memory_space<hbm>> -> memref<10000x64xf32, #tpu.memory_space<hbm>>
        tpu.enqueue_indirect_dma source(%dma_start3A_237 : memref<10000x64xf32, #tpu.memory_space<hbm>>) target(%arg17 : memref<128x64xf32, #tpu.memory_space<vmem>>) offsets(%dma_start3A_234 : memref<128xi32, #tpu.memory_space<vmem>>) semaphore(%arg21 : memref<!tpu.dma_semaphore, #tpu.memory_space<semaphore_mem>>)
        %dma_wait3A_238 = arith.constant 0 : i32
        %dma_wait3A_239 = arith.constant 0 : i32
        %dma_wait3A_240 = tpu.memref_slice %arg5[%dma_wait3A_238, %dma_wait3A_239] : memref<10000x64xf32, #tpu.memory_space<hbm>> -> memref<128x64xf32, #tpu.memory_space<hbm>>
        %dma_wait3A_241 = arith.constant 0 : i32
        %dma_wait3A_242 = arith.constant 0 : i32
        %dma_wait3A_243 = tpu.memref_slice %arg5[%dma_wait3A_241, %dma_wait3A_242] : memref<10000x64xf32, #tpu.memory_space<hbm>> -> memref<128x64xf32, #tpu.memory_space<hbm>>
        tpu.wait_dma2 semaphore(%arg20 : memref<!tpu.dma_semaphore, #tpu.memory_space<semaphore_mem>>) src(%dma_wait3A_243 : memref<128x64xf32, #tpu.memory_space<hbm>>) dst(%arg16 : memref<128x64xf32, #tpu.memory_space<vmem>>)
        %add3A_244 = arith.constant 2 : i32
        %add3A_245 = arith.addi %add3A_177, %add3A_244 : i32
        %dma_start3A_246 = arith.constant 0 : i32
        %dma_start3A_247 = tpu.memref_slice %arg14[%add3A_245, %dma_start3A_246] : memref<158x128xi32, #tpu.memory_space<vmem>> -> memref<1x128xi32, #tpu.memory_space<vmem>>
        %dma_start3A_248 = tpu.memref_squeeze %dma_start3A_247 : memref<1x128xi32, #tpu.memory_space<vmem>> -> memref<128xi32, #tpu.memory_space<vmem>>
        %dma_start3A_249 = arith.constant 0 : i32
        %dma_start3A_250 = arith.constant 0 : i32
        %dma_start3A_251 = tpu.memref_slice %arg18[%dma_start3A_249, %dma_start3A_250] : memref<10112x64xf32, #tpu.memory_space<vmem_shared>> -> memref<10112x64xf32, #tpu.memory_space<vmem_shared>>
        tpu.enqueue_indirect_dma source(%arg16 : memref<128x64xf32, #tpu.memory_space<vmem>>) target(%dma_start3A_251 : memref<10112x64xf32, #tpu.memory_space<vmem_shared>>) offsets(%dma_start3A_248 : memref<128xi32, #tpu.memory_space<vmem>>) semaphore(%arg23 : memref<!tpu.dma_semaphore, #tpu.memory_space<semaphore_mem>>) {add = true}
        %dma_wait3A_252 = arith.constant 0 : i32
        %dma_wait3A_253 = arith.constant 0 : i32
        %dma_wait3A_254 = tpu.memref_slice %arg18[%dma_wait3A_252, %dma_wait3A_253] : memref<10112x64xf32, #tpu.memory_space<vmem_shared>> -> memref<128x64xf32, #tpu.memory_space<vmem_shared>>
        %dma_wait3A_255 = arith.constant 0 : i32
        %dma_wait3A_256 = arith.constant 0 : i32
        %dma_wait3A_257 = tpu.memref_slice %arg18[%dma_wait3A_255, %dma_wait3A_256] : memref<10112x64xf32, #tpu.memory_space<vmem_shared>> -> memref<128x64xf32, #tpu.memory_space<vmem_shared>>
        tpu.wait_dma2 semaphore(%arg22 : memref<!tpu.dma_semaphore, #tpu.memory_space<semaphore_mem>>) src(%arg15 : memref<128x64xf32, #tpu.memory_space<vmem>>) dst(%dma_wait3A_257 : memref<128x64xf32, #tpu.memory_space<vmem_shared>>)
        %add3A_258 = arith.constant 2 : i32
        %add3A_259 = arith.addi %add3A_177, %add3A_258 : i32
        %add3A_260 = arith.constant 2 : i32
        %add3A_261 = arith.addi %add3A_259, %add3A_260 : i32
        %dma_start3A_262 = arith.constant 0 : i32
        %dma_start3A_263 = tpu.memref_slice %arg13[%add3A_261, %dma_start3A_262] : memref<158x128xi32, #tpu.memory_space<vmem>> -> memref<1x128xi32, #tpu.memory_space<vmem>>
        %dma_start3A_264 = tpu.memref_squeeze %dma_start3A_263 : memref<1x128xi32, #tpu.memory_space<vmem>> -> memref<128xi32, #tpu.memory_space<vmem>>
        %dma_start3A_265 = arith.constant 0 : i32
        %dma_start3A_266 = arith.constant 0 : i32
        %dma_start3A_267 = tpu.memref_slice %arg5[%dma_start3A_265, %dma_start3A_266] : memref<10000x64xf32, #tpu.memory_space<hbm>> -> memref<10000x64xf32, #tpu.memory_space<hbm>>
        tpu.enqueue_indirect_dma source(%dma_start3A_267 : memref<10000x64xf32, #tpu.memory_space<hbm>>) target(%arg15 : memref<128x64xf32, #tpu.memory_space<vmem>>) offsets(%dma_start3A_264 : memref<128xi32, #tpu.memory_space<vmem>>) semaphore(%arg19 : memref<!tpu.dma_semaphore, #tpu.memory_space<semaphore_mem>>)
      }
      %scan3A_103 = arith.constant 51 : i32
      %dma_wait3A_104 = arith.constant 0 : i32
      %dma_wait3A_105 = arith.constant 0 : i32
      %dma_wait3A_106 = tpu.memref_slice %arg5[%dma_wait3A_104, %dma_wait3A_105] : memref<10000x64xf32, #tpu.memory_space<hbm>> -> memref<128x64xf32, #tpu.memory_space<hbm>>
      %dma_wait3A_107 = arith.constant 0 : i32
      %dma_wait3A_108 = arith.constant 0 : i32
      %dma_wait3A_109 = tpu.memref_slice %arg5[%dma_wait3A_107, %dma_wait3A_108] : memref<10000x64xf32, #tpu.memory_space<hbm>> -> memref<128x64xf32, #tpu.memory_space<hbm>>
      tpu.wait_dma2 semaphore(%arg21 : memref<!tpu.dma_semaphore, #tpu.memory_space<semaphore_mem>>) src(%dma_wait3A_109 : memref<128x64xf32, #tpu.memory_space<hbm>>) dst(%arg17 : memref<128x64xf32, #tpu.memory_space<vmem>>)
      %dma_start3A_110 = arith.constant 155 : i32
      %dma_start3A_111 = arith.constant 0 : i32
      %dma_start3A_112 = tpu.memref_slice %arg14[%dma_start3A_110, %dma_start3A_111] : memref<158x128xi32, #tpu.memory_space<vmem>> -> memref<1x128xi32, #tpu.memory_space<vmem>>
      %dma_start3A_113 = tpu.memref_squeeze %dma_start3A_112 : memref<1x128xi32, #tpu.memory_space<vmem>> -> memref<128xi32, #tpu.memory_space<vmem>>
      %dma_start3A_114 = arith.constant 0 : i32
      %dma_start3A_115 = arith.constant 0 : i32
      %dma_start3A_116 = tpu.memref_slice %arg18[%dma_start3A_114, %dma_start3A_115] : memref<10112x64xf32, #tpu.memory_space<vmem_shared>> -> memref<10112x64xf32, #tpu.memory_space<vmem_shared>>
      tpu.enqueue_indirect_dma source(%arg17 : memref<128x64xf32, #tpu.memory_space<vmem>>) target(%dma_start3A_116 : memref<10112x64xf32, #tpu.memory_space<vmem_shared>>) offsets(%dma_start3A_113 : memref<128xi32, #tpu.memory_space<vmem>>) semaphore(%arg24 : memref<!tpu.dma_semaphore, #tpu.memory_space<semaphore_mem>>) {add = true}
      %dma_wait3A_117 = arith.constant 0 : i32
      %dma_wait3A_118 = arith.constant 0 : i32
      %dma_wait3A_119 = tpu.memref_slice %arg18[%dma_wait3A_117, %dma_wait3A_118] : memref<10112x64xf32, #tpu.memory_space<vmem_shared>> -> memref<128x64xf32, #tpu.memory_space<vmem_shared>>
      %dma_wait3A_120 = arith.constant 0 : i32
      %dma_wait3A_121 = arith.constant 0 : i32
      %dma_wait3A_122 = tpu.memref_slice %arg18[%dma_wait3A_120, %dma_wait3A_121] : memref<10112x64xf32, #tpu.memory_space<vmem_shared>> -> memref<128x64xf32, #tpu.memory_space<vmem_shared>>
      tpu.wait_dma2 semaphore(%arg23 : memref<!tpu.dma_semaphore, #tpu.memory_space<semaphore_mem>>) src(%arg16 : memref<128x64xf32, #tpu.memory_space<vmem>>) dst(%dma_wait3A_122 : memref<128x64xf32, #tpu.memory_space<vmem_shared>>)
      %dma_start3A_123 = arith.constant 157 : i32
      %dma_start3A_124 = arith.constant 0 : i32
      %dma_start3A_125 = tpu.memref_slice %arg13[%dma_start3A_123, %dma_start3A_124] : memref<158x128xi32, #tpu.memory_space<vmem>> -> memref<1x128xi32, #tpu.memory_space<vmem>>
      %dma_start3A_126 = tpu.memref_squeeze %dma_start3A_125 : memref<1x128xi32, #tpu.memory_space<vmem>> -> memref<128xi32, #tpu.memory_space<vmem>>
      %dma_start3A_127 = arith.constant 0 : i32
      %dma_start3A_128 = arith.constant 0 : i32
      %dma_start3A_129 = tpu.memref_slice %arg5[%dma_start3A_127, %dma_start3A_128] : memref<10000x64xf32, #tpu.memory_space<hbm>> -> memref<10000x64xf32, #tpu.memory_space<hbm>>
      tpu.enqueue_indirect_dma source(%dma_start3A_129 : memref<10000x64xf32, #tpu.memory_space<hbm>>) target(%arg16 : memref<128x64xf32, #tpu.memory_space<vmem>>) offsets(%dma_start3A_126 : memref<128xi32, #tpu.memory_space<vmem>>) semaphore(%arg20 : memref<!tpu.dma_semaphore, #tpu.memory_space<semaphore_mem>>)
      %dma_wait3A_130 = arith.constant 0 : i32
      %dma_wait3A_131 = arith.constant 0 : i32
      %dma_wait3A_132 = tpu.memref_slice %arg5[%dma_wait3A_130, %dma_wait3A_131] : memref<10000x64xf32, #tpu.memory_space<hbm>> -> memref<128x64xf32, #tpu.memory_space<hbm>>
      %dma_wait3A_133 = arith.constant 0 : i32
      %dma_wait3A_134 = arith.constant 0 : i32
      %dma_wait3A_135 = tpu.memref_slice %arg5[%dma_wait3A_133, %dma_wait3A_134] : memref<10000x64xf32, #tpu.memory_space<hbm>> -> memref<128x64xf32, #tpu.memory_space<hbm>>
      tpu.wait_dma2 semaphore(%arg19 : memref<!tpu.dma_semaphore, #tpu.memory_space<semaphore_mem>>) src(%dma_wait3A_135 : memref<128x64xf32, #tpu.memory_space<hbm>>) dst(%arg15 : memref<128x64xf32, #tpu.memory_space<vmem>>)
      %dma_start3A_136 = arith.constant 156 : i32
      %dma_start3A_137 = arith.constant 0 : i32
      %dma_start3A_138 = tpu.memref_slice %arg14[%dma_start3A_136, %dma_start3A_137] : memref<158x128xi32, #tpu.memory_space<vmem>> -> memref<1x128xi32, #tpu.memory_space<vmem>>
      %dma_start3A_139 = tpu.memref_squeeze %dma_start3A_138 : memref<1x128xi32, #tpu.memory_space<vmem>> -> memref<128xi32, #tpu.memory_space<vmem>>
      %dma_start3A_140 = arith.constant 0 : i32
      %dma_start3A_141 = arith.constant 0 : i32
      %dma_start3A_142 = tpu.memref_slice %arg18[%dma_start3A_140, %dma_start3A_141] : memref<10112x64xf32, #tpu.memory_space<vmem_shared>> -> memref<10112x64xf32, #tpu.memory_space<vmem_shared>>
      tpu.enqueue_indirect_dma source(%arg15 : memref<128x64xf32, #tpu.memory_space<vmem>>) target(%dma_start3A_142 : memref<10112x64xf32, #tpu.memory_space<vmem_shared>>) offsets(%dma_start3A_139 : memref<128xi32, #tpu.memory_space<vmem>>) semaphore(%arg22 : memref<!tpu.dma_semaphore, #tpu.memory_space<semaphore_mem>>) {add = true}
      %dma_wait3A_143 = arith.constant 0 : i32
      %dma_wait3A_144 = arith.constant 0 : i32
      %dma_wait3A_145 = tpu.memref_slice %arg5[%dma_wait3A_143, %dma_wait3A_144] : memref<10000x64xf32, #tpu.memory_space<hbm>> -> memref<128x64xf32, #tpu.memory_space<hbm>>
      %dma_wait3A_146 = arith.constant 0 : i32
      %dma_wait3A_147 = arith.constant 0 : i32
      %dma_wait3A_148 = tpu.memref_slice %arg5[%dma_wait3A_146, %dma_wait3A_147] : memref<10000x64xf32, #tpu.memory_space<hbm>> -> memref<128x64xf32, #tpu.memory_space<hbm>>
      tpu.wait_dma2 semaphore(%arg20 : memref<!tpu.dma_semaphore, #tpu.memory_space<semaphore_mem>>) src(%dma_wait3A_148 : memref<128x64xf32, #tpu.memory_space<hbm>>) dst(%arg16 : memref<128x64xf32, #tpu.memory_space<vmem>>)
      %dma_start3A_149 = arith.constant 157 : i32
      %dma_start3A_150 = arith.constant 0 : i32
      %dma_start3A_151 = tpu.memref_slice %arg14[%dma_start3A_149, %dma_start3A_150] : memref<158x128xi32, #tpu.memory_space<vmem>> -> memref<1x128xi32, #tpu.memory_space<vmem>>
      %dma_start3A_152 = tpu.memref_squeeze %dma_start3A_151 : memref<1x128xi32, #tpu.memory_space<vmem>> -> memref<128xi32, #tpu.memory_space<vmem>>
      %dma_start3A_153 = arith.constant 0 : i32
      %dma_start3A_154 = arith.constant 0 : i32
      %dma_start3A_155 = tpu.memref_slice %arg18[%dma_start3A_153, %dma_start3A_154] : memref<10112x64xf32, #tpu.memory_space<vmem_shared>> -> memref<10112x64xf32, #tpu.memory_space<vmem_shared>>
      tpu.enqueue_indirect_dma source(%arg16 : memref<128x64xf32, #tpu.memory_space<vmem>>) target(%dma_start3A_155 : memref<10112x64xf32, #tpu.memory_space<vmem_shared>>) offsets(%dma_start3A_152 : memref<128xi32, #tpu.memory_space<vmem>>) semaphore(%arg23 : memref<!tpu.dma_semaphore, #tpu.memory_space<semaphore_mem>>) {add = true}
      %dma_wait3A_156 = arith.constant 0 : i32
      %dma_wait3A_157 = arith.constant 0 : i32
      %dma_wait3A_158 = tpu.memref_slice %arg18[%dma_wait3A_156, %dma_wait3A_157] : memref<10112x64xf32, #tpu.memory_space<vmem_shared>> -> memref<128x64xf32, #tpu.memory_space<vmem_shared>>
      %dma_wait3A_159 = arith.constant 0 : i32
      %dma_wait3A_160 = arith.constant 0 : i32
      %dma_wait3A_161 = tpu.memref_slice %arg18[%dma_wait3A_159, %dma_wait3A_160] : memref<10112x64xf32, #tpu.memory_space<vmem_shared>> -> memref<128x64xf32, #tpu.memory_space<vmem_shared>>
      tpu.wait_dma2 semaphore(%arg24 : memref<!tpu.dma_semaphore, #tpu.memory_space<semaphore_mem>>) src(%arg17 : memref<128x64xf32, #tpu.memory_space<vmem>>) dst(%dma_wait3A_161 : memref<128x64xf32, #tpu.memory_space<vmem_shared>>)
      %dma_wait3A_162 = arith.constant 0 : i32
      %dma_wait3A_163 = arith.constant 0 : i32
      %dma_wait3A_164 = tpu.memref_slice %arg18[%dma_wait3A_162, %dma_wait3A_163] : memref<10112x64xf32, #tpu.memory_space<vmem_shared>> -> memref<128x64xf32, #tpu.memory_space<vmem_shared>>
      %dma_wait3A_165 = arith.constant 0 : i32
      %dma_wait3A_166 = arith.constant 0 : i32
      %dma_wait3A_167 = tpu.memref_slice %arg18[%dma_wait3A_165, %dma_wait3A_166] : memref<10112x64xf32, #tpu.memory_space<vmem_shared>> -> memref<128x64xf32, #tpu.memory_space<vmem_shared>>
      tpu.wait_dma2 semaphore(%arg22 : memref<!tpu.dma_semaphore, #tpu.memory_space<semaphore_mem>>) src(%arg15 : memref<128x64xf32, #tpu.memory_space<vmem>>) dst(%dma_wait3A_167 : memref<128x64xf32, #tpu.memory_space<vmem_shared>>)
      %dma_wait3A_168 = arith.constant 0 : i32
      %dma_wait3A_169 = arith.constant 0 : i32
      %dma_wait3A_170 = tpu.memref_slice %arg18[%dma_wait3A_168, %dma_wait3A_169] : memref<10112x64xf32, #tpu.memory_space<vmem_shared>> -> memref<128x64xf32, #tpu.memory_space<vmem_shared>>
      %dma_wait3A_171 = arith.constant 0 : i32
      %dma_wait3A_172 = arith.constant 0 : i32
      %dma_wait3A_173 = tpu.memref_slice %arg18[%dma_wait3A_171, %dma_wait3A_172] : memref<10112x64xf32, #tpu.memory_space<vmem_shared>> -> memref<128x64xf32, #tpu.memory_space<vmem_shared>>
      tpu.wait_dma2 semaphore(%arg23 : memref<!tpu.dma_semaphore, #tpu.memory_space<semaphore_mem>>) src(%arg16 : memref<128x64xf32, #tpu.memory_space<vmem>>) dst(%dma_wait3A_173 : memref<128x64xf32, #tpu.memory_space<vmem_shared>>)
    } else {
    }
    %barrier3A_30 = arith.constant 0 : index
    tpu.barrier barrier_id(%barrier3A_30)
    %eq3A_31 = arith.constant 0 : i32
    %eq3A_32 = arith.cmpi eq, %arg0, %eq3A_31 : i32
    %convert_element_type3A_33 = arith.extui %eq3A_32 : i1 to i32
    %cond3A_34 = arith.constant 0 : i32
    %cond3A_35 = arith.cmpi ne, %convert_element_type3A_33, %cond3A_34 : i32
    scf.if %cond3A_35 {
      "tpu.region"() ({
        %run_scoped3A = tpu.sem_alloc : memref<!tpu.dma_semaphore, #tpu.memory_space<semaphore_mem>>
        %dma_start3A = arith.constant 0 : i32
        %dma_start3A_41 = tpu.memref_slice %arg10[%mul3A_0, %dma_start3A] : memref<10112x64xf32, #tpu.memory_space<hbm>> -> memref<632x64xf32, #tpu.memory_space<hbm>>
        %dma_start3A_42 = arith.constant 0 : i32
        %dma_start3A_43 = tpu.memref_slice %arg18[%mul3A_0, %dma_start3A_42] : memref<10112x64xf32, #tpu.memory_space<vmem_shared>> -> memref<632x64xf32, #tpu.memory_space<vmem_shared>>
        tpu.enqueue_dma source(%dma_start3A_43 : memref<632x64xf32, #tpu.memory_space<vmem_shared>>) target(%dma_start3A_41 : memref<632x64xf32, #tpu.memory_space<hbm>>) target_semaphore(%run_scoped3A : memref<!tpu.dma_semaphore, #tpu.memory_space<semaphore_mem>>)
        %dma_wait3A = arith.constant 0 : i32
        %dma_wait3A_44 = tpu.memref_slice %arg10[%mul3A_0, %dma_wait3A] : memref<10112x64xf32, #tpu.memory_space<hbm>> -> memref<632x64xf32, #tpu.memory_space<hbm>>
        %dma_wait3A_45 = arith.constant 0 : i32
        %dma_wait3A_46 = tpu.memref_slice %arg18[%mul3A_0, %dma_wait3A_45] : memref<10112x64xf32, #tpu.memory_space<vmem_shared>> -> memref<632x64xf32, #tpu.memory_space<vmem_shared>>
        tpu.wait_dma2 semaphore(%run_scoped3A : memref<!tpu.dma_semaphore, #tpu.memory_space<semaphore_mem>>) src(%dma_wait3A_46 : memref<632x64xf32, #tpu.memory_space<vmem_shared>>) dst(%dma_wait3A_44 : memref<632x64xf32, #tpu.memory_space<hbm>>)
        tpu.yield
      }) : () -> ()
    } else {
    }
    %eq3A_36 = arith.constant 1 : i32
    %eq3A_37 = arith.cmpi eq, %arg0, %eq3A_36 : i32
    %convert_element_type3A_38 = arith.extui %eq3A_37 : i1 to i32
    %cond3A_39 = arith.constant 0 : i32
    %cond3A_40 = arith.cmpi ne, %convert_element_type3A_38, %cond3A_39 : i32
    scf.if %cond3A_40 {
      "tpu.region"() ({
        %run_scoped3A = tpu.sem_alloc : memref<!tpu.dma_semaphore, #tpu.memory_space<semaphore_mem>>
        %dma_start3A = arith.constant 0 : i32
        %dma_start3A_41 = tpu.memref_slice %arg12[%mul3A_0, %dma_start3A] : memref<10112x64xf32, #tpu.memory_space<hbm>> -> memref<632x64xf32, #tpu.memory_space<hbm>>
        %dma_start3A_42 = arith.constant 0 : i32
        %dma_start3A_43 = tpu.memref_slice %arg18[%mul3A_0, %dma_start3A_42] : memref<10112x64xf32, #tpu.memory_space<vmem_shared>> -> memref<632x64xf32, #tpu.memory_space<vmem_shared>>
        tpu.enqueue_dma source(%dma_start3A_43 : memref<632x64xf32, #tpu.memory_space<vmem_shared>>) target(%dma_start3A_41 : memref<632x64xf32, #tpu.memory_space<hbm>>) target_semaphore(%run_scoped3A : memref<!tpu.dma_semaphore, #tpu.memory_space<semaphore_mem>>)
        %dma_wait3A = arith.constant 0 : i32
        %dma_wait3A_44 = tpu.memref_slice %arg12[%mul3A_0, %dma_wait3A] : memref<10112x64xf32, #tpu.memory_space<hbm>> -> memref<632x64xf32, #tpu.memory_space<hbm>>
        %dma_wait3A_45 = arith.constant 0 : i32
        %dma_wait3A_46 = tpu.memref_slice %arg18[%mul3A_0, %dma_wait3A_45] : memref<10112x64xf32, #tpu.memory_space<vmem_shared>> -> memref<632x64xf32, #tpu.memory_space<vmem_shared>>
        tpu.wait_dma2 semaphore(%run_scoped3A : memref<!tpu.dma_semaphore, #tpu.memory_space<semaphore_mem>>) src(%dma_wait3A_46 : memref<632x64xf32, #tpu.memory_space<vmem_shared>>) dst(%dma_wait3A_44 : memref<632x64xf32, #tpu.memory_space<hbm>>)
        tpu.yield
      }) : () -> ()
    } else {
    }
    return
  }
}

module attributes {stable_mosaic.version = 14 : i64} {
  func.func @_pre_body(%arg0: i32, %arg1: memref<2000x128xf32, #tpu.memory_space<vmem>>, %arg2: memref<128x128xf32, #tpu.memory_space<vmem>>, %arg3: memref<128x128xf32, #tpu.memory_space<vmem>>, %arg4: memref<128x128xf32, #tpu.memory_space<vmem>>, %arg5: memref<2000x64xf32, #tpu.memory_space<vmem>>, %arg6: memref<2000x64xf32, #tpu.memory_space<vmem>>, %arg7: memref<2000x64xf32, #tpu.memory_space<vmem>>, %arg8: memref<2000x64xf32, #tpu.memory_space<vmem>>, %arg9: memref<2000x128xf32, #tpu.memory_space<vmem>>) attributes {dimension_semantics = [#tpu.dimension_semantics<arbitrary>], iteration_bounds = array<i64: 5>, scalar_prefetch = 0 : i64, scratch_operands = 0 : i64, tpu.core_type = #tpu.core_type<tc>, window_params = [{transform_indices = @transform_0, window_bounds = array<i64: 2000, 128>}, {pipeline_mode = #tpu.pipeline_mode<synchronous>, transform_indices = @transform_1, window_bounds = array<i64: 128, 128>}, {pipeline_mode = #tpu.pipeline_mode<synchronous>, transform_indices = @transform_2, window_bounds = array<i64: 128, 128>}, {pipeline_mode = #tpu.pipeline_mode<synchronous>, transform_indices = @transform_3, window_bounds = array<i64: 128, 128>}, {transform_indices = @transform_4, window_bounds = array<i64: 2000, 64>}, {transform_indices = @transform_5, window_bounds = array<i64: 2000, 64>}, {transform_indices = @transform_6, window_bounds = array<i64: 2000, 64>}, {transform_indices = @transform_7, window_bounds = array<i64: 2000, 64>}, {transform_indices = @transform_8, window_bounds = array<i64: 2000, 128>}]} {
    %get3A = arith.constant 0 : index
    %get3A_0 = arith.constant 0 : index
    %get3A_1 = vector.load %arg1[%get3A, %get3A_0] : memref<2000x128xf32, #tpu.memory_space<vmem>>, vector<2000x128xf32>
    %get3A_2 = arith.constant 0 : index
    %get3A_3 = arith.constant 0 : index
    %get3A_4 = vector.load %arg2[%get3A_2, %get3A_3] : memref<128x128xf32, #tpu.memory_space<vmem>>, vector<128x128xf32>
    %dot_general3A = arith.constant dense<0.000000e+00> : vector<2000x128xf32>
    %dot_general3A_5 = tpu.matmul %get3A_1, %get3A_4, %dot_general3A {dimension_numbers = #tpu.dot_dimension_numbers<[1], [0], [0], [1], [0, 0, 1, 1], [], []>, transpose_lhs_hint = false} : vector<2000x128xf32>, vector<128x128xf32>, vector<2000x128xf32> -> vector<2000x128xf32>
    %get3A_6 = arith.constant 0 : index
    %get3A_7 = arith.constant 0 : index
    %get3A_8 = vector.load %arg3[%get3A_6, %get3A_7] : memref<128x128xf32, #tpu.memory_space<vmem>>, vector<128x128xf32>
    %dot_general3A_9 = arith.constant dense<0.000000e+00> : vector<2000x128xf32>
    %dot_general3A_10 = tpu.matmul %get3A_1, %get3A_8, %dot_general3A_9 {dimension_numbers = #tpu.dot_dimension_numbers<[1], [0], [0], [1], [0, 0, 1, 1], [], []>, transpose_lhs_hint = false} : vector<2000x128xf32>, vector<128x128xf32>, vector<2000x128xf32> -> vector<2000x128xf32>
    %slice3A = vector.extract_strided_slice %dot_general3A_5 {offsets = [0, 0], sizes = [2000, 64], strides = [1, 1]} : vector<2000x128xf32> to vector<2000x64xf32>
    %swap3A = arith.constant 0 : index
    %swap3A_11 = arith.constant 0 : index
    %swap3A_12 = vector.load %arg5[%swap3A, %swap3A_11] : memref<2000x64xf32, #tpu.memory_space<vmem>>, vector<2000x64xf32>
    tpu.vector_store %arg5[%swap3A, %swap3A_11], %slice3A {strides = array<i32>} : memref<2000x64xf32, #tpu.memory_space<vmem>>, vector<2000x64xf32>,
    %slice3A_13 = vector.extract_strided_slice %dot_general3A_5 {offsets = [0, 64], sizes = [2000, 64], strides = [1, 1]} : vector<2000x128xf32> to vector<2000x64xf32>
    %swap3A_14 = arith.constant 0 : index
    %swap3A_15 = arith.constant 0 : index
    %swap3A_16 = vector.load %arg6[%swap3A_14, %swap3A_15] : memref<2000x64xf32, #tpu.memory_space<vmem>>, vector<2000x64xf32>
    tpu.vector_store %arg6[%swap3A_14, %swap3A_15], %slice3A_13 {strides = array<i32>} : memref<2000x64xf32, #tpu.memory_space<vmem>>, vector<2000x64xf32>,
    %slice3A_17 = vector.extract_strided_slice %dot_general3A_10 {offsets = [0, 0], sizes = [2000, 64], strides = [1, 1]} : vector<2000x128xf32> to vector<2000x64xf32>
    %swap3A_18 = arith.constant 0 : index
    %swap3A_19 = arith.constant 0 : index
    %swap3A_20 = vector.load %arg7[%swap3A_18, %swap3A_19] : memref<2000x64xf32, #tpu.memory_space<vmem>>, vector<2000x64xf32>
    tpu.vector_store %arg7[%swap3A_18, %swap3A_19], %slice3A_17 {strides = array<i32>} : memref<2000x64xf32, #tpu.memory_space<vmem>>, vector<2000x64xf32>,
    %slice3A_21 = vector.extract_strided_slice %dot_general3A_10 {offsets = [0, 64], sizes = [2000, 64], strides = [1, 1]} : vector<2000x128xf32> to vector<2000x64xf32>
    %swap3A_22 = arith.constant 0 : index
    %swap3A_23 = arith.constant 0 : index
    %swap3A_24 = vector.load %arg8[%swap3A_22, %swap3A_23] : memref<2000x64xf32, #tpu.memory_space<vmem>>, vector<2000x64xf32>
    tpu.vector_store %arg8[%swap3A_22, %swap3A_23], %slice3A_21 {strides = array<i32>} : memref<2000x64xf32, #tpu.memory_space<vmem>>, vector<2000x64xf32>,
    %get3A_25 = arith.constant 0 : index
    %get3A_26 = arith.constant 0 : index
    %get3A_27 = vector.load %arg4[%get3A_25, %get3A_26] : memref<128x128xf32, #tpu.memory_space<vmem>>, vector<128x128xf32>
    %dot_general3A_28 = arith.constant dense<0.000000e+00> : vector<2000x128xf32>
    %dot_general3A_29 = tpu.matmul %get3A_1, %get3A_27, %dot_general3A_28 {dimension_numbers = #tpu.dot_dimension_numbers<[1], [0], [0], [1], [0, 0, 1, 1], [], []>, transpose_lhs_hint = false} : vector<2000x128xf32>, vector<128x128xf32>, vector<2000x128xf32> -> vector<2000x128xf32>
    %swap3A_30 = arith.constant 0 : index
    %swap3A_31 = arith.constant 0 : index
    %swap3A_32 = vector.load %arg9[%swap3A_30, %swap3A_31] : memref<2000x128xf32, #tpu.memory_space<vmem>>, vector<2000x128xf32>
    tpu.vector_store %arg9[%swap3A_30, %swap3A_31], %dot_general3A_29 {strides = array<i32>} : memref<2000x128xf32, #tpu.memory_space<vmem>>, vector<2000x128xf32>,
    return
  }
  func.func @transform_0(%arg0: i32) -> (i32, i32) {
    %c0_i32 = arith.constant 0 : i32
    %c0_i32_0 = arith.constant 0 : i32
    return %arg0, %c0_i32 : i32, i32
  }
  func.func @transform_1(%arg0: i32) -> (i32, i32) {
    %c0_i32 = arith.constant 0 : i32
    %c0_i32_0 = arith.constant 0 : i32
    %c0_i32_1 = arith.constant 0 : i32
    return %c0_i32, %c0_i32_0 : i32, i32
  }
  func.func @transform_2(%arg0: i32) -> (i32, i32) {
    %c0_i32 = arith.constant 0 : i32
    %c0_i32_0 = arith.constant 0 : i32
    %c0_i32_1 = arith.constant 0 : i32
    return %c0_i32, %c0_i32_0 : i32, i32
  }
  func.func @transform_3(%arg0: i32) -> (i32, i32) {
    %c0_i32 = arith.constant 0 : i32
    %c0_i32_0 = arith.constant 0 : i32
    %c0_i32_1 = arith.constant 0 : i32
    return %c0_i32, %c0_i32_0 : i32, i32
  }
  func.func @transform_4(%arg0: i32) -> (i32, i32) {
    %c0_i32 = arith.constant 0 : i32
    %c0_i32_0 = arith.constant 0 : i32
    return %arg0, %c0_i32 : i32, i32
  }
  func.func @transform_5(%arg0: i32) -> (i32, i32) {
    %c0_i32 = arith.constant 0 : i32
    %c0_i32_0 = arith.constant 0 : i32
    return %arg0, %c0_i32 : i32, i32
  }
  func.func @transform_6(%arg0: i32) -> (i32, i32) {
    %c0_i32 = arith.constant 0 : i32
    %c0_i32_0 = arith.constant 0 : i32
    return %arg0, %c0_i32 : i32, i32
  }
  func.func @transform_7(%arg0: i32) -> (i32, i32) {
    %c0_i32 = arith.constant 0 : i32
    %c0_i32_0 = arith.constant 0 : i32
    return %arg0, %c0_i32 : i32, i32
  }
  func.func @transform_8(%arg0: i32) -> (i32, i32) {
    %c0_i32 = arith.constant 0 : i32
    %c0_i32_0 = arith.constant 0 : i32
    return %arg0, %c0_i32 : i32, i32
  }
}

module attributes {stable_mosaic.version = 14 : i64} {
  func.func @_post_body(%arg0: i32, %arg1: memref<2000x64xf32, #tpu.memory_space<vmem>>, %arg2: memref<2000x64xf32, #tpu.memory_space<vmem>>, %arg3: memref<2000x64xf32, #tpu.memory_space<vmem>>, %arg4: memref<2000x64xf32, #tpu.memory_space<vmem>>, %arg5: memref<2000x128xf32, #tpu.memory_space<vmem>>, %arg6: memref<2000x64xf32, #tpu.memory_space<vmem>>, %arg7: memref<2000x64xf32, #tpu.memory_space<vmem>>, %arg8: memref<2000x64xf32, #tpu.memory_space<vmem>>, %arg9: memref<2000x64xf32, #tpu.memory_space<vmem>>, %arg10: memref<2000x16xf32, #tpu.memory_space<vmem>>, %arg11: memref<128x1xf32, #tpu.memory_space<vmem>>, %arg12: memref<128x1xf32, #tpu.memory_space<vmem>>, %arg13: memref<128x1xf32, #tpu.memory_space<vmem>>, %arg14: memref<3x3xf32, #tpu.memory_space<smem>>, %arg15: memref<2000x128xf32, #tpu.memory_space<vmem>>) attributes {dimension_semantics = [#tpu.dimension_semantics<arbitrary>], iteration_bounds = array<i64: 5>, scalar_prefetch = 0 : i64, scratch_operands = 0 : i64, tpu.core_type = #tpu.core_type<tc>, window_params = [{transform_indices = @transform_0, window_bounds = array<i64: 2000, 64>}, {transform_indices = @transform_1, window_bounds = array<i64: 2000, 64>}, {transform_indices = @transform_2, window_bounds = array<i64: 2000, 64>}, {transform_indices = @transform_3, window_bounds = array<i64: 2000, 64>}, {transform_indices = @transform_4, window_bounds = array<i64: 2000, 128>}, {transform_indices = @transform_5, window_bounds = array<i64: 2000, 64>}, {transform_indices = @transform_6, window_bounds = array<i64: 2000, 64>}, {transform_indices = @transform_7, window_bounds = array<i64: 2000, 64>}, {transform_indices = @transform_8, window_bounds = array<i64: 2000, 64>}, {transform_indices = @transform_9, window_bounds = array<i64: 2000, 16>}, {pipeline_mode = #tpu.pipeline_mode<synchronous>, transform_indices = @transform_10, window_bounds = array<i64: 128, 1>}, {pipeline_mode = #tpu.pipeline_mode<synchronous>, transform_indices = @transform_11, window_bounds = array<i64: 128, 1>}, {pipeline_mode = #tpu.pipeline_mode<synchronous>, transform_indices = @transform_12, window_bounds = array<i64: 128, 1>}, {transform_indices = @transform_13, window_bounds = array<i64: 3, 3>}, {transform_indices = @transform_14, window_bounds = array<i64: 2000, 128>}]} {
    %get3A = arith.constant 0 : index
    %get3A_0 = arith.constant 0 : index
    %get3A_1 = vector.load %arg10[%get3A, %get3A_0] : memref<2000x16xf32, #tpu.memory_space<vmem>>, vector<2000x1xf32>
    %add3A = arith.constant 1.000000e+00 : f32
    %add3A_2 = vector.broadcast %add3A : f32 to vector<2000x1xf32>
    %add3A_3 = arith.addf %add3A_2, %get3A_1 : vector<2000x1xf32>
    %div3A = arith.constant 1.000000e+00 : f32
    %div3A_4 = vector.broadcast %div3A : f32 to vector<2000x1xf32>
    %div3A_5 = arith.divf %div3A_4, %add3A_3 : vector<2000x1xf32>
    %get3A_6 = arith.constant 0 : index
    %get3A_7 = arith.constant 0 : index
    %get3A_8 = vector.load %arg1[%get3A_6, %get3A_7] : memref<2000x64xf32, #tpu.memory_space<vmem>>, vector<2000x64xf32>
    %get3A_9 = arith.constant 0 : index
    %get3A_10 = arith.constant 0 : index
    %get3A_11 = vector.load %arg2[%get3A_9, %get3A_10] : memref<2000x64xf32, #tpu.memory_space<vmem>>, vector<2000x64xf32>
    %concatenate3A = tpu.concatenate %get3A_8, %get3A_11 in 1 : vector<2000x64xf32>, vector<2000x64xf32> -> vector<2000x128xf32>
    %get3A_12 = arith.constant 0 : index
    %get3A_13 = arith.constant 0 : index
    %get3A_14 = vector.load %arg3[%get3A_12, %get3A_13] : memref<2000x64xf32, #tpu.memory_space<vmem>>, vector<2000x64xf32>
    %get3A_15 = arith.constant 0 : index
    %get3A_16 = arith.constant 0 : index
    %get3A_17 = vector.load %arg4[%get3A_15, %get3A_16] : memref<2000x64xf32, #tpu.memory_space<vmem>>, vector<2000x64xf32>
    %concatenate3A_18 = tpu.concatenate %get3A_14, %get3A_17 in 1 : vector<2000x64xf32>, vector<2000x64xf32> -> vector<2000x128xf32>
    %get3A_19 = arith.constant 0 : index
    %get3A_20 = arith.constant 0 : index
    %get3A_21 = vector.load %arg6[%get3A_19, %get3A_20] : memref<2000x64xf32, #tpu.memory_space<vmem>>, vector<2000x64xf32>
    %get3A_22 = arith.constant 0 : index
    %get3A_23 = arith.constant 0 : index
    %get3A_24 = vector.load %arg7[%get3A_22, %get3A_23] : memref<2000x64xf32, #tpu.memory_space<vmem>>, vector<2000x64xf32>
    %concatenate3A_25 = tpu.concatenate %get3A_21, %get3A_24 in 1 : vector<2000x64xf32>, vector<2000x64xf32> -> vector<2000x128xf32>
    %get3A_26 = arith.constant 0 : index
    %get3A_27 = arith.constant 0 : index
    %get3A_28 = vector.load %arg8[%get3A_26, %get3A_27] : memref<2000x64xf32, #tpu.memory_space<vmem>>, vector<2000x64xf32>
    %get3A_29 = arith.constant 0 : index
    %get3A_30 = arith.constant 0 : index
    %get3A_31 = vector.load %arg9[%get3A_29, %get3A_30] : memref<2000x64xf32, #tpu.memory_space<vmem>>, vector<2000x64xf32>
    %concatenate3A_32 = tpu.concatenate %get3A_28, %get3A_31 in 1 : vector<2000x64xf32>, vector<2000x64xf32> -> vector<2000x128xf32>
    %add3A_33 = arith.addf %concatenate3A, %concatenate3A_25 : vector<2000x128xf32>
    %mul3A = vector.broadcast %div3A_5 : vector<2000x1xf32> to vector<2000x128xf32>
    %mul3A_34 = arith.mulf %mul3A, %add3A_33 : vector<2000x128xf32>
    %max3A = arith.constant 0.000000e+00 : f32
    %max3A_35 = vector.broadcast %max3A : f32 to vector<2000x128xf32>
    %max3A_36 = arith.maximumf %mul3A_34, %max3A_35 : vector<2000x128xf32>
    %add3A_37 = arith.addf %concatenate3A_18, %concatenate3A_32 : vector<2000x128xf32>
    %mul3A_38 = vector.broadcast %div3A_5 : vector<2000x1xf32> to vector<2000x128xf32>
    %mul3A_39 = arith.mulf %mul3A_38, %add3A_37 : vector<2000x128xf32>
    %sub3A = arith.subf %concatenate3A_18, %mul3A_39 : vector<2000x128xf32>
    %max3A_40 = arith.constant 0.000000e+00 : f32
    %max3A_41 = vector.broadcast %max3A_40 : f32 to vector<2000x128xf32>
    %max3A_42 = arith.maximumf %sub3A, %max3A_41 : vector<2000x128xf32>
    %get3A_43 = arith.constant 0 : index
    %get3A_44 = arith.constant 0 : index
    %get3A_45 = vector.load %arg5[%get3A_43, %get3A_44] : memref<2000x128xf32, #tpu.memory_space<vmem>>, vector<2000x128xf32>
    %max3A_46 = arith.constant 0.000000e+00 : f32
    %max3A_47 = vector.broadcast %max3A_46 : f32 to vector<2000x128xf32>
    %max3A_48 = arith.maximumf %get3A_45, %max3A_47 : vector<2000x128xf32>
    %get3A_49 = arith.constant 0 : index
    %get3A_50 = arith.constant 0 : index
    %get3A_51 = vector.load %arg11[%get3A_49, %get3A_50] : memref<128x1xf32, #tpu.memory_space<vmem>>, vector<128x1xf32>
    %dot_general3A = arith.constant dense<0.000000e+00> : vector<2000x1xf32>
    %dot_general3A_52 = tpu.matmul %max3A_36, %get3A_51, %dot_general3A {dimension_numbers = #tpu.dot_dimension_numbers<[1], [0], [0], [1], [0, 0, 1, 1], [], []>, transpose_lhs_hint = false} : vector<2000x128xf32>, vector<128x1xf32>, vector<2000x1xf32> -> vector<2000x1xf32>
    %logistic3A = arith.negf %dot_general3A_52 : vector<2000x1xf32>
    %logistic3A_53 = math.exp %logistic3A : vector<2000x1xf32>
    %logistic3A_54 = arith.constant 1.000000e+00 : f32
    %logistic3A_55 = vector.broadcast %logistic3A_54 : f32 to vector<2000x1xf32>
    %logistic3A_56 = arith.addf %logistic3A_55, %logistic3A_53 : vector<2000x1xf32>
    %logistic3A_57 = arith.divf %logistic3A_55, %logistic3A_56 : vector<2000x1xf32>
    %get3A_58 = arith.constant 0 : index
    %get3A_59 = arith.constant 0 : index
    %get3A_60 = vector.load %arg12[%get3A_58, %get3A_59] : memref<128x1xf32, #tpu.memory_space<vmem>>, vector<128x1xf32>
    %dot_general3A_61 = arith.constant dense<0.000000e+00> : vector<2000x1xf32>
    %dot_general3A_62 = tpu.matmul %max3A_42, %get3A_60, %dot_general3A_61 {dimension_numbers = #tpu.dot_dimension_numbers<[1], [0], [0], [1], [0, 0, 1, 1], [], []>, transpose_lhs_hint = false} : vector<2000x128xf32>, vector<128x1xf32>, vector<2000x1xf32> -> vector<2000x1xf32>
    %logistic3A_63 = arith.negf %dot_general3A_62 : vector<2000x1xf32>
    %logistic3A_64 = math.exp %logistic3A_63 : vector<2000x1xf32>
    %logistic3A_65 = arith.constant 1.000000e+00 : f32
    %logistic3A_66 = vector.broadcast %logistic3A_65 : f32 to vector<2000x1xf32>
    %logistic3A_67 = arith.addf %logistic3A_66, %logistic3A_64 : vector<2000x1xf32>
    %logistic3A_68 = arith.divf %logistic3A_66, %logistic3A_67 : vector<2000x1xf32>
    %get3A_69 = arith.constant 0 : index
    %get3A_70 = arith.constant 0 : index
    %get3A_71 = vector.load %arg13[%get3A_69, %get3A_70] : memref<128x1xf32, #tpu.memory_space<vmem>>, vector<128x1xf32>
    %dot_general3A_72 = arith.constant dense<0.000000e+00> : vector<2000x1xf32>
    %dot_general3A_73 = tpu.matmul %max3A_48, %get3A_71, %dot_general3A_72 {dimension_numbers = #tpu.dot_dimension_numbers<[1], [0], [0], [1], [0, 0, 1, 1], [], []>, transpose_lhs_hint = false} : vector<2000x128xf32>, vector<128x1xf32>, vector<2000x1xf32> -> vector<2000x1xf32>
    %logistic3A_74 = arith.negf %dot_general3A_73 : vector<2000x1xf32>
    %logistic3A_75 = math.exp %logistic3A_74 : vector<2000x1xf32>
    %logistic3A_76 = arith.constant 1.000000e+00 : f32
    %logistic3A_77 = vector.broadcast %logistic3A_76 : f32 to vector<2000x1xf32>
    %logistic3A_78 = arith.addf %logistic3A_77, %logistic3A_75 : vector<2000x1xf32>
    %logistic3A_79 = arith.divf %logistic3A_77, %logistic3A_78 : vector<2000x1xf32>
    %get3A_80 = arith.constant 0 : index
    %get3A_81 = arith.constant 0 : index
    %get3A_82 = memref.load %arg14[%get3A_80, %get3A_81] : memref<3x3xf32, #tpu.memory_space<smem>>
    %mul3A_83 = vector.broadcast %get3A_82 : f32 to vector<2000x1xf32>
    %mul3A_84 = arith.mulf %logistic3A_57, %mul3A_83 : vector<2000x1xf32>
    %get3A_85 = arith.constant 1 : index
    %get3A_86 = arith.constant 0 : index
    %get3A_87 = memref.load %arg14[%get3A_85, %get3A_86] : memref<3x3xf32, #tpu.memory_space<smem>>
    %mul3A_88 = vector.broadcast %get3A_87 : f32 to vector<2000x1xf32>
    %mul3A_89 = arith.mulf %logistic3A_68, %mul3A_88 : vector<2000x1xf32>
    %add3A_90 = arith.addf %mul3A_84, %mul3A_89 : vector<2000x1xf32>
    %get3A_91 = arith.constant 2 : index
    %get3A_92 = arith.constant 0 : index
    %get3A_93 = memref.load %arg14[%get3A_91, %get3A_92] : memref<3x3xf32, #tpu.memory_space<smem>>
    %mul3A_94 = vector.broadcast %get3A_93 : f32 to vector<2000x1xf32>
    %mul3A_95 = arith.mulf %logistic3A_79, %mul3A_94 : vector<2000x1xf32>
    %add3A_96 = arith.addf %add3A_90, %mul3A_95 : vector<2000x1xf32>
    %mul3A_97 = arith.constant 0.333333343 : f32
    %mul3A_98 = vector.broadcast %mul3A_97 : f32 to vector<2000x1xf32>
    %mul3A_99 = arith.mulf %add3A_96, %mul3A_98 : vector<2000x1xf32>
    %get3A_100 = arith.constant 0 : index
    %get3A_101 = arith.constant 1 : index
    %get3A_102 = memref.load %arg14[%get3A_100, %get3A_101] : memref<3x3xf32, #tpu.memory_space<smem>>
    %mul3A_103 = vector.broadcast %get3A_102 : f32 to vector<2000x1xf32>
    %mul3A_104 = arith.mulf %logistic3A_57, %mul3A_103 : vector<2000x1xf32>
    %get3A_105 = arith.constant 1 : index
    %get3A_106 = arith.constant 1 : index
    %get3A_107 = memref.load %arg14[%get3A_105, %get3A_106] : memref<3x3xf32, #tpu.memory_space<smem>>
    %mul3A_108 = vector.broadcast %get3A_107 : f32 to vector<2000x1xf32>
    %mul3A_109 = arith.mulf %logistic3A_68, %mul3A_108 : vector<2000x1xf32>
    %add3A_110 = arith.addf %mul3A_104, %mul3A_109 : vector<2000x1xf32>
    %get3A_111 = arith.constant 2 : index
    %get3A_112 = arith.constant 1 : index
    %get3A_113 = memref.load %arg14[%get3A_111, %get3A_112] : memref<3x3xf32, #tpu.memory_space<smem>>
    %mul3A_114 = vector.broadcast %get3A_113 : f32 to vector<2000x1xf32>
    %mul3A_115 = arith.mulf %logistic3A_79, %mul3A_114 : vector<2000x1xf32>
    %add3A_116 = arith.addf %add3A_110, %mul3A_115 : vector<2000x1xf32>
    %mul3A_117 = arith.constant 0.333333343 : f32
    %mul3A_118 = vector.broadcast %mul3A_117 : f32 to vector<2000x1xf32>
    %mul3A_119 = arith.mulf %add3A_116, %mul3A_118 : vector<2000x1xf32>
    %get3A_120 = arith.constant 0 : index
    %get3A_121 = arith.constant 2 : index
    %get3A_122 = memref.load %arg14[%get3A_120, %get3A_121] : memref<3x3xf32, #tpu.memory_space<smem>>
    %mul3A_123 = vector.broadcast %get3A_122 : f32 to vector<2000x1xf32>
    %mul3A_124 = arith.mulf %logistic3A_57, %mul3A_123 : vector<2000x1xf32>
    %get3A_125 = arith.constant 1 : index
    %get3A_126 = arith.constant 2 : index
    %get3A_127 = memref.load %arg14[%get3A_125, %get3A_126] : memref<3x3xf32, #tpu.memory_space<smem>>
    %mul3A_128 = vector.broadcast %get3A_127 : f32 to vector<2000x1xf32>
    %mul3A_129 = arith.mulf %logistic3A_68, %mul3A_128 : vector<2000x1xf32>
    %add3A_130 = arith.addf %mul3A_124, %mul3A_129 : vector<2000x1xf32>
    %get3A_131 = arith.constant 2 : index
    %get3A_132 = arith.constant 2 : index
    %get3A_133 = memref.load %arg14[%get3A_131, %get3A_132] : memref<3x3xf32, #tpu.memory_space<smem>>
    %mul3A_134 = vector.broadcast %get3A_133 : f32 to vector<2000x1xf32>
    %mul3A_135 = arith.mulf %logistic3A_79, %mul3A_134 : vector<2000x1xf32>
    %add3A_136 = arith.addf %add3A_130, %mul3A_135 : vector<2000x1xf32>
    %mul3A_137 = arith.constant 0.333333343 : f32
    %mul3A_138 = vector.broadcast %mul3A_137 : f32 to vector<2000x1xf32>
    %mul3A_139 = arith.mulf %add3A_136, %mul3A_138 : vector<2000x1xf32>
    %max3A_140 = arith.maximumf %mul3A_99, %mul3A_119 : vector<2000x1xf32>
    %max3A_141 = arith.maximumf %max3A_140, %mul3A_139 : vector<2000x1xf32>
    %sub3A_142 = arith.subf %mul3A_99, %max3A_141 : vector<2000x1xf32>
    %exp3A = math.exp %sub3A_142 : vector<2000x1xf32>
    %sub3A_143 = arith.subf %mul3A_119, %max3A_141 : vector<2000x1xf32>
    %exp3A_144 = math.exp %sub3A_143 : vector<2000x1xf32>
    %sub3A_145 = arith.subf %mul3A_139, %max3A_141 : vector<2000x1xf32>
    %exp3A_146 = math.exp %sub3A_145 : vector<2000x1xf32>
    %add3A_147 = arith.addf %exp3A, %exp3A_144 : vector<2000x1xf32>
    %add3A_148 = arith.addf %add3A_147, %exp3A_146 : vector<2000x1xf32>
    %div3A_149 = arith.constant 3.000000e+00 : f32
    %div3A_150 = vector.broadcast %div3A_149 : f32 to vector<2000x1xf32>
    %div3A_151 = arith.divf %div3A_150, %add3A_148 : vector<2000x1xf32>
    %mul3A_152 = vector.broadcast %exp3A : vector<2000x1xf32> to vector<2000x128xf32>
    %mul3A_153 = arith.mulf %mul3A_152, %max3A_36 : vector<2000x128xf32>
    %mul3A_154 = vector.broadcast %exp3A_144 : vector<2000x1xf32> to vector<2000x128xf32>
    %mul3A_155 = arith.mulf %mul3A_154, %max3A_42 : vector<2000x128xf32>
    %add3A_156 = arith.addf %mul3A_153, %mul3A_155 : vector<2000x128xf32>
    %mul3A_157 = vector.broadcast %exp3A_146 : vector<2000x1xf32> to vector<2000x128xf32>
    %mul3A_158 = arith.mulf %mul3A_157, %max3A_48 : vector<2000x128xf32>
    %add3A_159 = arith.addf %add3A_156, %mul3A_158 : vector<2000x128xf32>
    %mul3A_160 = vector.broadcast %div3A_151 : vector<2000x1xf32> to vector<2000x128xf32>
    %mul3A_161 = arith.mulf %mul3A_160, %add3A_159 : vector<2000x128xf32>
    %swap3A = arith.constant 0 : index
    %swap3A_162 = arith.constant 0 : index
    %swap3A_163 = vector.load %arg15[%swap3A, %swap3A_162] : memref<2000x128xf32, #tpu.memory_space<vmem>>, vector<2000x128xf32>
    tpu.vector_store %arg15[%swap3A, %swap3A_162], %mul3A_161 {strides = array<i32>} : memref<2000x128xf32, #tpu.memory_space<vmem>>, vector<2000x128xf32>,
    return
  }
  func.func @transform_0(%arg0: i32) -> (i32, i32) {
    %c0_i32 = arith.constant 0 : i32
    %c0_i32_0 = arith.constant 0 : i32
    return %arg0, %c0_i32 : i32, i32
  }
  func.func @transform_1(%arg0: i32) -> (i32, i32) {
    %c0_i32 = arith.constant 0 : i32
    %c0_i32_0 = arith.constant 0 : i32
    return %arg0, %c0_i32 : i32, i32
  }
  func.func @transform_2(%arg0: i32) -> (i32, i32) {
    %c0_i32 = arith.constant 0 : i32
    %c0_i32_0 = arith.constant 0 : i32
    return %arg0, %c0_i32 : i32, i32
  }
  func.func @transform_3(%arg0: i32) -> (i32, i32) {
    %c0_i32 = arith.constant 0 : i32
    %c0_i32_0 = arith.constant 0 : i32
    return %arg0, %c0_i32 : i32, i32
  }
  func.func @transform_4(%arg0: i32) -> (i32, i32) {
    %c0_i32 = arith.constant 0 : i32
    %c0_i32_0 = arith.constant 0 : i32
    return %arg0, %c0_i32 : i32, i32
  }
  func.func @transform_5(%arg0: i32) -> (i32, i32) {
    %c0_i32 = arith.constant 0 : i32
    %c0_i32_0 = arith.constant 0 : i32
    return %arg0, %c0_i32 : i32, i32
  }
  func.func @transform_6(%arg0: i32) -> (i32, i32) {
    %c0_i32 = arith.constant 0 : i32
    %c0_i32_0 = arith.constant 0 : i32
    return %arg0, %c0_i32 : i32, i32
  }
  func.func @transform_7(%arg0: i32) -> (i32, i32) {
    %c0_i32 = arith.constant 0 : i32
    %c0_i32_0 = arith.constant 0 : i32
    return %arg0, %c0_i32 : i32, i32
  }
  func.func @transform_8(%arg0: i32) -> (i32, i32) {
    %c0_i32 = arith.constant 0 : i32
    %c0_i32_0 = arith.constant 0 : i32
    return %arg0, %c0_i32 : i32, i32
  }
  func.func @transform_9(%arg0: i32) -> (i32, i32) {
    %c0_i32 = arith.constant 0 : i32
    %c0_i32_0 = arith.constant 0 : i32
    return %arg0, %c0_i32 : i32, i32
  }
  func.func @transform_10(%arg0: i32) -> (i32, i32) {
    %c0_i32 = arith.constant 0 : i32
    %c0_i32_0 = arith.constant 0 : i32
    %c0_i32_1 = arith.constant 0 : i32
    return %c0_i32, %c0_i32_0 : i32, i32
  }
  func.func @transform_11(%arg0: i32) -> (i32, i32) {
    %c0_i32 = arith.constant 0 : i32
    %c0_i32_0 = arith.constant 0 : i32
    %c0_i32_1 = arith.constant 0 : i32
    return %c0_i32, %c0_i32_0 : i32, i32
  }
  func.func @transform_12(%arg0: i32) -> (i32, i32) {
    %c0_i32 = arith.constant 0 : i32
    %c0_i32_0 = arith.constant 0 : i32
    %c0_i32_1 = arith.constant 0 : i32
    return %c0_i32, %c0_i32_0 : i32, i32
  }
  func.func @transform_13(%arg0: i32) -> (i32, i32) {
    %c0_i32 = arith.constant 0 : i32
    %c0_i32_0 = arith.constant 0 : i32
    %c0_i32_1 = arith.constant 0 : i32
    return %c0_i32, %c0_i32_0 : i32, i32
  }
  func.func @transform_14(%arg0: i32) -> (i32, i32) {
    %c0_i32 = arith.constant 0 : i32
    %c0_i32_0 = arith.constant 0 : i32
    return %arg0, %c0_i32 : i32, i32
  }
}

module attributes {stable_mosaic.version = 14 : i64} {
  func.func @_post_body(%arg0: i32, %arg1: memref<2000x64xf32, #tpu.memory_space<vmem>>, %arg2: memref<2000x64xf32, #tpu.memory_space<vmem>>, %arg3: memref<2000x64xf32, #tpu.memory_space<vmem>>, %arg4: memref<2000x64xf32, #tpu.memory_space<vmem>>, %arg5: memref<2000x128xf32, #tpu.memory_space<vmem>>, %arg6: memref<2000x64xf32, #tpu.memory_space<vmem>>, %arg7: memref<2000x64xf32, #tpu.memory_space<vmem>>, %arg8: memref<2000x64xf32, #tpu.memory_space<vmem>>, %arg9: memref<2000x64xf32, #tpu.memory_space<vmem>>, %arg10: memref<2000x16xf32, #tpu.memory_space<vmem>>, %arg11: memref<128x1xf32, #tpu.memory_space<vmem>>, %arg12: memref<128x1xf32, #tpu.memory_space<vmem>>, %arg13: memref<128x1xf32, #tpu.memory_space<vmem>>, %arg14: memref<3x3xf32, #tpu.memory_space<smem>>, %arg15: memref<2000x128xf32, #tpu.memory_space<vmem>>) attributes {dimension_semantics = [#tpu.dimension_semantics<arbitrary>], iteration_bounds = array<i64: 5>, scalar_prefetch = 0 : i64, scratch_operands = 0 : i64, tpu.core_type = #tpu.core_type<tc>, window_params = [{transform_indices = @transform_0, window_bounds = array<i64: 2000, 64>}, {transform_indices = @transform_1, window_bounds = array<i64: 2000, 64>}, {transform_indices = @transform_2, window_bounds = array<i64: 2000, 64>}, {transform_indices = @transform_3, window_bounds = array<i64: 2000, 64>}, {transform_indices = @transform_4, window_bounds = array<i64: 2000, 128>}, {transform_indices = @transform_5, window_bounds = array<i64: 2000, 64>}, {transform_indices = @transform_6, window_bounds = array<i64: 2000, 64>}, {transform_indices = @transform_7, window_bounds = array<i64: 2000, 64>}, {transform_indices = @transform_8, window_bounds = array<i64: 2000, 64>}, {transform_indices = @transform_9, window_bounds = array<i64: 2000, 16>}, {pipeline_mode = #tpu.pipeline_mode<synchronous>, transform_indices = @transform_10, window_bounds = array<i64: 128, 1>}, {pipeline_mode = #tpu.pipeline_mode<synchronous>, transform_indices = @transform_11, window_bounds = array<i64: 128, 1>}, {pipeline_mode = #tpu.pipeline_mode<synchronous>, transform_indices = @transform_12, window_bounds = array<i64: 128, 1>}, {transform_indices = @transform_13, window_bounds = array<i64: 3, 3>}, {transform_indices = @transform_14, window_bounds = array<i64: 2000, 128>}]} {
    %get3A = arith.constant 0 : index
    %get3A_0 = arith.constant 0 : index
    %get3A_1 = vector.load %arg10[%get3A, %get3A_0] : memref<2000x16xf32, #tpu.memory_space<vmem>>, vector<2000x1xf32>
    %add3A = arith.constant 1.000000e+00 : f32
    %add3A_2 = vector.broadcast %add3A : f32 to vector<2000x1xf32>
    %add3A_3 = arith.addf %add3A_2, %get3A_1 : vector<2000x1xf32>
    %div3A = arith.constant 1.000000e+00 : f32
    %div3A_4 = vector.broadcast %div3A : f32 to vector<2000x1xf32>
    %div3A_5 = arith.divf %div3A_4, %add3A_3 : vector<2000x1xf32>
    %get3A_6 = arith.constant 0 : index
    %get3A_7 = arith.constant 0 : index
    %get3A_8 = vector.load %arg1[%get3A_6, %get3A_7] : memref<2000x64xf32, #tpu.memory_space<vmem>>, vector<2000x64xf32>
    %get3A_9 = arith.constant 0 : index
    %get3A_10 = arith.constant 0 : index
    %get3A_11 = vector.load %arg2[%get3A_9, %get3A_10] : memref<2000x64xf32, #tpu.memory_space<vmem>>, vector<2000x64xf32>
    %concatenate3A = tpu.concatenate %get3A_8, %get3A_11 in 1 : vector<2000x64xf32>, vector<2000x64xf32> -> vector<2000x128xf32>
    %get3A_12 = arith.constant 0 : index
    %get3A_13 = arith.constant 0 : index
    %get3A_14 = vector.load %arg3[%get3A_12, %get3A_13] : memref<2000x64xf32, #tpu.memory_space<vmem>>, vector<2000x64xf32>
    %get3A_15 = arith.constant 0 : index
    %get3A_16 = arith.constant 0 : index
    %get3A_17 = vector.load %arg4[%get3A_15, %get3A_16] : memref<2000x64xf32, #tpu.memory_space<vmem>>, vector<2000x64xf32>
    %concatenate3A_18 = tpu.concatenate %get3A_14, %get3A_17 in 1 : vector<2000x64xf32>, vector<2000x64xf32> -> vector<2000x128xf32>
    %get3A_19 = arith.constant 0 : index
    %get3A_20 = arith.constant 0 : index
    %get3A_21 = vector.load %arg6[%get3A_19, %get3A_20] : memref<2000x64xf32, #tpu.memory_space<vmem>>, vector<2000x64xf32>
    %get3A_22 = arith.constant 0 : index
    %get3A_23 = arith.constant 0 : index
    %get3A_24 = vector.load %arg7[%get3A_22, %get3A_23] : memref<2000x64xf32, #tpu.memory_space<vmem>>, vector<2000x64xf32>
    %concatenate3A_25 = tpu.concatenate %get3A_21, %get3A_24 in 1 : vector<2000x64xf32>, vector<2000x64xf32> -> vector<2000x128xf32>
    %get3A_26 = arith.constant 0 : index
    %get3A_27 = arith.constant 0 : index
    %get3A_28 = vector.load %arg8[%get3A_26, %get3A_27] : memref<2000x64xf32, #tpu.memory_space<vmem>>, vector<2000x64xf32>
    %get3A_29 = arith.constant 0 : index
    %get3A_30 = arith.constant 0 : index
    %get3A_31 = vector.load %arg9[%get3A_29, %get3A_30] : memref<2000x64xf32, #tpu.memory_space<vmem>>, vector<2000x64xf32>
    %concatenate3A_32 = tpu.concatenate %get3A_28, %get3A_31 in 1 : vector<2000x64xf32>, vector<2000x64xf32> -> vector<2000x128xf32>
    %add3A_33 = arith.addf %concatenate3A, %concatenate3A_25 : vector<2000x128xf32>
    %mul3A = vector.broadcast %div3A_5 : vector<2000x1xf32> to vector<2000x128xf32>
    %mul3A_34 = arith.mulf %mul3A, %add3A_33 : vector<2000x128xf32>
    %max3A = arith.constant 0.000000e+00 : f32
    %max3A_35 = vector.broadcast %max3A : f32 to vector<2000x128xf32>
    %max3A_36 = arith.maximumf %mul3A_34, %max3A_35 : vector<2000x128xf32>
    %add3A_37 = arith.addf %concatenate3A_18, %concatenate3A_32 : vector<2000x128xf32>
    %mul3A_38 = vector.broadcast %div3A_5 : vector<2000x1xf32> to vector<2000x128xf32>
    %mul3A_39 = arith.mulf %mul3A_38, %add3A_37 : vector<2000x128xf32>
    %sub3A = arith.subf %concatenate3A_18, %mul3A_39 : vector<2000x128xf32>
    %max3A_40 = arith.constant 0.000000e+00 : f32
    %max3A_41 = vector.broadcast %max3A_40 : f32 to vector<2000x128xf32>
    %max3A_42 = arith.maximumf %sub3A, %max3A_41 : vector<2000x128xf32>
    %get3A_43 = arith.constant 0 : index
    %get3A_44 = arith.constant 0 : index
    %get3A_45 = vector.load %arg5[%get3A_43, %get3A_44] : memref<2000x128xf32, #tpu.memory_space<vmem>>, vector<2000x128xf32>
    %max3A_46 = arith.constant 0.000000e+00 : f32
    %max3A_47 = vector.broadcast %max3A_46 : f32 to vector<2000x128xf32>
    %max3A_48 = arith.maximumf %get3A_45, %max3A_47 : vector<2000x128xf32>
    %get3A_49 = arith.constant 0 : index
    %get3A_50 = arith.constant 0 : index
    %get3A_51 = vector.load %arg11[%get3A_49, %get3A_50] : memref<128x1xf32, #tpu.memory_space<vmem>>, vector<128x1xf32>
    %dot_general3A = arith.constant dense<0.000000e+00> : vector<2000x1xf32>
    %dot_general3A_52 = tpu.matmul %max3A_36, %get3A_51, %dot_general3A {dimension_numbers = #tpu.dot_dimension_numbers<[1], [0], [0], [1], [0, 0, 1, 1], [], []>, transpose_lhs_hint = false} : vector<2000x128xf32>, vector<128x1xf32>, vector<2000x1xf32> -> vector<2000x1xf32>
    %logistic3A = arith.negf %dot_general3A_52 : vector<2000x1xf32>
    %logistic3A_53 = math.exp %logistic3A : vector<2000x1xf32>
    %logistic3A_54 = arith.constant 1.000000e+00 : f32
    %logistic3A_55 = vector.broadcast %logistic3A_54 : f32 to vector<2000x1xf32>
    %logistic3A_56 = arith.addf %logistic3A_55, %logistic3A_53 : vector<2000x1xf32>
    %logistic3A_57 = arith.divf %logistic3A_55, %logistic3A_56 : vector<2000x1xf32>
    %get3A_58 = arith.constant 0 : index
    %get3A_59 = arith.constant 0 : index
    %get3A_60 = vector.load %arg12[%get3A_58, %get3A_59] : memref<128x1xf32, #tpu.memory_space<vmem>>, vector<128x1xf32>
    %dot_general3A_61 = arith.constant dense<0.000000e+00> : vector<2000x1xf32>
    %dot_general3A_62 = tpu.matmul %max3A_42, %get3A_60, %dot_general3A_61 {dimension_numbers = #tpu.dot_dimension_numbers<[1], [0], [0], [1], [0, 0, 1, 1], [], []>, transpose_lhs_hint = false} : vector<2000x128xf32>, vector<128x1xf32>, vector<2000x1xf32> -> vector<2000x1xf32>
    %logistic3A_63 = arith.negf %dot_general3A_62 : vector<2000x1xf32>
    %logistic3A_64 = math.exp %logistic3A_63 : vector<2000x1xf32>
    %logistic3A_65 = arith.constant 1.000000e+00 : f32
    %logistic3A_66 = vector.broadcast %logistic3A_65 : f32 to vector<2000x1xf32>
    %logistic3A_67 = arith.addf %logistic3A_66, %logistic3A_64 : vector<2000x1xf32>
    %logistic3A_68 = arith.divf %logistic3A_66, %logistic3A_67 : vector<2000x1xf32>
    %get3A_69 = arith.constant 0 : index
    %get3A_70 = arith.constant 0 : index
    %get3A_71 = vector.load %arg13[%get3A_69, %get3A_70] : memref<128x1xf32, #tpu.memory_space<vmem>>, vector<128x1xf32>
    %dot_general3A_72 = arith.constant dense<0.000000e+00> : vector<2000x1xf32>
    %dot_general3A_73 = tpu.matmul %max3A_48, %get3A_71, %dot_general3A_72 {dimension_numbers = #tpu.dot_dimension_numbers<[1], [0], [0], [1], [0, 0, 1, 1], [], []>, transpose_lhs_hint = false} : vector<2000x128xf32>, vector<128x1xf32>, vector<2000x1xf32> -> vector<2000x1xf32>
    %logistic3A_74 = arith.negf %dot_general3A_73 : vector<2000x1xf32>
    %logistic3A_75 = math.exp %logistic3A_74 : vector<2000x1xf32>
    %logistic3A_76 = arith.constant 1.000000e+00 : f32
    %logistic3A_77 = vector.broadcast %logistic3A_76 : f32 to vector<2000x1xf32>
    %logistic3A_78 = arith.addf %logistic3A_77, %logistic3A_75 : vector<2000x1xf32>
    %logistic3A_79 = arith.divf %logistic3A_77, %logistic3A_78 : vector<2000x1xf32>
    %get3A_80 = arith.constant 0 : index
    %get3A_81 = arith.constant 0 : index
    %get3A_82 = memref.load %arg14[%get3A_80, %get3A_81] : memref<3x3xf32, #tpu.memory_space<smem>>
    %mul3A_83 = vector.broadcast %get3A_82 : f32 to vector<2000x1xf32>
    %mul3A_84 = arith.mulf %logistic3A_57, %mul3A_83 : vector<2000x1xf32>
    %get3A_85 = arith.constant 1 : index
    %get3A_86 = arith.constant 0 : index
    %get3A_87 = memref.load %arg14[%get3A_85, %get3A_86] : memref<3x3xf32, #tpu.memory_space<smem>>
    %mul3A_88 = vector.broadcast %get3A_87 : f32 to vector<2000x1xf32>
    %mul3A_89 = arith.mulf %logistic3A_68, %mul3A_88 : vector<2000x1xf32>
    %add3A_90 = arith.addf %mul3A_84, %mul3A_89 : vector<2000x1xf32>
    %get3A_91 = arith.constant 2 : index
    %get3A_92 = arith.constant 0 : index
    %get3A_93 = memref.load %arg14[%get3A_91, %get3A_92] : memref<3x3xf32, #tpu.memory_space<smem>>
    %mul3A_94 = vector.broadcast %get3A_93 : f32 to vector<2000x1xf32>
    %mul3A_95 = arith.mulf %logistic3A_79, %mul3A_94 : vector<2000x1xf32>
    %add3A_96 = arith.addf %add3A_90, %mul3A_95 : vector<2000x1xf32>
    %mul3A_97 = arith.constant 0.333333343 : f32
    %mul3A_98 = vector.broadcast %mul3A_97 : f32 to vector<2000x1xf32>
    %mul3A_99 = arith.mulf %add3A_96, %mul3A_98 : vector<2000x1xf32>
    %get3A_100 = arith.constant 0 : index
    %get3A_101 = arith.constant 1 : index
    %get3A_102 = memref.load %arg14[%get3A_100, %get3A_101] : memref<3x3xf32, #tpu.memory_space<smem>>
    %mul3A_103 = vector.broadcast %get3A_102 : f32 to vector<2000x1xf32>
    %mul3A_104 = arith.mulf %logistic3A_57, %mul3A_103 : vector<2000x1xf32>
    %get3A_105 = arith.constant 1 : index
    %get3A_106 = arith.constant 1 : index
    %get3A_107 = memref.load %arg14[%get3A_105, %get3A_106] : memref<3x3xf32, #tpu.memory_space<smem>>
    %mul3A_108 = vector.broadcast %get3A_107 : f32 to vector<2000x1xf32>
    %mul3A_109 = arith.mulf %logistic3A_68, %mul3A_108 : vector<2000x1xf32>
    %add3A_110 = arith.addf %mul3A_104, %mul3A_109 : vector<2000x1xf32>
    %get3A_111 = arith.constant 2 : index
    %get3A_112 = arith.constant 1 : index
    %get3A_113 = memref.load %arg14[%get3A_111, %get3A_112] : memref<3x3xf32, #tpu.memory_space<smem>>
    %mul3A_114 = vector.broadcast %get3A_113 : f32 to vector<2000x1xf32>
    %mul3A_115 = arith.mulf %logistic3A_79, %mul3A_114 : vector<2000x1xf32>
    %add3A_116 = arith.addf %add3A_110, %mul3A_115 : vector<2000x1xf32>
    %mul3A_117 = arith.constant 0.333333343 : f32
    %mul3A_118 = vector.broadcast %mul3A_117 : f32 to vector<2000x1xf32>
    %mul3A_119 = arith.mulf %add3A_116, %mul3A_118 : vector<2000x1xf32>
    %get3A_120 = arith.constant 0 : index
    %get3A_121 = arith.constant 2 : index
    %get3A_122 = memref.load %arg14[%get3A_120, %get3A_121] : memref<3x3xf32, #tpu.memory_space<smem>>
    %mul3A_123 = vector.broadcast %get3A_122 : f32 to vector<2000x1xf32>
    %mul3A_124 = arith.mulf %logistic3A_57, %mul3A_123 : vector<2000x1xf32>
    %get3A_125 = arith.constant 1 : index
    %get3A_126 = arith.constant 2 : index
    %get3A_127 = memref.load %arg14[%get3A_125, %get3A_126] : memref<3x3xf32, #tpu.memory_space<smem>>
    %mul3A_128 = vector.broadcast %get3A_127 : f32 to vector<2000x1xf32>
    %mul3A_129 = arith.mulf %logistic3A_68, %mul3A_128 : vector<2000x1xf32>
    %add3A_130 = arith.addf %mul3A_124, %mul3A_129 : vector<2000x1xf32>
    %get3A_131 = arith.constant 2 : index
    %get3A_132 = arith.constant 2 : index
    %get3A_133 = memref.load %arg14[%get3A_131, %get3A_132] : memref<3x3xf32, #tpu.memory_space<smem>>
    %mul3A_134 = vector.broadcast %get3A_133 : f32 to vector<2000x1xf32>
    %mul3A_135 = arith.mulf %logistic3A_79, %mul3A_134 : vector<2000x1xf32>
    %add3A_136 = arith.addf %add3A_130, %mul3A_135 : vector<2000x1xf32>
    %mul3A_137 = arith.constant 0.333333343 : f32
    %mul3A_138 = vector.broadcast %mul3A_137 : f32 to vector<2000x1xf32>
    %mul3A_139 = arith.mulf %add3A_136, %mul3A_138 : vector<2000x1xf32>
    %max3A_140 = arith.maximumf %mul3A_99, %mul3A_119 : vector<2000x1xf32>
    %max3A_141 = arith.maximumf %max3A_140, %mul3A_139 : vector<2000x1xf32>
    %sub3A_142 = arith.subf %mul3A_99, %max3A_141 : vector<2000x1xf32>
    %exp3A = math.exp %sub3A_142 : vector<2000x1xf32>
    %sub3A_143 = arith.subf %mul3A_119, %max3A_141 : vector<2000x1xf32>
    %exp3A_144 = math.exp %sub3A_143 : vector<2000x1xf32>
    %sub3A_145 = arith.subf %mul3A_139, %max3A_141 : vector<2000x1xf32>
    %exp3A_146 = math.exp %sub3A_145 : vector<2000x1xf32>
    %add3A_147 = arith.addf %exp3A, %exp3A_144 : vector<2000x1xf32>
    %add3A_148 = arith.addf %add3A_147, %exp3A_146 : vector<2000x1xf32>
    %div3A_149 = arith.constant 3.000000e+00 : f32
    %div3A_150 = vector.broadcast %div3A_149 : f32 to vector<2000x1xf32>
    %div3A_151 = arith.divf %div3A_150, %add3A_148 : vector<2000x1xf32>
    %mul3A_152 = vector.broadcast %exp3A : vector<2000x1xf32> to vector<2000x128xf32>
    %mul3A_153 = arith.mulf %mul3A_152, %max3A_36 : vector<2000x128xf32>
    %mul3A_154 = vector.broadcast %exp3A_144 : vector<2000x1xf32> to vector<2000x128xf32>
    %mul3A_155 = arith.mulf %mul3A_154, %max3A_42 : vector<2000x128xf32>
    %add3A_156 = arith.addf %mul3A_153, %mul3A_155 : vector<2000x128xf32>
    %mul3A_157 = vector.broadcast %exp3A_146 : vector<2000x1xf32> to vector<2000x128xf32>
    %mul3A_158 = arith.mulf %mul3A_157, %max3A_48 : vector<2000x128xf32>
    %add3A_159 = arith.addf %add3A_156, %mul3A_158 : vector<2000x128xf32>
    %mul3A_160 = vector.broadcast %div3A_151 : vector<2000x1xf32> to vector<2000x128xf32>
    %mul3A_161 = arith.mulf %mul3A_160, %add3A_159 : vector<2000x128xf32>
    %swap3A = arith.constant 0 : index
    %swap3A_162 = arith.constant 0 : index
    %swap3A_163 = vector.load %arg15[%swap3A, %swap3A_162] : memref<2000x128xf32, #tpu.memory_space<vmem>>, vector<2000x128xf32>
    tpu.vector_store %arg15[%swap3A, %swap3A_162], %mul3A_161 {strides = array<i32>} : memref<2000x128xf32, #tpu.memory_space<vmem>>, vector<2000x128xf32>,
    return
  }
  func.func @transform_0(%arg0: i32) -> (i32, i32) {
    %c0_i32 = arith.constant 0 : i32
    %c0_i32_0 = arith.constant 0 : i32
    return %arg0, %c0_i32 : i32, i32
  }
  func.func @transform_1(%arg0: i32) -> (i32, i32) {
    %c0_i32 = arith.constant 0 : i32
    %c0_i32_0 = arith.constant 0 : i32
    return %arg0, %c0_i32 : i32, i32
  }
  func.func @transform_2(%arg0: i32) -> (i32, i32) {
    %c0_i32 = arith.constant 0 : i32
    %c0_i32_0 = arith.constant 0 : i32
    return %arg0, %c0_i32 : i32, i32
  }
  func.func @transform_3(%arg0: i32) -> (i32, i32) {
    %c0_i32 = arith.constant 0 : i32
    %c0_i32_0 = arith.constant 0 : i32
    return %arg0, %c0_i32 : i32, i32
  }
  func.func @transform_4(%arg0: i32) -> (i32, i32) {
    %c0_i32 = arith.constant 0 : i32
    %c0_i32_0 = arith.constant 0 : i32
    return %arg0, %c0_i32 : i32, i32
  }
  func.func @transform_5(%arg0: i32) -> (i32, i32) {
    %c0_i32 = arith.constant 0 : i32
    %c0_i32_0 = arith.constant 0 : i32
    return %arg0, %c0_i32 : i32, i32
  }
  func.func @transform_6(%arg0: i32) -> (i32, i32) {
    %c0_i32 = arith.constant 0 : i32
    %c0_i32_0 = arith.constant 0 : i32
    return %arg0, %c0_i32 : i32, i32
  }
  func.func @transform_7(%arg0: i32) -> (i32, i32) {
    %c0_i32 = arith.constant 0 : i32
    %c0_i32_0 = arith.constant 0 : i32
    return %arg0, %c0_i32 : i32, i32
  }
  func.func @transform_8(%arg0: i32) -> (i32, i32) {
    %c0_i32 = arith.constant 0 : i32
    %c0_i32_0 = arith.constant 0 : i32
    return %arg0, %c0_i32 : i32, i32
  }
  func.func @transform_9(%arg0: i32) -> (i32, i32) {
    %c0_i32 = arith.constant 0 : i32
    %c0_i32_0 = arith.constant 0 : i32
    return %arg0, %c0_i32 : i32, i32
  }
  func.func @transform_10(%arg0: i32) -> (i32, i32) {
    %c0_i32 = arith.constant 0 : i32
    %c0_i32_0 = arith.constant 0 : i32
    %c0_i32_1 = arith.constant 0 : i32
    return %c0_i32, %c0_i32_0 : i32, i32
  }
  func.func @transform_11(%arg0: i32) -> (i32, i32) {
    %c0_i32 = arith.constant 0 : i32
    %c0_i32_0 = arith.constant 0 : i32
    %c0_i32_1 = arith.constant 0 : i32
    return %c0_i32, %c0_i32_0 : i32, i32
  }
  func.func @transform_12(%arg0: i32) -> (i32, i32) {
    %c0_i32 = arith.constant 0 : i32
    %c0_i32_0 = arith.constant 0 : i32
    %c0_i32_1 = arith.constant 0 : i32
    return %c0_i32, %c0_i32_0 : i32, i32
  }
  func.func @transform_13(%arg0: i32) -> (i32, i32) {
    %c0_i32 = arith.constant 0 : i32
    %c0_i32_0 = arith.constant 0 : i32
    %c0_i32_1 = arith.constant 0 : i32
    return %c0_i32, %c0_i32_0 : i32, i32
  }
  func.func @transform_14(%arg0: i32) -> (i32, i32) {
    %c0_i32 = arith.constant 0 : i32
    %c0_i32_0 = arith.constant 0 : i32
    return %arg0, %c0_i32 : i32, i32
  }
}

</mosaic_0001>

<sc_bundles>
// kernel: kernel.11.cloned.1.call-start
scs
__scs_entry_jumppad:
0x0: {  	(pc) =	sbr.rel $0x88, $3  }
0x1: {  	(tag) =	ssettag $0x0;
	lr =	simm.s32 $0x1  }
0x2: {  	[smem:$0x3F91] =	sst lr;
	_ =	strace $0xD0000000  }
0x3: {  	_ = 	snop  }
0x4: {  	_ = 	snop  }
0x5: {  	_ = 	snop  }
0x6: {  	_ = 	snop  }
0x7: {  	_ = 	snop  }
__scs_overlays_trampoline_lowered:
0x8: {  	[smem:$0x3FA0] =	sst s0  }
0x9: {  	[smem:$0x3FA1] =	sst s1  }
0xa: {  	[smem:$0x3FA2] =	sst s2  }
0xb: {  	[smem:$0x3FA3] =	sst s3  }
0xc: {  	[smem:$0x3FA4] =	sst s4  }
0xd: {  	[smem:$0x3FA5] =	sst s5  }
0xe: {  	[smem:$0x3FA6] =	sst s6  }
0xf: {  	[smem:$0x3FA7] =	sst s7  }
0x10: {  	[smem:$0x3FA8] =	sst s8  }
0x11: {  	[smem:$0x3FA9] =	sst s9;
	s0 =	simm.s32 @!p0 $0x0  }
0x12: {  	s1 =	sld [smem:$0x3F8F];
	s0 =	simm.s32 @p0 $0x1  }
0x13: {  	[smem:$0x3FAA] =	sst s0;
	s0 =	simm.s32 @!p1 $0x0  }
0x14: {  	s2 =	sld [smem:$0x3F8E];
	s0 =	simm.s32 @p1 $0x1  }
0x15: {  	[smem:$0x3FAB] =	sst s0;
	s0 =	simm.s32 @!p2 $0x0  }
0x16: {  	s3 =	sld [smem:$0x3FDB];
	s0 =	simm.s32 @p2 $0x1  }
0x17: {  	s4 =	simm.s32 $0x1BF5;
	[smem:$0x3FAD] =	sst s0  }
0x18: {  	s0 =	sld [smem:$0x3F90];
	_ =	swait.ge [sflag:s4], $0x0  }
0x19: {  	s7 =	sld [smem:$0x3F91]  }
0x1a: {  	s8 =	sadd.s32 $0xFFFFE003, lr  }
0x1b: {  	s9 =	sadd.s32 $0xFFFFFEF7, lr;
	s5 =	simm.s32 $0xFFFFFFFF;
	p2 =	slt.u32 s8, $0xFFFFF086  }
0x1c: {  	p1 =	slt.u32 s9, $0xF7A;
	s5 =	simm.s32 @!p2 $0x0  }
0x1d: {  	s5 =	simm.s32 @p1 $0x1;
	p0 =	seq.s32 s7, s2  }
0x1e: {  	s7 =	smul.u32 @!p0 $0xF7A, s2;
	p2 =	seq.s32 @!p0 s5, $0x0  }
0x1f: {  	s9 =	smul.u32 $0xF7A, s1;
	s8 =	simm.s32 @!p0 $0x1BF5;
	p2 =	por !p2, p0  }
0x20: {  	[sflag:s8] =	ssyncset.s32 @!p0 $0xFFFFF086;
	s6 =	sadd.s32 @!p0 s3, s7;
	s7 =	simm.s32 @!p0 $0x108  }
0x21: {  	s3 =	sadd.s32 s3, s9;
	s6 =	sadd.s32 @!p0 $0x88, s6;
	s7 =	simm.s32 @p2 $0x1082  }
0x22: {  	[simem:s7], [sflag:s8] =	dma.local @!p0 [hbm:s6], $0xF7A  }
0x23: {  	s9 =	sor.u32 $0xD0000000, s2;
	s6 =	simm.s32 $0x108;
	_ =	swait.ge @!p0 [sflag:s8], $0x0  }
0x24: {  	s3 =	sadd.s32 $0x88, s3;
	s6 =	simm.s32 @!p1 $0x1082;
	[sflag:s4] =	ssyncset.s32 $0xFFFFF086  }
0x25: {  	[simem:s6], [sflag:s4] =	dma.local [hbm:s3], $0xF7A  }
0x26: {  	[smem:$0x3F91] =	sst s1;
	(tag) =	ssettag s2;
	_ =	strace s9  }
0x27: {  	s1 =	sld [smem:$0x3FA1]  }
0x28: {  	s2 =	sld [smem:$0x3FA2]  }
0x29: {  	s4 =	sld [smem:$0x3FA4]  }
0x2a: {  	p0 =	seq.s32 s5, $0x0;
	s5 =	sld [smem:$0x3FA5]  }
0x2b: {  	s6 =	sld [smem:$0x3FA6]  }
0x2c: {  	s7 =	sld [smem:$0x3FA7]  }
0x2d: {  	s3 =	simm.s32 $0x108;
	s8 =	sld [smem:$0x3FA8]  }
0x2e: {  	s3 =	simm.s32 @!p0 $0x1082;
	s9 =	sld [smem:$0x3FA9]  }
0x2f: {  	lr =	sadd.s32 s0, s3;
	s0 =	sld [smem:$0x3FA0]  }
0x30: {  	s3 =	sld [smem:$0x3FA3]  }
0x31: {  	[smem:$0x3FAC] =	sst s10  }
0x32: {  	s10 =	sld [smem:$0x3FAA];
	_ =	sdelay $0x3  }
0x33: {  	p0 =	seq.s32 s10, $0x1;
	s10 =	sld [smem:$0x3FAC];
	_ =	sdelay $0x3  }
0x34: {  	[smem:$0x3FAC] =	sst s10  }
0x35: {  	s10 =	sld [smem:$0x3FAB];
	_ =	sdelay $0x3  }
0x36: {  	p1 =	seq.s32 s10, $0x1;
	s10 =	sld [smem:$0x3FAC];
	_ =	sdelay $0x3  }
0x37: {  	[smem:$0x3FAC] =	sst s10  }
0x38: {  	s10 =	sld [smem:$0x3FAD]  }
0x39: {  	_ = 	snop;
	(pc) =	sbr.ind lr, $3  }
0x3a: {  	_ = 	snop  }
0x3b: {  	_ = 	snop  }
0x3c: {  	p2 =	seq.s32 s10, $0x1;
	s10 =	sld [smem:$0x3FAC]  }
0x3d: {  	_ =	shalt  }
0x3e: {  	_ =	shalt  }
0x3f: {  	_ =	shalt  }
0x40: {  	_ =	shalt  }
0x41: {  	_ =	shalt  }
0x42: {  	_ =	shalt  }
0x43: {  	_ =	shalt  }
0x44: {  	_ =	shalt  }
0x45: {  	_ =	shalt  }
0x46: {  	_ =	shalt  }
0x47: {  	_ =	shalt  }
0x48: {  	_ =	shalt  }
0x49: {  	_ =	shalt  }
0x4a: {  	_ =	shalt  }
0x4b: {  	_ =	shalt  }
0x4c: {  	_ =	shalt  }
0x4d: {  	_ =	shalt  }
0x4e: {  	_ =	shalt  }
0x4f: {  	_ =	shalt  }
0x50: {  	_ =	shalt  }
0x51: {  	_ =	shalt  }
0x52: {  	_ =	shalt  }
0x53: {  	_ =	shalt  }
0x54: {  	_ =	shalt  }
0x55: {  	_ =	shalt  }
0x56: {  	_ =	shalt  }
0x57: {  	_ =	shalt  }
0x58: {  	_ =	shalt  }
0x59: {  	_ =	shalt  }
0x5a: {  	_ =	shalt  }
0x5b: {  	_ =	shalt  }
0x5c: {  	_ =	shalt  }
0x5d: {  	_ =	shalt  }
0x5e: {  	_ =	shalt  }
0x5f: {  	_ =	shalt  }
0x60: {  	_ =	shalt  }
0x61: {  	_ =	shalt  }
0x62: {  	_ =	shalt  }
0x63: {  	_ =	shalt  }
0x64: {  	_ =	shalt  }
0x65: {  	_ =	shalt  }
0x66: {  	_ =	shalt  }
0x67: {  	_ =	shalt  }
0x68: {  	_ =	shalt  }
0x69: {  	_ =	shalt  }
0x6a: {  	_ =	shalt  }
0x6b: {  	_ =	shalt  }
0x6c: {  	_ =	shalt  }
0x6d: {  	_ =	shalt  }
0x6e: {  	_ =	shalt  }
0x6f: {  	_ =	shalt  }
0x70: {  	_ =	shalt  }
0x71: {  	_ =	shalt  }
0x72: {  	_ =	shalt  }
0x73: {  	_ =	shalt  }
0x74: {  	_ =	shalt  }
0x75: {  	_ =	shalt  }
0x76: {  	_ =	shalt  }
0x77: {  	_ =	shalt  }
0x78: {  	_ =	shalt  }
0x79: {  	_ =	shalt  }
0x7a: {  	_ =	shalt  }
0x7b: {  	_ =	shalt  }
0x7c: {  	_ =	shalt  }
0x7d: {  	_ =	shalt  }
0x7e: {  	_ =	shalt  }
0x7f: {  	_ =	shalt  }
0x80: {  	_ =	shalt  }
0x81: {  	_ =	shalt  }
0x82: {  	_ =	shalt  }
0x83: {  	_ =	shalt  }
0x84: {  	_ =	shalt  }
0x85: {  	_ =	shalt  }
0x86: {  	_ =	shalt  }
0x87: {  	_ =	shalt  }
.Lfunc_end0:
.L_simem_size_0:
called_computation.1_lowered:
.L_overlay_start_0:
0x88: {  	s2 =	sld [smem:$0x3FD9]  }
0x89: {  	s3 =	sld [smem:$0x3FFE];
	_ =	sdelay $0x1  }
0x8a: {  	s1 =	srdreg.scid  }
0x8b: {  	s0 =	sand.u32 $0x1, s1  }
0x8c: {  	s17 =	sshll.u32 s0, $0xA;
	s2 =	sadd.s32 s3, s2  }
0x8d: {  	s2 =	sadd.s32 s2, s17  }
0x8e: {  	[smem:$0x3FB8] =	sst s2  }
0x8f: {  	_ = 	snop  }
0x90: {  	s2 =	sld [smem:$0x3FD0];
	(tm) =	ssettm $0x1  }
0x91: {  	s18 =	sld [smem:$0x3FFB];
	_ =	sdelay $0x3  }
0x92: {  	_ =	strace s18  }
0x93: {  	s3 =	sld [smem:$0x3FFC];
	_ =	sdelay $0x3  }
0x94: {  	_ =	strace s3  }
0x95: {  	s3 =	sld [smem:$0x3FFD];
	_ =	sdelay $0x3  }
0x96: {  	_ =	strace s3  }
0x97: {  	_ =	strace $0x8FFFFFFF  }
0x98: {  	s19 =	sld [smem:$0x3FDB];
	_ =	sdelay $0x1  }
0x99: {  	s4 =	simm.s32 $_scs_section_size  }
0x9a: {  	s5 =	simm.s32 $_size__tile_overlayer_lowered;
	s6 =	simm.s32 $_tile_overlayer_lowered  }
0x9b: {  	s22 =	simm.s32 $0x1BFF;
	s21 =	sshll.u32 s6, $0x1;
	s3 =	sadd.s32 s4, s19  }
0x9c: {  	s7 =	simm.s32 $0x0;
	s20 =	sshll.u32 s5, $0x1;
	s5 =	sadd.s32 s21, s3  }
0x9d: {  	[timem:s7], [sflag:s22] =	dma.local [hbm:s5], s20  }
0x9e: {  	_ =	swait.ge [sflag:s22], s20  }
0x9f: {  	s4 =	ssub.s32 $0x0, s20;
	[sflag:s22] =	ssyncset.done $0x0  }
0xa0: {  	[sflag:s22] =	ssyncadd.s32 s4;
	_ =	sdelay $0x1  }
0xa1: {  	s23 =	simm.s32 $0x1B8B  }
0xa2: {  	_ =	swait.ge [sflag:s23], $0x1  }
0xa3: {  	[sflag:s23] =	ssyncset.done $0x0  }
0xa4: {  	s25 =	simm.s32 $0x1B8E;
	s24 =	sld [smem:$0x3FFE];
	[sflag:s23] =	ssyncadd.s32 $0xFFFFFFFF  }
0xa5: {  	s26 =	simm.s32 $execute0_lowered;
	[smem:$0x3FD2] =	sst s25  }
0xa6: {  	s5 =	sshll.u32 s26, $0x1;
	_ =	strace $0x80000049;
	[dreg:$0x1] =	wrdreg $0xFFFFFFFF  }
0xa7: {  	s28 =	simm.s32 $_size_execute0_lowered;
	s3 =	sadd.s32 s3, s5;
	[dreg:$0x0] =	wrdreg $0x0  }
0xa8: {  	s5 =	sshll.u32 s28, $0x1;
	[dreg:$0x2] =	wrdreg s3  }
0xa9: {  	[dreg:$0x3] =	wrdreg s5  }
0xaa: {  	[dreg:$0x4] =	wrdreg $0xC0  }
0xab: {  	_ =	task [dreg:s7], $0x5FFFF  }
0xac: {  	[dreg:$0x1] =	wrdreg $0xFFFFFFFF  }
0xad: {  	[dreg:$0x0] =	wrdreg $0x60  }
0xae: {  	[dreg:$0x2] =	wrdreg s24  }
0xaf: {  	[dreg:$0x3] =	wrdreg s2  }
0xb0: {  	[dreg:$0x4] =	wrdreg $0xFE000  }
0xb1: {  	[dreg:$0x5] =	wrdreg $0x9  }
0xb2: {  	_ =	task.clear_ibuf [dreg:s7], $0x6FFFF;
	_ =	strace $0x90000049  }
0xb3: {  	s29 =	simm.s32 $0x9;
	_ =	strace $0x8000004B  }
0xb4: {  	_ =	swait.ge [sflag:s29], $0x1  }
0xb5: {  	[sflag:s29] =	ssyncadd.s32 $0xFFFFFFFF  }
0xb6: {  	_ =	strace $0x9000004B  }
0xb7: {  	_ =	sfence  }
0xb8: {  	s30 =	sld [smem:$0x0];
	_ =	sdelay $0x2  }
0xb9: {  	s31 =	sshll.u32 s1, $0xD;
	s1 =	sshrl.u32 s1, $0x2  }
0xba: {  	s3 =	sand.u32 $0x4000, s31;
	s1 =	sadd.s32 s1, s30  }
0xbb: {  	s0 =	sor.u32 s3, s0;
	s1 =	sshll.u32 s1, $0x11  }
0xbc: {  	s0 =	sor.u32 s1, s0  }
0xbd: {  	s0 =	sadd.s32 $0x8F2B, s0  }
0xbe: {  	[sflag:s0] =	ssyncadd.remote.s32 $0x1  }
0xbf: {  	_ =	sfence.sel $0xFFFF  }
0xc0: {  	[dreg:$0x0] =	wrdreg $0xFFFFFFFF;
	(pc) =	sbr.abs _section_cstart, $3  }
0xc1: {  	[dreg:$0x1] =	wrdreg $0xFFFFFFFF  }
0xc2: {  	_ =	task.clear_ibuf [dreg:s7], $0x2FFFF;
	_ =	strace $0x9FFFFFFF  }
0xc3: {  	(tm) =	ssettm $0x7FFFFFFF  }
tec
execute0_lowered:
.L_overlay_start_1:
0x0: {  	(tag) =	ssettag $0x1  }
0x1: {  	s0 =	rddreg [dreg:$0x0]  }
0x2: {  	s3 =	rddreg [dreg:$0x2];
	s1 =	simm.s32 $0x0;
	s12 =	stileid.u32  }
0x3: {  	s4 =	srdreg.scid;
	s17 =	simm.s32 $0x7;
	s18 =	simm.s32 $0x4F00  }
0x4: {  	s28 =	simm.s32 $0x2;
	s29 =	simm.s32 $0x4F80;
	s30 =	simm.s32 $0x4  }
0x5: {  	s31 =	simm.s32 $0x180;
	[smem:$0x7FF] =	sst s1;
	s21 =	smul.u32 $0x9E0, s12  }
0x6: {  	s5 =	sadd.s32 $0x52000, s0;
	s6 =	sadd.s32 $0xB4800, s0;
	s2 =	smul.u32 $0x9E00, s12  }
0x7: {  	s7 =	sadd.s32 $0xA0E00, s0;
	s8 =	sadd.s32 $0x65A00, s0;
	s4 =	sand.u32 $0x1, s4  }
0x8: {  	s11 =	sadd.s32 $0xC8200, s0;
	s13 =	sadd.s32 $0xDBE00, s0;
	s26 =	sshll.u32 s12, $0x6  }
0x9: {  	s12 =	simm.s32 $0x9D00;
	_ =	strace $0x8000004A;
	[dreg:$0x4] =	wrdreg s11  }
0xa: {  	s22 =	ssub.s32 $0x2, s4;
	[dreg:$0x5] =	wrdreg s13;
	p0 =	sne.s32 s4, $0x0  }
0xb: {  	s19 =	sor.u32 $0x1C07, s26;
	s26 =	simm.s32 $0xDE00;
	s11 =	simm.s32 $0x4E80  }
0xc: {  	s4 =	simm.s32 $0x9D80;
	s13 =	simm.s32 $0x0;
	s1 =	sadd.s32 s21, s0  }
0xd: {  	s9 =	sshrl.u32 s2, $0x3;
	s23 =	sshrl.u32 s22, $0x1;
	s25 =	sadd.s32 s2, s3  }
0xe: {  	s21 =	simm.s32 $0x80;
	s10 =	sadd.s32 s9, s0;
	s0 =	sadd.s32 $0xEFA00, s0  }
0xf: {  	s2 =	simm.s32 $0x5;
	s24 =	sadd.s32 $0x83400, s1;
	[dreg:$0x6] =	wrdreg s0  }
.Ltmp0:
0x10: {  	s1 =	sadd.s32 $0x79600, s1;
	[dreg:$0x7] =	wrdreg s24;
	(pc) =	sbr.rel .LBB2_1-.Ltmp0, $4  }
0x11: {  	s20 =	sshrl.u32 s25, $0x3;
	s0 =	ssub.s32 s22, s23;
	[dreg:$0x8] =	wrdreg s1  }
0x12: {  	s15 =	sadd.s32 $0x8D200, s10;
	s22 =	simm.s32 $0x9E00;
	s23 =	simm.s32 $0xBE00  }
0x13: {  	s24 =	simm.s32 $0x1;
	s1 =	simm.s32 $0x6;
	s0 =	smax.u32 s0, $0x1  }
0x14: {  	s10 =	simm.s32 $0x9C80;
	[dreg:$0x9] =	wrdreg s0;
	s0 =	simm.s32 $0x3  }
.LBB2_14:
0x15: {  	[tilespmem:s22], [sflag:$0x1] =	stream.indirect.gather [hbm4b:s8+s21], $0x40, s16, s21, $0xb8;
	[tilespmem:$0x19C00] =	vst v63  }
0x16: {  	s16 =	smov.u32 s8;
	s14 =	rddreg [dreg:$0x6]  }
.LBB2_15:
0x17: {  	_ =	swait.ge [sflag:s0], $0x2000  }
0x18: {  	[sflag:s0] =	ssyncset.done $0x0  }
0x19: {  	[sflag:s0] =	ssyncadd.s32 $0xFFFFE000  }
0x1a: {  	[spmem:s3] =	stream.indirect.scatter.add.f32 [tilespmem:s26], [sflag:$0x6], $0x40, s10, s21, $0xb8;
	[tilespmem:$0x19C00] =	vst v63  }
0x1b: {  	_ =	swait.ge [sflag:s2], $0x2000  }
0x1c: {  	[sflag:s2] =	ssyncset.done $0x0  }
0x1d: {  	[sflag:s2] =	ssyncadd.s32 $0xFFFFE000  }
0x1e: {  	[tilespmem:s23], [sflag:$0x2] =	stream.indirect.gather [hbm4b:s16+s21], $0x40, s11, s21, $0xb8;
	[tilespmem:$0x19C00] =	vst v63  }
0x1f: {  	_ =	swait.ge [sflag:s24], $0x2000  }
0x20: {  	[sflag:s24] =	ssyncset.done $0x0  }
0x21: {  	[sflag:s24] =	ssyncadd.s32 $0xFFFFE000  }
0x22: {  	[spmem:s3] =	stream.indirect.scatter.add.f32 [tilespmem:s22], [sflag:$0x4], $0x40, s12, s21, $0xb8;
	[tilespmem:$0x19C00] =	vst v63  }
0x23: {  	_ =	swait.ge [sflag:s28], $0x2000  }
0x24: {  	[sflag:s28] =	ssyncset.done $0x0  }
0x25: {  	[sflag:s28] =	ssyncadd.s32 $0xFFFFE000  }
0x26: {  	[spmem:s3] =	stream.indirect.scatter.add.f32 [tilespmem:s23], [sflag:$0x5], $0x40, s4, s21, $0xb8;
	[tilespmem:$0x19C00] =	vst v63  }
0x27: {  	_ =	swait.ge [sflag:s1], $0x2000  }
0x28: {  	[sflag:s1] =	ssyncset.done $0x0  }
0x29: {  	[sflag:s1] =	ssyncadd.s32 $0xFFFFE000  }
0x2a: {  	_ =	swait.ge [sflag:s30], $0x2000  }
0x2b: {  	[sflag:s30] =	ssyncset.done $0x0  }
0x2c: {  	[sflag:s30] =	ssyncadd.s32 $0xFFFFE000  }
0x2d: {  	_ =	swait.ge [sflag:s2], $0x2000  }
0x2e: {  	[sflag:s2] =	ssyncset.done $0x0  }
0x2f: {  	[sflag:s2] =	ssyncadd.s32 $0xFFFFE000  }
0x30: {  	s14 =	sadd.s32 s14, s9;
	[bflag:$0x0] =	sbarrier.arrive $0xFFFF  }
0x31: {  	[hbm:s14], [sflag:s19] =	dma.local [spmem:s20], $0x13C0  }
0x32: {  	_ =	swait.ge [sflag:s17], $0x13C0  }
0x33: {  	s13 =	sadd.s32 $0x1, s13;
	s25 =	rddreg [dreg:$0x9]  }
0x34: {  	p1 =	sne.s32 s13, s25  }
.Ltmp1:
0x35: {  	_ = 	snop;
	(pc) =	sbr.rel @!p1 .LBB2_16-.Ltmp1, $3  }
0x36: {  	_ =	sdelay $0x1  }
0x37: {  	[sflag:s17] =	ssyncset.done $0x0  }
0x38: {  	[sflag:s17] =	ssyncadd.s32 $0xFFFFEC40  }
.LBB2_1:
0x39: {  	s14 =	simm.s32 $0x0;
	s16 =	rddreg [dreg:$0x7]  }
0x3a: {  	[tilespmem:s14], [sflag:$0x7] =	stream.linear.gather [hbm4b:s16+s14], $0x4F00, $0x38;
	[tilespmem:$0x19C00] =	vst v63  }
0x3b: {  	_ =	swait.ge [sflag:s17], $0x4F00  }
0x3c: {  	[sflag:s17] =	ssyncset.done $0x0  }
0x3d: {  	s25 =	rddreg [dreg:$0x8];
	[sflag:s17] =	ssyncadd.s32 $0xFFFFB100  }
0x3e: {  	[tilespmem:s18], [sflag:$0x7] =	stream.linear.gather [hbm4b:s25+s14], $0x4F00, $0x38;
	[tilespmem:$0x19C00] =	vst v63  }
0x3f: {  	_ =	swait.ge [sflag:s17], $0x4F00  }
0x40: {  	[sflag:s17] =	ssyncset.done $0x0  }
0x41: {  	[sflag:s17] =	ssyncadd.s32 $0xFFFFB100  }
0x42: {  	[spmem:s20], [sflag:s19] =	dma.local [hbm:s15], $0x13C0  }
.Ltmp2:
0x43: {  	_ =	swait.ge [sflag:s17], $0x13C0;
	(pc) =	sbr.rel @p0 .LBB2_5-.Ltmp2, $4  }
0x44: {  	[sflag:s17] =	ssyncset.done $0x0  }
0x45: {  	[sflag:s17] =	ssyncadd.s32 $0xFFFFEC40  }
0x46: {  	[bflag:$0x0] =	sbarrier.arrive $0xFFFF  }
0x47: {  	s14 =	simm.s32 $0x0  }
0x48: {  	[tilespmem:s22], [sflag:$0x1] =	stream.indirect.gather [hbm4b:s5+s21], $0x40, s14, s21, $0xb8;
	[tilespmem:$0x19C00] =	vst v63  }
0x49: {  	_ = 	snop  }
0x4a: {  	[tilespmem:s23], [sflag:$0x2] =	stream.indirect.gather [hbm4b:s5+s21], $0x40, s21, s21, $0xb8;
	[tilespmem:$0x19C00] =	vst v63  }
0x4b: {  	_ =	swait.ge [sflag:s24], $0x2000  }
0x4c: {  	[sflag:s24] =	ssyncset.done $0x0  }
0x4d: {  	[sflag:s24] =	ssyncadd.s32 $0xFFFFE000  }
0x4e: {  	[spmem:s3] =	stream.indirect.scatter.add.f32 [tilespmem:s22], [sflag:$0x4], $0x40, s18, s21, $0xb8;
	[tilespmem:$0x19C00] =	vst v63  }
0x4f: {  	s16 =	simm.s32 $0x100  }
0x50: {  	[tilespmem:s26], [sflag:$0x3] =	stream.indirect.gather [hbm4b:s5+s21], $0x40, s16, s21, $0xb8;
	[tilespmem:$0x19C00] =	vst v63  }
0x51: {  	_ =	swait.ge [sflag:s28], $0x2000  }
0x52: {  	[sflag:s28] =	ssyncset.done $0x0  }
0x53: {  	[sflag:s28] =	ssyncadd.s32 $0xFFFFE000  }
0x54: {  	[spmem:s3] =	stream.indirect.scatter.add.f32 [tilespmem:s23], [sflag:$0x5], $0x40, s29, s21, $0xb8;
	[tilespmem:$0x19C00] =	vst v63  }
0x55: {  	_ =	swait.ge [sflag:s30], $0x2000  }
0x56: {  	[sflag:s30] =	ssyncset.done $0x0  }
0x57: {  	[sflag:s30] =	ssyncadd.s32 $0xFFFFE000  }
0x58: {  	[tilespmem:s22], [sflag:$0x1] =	stream.indirect.gather [hbm4b:s5+s21], $0x40, s31, s21, $0xb8;
	[tilespmem:$0x19C00] =	vst v63  }
0x59: {  	_ =	swait.ge [sflag:s0], $0x2000  }
0x5a: {  	[sflag:s0] =	ssyncset.done $0x0  }
0x5b: {  	s25 =	simm.s32 $0x5000;
	[sflag:s0] =	ssyncadd.s32 $0xFFFFE000  }
0x5c: {  	[spmem:s3] =	stream.indirect.scatter.add.f32 [tilespmem:s26], [sflag:$0x6], $0x40, s25, s21, $0xb8;
	[tilespmem:$0x19C00] =	vst v63  }
0x5d: {  	_ =	swait.ge [sflag:s2], $0x2000  }
0x5e: {  	[sflag:s2] =	ssyncset.done $0x0  }
0x5f: {  	s16 =	simm.s32 $0x200;
	[sflag:s2] =	ssyncadd.s32 $0xFFFFE000  }
0x60: {  	[tilespmem:s23], [sflag:$0x2] =	stream.indirect.gather [hbm4b:s5+s21], $0x40, s16, s21, $0xb8;
	[tilespmem:$0x19C00] =	vst v63  }
0x61: {  	_ =	swait.ge [sflag:s24], $0x2000  }
0x62: {  	[sflag:s24] =	ssyncset.done $0x0  }
0x63: {  	s25 =	simm.s32 $0x5080;
	[sflag:s24] =	ssyncadd.s32 $0xFFFFE000  }
0x64: {  	[spmem:s3] =	stream.indirect.scatter.add.f32 [tilespmem:s22], [sflag:$0x4], $0x40, s25, s21, $0xb8;
	[tilespmem:$0x19C00] =	vst v63  }
0x65: {  	_ =	swait.ge [sflag:s1], $0x2000  }
0x66: {  	[sflag:s1] =	ssyncset.done $0x0  }
0x67: {  	s16 =	simm.s32 $0x280;
	[sflag:s1] =	ssyncadd.s32 $0xFFFFE000  }
0x68: {  	[tilespmem:s26], [sflag:$0x3] =	stream.indirect.gather [hbm4b:s5+s21], $0x40, s16, s21, $0xb8;
	[tilespmem:$0x19C00] =	vst v63  }
0x69: {  	_ =	swait.ge [sflag:s28], $0x2000  }
0x6a: {  	[sflag:s28] =	ssyncset.done $0x0  }
0x6b: {  	s25 =	simm.s32 $0x5100;
	[sflag:s28] =	ssyncadd.s32 $0xFFFFE000  }
0x6c: {  	[spmem:s3] =	stream.indirect.scatter.add.f32 [tilespmem:s23], [sflag:$0x5], $0x40, s25, s21, $0xb8;
	[tilespmem:$0x19C00] =	vst v63  }
0x6d: {  	_ =	swait.ge [sflag:s30], $0x2000  }
0x6e: {  	[sflag:s30] =	ssyncset.done $0x0  }
0x6f: {  	s14 =	simm.s32 $0x600;
	s16 =	simm.s32 $0x300;
	[sflag:s30] =	ssyncadd.s32 $0xFFFFE000  }
.LBB2_3:
0x70: {  	[tilespmem:s22], [sflag:$0x1] =	stream.indirect.gather [hbm4b:s5+s21], $0x40, s16, s21, $0xb8;
	[tilespmem:$0x19C00] =	vst v63  }
0x71: {  	s16 =	smov.u32 s14  }
0x72: {  	p1 =	seq.s32 s14, $0x12C00;
	s14 =	sadd.s32 $0x600, s14;
	_ =	swait.ge [sflag:s0], $0x2000  }
0x73: {  	s16 =	sshra.s32 s16, $0x2;
	[sflag:s0] =	ssyncset.done $0x0  }
0x74: {  	s25 =	sadd.s32 $0x5000, s16;
	[sflag:s0] =	ssyncadd.s32 $0xFFFFE000  }
0x75: {  	[spmem:s3] =	stream.indirect.scatter.add.f32 [tilespmem:s26], [sflag:$0x6], $0x40, s25, s21, $0xb8;
	[tilespmem:$0x19C00] =	vst v63  }
0x76: {  	_ =	swait.ge [sflag:s2], $0x2000  }
0x77: {  	[sflag:s2] =	ssyncset.done $0x0  }
0x78: {  	s25 =	sadd.s32 $0x200, s16;
	[sflag:s2] =	ssyncadd.s32 $0xFFFFE000  }
0x79: {  	[tilespmem:s23], [sflag:$0x2] =	stream.indirect.gather [hbm4b:s5+s21], $0x40, s25, s21, $0xb8;
	[tilespmem:$0x19C00] =	vst v63  }
0x7a: {  	_ =	swait.ge [sflag:s24], $0x2000  }
0x7b: {  	[sflag:s24] =	ssyncset.done $0x0  }
0x7c: {  	s25 =	sadd.s32 $0x5080, s16;
	[sflag:s24] =	ssyncadd.s32 $0xFFFFE000  }
0x7d: {  	[spmem:s3] =	stream.indirect.scatter.add.f32 [tilespmem:s22], [sflag:$0x4], $0x40, s25, s21, $0xb8;
	[tilespmem:$0x19C00] =	vst v63  }
0x7e: {  	_ =	swait.ge [sflag:s1], $0x2000  }
0x7f: {  	[sflag:s1] =	ssyncset.done $0x0  }
0x80: {  	s25 =	sadd.s32 $0x280, s16;
	[sflag:s1] =	ssyncadd.s32 $0xFFFFE000  }
0x81: {  	[tilespmem:s26], [sflag:$0x3] =	stream.indirect.gather [hbm4b:s5+s21], $0x40, s25, s21, $0xb8;
	[tilespmem:$0x19C00] =	vst v63  }
0x82: {  	_ =	swait.ge [sflag:s28], $0x2000  }
0x83: {  	[sflag:s28] =	ssyncset.done $0x0  }
.Ltmp3:
0x84: {  	s25 =	sadd.s32 $0x5100, s16;
	[sflag:s28] =	ssyncadd.s32 $0xFFFFE000;
	(pc) =	sbr.rel @!p1 .LBB2_3-.Ltmp3, $4  }
0x85: {  	[spmem:s3] =	stream.indirect.scatter.add.f32 [tilespmem:s23], [sflag:$0x5], $0x40, s25, s21, $0xb8;
	[tilespmem:$0x19C00] =	vst v63  }
0x86: {  	_ =	swait.ge [sflag:s30], $0x2000  }
0x87: {  	[sflag:s30] =	ssyncset.done $0x0  }
0x88: {  	s16 =	sadd.s32 $0x300, s16;
	[sflag:s30] =	ssyncadd.s32 $0xFFFFE000  }
.Ltmp4:
0x89: {  	(pc) =	sbr.rel .LBB2_8-.Ltmp4, $3  }
0x8a: {  	_ =	sdelay $0x1  }
0x8b: {  	[tilespmem:s22], [sflag:$0x1] =	stream.indirect.gather [hbm4b:s5+s21], $0x40, s16, s21, $0xb8;
	[tilespmem:$0x19C00] =	vst v63  }
0x8c: {  	s16 =	smov.u32 s5;
	s14 =	rddreg [dreg:$0x1]  }
.LBB2_5:
0x8d: {  	[tilespmem:s22], [sflag:$0x1] =	stream.indirect.gather [hbm4b:s7+s21], $0x40, s14, s21, $0xb8;
	[tilespmem:$0x19C00] =	vst v63  }
0x8e: {  	_ = 	snop  }
0x8f: {  	[tilespmem:s23], [sflag:$0x2] =	stream.indirect.gather [hbm4b:s7+s21], $0x40, s21, s21, $0xb8;
	[tilespmem:$0x19C00] =	vst v63  }
0x90: {  	_ =	swait.ge [sflag:s24], $0x2000  }
0x91: {  	[sflag:s24] =	ssyncset.done $0x0  }
0x92: {  	[sflag:s24] =	ssyncadd.s32 $0xFFFFE000  }
0x93: {  	[spmem:s3] =	stream.indirect.scatter.add.f32 [tilespmem:s22], [sflag:$0x4], $0x40, s18, s21, $0xb8;
	[tilespmem:$0x19C00] =	vst v63  }
0x94: {  	s16 =	simm.s32 $0x100  }
0x95: {  	[tilespmem:s26], [sflag:$0x3] =	stream.indirect.gather [hbm4b:s7+s21], $0x40, s16, s21, $0xb8;
	[tilespmem:$0x19C00] =	vst v63  }
0x96: {  	_ =	swait.ge [sflag:s28], $0x2000  }
0x97: {  	[sflag:s28] =	ssyncset.done $0x0  }
0x98: {  	[sflag:s28] =	ssyncadd.s32 $0xFFFFE000  }
0x99: {  	[spmem:s3] =	stream.indirect.scatter.add.f32 [tilespmem:s23], [sflag:$0x5], $0x40, s29, s21, $0xb8;
	[tilespmem:$0x19C00] =	vst v63  }
0x9a: {  	_ =	swait.ge [sflag:s30], $0x2000  }
0x9b: {  	[sflag:s30] =	ssyncset.done $0x0  }
0x9c: {  	[sflag:s30] =	ssyncadd.s32 $0xFFFFE000  }
0x9d: {  	[tilespmem:s22], [sflag:$0x1] =	stream.indirect.gather [hbm4b:s7+s21], $0x40, s31, s21, $0xb8;
	[tilespmem:$0x19C00] =	vst v63  }
0x9e: {  	_ =	swait.ge [sflag:s0], $0x2000  }
0x9f: {  	[sflag:s0] =	ssyncset.done $0x0  }
0xa0: {  	s25 =	simm.s32 $0x5000;
	[sflag:s0] =	ssyncadd.s32 $0xFFFFE000  }
0xa1: {  	[spmem:s3] =	stream.indirect.scatter.add.f32 [tilespmem:s26], [sflag:$0x6], $0x40, s25, s21, $0xb8;
	[tilespmem:$0x19C00] =	vst v63  }
0xa2: {  	_ =	swait.ge [sflag:s2], $0x2000  }
0xa3: {  	[sflag:s2] =	ssyncset.done $0x0  }
0xa4: {  	s16 =	simm.s32 $0x200;
	[sflag:s2] =	ssyncadd.s32 $0xFFFFE000  }
0xa5: {  	[tilespmem:s23], [sflag:$0x2] =	stream.indirect.gather [hbm4b:s7+s21], $0x40, s16, s21, $0xb8;
	[tilespmem:$0x19C00] =	vst v63  }
0xa6: {  	_ =	swait.ge [sflag:s24], $0x2000  }
0xa7: {  	[sflag:s24] =	ssyncset.done $0x0  }
0xa8: {  	s25 =	simm.s32 $0x5080;
	[sflag:s24] =	ssyncadd.s32 $0xFFFFE000  }
0xa9: {  	[spmem:s3] =	stream.indirect.scatter.add.f32 [tilespmem:s22], [sflag:$0x4], $0x40, s25, s21, $0xb8;
	[tilespmem:$0x19C00] =	vst v63  }
0xaa: {  	_ =	swait.ge [sflag:s1], $0x2000  }
0xab: {  	[sflag:s1] =	ssyncset.done $0x0  }
0xac: {  	s16 =	simm.s32 $0x280;
	[sflag:s1] =	ssyncadd.s32 $0xFFFFE000  }
0xad: {  	[tilespmem:s26], [sflag:$0x3] =	stream.indirect.gather [hbm4b:s7+s21], $0x40, s16, s21, $0xb8;
	[tilespmem:$0x19C00] =	vst v63  }
0xae: {  	_ =	swait.ge [sflag:s28], $0x2000  }
0xaf: {  	[sflag:s28] =	ssyncset.done $0x0  }
0xb0: {  	s25 =	simm.s32 $0x5100;
	[sflag:s28] =	ssyncadd.s32 $0xFFFFE000  }
0xb1: {  	[spmem:s3] =	stream.indirect.scatter.add.f32 [tilespmem:s23], [sflag:$0x5], $0x40, s25, s21, $0xb8;
	[tilespmem:$0x19C00] =	vst v63  }
0xb2: {  	_ =	swait.ge [sflag:s30], $0x2000  }
0xb3: {  	[sflag:s30] =	ssyncset.done $0x0  }
0xb4: {  	s14 =	simm.s32 $0x600;
	s16 =	simm.s32 $0x300;
	[sflag:s30] =	ssyncadd.s32 $0xFFFFE000  }
.LBB2_6:
0xb5: {  	[tilespmem:s22], [sflag:$0x1] =	stream.indirect.gather [hbm4b:s7+s21], $0x40, s16, s21, $0xb8;
	[tilespmem:$0x19C00] =	vst v63  }
0xb6: {  	s16 =	smov.u32 s14  }
0xb7: {  	p1 =	sne.s32 s14, $0x12C00;
	s14 =	sadd.s32 $0x600, s14;
	_ =	swait.ge [sflag:s0], $0x2000  }
0xb8: {  	s16 =	sshra.s32 s16, $0x2;
	[sflag:s0] =	ssyncset.done $0x0  }
0xb9: {  	s25 =	sadd.s32 $0x5000, s16;
	[sflag:s0] =	ssyncadd.s32 $0xFFFFE000  }
0xba: {  	[spmem:s3] =	stream.indirect.scatter.add.f32 [tilespmem:s26], [sflag:$0x6], $0x40, s25, s21, $0xb8;
	[tilespmem:$0x19C00] =	vst v63  }
0xbb: {  	_ =	swait.ge [sflag:s2], $0x2000  }
0xbc: {  	[sflag:s2] =	ssyncset.done $0x0  }
0xbd: {  	s25 =	sadd.s32 $0x200, s16;
	[sflag:s2] =	ssyncadd.s32 $0xFFFFE000  }
0xbe: {  	[tilespmem:s23], [sflag:$0x2] =	stream.indirect.gather [hbm4b:s7+s21], $0x40, s25, s21, $0xb8;
	[tilespmem:$0x19C00] =	vst v63  }
0xbf: {  	_ =	swait.ge [sflag:s24], $0x2000  }
0xc0: {  	[sflag:s24] =	ssyncset.done $0x0  }
0xc1: {  	s25 =	sadd.s32 $0x5080, s16;
	[sflag:s24] =	ssyncadd.s32 $0xFFFFE000  }
0xc2: {  	[spmem:s3] =	stream.indirect.scatter.add.f32 [tilespmem:s22], [sflag:$0x4], $0x40, s25, s21, $0xb8;
	[tilespmem:$0x19C00] =	vst v63  }
0xc3: {  	_ =	swait.ge [sflag:s1], $0x2000  }
0xc4: {  	[sflag:s1] =	ssyncset.done $0x0  }
0xc5: {  	s25 =	sadd.s32 $0x280, s16;
	[sflag:s1] =	ssyncadd.s32 $0xFFFFE000  }
0xc6: {  	[tilespmem:s26], [sflag:$0x3] =	stream.indirect.gather [hbm4b:s7+s21], $0x40, s25, s21, $0xb8;
	[tilespmem:$0x19C00] =	vst v63  }
0xc7: {  	_ =	swait.ge [sflag:s28], $0x2000  }
0xc8: {  	[sflag:s28] =	ssyncset.done $0x0  }
.Ltmp5:
0xc9: {  	s25 =	sadd.s32 $0x5100, s16;
	[sflag:s28] =	ssyncadd.s32 $0xFFFFE000;
	(pc) =	sbr.rel @p1 .LBB2_6-.Ltmp5, $4  }
0xca: {  	[spmem:s3] =	stream.indirect.scatter.add.f32 [tilespmem:s23], [sflag:$0x5], $0x40, s25, s21, $0xb8;
	[tilespmem:$0x19C00] =	vst v63  }
0xcb: {  	_ =	swait.ge [sflag:s30], $0x2000  }
0xcc: {  	[sflag:s30] =	ssyncset.done $0x0  }
0xcd: {  	s16 =	sadd.s32 $0x300, s16;
	[sflag:s30] =	ssyncadd.s32 $0xFFFFE000  }
0xce: {  	[tilespmem:s22], [sflag:$0x1] =	stream.indirect.gather [hbm4b:s7+s21], $0x40, s16, s21, $0xb8;
	[tilespmem:$0x19C00] =	vst v63  }
0xcf: {  	s16 =	smov.u32 s7;
	s14 =	rddreg [dreg:$0x5]  }
.LBB2_8:
0xd0: {  	_ =	swait.ge [sflag:s0], $0x2000  }
0xd1: {  	[sflag:s0] =	ssyncset.done $0x0  }
0xd2: {  	[sflag:s0] =	ssyncadd.s32 $0xFFFFE000  }
0xd3: {  	[spmem:s3] =	stream.indirect.scatter.add.f32 [tilespmem:s26], [sflag:$0x6], $0x40, s10, s21, $0xb8;
	[tilespmem:$0x19C00] =	vst v63  }
0xd4: {  	_ =	swait.ge [sflag:s2], $0x2000  }
0xd5: {  	[sflag:s2] =	ssyncset.done $0x0  }
0xd6: {  	[sflag:s2] =	ssyncadd.s32 $0xFFFFE000  }
0xd7: {  	[tilespmem:s23], [sflag:$0x2] =	stream.indirect.gather [hbm4b:s16+s21], $0x40, s11, s21, $0xb8;
	[tilespmem:$0x19C00] =	vst v63  }
0xd8: {  	_ =	swait.ge [sflag:s24], $0x2000  }
0xd9: {  	[sflag:s24] =	ssyncset.done $0x0  }
0xda: {  	[sflag:s24] =	ssyncadd.s32 $0xFFFFE000  }
0xdb: {  	[spmem:s3] =	stream.indirect.scatter.add.f32 [tilespmem:s22], [sflag:$0x4], $0x40, s12, s21, $0xb8;
	[tilespmem:$0x19C00] =	vst v63  }
0xdc: {  	_ =	swait.ge [sflag:s28], $0x2000  }
0xdd: {  	[sflag:s28] =	ssyncset.done $0x0  }
0xde: {  	[sflag:s28] =	ssyncadd.s32 $0xFFFFE000  }
0xdf: {  	[spmem:s3] =	stream.indirect.scatter.add.f32 [tilespmem:s23], [sflag:$0x5], $0x40, s4, s21, $0xb8;
	[tilespmem:$0x19C00] =	vst v63  }
0xe0: {  	_ =	swait.ge [sflag:s1], $0x2000  }
0xe1: {  	[sflag:s1] =	ssyncset.done $0x0  }
0xe2: {  	[sflag:s1] =	ssyncadd.s32 $0xFFFFE000  }
0xe3: {  	_ =	swait.ge [sflag:s30], $0x2000  }
0xe4: {  	[sflag:s30] =	ssyncset.done $0x0  }
0xe5: {  	[sflag:s30] =	ssyncadd.s32 $0xFFFFE000  }
0xe6: {  	_ =	swait.ge [sflag:s2], $0x2000  }
0xe7: {  	[sflag:s2] =	ssyncset.done $0x0  }
0xe8: {  	[sflag:s2] =	ssyncadd.s32 $0xFFFFE000  }
0xe9: {  	s14 =	sadd.s32 s14, s9;
	[bflag:$0x0] =	sbarrier.arrive $0xFFFF  }
0xea: {  	[hbm:s14], [sflag:s19] =	dma.local [spmem:s20], $0x13C0  }
0xeb: {  	_ =	swait.ge [sflag:s17], $0x13C0  }
0xec: {  	[sflag:s17] =	ssyncset.done $0x0  }
0xed: {  	[sflag:s17] =	ssyncadd.s32 $0xFFFFEC40  }
0xee: {  	[spmem:s20], [sflag:s19] =	dma.local [hbm:s15], $0x13C0  }
.Ltmp6:
0xef: {  	_ =	swait.ge [sflag:s17], $0x13C0;
	(pc) =	sbr.rel @p0 .LBB2_12-.Ltmp6, $4  }
0xf0: {  	[sflag:s17] =	ssyncset.done $0x0  }
0xf1: {  	[sflag:s17] =	ssyncadd.s32 $0xFFFFEC40  }
0xf2: {  	[bflag:$0x0] =	sbarrier.arrive $0xFFFF  }
0xf3: {  	s14 =	simm.s32 $0x0  }
0xf4: {  	[tilespmem:s22], [sflag:$0x1] =	stream.indirect.gather [hbm4b:s6+s21], $0x40, s14, s21, $0xb8;
	[tilespmem:$0x19C00] =	vst v63  }
0xf5: {  	_ = 	snop  }
0xf6: {  	[tilespmem:s23], [sflag:$0x2] =	stream.indirect.gather [hbm4b:s6+s21], $0x40, s21, s21, $0xb8;
	[tilespmem:$0x19C00] =	vst v63  }
0xf7: {  	_ =	swait.ge [sflag:s24], $0x2000  }
0xf8: {  	[sflag:s24] =	ssyncset.done $0x0  }
0xf9: {  	[sflag:s24] =	ssyncadd.s32 $0xFFFFE000  }
0xfa: {  	[spmem:s3] =	stream.indirect.scatter.add.f32 [tilespmem:s22], [sflag:$0x4], $0x40, s18, s21, $0xb8;
	[tilespmem:$0x19C00] =	vst v63  }
0xfb: {  	s16 =	simm.s32 $0x100  }
0xfc: {  	[tilespmem:s26], [sflag:$0x3] =	stream.indirect.gather [hbm4b:s6+s21], $0x40, s16, s21, $0xb8;
	[tilespmem:$0x19C00] =	vst v63  }
0xfd: {  	_ =	swait.ge [sflag:s28], $0x2000  }
0xfe: {  	[sflag:s28] =	ssyncset.done $0x0  }
0xff: {  	[sflag:s28] =	ssyncadd.s32 $0xFFFFE000  }
0x100: {  	[spmem:s3] =	stream.indirect.scatter.add.f32 [tilespmem:s23], [sflag:$0x5], $0x40, s29, s21, $0xb8;
	[tilespmem:$0x19C00] =	vst v63  }
0x101: {  	_ =	swait.ge [sflag:s30], $0x2000  }
0x102: {  	[sflag:s30] =	ssyncset.done $0x0  }
0x103: {  	[sflag:s30] =	ssyncadd.s32 $0xFFFFE000  }
0x104: {  	[tilespmem:s22], [sflag:$0x1] =	stream.indirect.gather [hbm4b:s6+s21], $0x40, s31, s21, $0xb8;
	[tilespmem:$0x19C00] =	vst v63  }
0x105: {  	_ =	swait.ge [sflag:s0], $0x2000  }
0x106: {  	[sflag:s0] =	ssyncset.done $0x0  }
0x107: {  	s25 =	simm.s32 $0x5000;
	[sflag:s0] =	ssyncadd.s32 $0xFFFFE000  }
0x108: {  	[spmem:s3] =	stream.indirect.scatter.add.f32 [tilespmem:s26], [sflag:$0x6], $0x40, s25, s21, $0xb8;
	[tilespmem:$0x19C00] =	vst v63  }
0x109: {  	_ =	swait.ge [sflag:s2], $0x2000  }
0x10a: {  	[sflag:s2] =	ssyncset.done $0x0  }
0x10b: {  	s16 =	simm.s32 $0x200;
	[sflag:s2] =	ssyncadd.s32 $0xFFFFE000  }
0x10c: {  	[tilespmem:s23], [sflag:$0x2] =	stream.indirect.gather [hbm4b:s6+s21], $0x40, s16, s21, $0xb8;
	[tilespmem:$0x19C00] =	vst v63  }
0x10d: {  	_ =	swait.ge [sflag:s24], $0x2000  }
0x10e: {  	[sflag:s24] =	ssyncset.done $0x0  }
0x10f: {  	s25 =	simm.s32 $0x5080;
	[sflag:s24] =	ssyncadd.s32 $0xFFFFE000  }
0x110: {  	[spmem:s3] =	stream.indirect.scatter.add.f32 [tilespmem:s22], [sflag:$0x4], $0x40, s25, s21, $0xb8;
	[tilespmem:$0x19C00] =	vst v63  }
0x111: {  	_ =	swait.ge [sflag:s1], $0x2000  }
0x112: {  	[sflag:s1] =	ssyncset.done $0x0  }
0x113: {  	s16 =	simm.s32 $0x280;
	[sflag:s1] =	ssyncadd.s32 $0xFFFFE000  }
0x114: {  	[tilespmem:s26], [sflag:$0x3] =	stream.indirect.gather [hbm4b:s6+s21], $0x40, s16, s21, $0xb8;
	[tilespmem:$0x19C00] =	vst v63  }
0x115: {  	_ =	swait.ge [sflag:s28], $0x2000  }
0x116: {  	[sflag:s28] =	ssyncset.done $0x0  }
0x117: {  	s25 =	simm.s32 $0x5100;
	[sflag:s28] =	ssyncadd.s32 $0xFFFFE000  }
0x118: {  	[spmem:s3] =	stream.indirect.scatter.add.f32 [tilespmem:s23], [sflag:$0x5], $0x40, s25, s21, $0xb8;
	[tilespmem:$0x19C00] =	vst v63  }
0x119: {  	_ =	swait.ge [sflag:s30], $0x2000  }
0x11a: {  	[sflag:s30] =	ssyncset.done $0x0  }
0x11b: {  	s14 =	simm.s32 $0x600;
	s16 =	simm.s32 $0x300;
	[sflag:s30] =	ssyncadd.s32 $0xFFFFE000  }
.LBB2_10:
0x11c: {  	[tilespmem:s22], [sflag:$0x1] =	stream.indirect.gather [hbm4b:s6+s21], $0x40, s16, s21, $0xb8;
	[tilespmem:$0x19C00] =	vst v63  }
0x11d: {  	s16 =	smov.u32 s14  }
0x11e: {  	p1 =	seq.s32 s14, $0x12C00;
	s14 =	sadd.s32 $0x600, s14;
	_ =	swait.ge [sflag:s0], $0x2000  }
0x11f: {  	s16 =	sshra.s32 s16, $0x2;
	[sflag:s0] =	ssyncset.done $0x0  }
0x120: {  	s25 =	sadd.s32 $0x5000, s16;
	[sflag:s0] =	ssyncadd.s32 $0xFFFFE000  }
0x121: {  	[spmem:s3] =	stream.indirect.scatter.add.f32 [tilespmem:s26], [sflag:$0x6], $0x40, s25, s21, $0xb8;
	[tilespmem:$0x19C00] =	vst v63  }
0x122: {  	_ =	swait.ge [sflag:s2], $0x2000  }
0x123: {  	[sflag:s2] =	ssyncset.done $0x0  }
0x124: {  	s25 =	sadd.s32 $0x200, s16;
	[sflag:s2] =	ssyncadd.s32 $0xFFFFE000  }
0x125: {  	[tilespmem:s23], [sflag:$0x2] =	stream.indirect.gather [hbm4b:s6+s21], $0x40, s25, s21, $0xb8;
	[tilespmem:$0x19C00] =	vst v63  }
0x126: {  	_ =	swait.ge [sflag:s24], $0x2000  }
0x127: {  	[sflag:s24] =	ssyncset.done $0x0  }
0x128: {  	s25 =	sadd.s32 $0x5080, s16;
	[sflag:s24] =	ssyncadd.s32 $0xFFFFE000  }
0x129: {  	[spmem:s3] =	stream.indirect.scatter.add.f32 [tilespmem:s22], [sflag:$0x4], $0x40, s25, s21, $0xb8;
	[tilespmem:$0x19C00] =	vst v63  }
0x12a: {  	_ =	swait.ge [sflag:s1], $0x2000  }
0x12b: {  	[sflag:s1] =	ssyncset.done $0x0  }
0x12c: {  	s25 =	sadd.s32 $0x280, s16;
	[sflag:s1] =	ssyncadd.s32 $0xFFFFE000  }
0x12d: {  	[tilespmem:s26], [sflag:$0x3] =	stream.indirect.gather [hbm4b:s6+s21], $0x40, s25, s21, $0xb8;
	[tilespmem:$0x19C00] =	vst v63  }
0x12e: {  	_ =	swait.ge [sflag:s28], $0x2000  }
0x12f: {  	[sflag:s28] =	ssyncset.done $0x0  }
.Ltmp7:
0x130: {  	s25 =	sadd.s32 $0x5100, s16;
	[sflag:s28] =	ssyncadd.s32 $0xFFFFE000;
	(pc) =	sbr.rel @!p1 .LBB2_10-.Ltmp7, $4  }
0x131: {  	[spmem:s3] =	stream.indirect.scatter.add.f32 [tilespmem:s23], [sflag:$0x5], $0x40, s25, s21, $0xb8;
	[tilespmem:$0x19C00] =	vst v63  }
0x132: {  	_ =	swait.ge [sflag:s30], $0x2000  }
0x133: {  	[sflag:s30] =	ssyncset.done $0x0  }
0x134: {  	s16 =	sadd.s32 $0x300, s16;
	[sflag:s30] =	ssyncadd.s32 $0xFFFFE000  }
.Ltmp8:
0x135: {  	(pc) =	sbr.rel .LBB2_15-.Ltmp8, $3  }
0x136: {  	_ =	sdelay $0x1  }
0x137: {  	[tilespmem:s22], [sflag:$0x1] =	stream.indirect.gather [hbm4b:s6+s21], $0x40, s16, s21, $0xb8;
	[tilespmem:$0x19C00] =	vst v63  }
0x138: {  	s16 =	smov.u32 s6;
	s14 =	rddreg [dreg:$0x4]  }
.LBB2_12:
0x139: {  	[tilespmem:s22], [sflag:$0x1] =	stream.indirect.gather [hbm4b:s8+s21], $0x40, s14, s21, $0xb8;
	[tilespmem:$0x19C00] =	vst v63  }
0x13a: {  	_ = 	snop  }
0x13b: {  	[tilespmem:s23], [sflag:$0x2] =	stream.indirect.gather [hbm4b:s8+s21], $0x40, s21, s21, $0xb8;
	[tilespmem:$0x19C00] =	vst v63  }
0x13c: {  	_ =	swait.ge [sflag:s24], $0x2000  }
0x13d: {  	[sflag:s24] =	ssyncset.done $0x0  }
0x13e: {  	[sflag:s24] =	ssyncadd.s32 $0xFFFFE000  }
0x13f: {  	[spmem:s3] =	stream.indirect.scatter.add.f32 [tilespmem:s22], [sflag:$0x4], $0x40, s18, s21, $0xb8;
	[tilespmem:$0x19C00] =	vst v63  }
0x140: {  	s16 =	simm.s32 $0x100  }
0x141: {  	[tilespmem:s26], [sflag:$0x3] =	stream.indirect.gather [hbm4b:s8+s21], $0x40, s16, s21, $0xb8;
	[tilespmem:$0x19C00] =	vst v63  }
0x142: {  	_ =	swait.ge [sflag:s28], $0x2000  }
0x143: {  	[sflag:s28] =	ssyncset.done $0x0  }
0x144: {  	[sflag:s28] =	ssyncadd.s32 $0xFFFFE000  }
0x145: {  	[spmem:s3] =	stream.indirect.scatter.add.f32 [tilespmem:s23], [sflag:$0x5], $0x40, s29, s21, $0xb8;
	[tilespmem:$0x19C00] =	vst v63  }
0x146: {  	_ =	swait.ge [sflag:s30], $0x2000  }
0x147: {  	[sflag:s30] =	ssyncset.done $0x0  }
0x148: {  	[sflag:s30] =	ssyncadd.s32 $0xFFFFE000  }
0x149: {  	[tilespmem:s22], [sflag:$0x1] =	stream.indirect.gather [hbm4b:s8+s21], $0x40, s31, s21, $0xb8;
	[tilespmem:$0x19C00] =	vst v63  }
0x14a: {  	_ =	swait.ge [sflag:s0], $0x2000  }
0x14b: {  	[sflag:s0] =	ssyncset.done $0x0  }
0x14c: {  	s25 =	simm.s32 $0x5000;
	[sflag:s0] =	ssyncadd.s32 $0xFFFFE000  }
0x14d: {  	[spmem:s3] =	stream.indirect.scatter.add.f32 [tilespmem:s26], [sflag:$0x6], $0x40, s25, s21, $0xb8;
	[tilespmem:$0x19C00] =	vst v63  }
0x14e: {  	_ =	swait.ge [sflag:s2], $0x2000  }
0x14f: {  	[sflag:s2] =	ssyncset.done $0x0  }
0x150: {  	s16 =	simm.s32 $0x200;
	[sflag:s2] =	ssyncadd.s32 $0xFFFFE000  }
0x151: {  	[tilespmem:s23], [sflag:$0x2] =	stream.indirect.gather [hbm4b:s8+s21], $0x40, s16, s21, $0xb8;
	[tilespmem:$0x19C00] =	vst v63  }
0x152: {  	_ =	swait.ge [sflag:s24], $0x2000  }
0x153: {  	[sflag:s24] =	ssyncset.done $0x0  }
0x154: {  	s25 =	simm.s32 $0x5080;
	[sflag:s24] =	ssyncadd.s32 $0xFFFFE000  }
0x155: {  	[spmem:s3] =	stream.indirect.scatter.add.f32 [tilespmem:s22], [sflag:$0x4], $0x40, s25, s21, $0xb8;
	[tilespmem:$0x19C00] =	vst v63  }
0x156: {  	_ =	swait.ge [sflag:s1], $0x2000  }
0x157: {  	[sflag:s1] =	ssyncset.done $0x0  }
0x158: {  	s16 =	simm.s32 $0x280;
	[sflag:s1] =	ssyncadd.s32 $0xFFFFE000  }
0x159: {  	[tilespmem:s26], [sflag:$0x3] =	stream.indirect.gather [hbm4b:s8+s21], $0x40, s16, s21, $0xb8;
	[tilespmem:$0x19C00] =	vst v63  }
0x15a: {  	_ =	swait.ge [sflag:s28], $0x2000  }
0x15b: {  	[sflag:s28] =	ssyncset.done $0x0  }
0x15c: {  	s25 =	simm.s32 $0x5100;
	[sflag:s28] =	ssyncadd.s32 $0xFFFFE000  }
0x15d: {  	[spmem:s3] =	stream.indirect.scatter.add.f32 [tilespmem:s23], [sflag:$0x5], $0x40, s25, s21, $0xb8;
	[tilespmem:$0x19C00] =	vst v63  }
0x15e: {  	_ =	swait.ge [sflag:s30], $0x2000  }
0x15f: {  	[sflag:s30] =	ssyncset.done $0x0  }
0x160: {  	s14 =	simm.s32 $0x600;
	s16 =	simm.s32 $0x300;
	[sflag:s30] =	ssyncadd.s32 $0xFFFFE000  }
.LBB2_13:
0x161: {  	[tilespmem:s22], [sflag:$0x1] =	stream.indirect.gather [hbm4b:s8+s21], $0x40, s16, s21, $0xb8;
	[tilespmem:$0x19C00] =	vst v63  }
0x162: {  	s16 =	smov.u32 s14  }
0x163: {  	p1 =	sne.s32 s14, $0x12C00;
	s14 =	sadd.s32 $0x600, s14;
	_ =	swait.ge [sflag:s0], $0x2000  }
0x164: {  	s16 =	sshra.s32 s16, $0x2;
	[sflag:s0] =	ssyncset.done $0x0  }
0x165: {  	s25 =	sadd.s32 $0x5000, s16;
	[sflag:s0] =	ssyncadd.s32 $0xFFFFE000  }
0x166: {  	[spmem:s3] =	stream.indirect.scatter.add.f32 [tilespmem:s26], [sflag:$0x6], $0x40, s25, s21, $0xb8;
	[tilespmem:$0x19C00] =	vst v63  }
0x167: {  	_ =	swait.ge [sflag:s2], $0x2000  }
0x168: {  	[sflag:s2] =	ssyncset.done $0x0  }
0x169: {  	s25 =	sadd.s32 $0x200, s16;
	[sflag:s2] =	ssyncadd.s32 $0xFFFFE000  }
0x16a: {  	[tilespmem:s23], [sflag:$0x2] =	stream.indirect.gather [hbm4b:s8+s21], $0x40, s25, s21, $0xb8;
	[tilespmem:$0x19C00] =	vst v63  }
0x16b: {  	_ =	swait.ge [sflag:s24], $0x2000  }
0x16c: {  	[sflag:s24] =	ssyncset.done $0x0  }
0x16d: {  	s25 =	sadd.s32 $0x5080, s16;
	[sflag:s24] =	ssyncadd.s32 $0xFFFFE000  }
0x16e: {  	[spmem:s3] =	stream.indirect.scatter.add.f32 [tilespmem:s22], [sflag:$0x4], $0x40, s25, s21, $0xb8;
	[tilespmem:$0x19C00] =	vst v63  }
0x16f: {  	_ =	swait.ge [sflag:s1], $0x2000  }
0x170: {  	[sflag:s1] =	ssyncset.done $0x0  }
0x171: {  	s25 =	sadd.s32 $0x280, s16;
	[sflag:s1] =	ssyncadd.s32 $0xFFFFE000  }
0x172: {  	[tilespmem:s26], [sflag:$0x3] =	stream.indirect.gather [hbm4b:s8+s21], $0x40, s25, s21, $0xb8;
	[tilespmem:$0x19C00] =	vst v63  }
0x173: {  	_ =	swait.ge [sflag:s28], $0x2000  }
0x174: {  	[sflag:s28] =	ssyncset.done $0x0  }
.Ltmp9:
0x175: {  	s25 =	sadd.s32 $0x5100, s16;
	[sflag:s28] =	ssyncadd.s32 $0xFFFFE000;
	(pc) =	sbr.rel @p1 .LBB2_13-.Ltmp9, $4  }
0x176: {  	[spmem:s3] =	stream.indirect.scatter.add.f32 [tilespmem:s23], [sflag:$0x5], $0x40, s25, s21, $0xb8;
	[tilespmem:$0x19C00] =	vst v63  }
0x177: {  	_ =	swait.ge [sflag:s30], $0x2000  }
0x178: {  	[sflag:s30] =	ssyncset.done $0x0  }
0x179: {  	s16 =	sadd.s32 $0x300, s16;
	[sflag:s30] =	ssyncadd.s32 $0xFFFFE000  }
.Ltmp10:
0x17a: {  	_ = 	snop;
	(pc) =	sbr.rel .LBB2_14-.Ltmp10, $1  }
0x17b: {  	_ =	sdelay $0x3  }
.LBB2_16:
0x17c: {  	_ =	sfence.sel $0x180000  }
0x17d: {  	[bflag:$0x0] =	sbarrier.arrive $0xFFFF  }
0x17e: {  	_ =	strace $0x9000004A  }
0x17f: {  	s0 =	stileid.u32;
	[bflag:$0x2] =	sbarrier.arrive $0xFFFF  }
0x180: {  	p0 =	sne.s32 s0, $0x0;
	s0 =	rddreg [dreg:$0x3]  }
0x181: {  	s0 =	sadd.s32 @!p0 $0x100000, s0  }
0x182: {  	[sflag:s0] =	ssyncadd.tile.s32 @!p0 $0x1;
	_ =	shalt  }
.Lfunc_end2:
_tile_overlayer_lowered:
.L_overlay_start_2:
0x183: {  	(tag) =	ssettag $0x2  }
0x184: {  	s0 =	rddreg [dreg:$0x0];
	s2 =	stileid.u32  }
0x185: {  	s1 =	rddreg [dreg:$0x1];
	p0 =	sne.s32 s2, $0x0  }
0x186: {  	s3 =	rddreg [dreg:$0x2];
	[bflag:$0x3] =	sbarrier.arrive $0xFFFF;
	s2 =	simm.s32 @!p0 $0x1C07  }
0x187: {  	[timem:s3], [sflag:s2] =	dma.local @!p0 [hbm:s0], s1  }
0x188: {  	s0 =	simm.s32 @!p0 $0x7  }
0x189: {  	_ =	swait.ge @!p0 [sflag:s0], s1  }
0x18a: {  	s1 =	ssub.s32 @!p0 $0x0, s1;
	[sflag:s0] =	ssyncset.done @!p0 $0x0  }
0x18b: {  	[sflag:s0] =	ssyncadd.s32 @!p0 s1  }
0x18c: {  	[bflag:$0x3] =	sbarrier.arrive $0xFFFF  }
0x18d: {  	_ =	shalt  }

// kernel: kernel.8.cloned.1.call-start
scs
__scs_entry_jumppad:
0x0: {  	(pc) =	sbr.rel $0x88, $3  }
0x1: {  	(tag) =	ssettag $0x0;
	lr =	simm.s32 $0x1  }
0x2: {  	[smem:$0x3F91] =	sst lr;
	_ =	strace $0xD0000000  }
0x3: {  	_ = 	snop  }
0x4: {  	_ = 	snop  }
0x5: {  	_ = 	snop  }
0x6: {  	_ = 	snop  }
0x7: {  	_ = 	snop  }
__scs_overlays_trampoline_lowered:
0x8: {  	[smem:$0x3FA0] =	sst s0  }
0x9: {  	[smem:$0x3FA1] =	sst s1  }
0xa: {  	[smem:$0x3FA2] =	sst s2  }
0xb: {  	[smem:$0x3FA3] =	sst s3  }
0xc: {  	[smem:$0x3FA4] =	sst s4  }
0xd: {  	[smem:$0x3FA5] =	sst s5  }
0xe: {  	[smem:$0x3FA6] =	sst s6  }
0xf: {  	[smem:$0x3FA7] =	sst s7  }
0x10: {  	[smem:$0x3FA8] =	sst s8  }
0x11: {  	[smem:$0x3FA9] =	sst s9;
	s0 =	simm.s32 @!p0 $0x0  }
0x12: {  	s1 =	sld [smem:$0x3F8F];
	s0 =	simm.s32 @p0 $0x1  }
0x13: {  	[smem:$0x3FAA] =	sst s0;
	s0 =	simm.s32 @!p1 $0x0  }
0x14: {  	s2 =	sld [smem:$0x3F8E];
	s0 =	simm.s32 @p1 $0x1  }
0x15: {  	[smem:$0x3FAB] =	sst s0;
	s0 =	simm.s32 @!p2 $0x0  }
0x16: {  	s3 =	sld [smem:$0x3FDB];
	s0 =	simm.s32 @p2 $0x1  }
0x17: {  	s4 =	simm.s32 $0x1BF5;
	[smem:$0x3FAD] =	sst s0  }
0x18: {  	s0 =	sld [smem:$0x3F90];
	_ =	swait.ge [sflag:s4], $0x0  }
0x19: {  	s7 =	sld [smem:$0x3F91]  }
0x1a: {  	s8 =	sadd.s32 $0xFFFFE003, lr  }
0x1b: {  	s9 =	sadd.s32 $0xFFFFFEF7, lr;
	s5 =	simm.s32 $0xFFFFFFFF;
	p2 =	slt.u32 s8, $0xFFFFF086  }
0x1c: {  	p1 =	slt.u32 s9, $0xF7A;
	s5 =	simm.s32 @!p2 $0x0  }
0x1d: {  	s5 =	simm.s32 @p1 $0x1;
	p0 =	seq.s32 s7, s2  }
0x1e: {  	s7 =	smul.u32 @!p0 $0xF7A, s2;
	p2 =	seq.s32 @!p0 s5, $0x0  }
0x1f: {  	s9 =	smul.u32 $0xF7A, s1;
	s8 =	simm.s32 @!p0 $0x1BF5;
	p2 =	por !p2, p0  }
0x20: {  	[sflag:s8] =	ssyncset.s32 @!p0 $0xFFFFF086;
	s6 =	sadd.s32 @!p0 s3, s7;
	s7 =	simm.s32 @!p0 $0x108  }
0x21: {  	s3 =	sadd.s32 s3, s9;
	s6 =	sadd.s32 @!p0 $0x88, s6;
	s7 =	simm.s32 @p2 $0x1082  }
0x22: {  	[simem:s7], [sflag:s8] =	dma.local @!p0 [hbm:s6], $0xF7A  }
0x23: {  	s9 =	sor.u32 $0xD0000000, s2;
	s6 =	simm.s32 $0x108;
	_ =	swait.ge @!p0 [sflag:s8], $0x0  }
0x24: {  	s3 =	sadd.s32 $0x88, s3;
	s6 =	simm.s32 @!p1 $0x1082;
	[sflag:s4] =	ssyncset.s32 $0xFFFFF086  }
0x25: {  	[simem:s6], [sflag:s4] =	dma.local [hbm:s3], $0xF7A  }
0x26: {  	[smem:$0x3F91] =	sst s1;
	(tag) =	ssettag s2;
	_ =	strace s9  }
0x27: {  	s1 =	sld [smem:$0x3FA1]  }
0x28: {  	s2 =	sld [smem:$0x3FA2]  }
0x29: {  	s4 =	sld [smem:$0x3FA4]  }
0x2a: {  	p0 =	seq.s32 s5, $0x0;
	s5 =	sld [smem:$0x3FA5]  }
0x2b: {  	s6 =	sld [smem:$0x3FA6]  }
0x2c: {  	s7 =	sld [smem:$0x3FA7]  }
0x2d: {  	s3 =	simm.s32 $0x108;
	s8 =	sld [smem:$0x3FA8]  }
0x2e: {  	s3 =	simm.s32 @!p0 $0x1082;
	s9 =	sld [smem:$0x3FA9]  }
0x2f: {  	lr =	sadd.s32 s0, s3;
	s0 =	sld [smem:$0x3FA0]  }
0x30: {  	s3 =	sld [smem:$0x3FA3]  }
0x31: {  	[smem:$0x3FAC] =	sst s10  }
0x32: {  	s10 =	sld [smem:$0x3FAA];
	_ =	sdelay $0x3  }
0x33: {  	p0 =	seq.s32 s10, $0x1;
	s10 =	sld [smem:$0x3FAC];
	_ =	sdelay $0x3  }
0x34: {  	[smem:$0x3FAC] =	sst s10  }
0x35: {  	s10 =	sld [smem:$0x3FAB];
	_ =	sdelay $0x3  }
0x36: {  	p1 =	seq.s32 s10, $0x1;
	s10 =	sld [smem:$0x3FAC];
	_ =	sdelay $0x3  }
0x37: {  	[smem:$0x3FAC] =	sst s10  }
0x38: {  	s10 =	sld [smem:$0x3FAD]  }
0x39: {  	_ = 	snop;
	(pc) =	sbr.ind lr, $3  }
0x3a: {  	_ = 	snop  }
0x3b: {  	_ = 	snop  }
0x3c: {  	p2 =	seq.s32 s10, $0x1;
	s10 =	sld [smem:$0x3FAC]  }
0x3d: {  	_ =	shalt  }
0x3e: {  	_ =	shalt  }
0x3f: {  	_ =	shalt  }
0x40: {  	_ =	shalt  }
0x41: {  	_ =	shalt  }
0x42: {  	_ =	shalt  }
0x43: {  	_ =	shalt  }
0x44: {  	_ =	shalt  }
0x45: {  	_ =	shalt  }
0x46: {  	_ =	shalt  }
0x47: {  	_ =	shalt  }
0x48: {  	_ =	shalt  }
0x49: {  	_ =	shalt  }
0x4a: {  	_ =	shalt  }
0x4b: {  	_ =	shalt  }
0x4c: {  	_ =	shalt  }
0x4d: {  	_ =	shalt  }
0x4e: {  	_ =	shalt  }
0x4f: {  	_ =	shalt  }
0x50: {  	_ =	shalt  }
0x51: {  	_ =	shalt  }
0x52: {  	_ =	shalt  }
0x53: {  	_ =	shalt  }
0x54: {  	_ =	shalt  }
0x55: {  	_ =	shalt  }
0x56: {  	_ =	shalt  }
0x57: {  	_ =	shalt  }
0x58: {  	_ =	shalt  }
0x59: {  	_ =	shalt  }
0x5a: {  	_ =	shalt  }
0x5b: {  	_ =	shalt  }
0x5c: {  	_ =	shalt  }
0x5d: {  	_ =	shalt  }
0x5e: {  	_ =	shalt  }
0x5f: {  	_ =	shalt  }
0x60: {  	_ =	shalt  }
0x61: {  	_ =	shalt  }
0x62: {  	_ =	shalt  }
0x63: {  	_ =	shalt  }
0x64: {  	_ =	shalt  }
0x65: {  	_ =	shalt  }
0x66: {  	_ =	shalt  }
0x67: {  	_ =	shalt  }
0x68: {  	_ =	shalt  }
0x69: {  	_ =	shalt  }
0x6a: {  	_ =	shalt  }
0x6b: {  	_ =	shalt  }
0x6c: {  	_ =	shalt  }
0x6d: {  	_ =	shalt  }
0x6e: {  	_ =	shalt  }
0x6f: {  	_ =	shalt  }
0x70: {  	_ =	shalt  }
0x71: {  	_ =	shalt  }
0x72: {  	_ =	shalt  }
0x73: {  	_ =	shalt  }
0x74: {  	_ =	shalt  }
0x75: {  	_ =	shalt  }
0x76: {  	_ =	shalt  }
0x77: {  	_ =	shalt  }
0x78: {  	_ =	shalt  }
0x79: {  	_ =	shalt  }
0x7a: {  	_ =	shalt  }
0x7b: {  	_ =	shalt  }
0x7c: {  	_ =	shalt  }
0x7d: {  	_ =	shalt  }
0x7e: {  	_ =	shalt  }
0x7f: {  	_ =	shalt  }
0x80: {  	_ =	shalt  }
0x81: {  	_ =	shalt  }
0x82: {  	_ =	shalt  }
0x83: {  	_ =	shalt  }
0x84: {  	_ =	shalt  }
0x85: {  	_ =	shalt  }
0x86: {  	_ =	shalt  }
0x87: {  	_ =	shalt  }
.Lfunc_end0:
.L_simem_size_0:
called_computation_lowered:
.L_overlay_start_0:
0x88: {  	s2 =	sld [smem:$0x3FD9]  }
0x89: {  	s3 =	sld [smem:$0x3FFE];
	_ =	sdelay $0x1  }
0x8a: {  	s1 =	srdreg.scid  }
0x8b: {  	s0 =	sand.u32 $0x1, s1  }
0x8c: {  	s16 =	sshll.u32 s0, $0xA;
	s2 =	sadd.s32 s3, s2  }
0x8d: {  	s2 =	sadd.s32 s2, s16  }
0x8e: {  	[smem:$0x3FB8] =	sst s2  }
0x8f: {  	_ = 	snop  }
0x90: {  	(tm) =	ssettm $0x1  }
0x91: {  	s17 =	sld [smem:$0x3FFB];
	_ =	sdelay $0x3  }
0x92: {  	_ =	strace s17  }
0x93: {  	s2 =	sld [smem:$0x3FFC];
	_ =	sdelay $0x3  }
0x94: {  	_ =	strace s2  }
0x95: {  	s2 =	sld [smem:$0x3FFD];
	_ =	sdelay $0x3  }
0x96: {  	_ =	strace s2  }
0x97: {  	_ =	strace $0x8FFFFFFF  }
0x98: {  	s18 =	sld [smem:$0x3FDB];
	_ =	sdelay $0x1  }
0x99: {  	s19 =	simm.s32 $_scs_section_size  }
0x9a: {  	s4 =	simm.s32 $_size__tile_overlayer_lowered;
	s5 =	simm.s32 $_tile_overlayer_lowered  }
0x9b: {  	s22 =	simm.s32 $0x1BFF;
	s21 =	sshll.u32 s5, $0x1;
	s2 =	sadd.s32 s19, s18  }
0x9c: {  	s6 =	simm.s32 $0x0;
	s20 =	sshll.u32 s4, $0x1;
	s4 =	sadd.s32 s21, s2  }
0x9d: {  	[timem:s6], [sflag:s22] =	dma.local [hbm:s4], s20  }
0x9e: {  	_ =	swait.ge [sflag:s22], s20  }
0x9f: {  	s3 =	ssub.s32 $0x0, s20;
	[sflag:s22] =	ssyncset.done $0x0  }
0xa0: {  	[sflag:s22] =	ssyncadd.s32 s3;
	_ =	sdelay $0x1  }
0xa1: {  	s23 =	simm.s32 $0x1B8B  }
0xa2: {  	_ =	swait.ge [sflag:s23], $0x1  }
0xa3: {  	[sflag:s23] =	ssyncset.done $0x0  }
0xa4: {  	s25 =	simm.s32 $0x1B8E;
	s24 =	sld [smem:$0x3FFE];
	[sflag:s23] =	ssyncadd.s32 $0xFFFFFFFF  }
0xa5: {  	s26 =	simm.s32 $execute0_lowered;
	[smem:$0x3FD2] =	sst s25  }
0xa6: {  	s4 =	sshll.u32 s26, $0x1;
	_ =	strace $0x80000046;
	[dreg:$0x1] =	wrdreg $0xFFFFFFFF  }
0xa7: {  	s28 =	simm.s32 $_size_execute0_lowered;
	s2 =	sadd.s32 s2, s4;
	[dreg:$0x0] =	wrdreg $0x0  }
0xa8: {  	s4 =	sshll.u32 s28, $0x1;
	[dreg:$0x2] =	wrdreg s2  }
0xa9: {  	[dreg:$0x3] =	wrdreg s4  }
0xaa: {  	[dreg:$0x4] =	wrdreg $0xC0  }
0xab: {  	_ =	task [dreg:s6], $0x5FFFF  }
0xac: {  	[dreg:$0x1] =	wrdreg $0xFFFFFFFF  }
0xad: {  	[dreg:$0x0] =	wrdreg $0x60  }
0xae: {  	[dreg:$0x2] =	wrdreg s24  }
0xaf: {  	[dreg:$0x3] =	wrdreg $0xFE000  }
0xb0: {  	[dreg:$0x4] =	wrdreg $0x1A4000  }
0xb1: {  	[dreg:$0x5] =	wrdreg $0x9  }
0xb2: {  	_ =	task.clear_ibuf [dreg:s6], $0x6FFFF;
	_ =	strace $0x90000046  }
0xb3: {  	s29 =	simm.s32 $0x9;
	_ =	strace $0x80000048  }
0xb4: {  	_ =	swait.ge [sflag:s29], $0x1  }
0xb5: {  	[sflag:s29] =	ssyncadd.s32 $0xFFFFFFFF  }
0xb6: {  	_ =	strace $0x90000048  }
0xb7: {  	_ =	sfence  }
0xb8: {  	s30 =	sld [smem:$0x0];
	_ =	sdelay $0x2  }
0xb9: {  	s31 =	sshll.u32 s1, $0xD;
	s1 =	sshrl.u32 s1, $0x2  }
0xba: {  	s3 =	sand.u32 $0x4000, s31;
	s1 =	sadd.s32 s1, s30  }
0xbb: {  	s0 =	sor.u32 s3, s0;
	s1 =	sshll.u32 s1, $0x11  }
0xbc: {  	s0 =	sor.u32 s1, s0  }
0xbd: {  	s0 =	sadd.s32 $0x8F2B, s0  }
0xbe: {  	[sflag:s0] =	ssyncadd.remote.s32 $0x1  }
0xbf: {  	_ =	sfence.sel $0xFFFF  }
0xc0: {  	[dreg:$0x0] =	wrdreg $0xFFFFFFFF;
	(pc) =	sbr.abs _section_cstart, $3  }
0xc1: {  	[dreg:$0x1] =	wrdreg $0xFFFFFFFF  }
0xc2: {  	_ =	task.clear_ibuf [dreg:s6], $0x2FFFF;
	_ =	strace $0x9FFFFFFF  }
0xc3: {  	(tm) =	ssettm $0x7FFFFFFF  }
tec
execute0_lowered:
.L_overlay_start_1:
0x0: {  	(tag) =	ssettag $0x1  }
0x1: {  	s0 =	rddreg [dreg:$0x0]  }
0x2: {  	s1 =	rddreg [dreg:$0x1]  }
0x3: {  	s3 =	rddreg [dreg:$0x2]  }
0x4: {  	s4 =	simm.s32 $0x0;
	s20 =	stileid.u32;
	s11 =	srdreg.scid  }
0x5: {  	s28 =	simm.s32 $0x9E00;
	s29 =	simm.s32 $0xBE00;
	s30 =	simm.s32 $0x1  }
0x6: {  	[smem:$0x7FF] =	sst s4;
	s2 =	smul.u32 $0x9E0, s20;
	s5 =	sadd.s32 $0x65C00, s0  }
0x7: {  	s6 =	sadd.s32 $0x52200, s0;
	s7 =	sadd.s32 $0x3E800, s0;
	s9 =	smul.u32 $0x9E00, s20  }
0x8: {  	s8 =	sadd.s32 $0x2AE00, s0;
	s10 =	sadd.s32 $0xA5E00, s0;
	s17 =	smul.u32 $0x2780, s20  }
0x9: {  	s12 =	sadd.s32 $0xBEC00, s0;
	_ =	strace $0x80000047;
	[dreg:$0x4] =	wrdreg s10  }
0xa: {  	s11 =	sand.u32 $0x1, s11;
	s15 =	sadd.s32 $0xE6400, s0;
	[dreg:$0x5] =	wrdreg s12  }
0xb: {  	s14 =	ssub.s32 $0x2, s11;
	[dreg:$0x7] =	wrdreg s15;
	p0 =	sne.s32 s11, $0x0  }
0xc: {  	s10 =	simm.s32 $0x2;
	s15 =	simm.s32 $0x9D00;
	s2 =	sadd.s32 s2, s0  }
0xd: {  	s18 =	sshrl.u32 s9, $0x3;
	s13 =	sshrl.u32 s17, $0x3;
	s19 =	sshrl.u32 s14, $0x1  }
0xe: {  	s22 =	sadd.s32 s9, s1;
	s23 =	sadd.s32 s17, s3;
	s9 =	simm.s32 $0x6  }
0xf: {  	s17 =	simm.s32 $0x9D80;
	[dreg:$0x6] =	wrdreg s18;
	s12 =	sadd.s32 s18, s0  }
0x10: {  	s0 =	sadd.s32 s13, s0;
	s13 =	ssub.s32 s14, s19;
	[dreg:$0xa] =	wrdreg s22  }
0x11: {  	s21 =	sadd.s32 $0x83400, s2;
	s2 =	sadd.s32 $0x79600, s2;
	[dreg:$0xb] =	wrdreg s23  }
0x12: {  	s23 =	simm.s32 $0x7;
	s19 =	simm.s32 $0x4;
	[dreg:$0x8] =	wrdreg s21  }
0x13: {  	s14 =	simm.s32 $0x4E80;
	[dreg:$0x9] =	wrdreg s2;
	s24 =	sadd.s32 $0xA0E00, s0  }
0x14: {  	s18 =	simm.s32 $0x0;
	s25 =	sadd.s32 $0xAB000, s12;
	[dreg:$0xc] =	wrdreg s24  }
.Ltmp0:
0x15: {  	s26 =	sadd.s32 $0xD2800, s12;
	[dreg:$0xd] =	wrdreg s25;
	(pc) =	sbr.rel .LBB2_1-.Ltmp0, $4  }
0x16: {  	s16 =	sadd.s32 $0x8D200, s12;
	s0 =	sadd.s32 $0xA6000, s0;
	[dreg:$0xe] =	wrdreg s26  }
0x17: {  	s31 =	smax.u32 s13, $0x1;
	s21 =	simm.s32 $0x3;
	[dreg:$0xf] =	wrdreg s0  }
0x18: {  	s2 =	simm.s32 $0x5;
	[dreg:$0x10] =	wrdreg s31;
	s24 =	simm.s32 $0x4F00  }
0x19: {  	s25 =	simm.s32 $0x19C00;
	s26 =	simm.s32 $0x80;
	s0 =	simm.s32 $0xDE00  }
.LBB2_13:
0x1a: {  	[tilespmem:s28], [sflag:$0x1] =	stream.indirect.gather [hbm4b:s8+s26], $0x40, s12, s26, $0xb8;
	[tilespmem:$0x1CB80] =	vst v63  }
0x1b: {  	s12 =	smov.u32 s8;
	s11 =	rddreg [dreg:$0x7]  }
.LBB2_14:
0x1c: {  	_ =	swait.ge [sflag:s21], $0x2000  }
0x1d: {  	[sflag:s21] =	ssyncset.done $0x0  }
0x1e: {  	s13 =	simm.s32 $0x9C80;
	[sflag:s21] =	ssyncadd.s32 $0xFFFFE000  }
0x1f: {  	[spmem:s1] =	stream.indirect.scatter.add.f32 [tilespmem:s0], [sflag:$0x6], $0x40, s13, s26, $0xb8;
	[tilespmem:$0x1CB80] =	vst v63  }
0x20: {  	_ =	swait.ge [sflag:s2], $0x2000  }
0x21: {  	[sflag:s2] =	ssyncset.done $0x0  }
0x22: {  	[sflag:s2] =	ssyncadd.s32 $0xFFFFE000  }
0x23: {  	[tilespmem:s29], [sflag:$0x2] =	stream.indirect.gather [hbm4b:s12+s26], $0x40, s14, s26, $0xb8;
	[tilespmem:$0x1CB80] =	vst v63  }
0x24: {  	_ =	swait.ge [sflag:s30], $0x2000  }
0x25: {  	[sflag:s30] =	ssyncset.done $0x0  }
0x26: {  	[sflag:s30] =	ssyncadd.s32 $0xFFFFE000  }
0x27: {  	[spmem:s1] =	stream.indirect.scatter.add.f32 [tilespmem:s28], [sflag:$0x4], $0x40, s15, s26, $0xb8;
	[tilespmem:$0x1CB80] =	vst v63  }
0x28: {  	_ =	swait.ge [sflag:s10], $0x2000  }
0x29: {  	[sflag:s10] =	ssyncset.done $0x0  }
0x2a: {  	[sflag:s10] =	ssyncadd.s32 $0xFFFFE000  }
0x2b: {  	[spmem:s1] =	stream.indirect.scatter.add.f32 [tilespmem:s29], [sflag:$0x5], $0x40, s17, s26, $0xb8;
	[tilespmem:$0x1CB80] =	vst v63  }
0x2c: {  	_ =	swait.ge [sflag:s9], $0x2000  }
0x2d: {  	[sflag:s9] =	ssyncset.done $0x0  }
0x2e: {  	[sflag:s9] =	ssyncadd.s32 $0xFFFFE000  }
0x2f: {  	_ =	swait.ge [sflag:s19], $0x2000  }
0x30: {  	[sflag:s19] =	ssyncset.done $0x0  }
0x31: {  	[sflag:s19] =	ssyncadd.s32 $0xFFFFE000  }
0x32: {  	_ =	swait.ge [sflag:s2], $0x2000  }
0x33: {  	[sflag:s2] =	ssyncset.done $0x0  }
0x34: {  	s13 =	rddreg [dreg:$0x6];
	[sflag:s2] =	ssyncadd.s32 $0xFFFFE000  }
0x35: {  	s11 =	sadd.s32 s11, s13;
	[bflag:$0x0] =	sbarrier.arrive $0xFFFF  }
0x36: {  	[hbm:s11], [sflag:s31] =	dma.local [spmem:s22], $0x13C0  }
0x37: {  	_ =	swait.ge [sflag:s23], $0x13C0  }
0x38: {  	s18 =	sadd.s32 $0x1, s18;
	s31 =	rddreg [dreg:$0x10]  }
0x39: {  	p1 =	sne.s32 s18, s31  }
.Ltmp1:
0x3a: {  	_ = 	snop;
	(pc) =	sbr.rel @!p1 .LBB2_15-.Ltmp1, $3  }
0x3b: {  	_ =	sdelay $0x1  }
0x3c: {  	[sflag:s23] =	ssyncset.done $0x0  }
0x3d: {  	[sflag:s23] =	ssyncadd.s32 $0xFFFFEC40  }
.LBB2_1:
0x3e: {  	s11 =	rddreg [dreg:$0x8]  }
0x3f: {  	[tilespmem:s4], [sflag:$0x7] =	stream.linear.gather [hbm4b:s11+s4], $0x4F00, $0x38;
	[tilespmem:$0x1CB80] =	vst v63  }
0x40: {  	_ =	swait.ge [sflag:s23], $0x4F00  }
0x41: {  	[sflag:s23] =	ssyncset.done $0x0  }
0x42: {  	s12 =	rddreg [dreg:$0x9];
	[sflag:s23] =	ssyncadd.s32 $0xFFFFB100  }
0x43: {  	[tilespmem:s24], [sflag:$0x7] =	stream.linear.gather [hbm4b:s12+s4], $0x4F00, $0x38;
	[tilespmem:$0x1CB80] =	vst v63  }
0x44: {  	_ =	swait.ge [sflag:s23], $0x4F00  }
0x45: {  	s13 =	sshll.u32 s20, $0x6;
	[sflag:s23] =	ssyncset.done $0x0;
	s22 =	rddreg [dreg:$0xa]  }
0x46: {  	s31 =	sor.u32 $0x1C07, s13;
	[sflag:s23] =	ssyncadd.s32 $0xFFFFB100;
	s22 =	sshrl.u32 s22, $0x3  }
0x47: {  	[spmem:s22], [sflag:s31] =	dma.local [hbm:s16], $0x13C0  }
0x48: {  	_ =	swait.ge [sflag:s23], $0x13C0  }
0x49: {  	[sflag:s23] =	ssyncset.done $0x0;
	s12 =	rddreg [dreg:$0xb]  }
0x4a: {  	[sflag:s23] =	ssyncadd.s32 $0xFFFFEC40;
	s11 =	sshrl.u32 s12, $0x3;
	s12 =	rddreg [dreg:$0xc]  }
0x4b: {  	[spmem:s11], [sflag:s31] =	dma.local [hbm:s12], $0x4F0  }
0x4c: {  	_ =	swait.ge [sflag:s23], $0x4F0  }
0x4d: {  	[sflag:s23] =	ssyncset.done $0x0  }
0x4e: {  	s13 =	rddreg [dreg:$0x4];
	[sflag:s23] =	ssyncadd.s32 $0xFFFFFB10  }
0x4f: {  	[tilespmem:s25], [sflag:$0x7] =	stream.linear.gather [hbm4b:s13+s4], $0x800, $0x38;
	[tilespmem:$0x1CB80] =	vst v63  }
.Ltmp2:
0x50: {  	_ =	swait.ge [sflag:s23], $0x800;
	(pc) =	sbr.rel @p0 .LBB2_9-.Ltmp2, $3  }
0x51: {  	[sflag:s23] =	ssyncset.done $0x0  }
0x52: {  	[sflag:s23] =	ssyncadd.s32 $0xFFFFF800  }
0x53: {  	[bflag:$0x0] =	sbarrier.arrive $0xFFFF;
	_ =	sdelay $0x1  }
0x54: {  	s12 =	simm.s32 $0x0  }
0x55: {  	[tilespmem:s28], [sflag:$0x1] =	stream.indirect.gather [hbm4b:s5+s26], $0x40, s12, s26, $0xb8;
	[tilespmem:$0x1CB80] =	vst v63  }
0x56: {  	_ = 	snop  }
0x57: {  	[tilespmem:s29], [sflag:$0x2] =	stream.indirect.gather [hbm4b:s5+s26], $0x40, s26, s26, $0xb8;
	[tilespmem:$0x1CB80] =	vst v63  }
0x58: {  	_ =	swait.ge [sflag:s30], $0x2000  }
0x59: {  	[sflag:s30] =	ssyncset.done $0x0  }
0x5a: {  	[sflag:s30] =	ssyncadd.s32 $0xFFFFE000  }
0x5b: {  	[spmem:s1] =	stream.indirect.scatter.add.f32 [tilespmem:s28], [sflag:$0x4], $0x40, s24, s26, $0xb8;
	[tilespmem:$0x1CB80] =	vst v63  }
0x5c: {  	s13 =	simm.s32 $0x100  }
0x5d: {  	[tilespmem:s0], [sflag:$0x3] =	stream.indirect.gather [hbm4b:s5+s26], $0x40, s13, s26, $0xb8;
	[tilespmem:$0x1CB80] =	vst v63  }
0x5e: {  	_ =	swait.ge [sflag:s10], $0x2000  }
0x5f: {  	[sflag:s10] =	ssyncset.done $0x0  }
0x60: {  	s20 =	simm.s32 $0x4F80;
	[sflag:s10] =	ssyncadd.s32 $0xFFFFE000  }
0x61: {  	[spmem:s1] =	stream.indirect.scatter.add.f32 [tilespmem:s29], [sflag:$0x5], $0x40, s20, s26, $0xb8;
	[tilespmem:$0x1CB80] =	vst v63  }
0x62: {  	_ =	swait.ge [sflag:s19], $0x2000  }
0x63: {  	[sflag:s19] =	ssyncset.done $0x0  }
0x64: {  	s13 =	simm.s32 $0x180;
	[sflag:s19] =	ssyncadd.s32 $0xFFFFE000  }
0x65: {  	[tilespmem:s28], [sflag:$0x1] =	stream.indirect.gather [hbm4b:s5+s26], $0x40, s13, s26, $0xb8;
	[tilespmem:$0x1CB80] =	vst v63  }
0x66: {  	_ =	swait.ge [sflag:s21], $0x2000  }
0x67: {  	[sflag:s21] =	ssyncset.done $0x0  }
0x68: {  	s20 =	simm.s32 $0x5000;
	[sflag:s21] =	ssyncadd.s32 $0xFFFFE000  }
0x69: {  	[spmem:s1] =	stream.indirect.scatter.add.f32 [tilespmem:s0], [sflag:$0x6], $0x40, s20, s26, $0xb8;
	[tilespmem:$0x1CB80] =	vst v63  }
0x6a: {  	_ =	swait.ge [sflag:s2], $0x2000  }
0x6b: {  	[sflag:s2] =	ssyncset.done $0x0  }
0x6c: {  	s13 =	simm.s32 $0x200;
	[sflag:s2] =	ssyncadd.s32 $0xFFFFE000  }
0x6d: {  	[tilespmem:s29], [sflag:$0x2] =	stream.indirect.gather [hbm4b:s5+s26], $0x40, s13, s26, $0xb8;
	[tilespmem:$0x1CB80] =	vst v63  }
0x6e: {  	_ =	swait.ge [sflag:s30], $0x2000  }
0x6f: {  	[sflag:s30] =	ssyncset.done $0x0  }
0x70: {  	s20 =	simm.s32 $0x5080;
	[sflag:s30] =	ssyncadd.s32 $0xFFFFE000  }
0x71: {  	[spmem:s1] =	stream.indirect.scatter.add.f32 [tilespmem:s28], [sflag:$0x4], $0x40, s20, s26, $0xb8;
	[tilespmem:$0x1CB80] =	vst v63  }
0x72: {  	_ =	swait.ge [sflag:s9], $0x2000  }
0x73: {  	[sflag:s9] =	ssyncset.done $0x0  }
0x74: {  	s13 =	simm.s32 $0x280;
	[sflag:s9] =	ssyncadd.s32 $0xFFFFE000  }
0x75: {  	[tilespmem:s0], [sflag:$0x3] =	stream.indirect.gather [hbm4b:s5+s26], $0x40, s13, s26, $0xb8;
	[tilespmem:$0x1CB80] =	vst v63  }
0x76: {  	_ =	swait.ge [sflag:s10], $0x2000  }
0x77: {  	[sflag:s10] =	ssyncset.done $0x0  }
0x78: {  	s20 =	simm.s32 $0x5100;
	[sflag:s10] =	ssyncadd.s32 $0xFFFFE000  }
0x79: {  	[spmem:s1] =	stream.indirect.scatter.add.f32 [tilespmem:s29], [sflag:$0x5], $0x40, s20, s26, $0xb8;
	[tilespmem:$0x1CB80] =	vst v63  }
0x7a: {  	_ =	swait.ge [sflag:s19], $0x2000  }
0x7b: {  	[sflag:s19] =	ssyncset.done $0x0  }
0x7c: {  	s12 =	simm.s32 $0x600;
	s20 =	simm.s32 $0x300;
	[sflag:s19] =	ssyncadd.s32 $0xFFFFE000  }
.LBB2_3:
0x7d: {  	[tilespmem:s28], [sflag:$0x1] =	stream.indirect.gather [hbm4b:s5+s26], $0x40, s20, s26, $0xb8;
	[tilespmem:$0x1CB80] =	vst v63  }
0x7e: {  	s20 =	smov.u32 s12  }
0x7f: {  	p1 =	sne.s32 s12, $0x12C00;
	s12 =	sadd.s32 $0x600, s12;
	_ =	swait.ge [sflag:s21], $0x2000  }
0x80: {  	s20 =	sshra.s32 s20, $0x2;
	[sflag:s21] =	ssyncset.done $0x0  }
0x81: {  	s13 =	sadd.s32 $0x5000, s20;
	[sflag:s21] =	ssyncadd.s32 $0xFFFFE000  }
0x82: {  	[spmem:s1] =	stream.indirect.scatter.add.f32 [tilespmem:s0], [sflag:$0x6], $0x40, s13, s26, $0xb8;
	[tilespmem:$0x1CB80] =	vst v63  }
0x83: {  	_ =	swait.ge [sflag:s2], $0x2000  }
0x84: {  	[sflag:s2] =	ssyncset.done $0x0  }
0x85: {  	s13 =	sadd.s32 $0x200, s20;
	[sflag:s2] =	ssyncadd.s32 $0xFFFFE000  }
0x86: {  	[tilespmem:s29], [sflag:$0x2] =	stream.indirect.gather [hbm4b:s5+s26], $0x40, s13, s26, $0xb8;
	[tilespmem:$0x1CB80] =	vst v63  }
0x87: {  	_ =	swait.ge [sflag:s30], $0x2000  }
0x88: {  	[sflag:s30] =	ssyncset.done $0x0  }
0x89: {  	s13 =	sadd.s32 $0x5080, s20;
	[sflag:s30] =	ssyncadd.s32 $0xFFFFE000  }
0x8a: {  	[spmem:s1] =	stream.indirect.scatter.add.f32 [tilespmem:s28], [sflag:$0x4], $0x40, s13, s26, $0xb8;
	[tilespmem:$0x1CB80] =	vst v63  }
0x8b: {  	_ =	swait.ge [sflag:s9], $0x2000  }
0x8c: {  	[sflag:s9] =	ssyncset.done $0x0  }
0x8d: {  	s13 =	sadd.s32 $0x280, s20;
	[sflag:s9] =	ssyncadd.s32 $0xFFFFE000  }
0x8e: {  	[tilespmem:s0], [sflag:$0x3] =	stream.indirect.gather [hbm4b:s5+s26], $0x40, s13, s26, $0xb8;
	[tilespmem:$0x1CB80] =	vst v63  }
0x8f: {  	_ =	swait.ge [sflag:s10], $0x2000  }
0x90: {  	[sflag:s10] =	ssyncset.done $0x0  }
.Ltmp3:
0x91: {  	s13 =	sadd.s32 $0x5100, s20;
	[sflag:s10] =	ssyncadd.s32 $0xFFFFE000;
	(pc) =	sbr.rel @p1 .LBB2_3-.Ltmp3, $4  }
0x92: {  	[spmem:s1] =	stream.indirect.scatter.add.f32 [tilespmem:s29], [sflag:$0x5], $0x40, s13, s26, $0xb8;
	[tilespmem:$0x1CB80] =	vst v63  }
0x93: {  	_ =	swait.ge [sflag:s19], $0x2000  }
0x94: {  	[sflag:s19] =	ssyncset.done $0x0  }
0x95: {  	s20 =	sadd.s32 $0x300, s20;
	[sflag:s19] =	ssyncadd.s32 $0xFFFFE000  }
0x96: {  	[tilespmem:s28], [sflag:$0x1] =	stream.indirect.gather [hbm4b:s5+s26], $0x40, s20, s26, $0xb8;
	[tilespmem:$0x1CB80] =	vst v63  }
0x97: {  	_ =	swait.ge [sflag:s21], $0x2000  }
0x98: {  	[sflag:s21] =	ssyncset.done $0x0  }
0x99: {  	s12 =	simm.s32 $0x9C80;
	[sflag:s21] =	ssyncadd.s32 $0xFFFFE000  }
0x9a: {  	[spmem:s1] =	stream.indirect.scatter.add.f32 [tilespmem:s0], [sflag:$0x6], $0x40, s12, s26, $0xb8;
	[tilespmem:$0x1CB80] =	vst v63  }
0x9b: {  	_ =	swait.ge [sflag:s2], $0x2000  }
0x9c: {  	[sflag:s2] =	ssyncset.done $0x0  }
0x9d: {  	[sflag:s2] =	ssyncadd.s32 $0xFFFFE000  }
0x9e: {  	[tilespmem:s29], [sflag:$0x2] =	stream.indirect.gather [hbm4b:s5+s26], $0x40, s14, s26, $0xb8;
	[tilespmem:$0x1CB80] =	vst v63  }
0x9f: {  	_ =	swait.ge [sflag:s30], $0x2000  }
0xa0: {  	[sflag:s30] =	ssyncset.done $0x0  }
0xa1: {  	[sflag:s30] =	ssyncadd.s32 $0xFFFFE000  }
0xa2: {  	[spmem:s1] =	stream.indirect.scatter.add.f32 [tilespmem:s28], [sflag:$0x4], $0x40, s15, s26, $0xb8;
	[tilespmem:$0x1CB80] =	vst v63  }
0xa3: {  	_ =	swait.ge [sflag:s10], $0x2000  }
0xa4: {  	[sflag:s10] =	ssyncset.done $0x0  }
0xa5: {  	[sflag:s10] =	ssyncadd.s32 $0xFFFFE000  }
0xa6: {  	[spmem:s1] =	stream.indirect.scatter.add.f32 [tilespmem:s29], [sflag:$0x5], $0x40, s17, s26, $0xb8;
	[tilespmem:$0x1CB80] =	vst v63  }
0xa7: {  	_ =	swait.ge [sflag:s9], $0x2000  }
0xa8: {  	[sflag:s9] =	ssyncset.done $0x0  }
0xa9: {  	[sflag:s9] =	ssyncadd.s32 $0xFFFFE000  }
0xaa: {  	_ =	swait.ge [sflag:s19], $0x2000  }
0xab: {  	[sflag:s19] =	ssyncset.done $0x0  }
0xac: {  	[sflag:s19] =	ssyncadd.s32 $0xFFFFE000  }
0xad: {  	_ =	swait.ge [sflag:s2], $0x2000  }
0xae: {  	[sflag:s2] =	ssyncset.done $0x0  }
0xaf: {  	s20 =	simm.s32 $0x4F00;
	[sflag:s2] =	ssyncadd.s32 $0xFFFFE000  }
0xb0: {  	[spmem:s3] =	stream.indirect.scatter.add.f32 [tilespmem:s25], [sflag:$0x7], $0x10, s20, s26, $0xb8;
	[tilespmem:$0x1CB80] =	vst v63  }
0xb1: {  	s12 =	simm.s32 $0x200;
	s20 =	stileid.u32;
	_ =	swait.ge [sflag:s23], $0x800  }
.LBB2_5:
0xb2: {  	s13 =	sshra.s32 s12, $0x2;
	[sflag:s23] =	ssyncset.done $0x0;
	p1 =	sne.s32 s12, $0x13A00  }
.Ltmp4:
0xb3: {  	s13 =	sadd.s32 $0x4F00, s13;
	[sflag:s23] =	ssyncadd.s32 $0xFFFFF800;
	(pc) =	sbr.rel @p1 .LBB2_5-.Ltmp4, $3  }
0xb4: {  	[spmem:s3] =	stream.indirect.scatter.add.f32 [tilespmem:s25], [sflag:$0x7], $0x10, s13, s26, $0xb8;
	[tilespmem:$0x1CB80] =	vst v63  }
0xb5: {  	s12 =	sadd.s32 $0x200, s12;
	_ =	sdelay $0x1  }
0xb6: {  	_ =	swait.ge [sflag:s23], $0x800  }
0xb7: {  	[sflag:s23] =	ssyncset.done $0x0  }
0xb8: {  	[sflag:s23] =	ssyncadd.s32 $0xFFFFF800  }
0xb9: {  	[bflag:$0x0] =	sbarrier.arrive $0xFFFF  }
0xba: {  	s12 =	rddreg [dreg:$0xd]  }
0xbb: {  	[hbm:s12], [sflag:s31] =	dma.local [spmem:s22], $0x13C0  }
0xbc: {  	_ =	swait.ge [sflag:s23], $0x13C0  }
0xbd: {  	[sflag:s23] =	ssyncset.done $0x0  }
0xbe: {  	s13 =	rddreg [dreg:$0xf];
	[sflag:s23] =	ssyncadd.s32 $0xFFFFEC40  }
0xbf: {  	[hbm:s13], [sflag:s31] =	dma.local [spmem:s11], $0x4F0  }
0xc0: {  	_ =	swait.ge [sflag:s23], $0x4F0  }
0xc1: {  	[sflag:s23] =	ssyncset.done $0x0  }
0xc2: {  	[sflag:s23] =	ssyncadd.s32 $0xFFFFFB10  }
0xc3: {  	[spmem:s22], [sflag:s31] =	dma.local [hbm:s16], $0x13C0  }
0xc4: {  	_ =	swait.ge [sflag:s23], $0x13C0  }
0xc5: {  	[sflag:s23] =	ssyncset.done $0x0  }
0xc6: {  	[sflag:s23] =	ssyncadd.s32 $0xFFFFEC40  }
0xc7: {  	s13 =	simm.s32 $0x0;
	[bflag:$0x0] =	sbarrier.arrive $0xFFFF  }
0xc8: {  	[tilespmem:s28], [sflag:$0x1] =	stream.indirect.gather [hbm4b:s6+s26], $0x40, s13, s26, $0xb8;
	[tilespmem:$0x1CB80] =	vst v63  }
0xc9: {  	_ = 	snop  }
0xca: {  	[tilespmem:s29], [sflag:$0x2] =	stream.indirect.gather [hbm4b:s6+s26], $0x40, s26, s26, $0xb8;
	[tilespmem:$0x1CB80] =	vst v63  }
0xcb: {  	_ =	swait.ge [sflag:s30], $0x2000  }
0xcc: {  	[sflag:s30] =	ssyncset.done $0x0  }
0xcd: {  	[sflag:s30] =	ssyncadd.s32 $0xFFFFE000  }
0xce: {  	[spmem:s1] =	stream.indirect.scatter.add.f32 [tilespmem:s28], [sflag:$0x4], $0x40, s24, s26, $0xb8;
	[tilespmem:$0x1CB80] =	vst v63  }
0xcf: {  	s12 =	simm.s32 $0x100  }
0xd0: {  	[tilespmem:s0], [sflag:$0x3] =	stream.indirect.gather [hbm4b:s6+s26], $0x40, s12, s26, $0xb8;
	[tilespmem:$0x1CB80] =	vst v63  }
0xd1: {  	_ =	swait.ge [sflag:s10], $0x2000  }
0xd2: {  	[sflag:s10] =	ssyncset.done $0x0  }
0xd3: {  	s13 =	simm.s32 $0x4F80;
	[sflag:s10] =	ssyncadd.s32 $0xFFFFE000  }
0xd4: {  	[spmem:s1] =	stream.indirect.scatter.add.f32 [tilespmem:s29], [sflag:$0x5], $0x40, s13, s26, $0xb8;
	[tilespmem:$0x1CB80] =	vst v63  }
0xd5: {  	_ =	swait.ge [sflag:s19], $0x2000  }
0xd6: {  	[sflag:s19] =	ssyncset.done $0x0  }
0xd7: {  	s12 =	simm.s32 $0x180;
	[sflag:s19] =	ssyncadd.s32 $0xFFFFE000  }
0xd8: {  	[tilespmem:s28], [sflag:$0x1] =	stream.indirect.gather [hbm4b:s6+s26], $0x40, s12, s26, $0xb8;
	[tilespmem:$0x1CB80] =	vst v63  }
0xd9: {  	_ =	swait.ge [sflag:s21], $0x2000  }
0xda: {  	[sflag:s21] =	ssyncset.done $0x0  }
0xdb: {  	s13 =	simm.s32 $0x5000;
	[sflag:s21] =	ssyncadd.s32 $0xFFFFE000  }
0xdc: {  	[spmem:s1] =	stream.indirect.scatter.add.f32 [tilespmem:s0], [sflag:$0x6], $0x40, s13, s26, $0xb8;
	[tilespmem:$0x1CB80] =	vst v63  }
0xdd: {  	_ =	swait.ge [sflag:s2], $0x2000  }
0xde: {  	[sflag:s2] =	ssyncset.done $0x0  }
0xdf: {  	s12 =	simm.s32 $0x200;
	[sflag:s2] =	ssyncadd.s32 $0xFFFFE000  }
0xe0: {  	[tilespmem:s29], [sflag:$0x2] =	stream.indirect.gather [hbm4b:s6+s26], $0x40, s12, s26, $0xb8;
	[tilespmem:$0x1CB80] =	vst v63  }
0xe1: {  	_ =	swait.ge [sflag:s30], $0x2000  }
0xe2: {  	[sflag:s30] =	ssyncset.done $0x0  }
0xe3: {  	s13 =	simm.s32 $0x5080;
	[sflag:s30] =	ssyncadd.s32 $0xFFFFE000  }
0xe4: {  	[spmem:s1] =	stream.indirect.scatter.add.f32 [tilespmem:s28], [sflag:$0x4], $0x40, s13, s26, $0xb8;
	[tilespmem:$0x1CB80] =	vst v63  }
0xe5: {  	_ =	swait.ge [sflag:s9], $0x2000  }
0xe6: {  	[sflag:s9] =	ssyncset.done $0x0  }
0xe7: {  	s12 =	simm.s32 $0x280;
	[sflag:s9] =	ssyncadd.s32 $0xFFFFE000  }
0xe8: {  	[tilespmem:s0], [sflag:$0x3] =	stream.indirect.gather [hbm4b:s6+s26], $0x40, s12, s26, $0xb8;
	[tilespmem:$0x1CB80] =	vst v63  }
0xe9: {  	_ =	swait.ge [sflag:s10], $0x2000  }
0xea: {  	[sflag:s10] =	ssyncset.done $0x0  }
0xeb: {  	s13 =	simm.s32 $0x5100;
	[sflag:s10] =	ssyncadd.s32 $0xFFFFE000  }
0xec: {  	[spmem:s1] =	stream.indirect.scatter.add.f32 [tilespmem:s29], [sflag:$0x5], $0x40, s13, s26, $0xb8;
	[tilespmem:$0x1CB80] =	vst v63  }
0xed: {  	_ =	swait.ge [sflag:s19], $0x2000  }
0xee: {  	[sflag:s19] =	ssyncset.done $0x0  }
0xef: {  	s11 =	simm.s32 $0x600;
	s12 =	simm.s32 $0x300;
	[sflag:s19] =	ssyncadd.s32 $0xFFFFE000  }
.LBB2_7:
0xf0: {  	[tilespmem:s28], [sflag:$0x1] =	stream.indirect.gather [hbm4b:s6+s26], $0x40, s12, s26, $0xb8;
	[tilespmem:$0x1CB80] =	vst v63  }
0xf1: {  	s12 =	smov.u32 s11  }
0xf2: {  	p1 =	seq.s32 s11, $0x12C00;
	s11 =	sadd.s32 $0x600, s11;
	_ =	swait.ge [sflag:s21], $0x2000  }
0xf3: {  	s12 =	sshra.s32 s12, $0x2;
	[sflag:s21] =	ssyncset.done $0x0  }
0xf4: {  	s13 =	sadd.s32 $0x5000, s12;
	[sflag:s21] =	ssyncadd.s32 $0xFFFFE000  }
0xf5: {  	[spmem:s1] =	stream.indirect.scatter.add.f32 [tilespmem:s0], [sflag:$0x6], $0x40, s13, s26, $0xb8;
	[tilespmem:$0x1CB80] =	vst v63  }
0xf6: {  	_ =	swait.ge [sflag:s2], $0x2000  }
0xf7: {  	[sflag:s2] =	ssyncset.done $0x0  }
0xf8: {  	s13 =	sadd.s32 $0x200, s12;
	[sflag:s2] =	ssyncadd.s32 $0xFFFFE000  }
0xf9: {  	[tilespmem:s29], [sflag:$0x2] =	stream.indirect.gather [hbm4b:s6+s26], $0x40, s13, s26, $0xb8;
	[tilespmem:$0x1CB80] =	vst v63  }
0xfa: {  	_ =	swait.ge [sflag:s30], $0x2000  }
0xfb: {  	[sflag:s30] =	ssyncset.done $0x0  }
0xfc: {  	s13 =	sadd.s32 $0x5080, s12;
	[sflag:s30] =	ssyncadd.s32 $0xFFFFE000  }
0xfd: {  	[spmem:s1] =	stream.indirect.scatter.add.f32 [tilespmem:s28], [sflag:$0x4], $0x40, s13, s26, $0xb8;
	[tilespmem:$0x1CB80] =	vst v63  }
0xfe: {  	_ =	swait.ge [sflag:s9], $0x2000  }
0xff: {  	[sflag:s9] =	ssyncset.done $0x0  }
0x100: {  	s13 =	sadd.s32 $0x280, s12;
	[sflag:s9] =	ssyncadd.s32 $0xFFFFE000  }
0x101: {  	[tilespmem:s0], [sflag:$0x3] =	stream.indirect.gather [hbm4b:s6+s26], $0x40, s13, s26, $0xb8;
	[tilespmem:$0x1CB80] =	vst v63  }
0x102: {  	_ =	swait.ge [sflag:s10], $0x2000  }
0x103: {  	[sflag:s10] =	ssyncset.done $0x0  }
.Ltmp5:
0x104: {  	s13 =	sadd.s32 $0x5100, s12;
	[sflag:s10] =	ssyncadd.s32 $0xFFFFE000;
	(pc) =	sbr.rel @!p1 .LBB2_7-.Ltmp5, $4  }
0x105: {  	[spmem:s1] =	stream.indirect.scatter.add.f32 [tilespmem:s29], [sflag:$0x5], $0x40, s13, s26, $0xb8;
	[tilespmem:$0x1CB80] =	vst v63  }
0x106: {  	_ =	swait.ge [sflag:s19], $0x2000  }
0x107: {  	[sflag:s19] =	ssyncset.done $0x0  }
0x108: {  	s12 =	sadd.s32 $0x300, s12;
	[sflag:s19] =	ssyncadd.s32 $0xFFFFE000  }
.Ltmp6:
0x109: {  	(pc) =	sbr.rel .LBB2_14-.Ltmp6, $3  }
0x10a: {  	_ =	sdelay $0x1  }
0x10b: {  	[tilespmem:s28], [sflag:$0x1] =	stream.indirect.gather [hbm4b:s6+s26], $0x40, s12, s26, $0xb8;
	[tilespmem:$0x1CB80] =	vst v63  }
0x10c: {  	s12 =	smov.u32 s6;
	s11 =	rddreg [dreg:$0x5]  }
.LBB2_9:
0x10d: {  	s11 =	simm.s32 $0x0  }
0x10e: {  	[tilespmem:s28], [sflag:$0x1] =	stream.indirect.gather [hbm4b:s7+s26], $0x40, s11, s26, $0xb8;
	[tilespmem:$0x1CB80] =	vst v63  }
0x10f: {  	_ = 	snop  }
0x110: {  	[tilespmem:s29], [sflag:$0x2] =	stream.indirect.gather [hbm4b:s7+s26], $0x40, s26, s26, $0xb8;
	[tilespmem:$0x1CB80] =	vst v63  }
0x111: {  	_ =	swait.ge [sflag:s30], $0x2000  }
0x112: {  	[sflag:s30] =	ssyncset.done $0x0  }
0x113: {  	[sflag:s30] =	ssyncadd.s32 $0xFFFFE000  }
0x114: {  	[spmem:s1] =	stream.indirect.scatter.add.f32 [tilespmem:s28], [sflag:$0x4], $0x40, s24, s26, $0xb8;
	[tilespmem:$0x1CB80] =	vst v63  }
0x115: {  	s12 =	simm.s32 $0x100  }
0x116: {  	[tilespmem:s0], [sflag:$0x3] =	stream.indirect.gather [hbm4b:s7+s26], $0x40, s12, s26, $0xb8;
	[tilespmem:$0x1CB80] =	vst v63  }
0x117: {  	_ =	swait.ge [sflag:s10], $0x2000  }
0x118: {  	[sflag:s10] =	ssyncset.done $0x0  }
0x119: {  	s13 =	simm.s32 $0x4F80;
	[sflag:s10] =	ssyncadd.s32 $0xFFFFE000  }
0x11a: {  	[spmem:s1] =	stream.indirect.scatter.add.f32 [tilespmem:s29], [sflag:$0x5], $0x40, s13, s26, $0xb8;
	[tilespmem:$0x1CB80] =	vst v63  }
0x11b: {  	_ =	swait.ge [sflag:s19], $0x2000  }
0x11c: {  	[sflag:s19] =	ssyncset.done $0x0  }
0x11d: {  	s12 =	simm.s32 $0x180;
	[sflag:s19] =	ssyncadd.s32 $0xFFFFE000  }
0x11e: {  	[tilespmem:s28], [sflag:$0x1] =	stream.indirect.gather [hbm4b:s7+s26], $0x40, s12, s26, $0xb8;
	[tilespmem:$0x1CB80] =	vst v63  }
0x11f: {  	_ =	swait.ge [sflag:s21], $0x2000  }
0x120: {  	[sflag:s21] =	ssyncset.done $0x0  }
0x121: {  	s13 =	simm.s32 $0x5000;
	[sflag:s21] =	ssyncadd.s32 $0xFFFFE000  }
0x122: {  	[spmem:s1] =	stream.indirect.scatter.add.f32 [tilespmem:s0], [sflag:$0x6], $0x40, s13, s26, $0xb8;
	[tilespmem:$0x1CB80] =	vst v63  }
0x123: {  	_ =	swait.ge [sflag:s2], $0x2000  }
0x124: {  	[sflag:s2] =	ssyncset.done $0x0  }
0x125: {  	s12 =	simm.s32 $0x200;
	[sflag:s2] =	ssyncadd.s32 $0xFFFFE000  }
0x126: {  	[tilespmem:s29], [sflag:$0x2] =	stream.indirect.gather [hbm4b:s7+s26], $0x40, s12, s26, $0xb8;
	[tilespmem:$0x1CB80] =	vst v63  }
0x127: {  	_ =	swait.ge [sflag:s30], $0x2000  }
0x128: {  	[sflag:s30] =	ssyncset.done $0x0  }
0x129: {  	s13 =	simm.s32 $0x5080;
	[sflag:s30] =	ssyncadd.s32 $0xFFFFE000  }
0x12a: {  	[spmem:s1] =	stream.indirect.scatter.add.f32 [tilespmem:s28], [sflag:$0x4], $0x40, s13, s26, $0xb8;
	[tilespmem:$0x1CB80] =	vst v63  }
0x12b: {  	_ =	swait.ge [sflag:s9], $0x2000  }
0x12c: {  	[sflag:s9] =	ssyncset.done $0x0  }
0x12d: {  	s12 =	simm.s32 $0x280;
	[sflag:s9] =	ssyncadd.s32 $0xFFFFE000  }
0x12e: {  	[tilespmem:s0], [sflag:$0x3] =	stream.indirect.gather [hbm4b:s7+s26], $0x40, s12, s26, $0xb8;
	[tilespmem:$0x1CB80] =	vst v63  }
0x12f: {  	_ =	swait.ge [sflag:s10], $0x2000  }
0x130: {  	[sflag:s10] =	ssyncset.done $0x0  }
0x131: {  	s13 =	simm.s32 $0x5100;
	[sflag:s10] =	ssyncadd.s32 $0xFFFFE000  }
0x132: {  	[spmem:s1] =	stream.indirect.scatter.add.f32 [tilespmem:s29], [sflag:$0x5], $0x40, s13, s26, $0xb8;
	[tilespmem:$0x1CB80] =	vst v63  }
0x133: {  	_ =	swait.ge [sflag:s19], $0x2000  }
0x134: {  	[sflag:s19] =	ssyncset.done $0x0  }
0x135: {  	s11 =	simm.s32 $0x600;
	s12 =	simm.s32 $0x300;
	[sflag:s19] =	ssyncadd.s32 $0xFFFFE000  }
.LBB2_10:
0x136: {  	[tilespmem:s28], [sflag:$0x1] =	stream.indirect.gather [hbm4b:s7+s26], $0x40, s12, s26, $0xb8;
	[tilespmem:$0x1CB80] =	vst v63  }
0x137: {  	s12 =	smov.u32 s11  }
0x138: {  	p1 =	seq.s32 s11, $0x12C00;
	s11 =	sadd.s32 $0x600, s11;
	_ =	swait.ge [sflag:s21], $0x2000  }
0x139: {  	s12 =	sshra.s32 s12, $0x2;
	[sflag:s21] =	ssyncset.done $0x0  }
0x13a: {  	s13 =	sadd.s32 $0x5000, s12;
	[sflag:s21] =	ssyncadd.s32 $0xFFFFE000  }
0x13b: {  	[spmem:s1] =	stream.indirect.scatter.add.f32 [tilespmem:s0], [sflag:$0x6], $0x40, s13, s26, $0xb8;
	[tilespmem:$0x1CB80] =	vst v63  }
0x13c: {  	_ =	swait.ge [sflag:s2], $0x2000  }
0x13d: {  	[sflag:s2] =	ssyncset.done $0x0  }
0x13e: {  	s13 =	sadd.s32 $0x200, s12;
	[sflag:s2] =	ssyncadd.s32 $0xFFFFE000  }
0x13f: {  	[tilespmem:s29], [sflag:$0x2] =	stream.indirect.gather [hbm4b:s7+s26], $0x40, s13, s26, $0xb8;
	[tilespmem:$0x1CB80] =	vst v63  }
0x140: {  	_ =	swait.ge [sflag:s30], $0x2000  }
0x141: {  	[sflag:s30] =	ssyncset.done $0x0  }
0x142: {  	s13 =	sadd.s32 $0x5080, s12;
	[sflag:s30] =	ssyncadd.s32 $0xFFFFE000  }
0x143: {  	[spmem:s1] =	stream.indirect.scatter.add.f32 [tilespmem:s28], [sflag:$0x4], $0x40, s13, s26, $0xb8;
	[tilespmem:$0x1CB80] =	vst v63  }
0x144: {  	_ =	swait.ge [sflag:s9], $0x2000  }
0x145: {  	[sflag:s9] =	ssyncset.done $0x0  }
0x146: {  	s13 =	sadd.s32 $0x280, s12;
	[sflag:s9] =	ssyncadd.s32 $0xFFFFE000  }
0x147: {  	[tilespmem:s0], [sflag:$0x3] =	stream.indirect.gather [hbm4b:s7+s26], $0x40, s13, s26, $0xb8;
	[tilespmem:$0x1CB80] =	vst v63  }
0x148: {  	_ =	swait.ge [sflag:s10], $0x2000  }
0x149: {  	[sflag:s10] =	ssyncset.done $0x0  }
.Ltmp7:
0x14a: {  	s13 =	sadd.s32 $0x5100, s12;
	[sflag:s10] =	ssyncadd.s32 $0xFFFFE000;
	(pc) =	sbr.rel @!p1 .LBB2_10-.Ltmp7, $4  }
0x14b: {  	[spmem:s1] =	stream.indirect.scatter.add.f32 [tilespmem:s29], [sflag:$0x5], $0x40, s13, s26, $0xb8;
	[tilespmem:$0x1CB80] =	vst v63  }
0x14c: {  	_ =	swait.ge [sflag:s19], $0x2000  }
0x14d: {  	[sflag:s19] =	ssyncset.done $0x0  }
0x14e: {  	s12 =	sadd.s32 $0x300, s12;
	[sflag:s19] =	ssyncadd.s32 $0xFFFFE000  }
0x14f: {  	[tilespmem:s28], [sflag:$0x1] =	stream.indirect.gather [hbm4b:s7+s26], $0x40, s12, s26, $0xb8;
	[tilespmem:$0x1CB80] =	vst v63  }
0x150: {  	_ =	swait.ge [sflag:s21], $0x2000  }
0x151: {  	[sflag:s21] =	ssyncset.done $0x0  }
0x152: {  	s11 =	simm.s32 $0x9C80;
	[sflag:s21] =	ssyncadd.s32 $0xFFFFE000  }
0x153: {  	[spmem:s1] =	stream.indirect.scatter.add.f32 [tilespmem:s0], [sflag:$0x6], $0x40, s11, s26, $0xb8;
	[tilespmem:$0x1CB80] =	vst v63  }
0x154: {  	_ =	swait.ge [sflag:s2], $0x2000  }
0x155: {  	[sflag:s2] =	ssyncset.done $0x0  }
0x156: {  	[sflag:s2] =	ssyncadd.s32 $0xFFFFE000  }
0x157: {  	[tilespmem:s29], [sflag:$0x2] =	stream.indirect.gather [hbm4b:s7+s26], $0x40, s14, s26, $0xb8;
	[tilespmem:$0x1CB80] =	vst v63  }
0x158: {  	_ =	swait.ge [sflag:s30], $0x2000  }
0x159: {  	[sflag:s30] =	ssyncset.done $0x0  }
0x15a: {  	[sflag:s30] =	ssyncadd.s32 $0xFFFFE000  }
0x15b: {  	[spmem:s1] =	stream.indirect.scatter.add.f32 [tilespmem:s28], [sflag:$0x4], $0x40, s15, s26, $0xb8;
	[tilespmem:$0x1CB80] =	vst v63  }
0x15c: {  	_ =	swait.ge [sflag:s10], $0x2000  }
0x15d: {  	[sflag:s10] =	ssyncset.done $0x0  }
0x15e: {  	[sflag:s10] =	ssyncadd.s32 $0xFFFFE000  }
0x15f: {  	[spmem:s1] =	stream.indirect.scatter.add.f32 [tilespmem:s29], [sflag:$0x5], $0x40, s17, s26, $0xb8;
	[tilespmem:$0x1CB80] =	vst v63  }
0x160: {  	_ =	swait.ge [sflag:s9], $0x2000  }
0x161: {  	[sflag:s9] =	ssyncset.done $0x0  }
0x162: {  	[sflag:s9] =	ssyncadd.s32 $0xFFFFE000  }
0x163: {  	_ =	swait.ge [sflag:s19], $0x2000  }
0x164: {  	[sflag:s19] =	ssyncset.done $0x0  }
0x165: {  	[sflag:s19] =	ssyncadd.s32 $0xFFFFE000  }
0x166: {  	_ =	swait.ge [sflag:s2], $0x2000  }
0x167: {  	[sflag:s2] =	ssyncset.done $0x0  }
0x168: {  	[sflag:s2] =	ssyncadd.s32 $0xFFFFE000  }
0x169: {  	[bflag:$0x0] =	sbarrier.arrive $0xFFFF  }
0x16a: {  	s12 =	rddreg [dreg:$0xe]  }
0x16b: {  	[hbm:s12], [sflag:s31] =	dma.local [spmem:s22], $0x13C0  }
0x16c: {  	_ =	swait.ge [sflag:s23], $0x13C0  }
0x16d: {  	[sflag:s23] =	ssyncset.done $0x0  }
0x16e: {  	[sflag:s23] =	ssyncadd.s32 $0xFFFFEC40  }
0x16f: {  	[spmem:s22], [sflag:s31] =	dma.local [hbm:s16], $0x13C0  }
0x170: {  	_ =	swait.ge [sflag:s23], $0x13C0  }
0x171: {  	[sflag:s23] =	ssyncset.done $0x0  }
0x172: {  	[sflag:s23] =	ssyncadd.s32 $0xFFFFEC40  }
0x173: {  	s13 =	simm.s32 $0x0;
	[bflag:$0x0] =	sbarrier.arrive $0xFFFF  }
0x174: {  	[tilespmem:s28], [sflag:$0x1] =	stream.indirect.gather [hbm4b:s8+s26], $0x40, s13, s26, $0xb8;
	[tilespmem:$0x1CB80] =	vst v63  }
0x175: {  	_ = 	snop  }
0x176: {  	[tilespmem:s29], [sflag:$0x2] =	stream.indirect.gather [hbm4b:s8+s26], $0x40, s26, s26, $0xb8;
	[tilespmem:$0x1CB80] =	vst v63  }
0x177: {  	_ =	swait.ge [sflag:s30], $0x2000  }
0x178: {  	[sflag:s30] =	ssyncset.done $0x0  }
0x179: {  	[sflag:s30] =	ssyncadd.s32 $0xFFFFE000  }
0x17a: {  	[spmem:s1] =	stream.indirect.scatter.add.f32 [tilespmem:s28], [sflag:$0x4], $0x40, s24, s26, $0xb8;
	[tilespmem:$0x1CB80] =	vst v63  }
0x17b: {  	s12 =	simm.s32 $0x100  }
0x17c: {  	[tilespmem:s0], [sflag:$0x3] =	stream.indirect.gather [hbm4b:s8+s26], $0x40, s12, s26, $0xb8;
	[tilespmem:$0x1CB80] =	vst v63  }
0x17d: {  	_ =	swait.ge [sflag:s10], $0x2000  }
0x17e: {  	[sflag:s10] =	ssyncset.done $0x0  }
0x17f: {  	s13 =	simm.s32 $0x4F80;
	[sflag:s10] =	ssyncadd.s32 $0xFFFFE000  }
0x180: {  	[spmem:s1] =	stream.indirect.scatter.add.f32 [tilespmem:s29], [sflag:$0x5], $0x40, s13, s26, $0xb8;
	[tilespmem:$0x1CB80] =	vst v63  }
0x181: {  	_ =	swait.ge [sflag:s19], $0x2000  }
0x182: {  	[sflag:s19] =	ssyncset.done $0x0  }
0x183: {  	s12 =	simm.s32 $0x180;
	[sflag:s19] =	ssyncadd.s32 $0xFFFFE000  }
0x184: {  	[tilespmem:s28], [sflag:$0x1] =	stream.indirect.gather [hbm4b:s8+s26], $0x40, s12, s26, $0xb8;
	[tilespmem:$0x1CB80] =	vst v63  }
0x185: {  	_ =	swait.ge [sflag:s21], $0x2000  }
0x186: {  	[sflag:s21] =	ssyncset.done $0x0  }
0x187: {  	s13 =	simm.s32 $0x5000;
	[sflag:s21] =	ssyncadd.s32 $0xFFFFE000  }
0x188: {  	[spmem:s1] =	stream.indirect.scatter.add.f32 [tilespmem:s0], [sflag:$0x6], $0x40, s13, s26, $0xb8;
	[tilespmem:$0x1CB80] =	vst v63  }
0x189: {  	_ =	swait.ge [sflag:s2], $0x2000  }
0x18a: {  	[sflag:s2] =	ssyncset.done $0x0  }
0x18b: {  	s12 =	simm.s32 $0x200;
	[sflag:s2] =	ssyncadd.s32 $0xFFFFE000  }
0x18c: {  	[tilespmem:s29], [sflag:$0x2] =	stream.indirect.gather [hbm4b:s8+s26], $0x40, s12, s26, $0xb8;
	[tilespmem:$0x1CB80] =	vst v63  }
0x18d: {  	_ =	swait.ge [sflag:s30], $0x2000  }
0x18e: {  	[sflag:s30] =	ssyncset.done $0x0  }
0x18f: {  	s13 =	simm.s32 $0x5080;
	[sflag:s30] =	ssyncadd.s32 $0xFFFFE000  }
0x190: {  	[spmem:s1] =	stream.indirect.scatter.add.f32 [tilespmem:s28], [sflag:$0x4], $0x40, s13, s26, $0xb8;
	[tilespmem:$0x1CB80] =	vst v63  }
0x191: {  	_ =	swait.ge [sflag:s9], $0x2000  }
0x192: {  	[sflag:s9] =	ssyncset.done $0x0  }
0x193: {  	s12 =	simm.s32 $0x280;
	[sflag:s9] =	ssyncadd.s32 $0xFFFFE000  }
0x194: {  	[tilespmem:s0], [sflag:$0x3] =	stream.indirect.gather [hbm4b:s8+s26], $0x40, s12, s26, $0xb8;
	[tilespmem:$0x1CB80] =	vst v63  }
0x195: {  	_ =	swait.ge [sflag:s10], $0x2000  }
0x196: {  	[sflag:s10] =	ssyncset.done $0x0  }
0x197: {  	s13 =	simm.s32 $0x5100;
	[sflag:s10] =	ssyncadd.s32 $0xFFFFE000  }
0x198: {  	[spmem:s1] =	stream.indirect.scatter.add.f32 [tilespmem:s29], [sflag:$0x5], $0x40, s13, s26, $0xb8;
	[tilespmem:$0x1CB80] =	vst v63  }
0x199: {  	_ =	swait.ge [sflag:s19], $0x2000  }
0x19a: {  	[sflag:s19] =	ssyncset.done $0x0  }
0x19b: {  	s11 =	simm.s32 $0x600;
	s12 =	simm.s32 $0x300;
	[sflag:s19] =	ssyncadd.s32 $0xFFFFE000  }
.LBB2_12:
0x19c: {  	[tilespmem:s28], [sflag:$0x1] =	stream.indirect.gather [hbm4b:s8+s26], $0x40, s12, s26, $0xb8;
	[tilespmem:$0x1CB80] =	vst v63  }
0x19d: {  	s12 =	smov.u32 s11  }
0x19e: {  	p1 =	sne.s32 s11, $0x12C00;
	s11 =	sadd.s32 $0x600, s11;
	_ =	swait.ge [sflag:s21], $0x2000  }
0x19f: {  	s12 =	sshra.s32 s12, $0x2;
	[sflag:s21] =	ssyncset.done $0x0  }
0x1a0: {  	s13 =	sadd.s32 $0x5000, s12;
	[sflag:s21] =	ssyncadd.s32 $0xFFFFE000  }
0x1a1: {  	[spmem:s1] =	stream.indirect.scatter.add.f32 [tilespmem:s0], [sflag:$0x6], $0x40, s13, s26, $0xb8;
	[tilespmem:$0x1CB80] =	vst v63  }
0x1a2: {  	_ =	swait.ge [sflag:s2], $0x2000  }
0x1a3: {  	[sflag:s2] =	ssyncset.done $0x0  }
0x1a4: {  	s13 =	sadd.s32 $0x200, s12;
	[sflag:s2] =	ssyncadd.s32 $0xFFFFE000  }
0x1a5: {  	[tilespmem:s29], [sflag:$0x2] =	stream.indirect.gather [hbm4b:s8+s26], $0x40, s13, s26, $0xb8;
	[tilespmem:$0x1CB80] =	vst v63  }
0x1a6: {  	_ =	swait.ge [sflag:s30], $0x2000  }
0x1a7: {  	[sflag:s30] =	ssyncset.done $0x0  }
0x1a8: {  	s13 =	sadd.s32 $0x5080, s12;
	[sflag:s30] =	ssyncadd.s32 $0xFFFFE000  }
0x1a9: {  	[spmem:s1] =	stream.indirect.scatter.add.f32 [tilespmem:s28], [sflag:$0x4], $0x40, s13, s26, $0xb8;
	[tilespmem:$0x1CB80] =	vst v63  }
0x1aa: {  	_ =	swait.ge [sflag:s9], $0x2000  }
0x1ab: {  	[sflag:s9] =	ssyncset.done $0x0  }
0x1ac: {  	s13 =	sadd.s32 $0x280, s12;
	[sflag:s9] =	ssyncadd.s32 $0xFFFFE000  }
0x1ad: {  	[tilespmem:s0], [sflag:$0x3] =	stream.indirect.gather [hbm4b:s8+s26], $0x40, s13, s26, $0xb8;
	[tilespmem:$0x1CB80] =	vst v63  }
0x1ae: {  	_ =	swait.ge [sflag:s10], $0x2000  }
0x1af: {  	[sflag:s10] =	ssyncset.done $0x0  }
.Ltmp8:
0x1b0: {  	s13 =	sadd.s32 $0x5100, s12;
	[sflag:s10] =	ssyncadd.s32 $0xFFFFE000;
	(pc) =	sbr.rel @p1 .LBB2_12-.Ltmp8, $4  }
0x1b1: {  	[spmem:s1] =	stream.indirect.scatter.add.f32 [tilespmem:s29], [sflag:$0x5], $0x40, s13, s26, $0xb8;
	[tilespmem:$0x1CB80] =	vst v63  }
0x1b2: {  	_ =	swait.ge [sflag:s19], $0x2000  }
0x1b3: {  	[sflag:s19] =	ssyncset.done $0x0  }
0x1b4: {  	s12 =	sadd.s32 $0x300, s12;
	[sflag:s19] =	ssyncadd.s32 $0xFFFFE000  }
.Ltmp9:
0x1b5: {  	_ = 	snop;
	(pc) =	sbr.rel .LBB2_13-.Ltmp9, $1  }
0x1b6: {  	_ =	sdelay $0x3  }
.LBB2_15:
0x1b7: {  	_ =	sfence.sel $0x180000  }
0x1b8: {  	[bflag:$0x0] =	sbarrier.arrive $0xFFFF  }
0x1b9: {  	_ =	strace $0x90000047  }
0x1ba: {  	[bflag:$0x2] =	sbarrier.arrive $0xFFFF  }
0x1bb: {  	p0 =	sne.s32 s20, $0x0;
	s0 =	rddreg [dreg:$0x3]  }
0x1bc: {  	s0 =	sadd.s32 @!p0 $0x100000, s0  }
0x1bd: {  	[sflag:s0] =	ssyncadd.tile.s32 @!p0 $0x1;
	_ =	shalt  }
.Lfunc_end2:
_tile_overlayer_lowered:
.L_overlay_start_2:
0x1be: {  	(tag) =	ssettag $0x2  }
0x1bf: {  	s0 =	rddreg [dreg:$0x0];
	s2 =	stileid.u32  }
0x1c0: {  	s1 =	rddreg [dreg:$0x1];
	p0 =	sne.s32 s2, $0x0  }
0x1c1: {  	s3 =	rddreg [dreg:$0x2];
	[bflag:$0x3] =	sbarrier.arrive $0xFFFF;
	s2 =	simm.s32 @!p0 $0x1C07  }
0x1c2: {  	[timem:s3], [sflag:s2] =	dma.local @!p0 [hbm:s0], s1  }
0x1c3: {  	s0 =	simm.s32 @!p0 $0x7  }
0x1c4: {  	_ =	swait.ge @!p0 [sflag:s0], s1  }
0x1c5: {  	s1 =	ssub.s32 @!p0 $0x0, s1;
	[sflag:s0] =	ssyncset.done @!p0 $0x0  }
0x1c6: {  	[sflag:s0] =	ssyncadd.s32 @!p0 s1  }
0x1c7: {  	[bflag:$0x3] =	sbarrier.arrive $0xFFFF  }
0x1c8: {  	_ =	shalt  }

</sc_bundles>
